<compile_context>
chip_gen: v7x
topology: tpu7x:2x2x1
jax: 0.10.2.dev20260603
libtpu: 0.0.44.dev20260713+nightly
codegen_flags: <defaults>
</compile_context>

<pallas_src>
import functools

import jax
import jax.numpy as jnp
from jax import lax
from jax.experimental import pallas as pl
from jax.experimental.pallas import tpu as pltpu
from jax.experimental.pallas import tpu_sc as plsc

_BATCH = 1024
_HIST = 20
_D = 64
_N = _BATCH * _HIST
_V = 1000000
_NW = 32
_LANE = 128
_CPC = 4
_CHW = _CPC * _LANE
_NRING = 3
_MAXL = 64


def _make_sweep(V=_V, N=_N):
    mesh = plsc.VectorSubcoreMesh(core_axis_name="c", subcore_axis_name="s")
    nch = (V + _CHW - 1) // _CHW
    tcols = (V + _LANE - 1) // _LANE
    nout = N + 8
    dump = N
    nsub = N // 2560

    @functools.partial(
        pl.kernel,
        mesh=mesh,
        out_type=jax.ShapeDtypeStruct((nout, _LANE), jnp.float32),
        compiler_params=pltpu.CompilerParams(
            use_tc_tiling_on_sc=True, needs_layout_passes=False
        ),
        scratch_types=[
            pltpu.VMEM((1280,), jnp.int32),
            pltpu.VMEM((N + 16,), jnp.int32),
            pltpu.VMEM((16 * _MAXL,), jnp.int32),
            pltpu.VMEM((_MAXL + 16,), jnp.int32),
            pltpu.VMEM((_NRING, _D, _CHW), jnp.float32),
            pltpu.VMEM((64, _LANE), jnp.float32),
            pltpu.VMEM((64,), jnp.int32),
            pltpu.VMEM((32,), jnp.int32),
            pltpu.VMEM((32,), jnp.int32),
            pltpu.SMEM((_MAXL,), jnp.int32),
            pltpu.SemaphoreType.DMA((_NRING,)),
            pltpu.SemaphoreType.DMA,
        ],
    )
    def k(wt, idx, out, idx_st, gp, hist, incl, slab, rows, jb, stv, stj,
          scur, sems, ssem):
        t = lax.axis_index("s") * 2 + lax.axis_index("c")
        iota = lax.iota(jnp.int32, 16)
        lane0 = iota == 0
        zeros16 = iota & 0
        nl = jnp.where(t < nch - (nch // _NW) * _NW, nch // _NW + 1,
                       nch // _NW)

        for z in range(16 * _MAXL // 256):
            for q in range(16):
                hist[pl.ds(z * 256 + q * 16, 16)] = zeros16
        ones = zeros16 + 1
        for sub in range(2 * nsub):
            pltpu.sync_copy(idx.at[pl.ds(sub * 1280, 1280)], idx_st)

            def hbody(r, c):
                vv = idx_st[pl.ds(r * 16, 16)]
                m = ((vv >> 9) & (_NW - 1)) == t
                lv = vv >> 14
                plsc.addupdate_scatter(hist, [iota * _MAXL + lv], ones, mask=m)
                return c

            lax.fori_loop(0, 80, hbody, jnp.int32(0))

        carry = jnp.int32(0)
        for q in range(_MAXL // 16):
            acc = zeros16
            for kk in range(16):
                acc = acc + hist[pl.ds(kk * _MAXL + q * 16, 16)]
            c = plsc.cumsum(acc) + carry
            incl[pl.ds(q * 16, 16)] = c
            carry = c[15]
        incl[pl.ds(_MAXL, 16)] = zeros16
        def cbody(l, c):
            prev = incl[pl.ds(jnp.maximum(l - 1, 0), 16)][0]
            scur[l] = jnp.where(l == 0, 0, prev)
            return c

        lax.fori_loop(0, _MAXL, cbody, jnp.int32(0))

        for sub in range(2 * nsub):
            pltpu.sync_copy(idx.at[pl.ds(sub * 1280, 1280)], idx_st)

            def pbody(r, c, sub=sub):
                vv = idx_st[pl.ds(r * 16, 16)]
                jj = iota + (sub * 1280) + r * 16
                m = ((vv >> 9) & (_NW - 1)) == t
                cnt = plsc.all_reduce_population_count(m)[0]
                pk = (jj << 9) | (vv & (_CHW - 1))
                plsc.store_compressed(stv.at[pl.ds(0, 16)], vv, mask=m)
                plsc.store_compressed(stj.at[pl.ds(0, 16)], pk, mask=m)

                def place(i, c):
                    v0 = stv[pl.ds(i, 16)][0]
                    p0 = stj[pl.ds(i, 16)][0]
                    l0 = v0 >> 14
                    p = scur[l0]
                    scur[l0] = p + 1
                    plsc.store_scatter(gp, [zeros16 + p], zeros16 + p0,
                                       mask=lane0)
                    return c

                return lax.fori_loop(0, cnt, place, c)

            lax.fori_loop(0, 80, pbody, jnp.int32(0))

        for g8 in range(4):
            jb[pl.ds(g8 * 16, 16)] = zeros16 + dump

        e_vec = [iota + 16 * gi for gi in range(4)]
        partial_tail = (V % _CHW) != 0

        def fetch(g, buf):
            col0 = pl.multiple_of(g * _CHW, _LANE)
            if partial_tail:
                @pl.when(g < nch - 1)
                def _():
                    pltpu.async_copy(
                        wt.at[:, pl.ds(col0, _CHW)], slab.at[buf], sems.at[buf]
                    )

                @pl.when(g == nch - 1)
                def _():
                    pltpu.async_copy(
                        wt.at[:, pl.ds(col0, _LANE)],
                        slab.at[buf, :, pl.ds(0, _LANE)], sems.at[buf]
                    )
            else:
                pltpu.async_copy(
                    wt.at[:, pl.ds(col0, _CHW)], slab.at[buf], sems.at[buf]
                )

        def wait_slab(g, buf):
            if partial_tail:
                @pl.when(g < nch - 1)
                def _():
                    pltpu.make_async_copy(
                        wt.at[:, pl.ds(0, _CHW)], slab.at[buf], sems.at[buf]
                    ).wait()

                @pl.when(g == nch - 1)
                def _():
                    pltpu.make_async_copy(
                        wt.at[:, pl.ds(0, _LANE)],
                        slab.at[buf, :, pl.ds(0, _LANE)], sems.at[buf]
                    ).wait()
            else:
                pltpu.make_async_copy(
                    wt.at[:, pl.ds(0, _CHW)], slab.at[buf], sems.at[buf]
                ).wait()

        def flush():
            pltpu.async_copy(rows, out.at[jb], ssem).wait()
            for g8 in range(4):
                jb[pl.ds(g8 * 16, 16)] = zeros16 + dump

        for p in range(_NRING - 1):
            fetch(p * _NW + t, p)

        def chunk_body(l, slot):
            buf = lax.rem(l, _NRING)
            g = l * _NW + t

            @pl.when(l + (_NRING - 1) < nl)
            def _():
                fetch((l + (_NRING - 1)) * _NW + t,
                      lax.rem(l + (_NRING - 1), _NRING))

            wait_slab(g, buf)
            lo = jnp.where(l == 0, 0,
                           incl[pl.ds(jnp.maximum(l - 1, 0), 16)][0])
            hi = incl[pl.ds(l, 16)][0]
            bufv = zeros16 + buf

            def ebody(i, slot):
                pk = gp[pl.ds(i, 16)][0]
                wv = zeros16 + (pk & (_CHW - 1))
                for gi in range(4):
                    col = plsc.load_gather(slab, [bufv, e_vec[gi], wv])
                    rows.at[slot][pl.ds(gi * 16, 16)] = col
                plsc.store_scatter(jb, [zeros16 + slot], zeros16 + (pk >> 9),
                                   mask=lane0)
                slot = slot + 1

                @pl.when(slot == 64)
                def _():
                    flush()

                return jnp.where(slot == 64, 0, slot)

            return lax.fori_loop(lo, hi, ebody, slot)

        lax.fori_loop(0, nl, chunk_body, jnp.int32(0))
        flush()

    return k


_sweep = _make_sweep()


def kernel(input, weight):
    wt = weight.T
    idx = input.reshape(_N).astype(jnp.int32)
    out = _sweep(wt, idx)
    return out[:_N, :_D].reshape(_BATCH, _HIST, _D)

# --- scband reference (transcript-rebuilt; emitter-appended) ---
"""Pipeline reference for scband-pegrad-norm-shim-embedding-76012331204844 (READ-ONLY COPY).

The authoritative reference and input builder live on the scoring server;
editing this copy changes nothing except your own understanding.
"""

import jax, jax.numpy as jnp
import numpy as np

VOCAB = 1000000
EMBED_DIM = 64
BATCH = 1024
HIST = 20


def setup_inputs(seed: int = 0) -> dict:
    key = jax.random.key(seed)
    k1, k2 = jax.random.split(key)
    indices = jax.random.randint(k1, (BATCH, HIST), 0, VOCAB, dtype=jnp.int64 if jax.config.jax_enable_x64 else jnp.int32)
    weight = jax.random.normal(k2, (VOCAB, EMBED_DIM), dtype=jnp.float32)
    return {"input": indices, "weight": weight}


def reference(input, weight):
    # PEGradNormShimEmbedding.forward: standard embedding lookup; the
    # PEGEmbeddingGradNormNoop is an identity in the forward pass (the
    # weight_upegsqnorm buffer is only touched in backward).
    out = jnp.take(weight, input, axis=0)
    return out

if __name__ == "__main__":
    import jax
    _d = setup_inputs()
    print(jax.jit(kernel)(*tuple(_d.values())))

</pallas_src>

<mosaic_0001>
#map = affine_map<(d0, d1) -> (0, 0)>
#map1 = affine_map<(d0, d1) -> (0)>
module attributes {stable_mosaic.version = 14 : i64} {
  func.func @k(%arg0: i32, %arg1: i32, %arg2: memref<64x1000000xf32, #tpu.memory_space<hbm>>, %arg3: memref<20480xi32, #tpu.memory_space<hbm>>, %arg4: memref<20488x128xf32, #tpu.memory_space<hbm>>, %arg5: memref<1280xi32, #tpu.memory_space<vmem>>, %arg6: memref<20496xi32, #tpu.memory_space<vmem>>, %arg7: memref<1024xi32, #tpu.memory_space<vmem>>, %arg8: memref<80xi32, #tpu.memory_space<vmem>>, %arg9: memref<3x64x512xf32, #tpu.memory_space<vmem>>, %arg10: memref<64x128xf32, #tpu.memory_space<vmem>>, %arg11: memref<64xi32, #tpu.memory_space<vmem>>, %arg12: memref<32xi32, #tpu.memory_space<vmem>>, %arg13: memref<32xi32, #tpu.memory_space<vmem>>, %arg14: memref<64xi32, #tpu.memory_space<smem>>, %arg15: memref<3x!tpu.dma_semaphore, #tpu.memory_space<semaphore_mem>>, %arg16: memref<!tpu.dma_semaphore, #tpu.memory_space<semaphore_mem>>) attributes {dimension_semantics = [#tpu.dimension_semantics<core_parallel>, #tpu.dimension_semantics<subcore_parallel>], iteration_bounds = array<i64: 2, 16>, scalar_prefetch = 0 : i64, scratch_operands = 12 : i64, tpu.core_type = #tpu.core_type<sc_vector_subcore>, window_params = [{transform_indices = #map}, {transform_indices = #map1}, {transform_indices = #map}]} {
    %mul3A = arith.constant 2 : i32
    %mul3A_0 = arith.muli %arg1, %mul3A : i32
    %add3A = arith.addi %mul3A_0, %arg0 : i32
    %iota3A = tpu.iota {dimensions = array<i32: 0>} : vector<16xi32>
    %eq3A = arith.constant 0 : i32
    %eq3A_1 = vector.broadcast %eq3A : i32 to vector<16xi32>
    %eq3A_2 = arith.cmpi eq, %iota3A, %eq3A_1 : vector<16xi32>
    %and3A = arith.constant 0 : i32
    %and3A_3 = vector.broadcast %and3A : i32 to vector<16xi32>
    %and3A_4 = arith.andi %iota3A, %and3A_3 : vector<16xi32>
    %lt3A = arith.constant 2 : i32
    %lt3A_5 = arith.cmpi slt, %add3A, %lt3A : i32
    %jit3A = arith.constant 62 : i32
    %jit3A_6 = arith.constant 61 : i32
    %select_n3A = arith.select %lt3A_5, %jit3A, %jit3A_6 : i32
    %swap3A = arith.constant 0 : index
    %swap3A_7 = tpu.vector_load %arg7[%swap3A] {strides = array<i32>} : memref<1024xi32, #tpu.memory_space<vmem>>, vector<16xi32>,
    tpu.vector_store %arg7[%swap3A], %and3A_4 {strides = array<i32>} : memref<1024xi32, #tpu.memory_space<vmem>>, vector<16xi32>,
    %swap3A_8 = arith.constant 16 : index
    %swap3A_9 = tpu.vector_load %arg7[%swap3A_8] {strides = array<i32>} : memref<1024xi32, #tpu.memory_space<vmem>>, vector<16xi32>,
    tpu.vector_store %arg7[%swap3A_8], %and3A_4 {strides = array<i32>} : memref<1024xi32, #tpu.memory_space<vmem>>, vector<16xi32>,
    %swap3A_10 = arith.constant 32 : index
    %swap3A_11 = tpu.vector_load %arg7[%swap3A_10] {strides = array<i32>} : memref<1024xi32, #tpu.memory_space<vmem>>, vector<16xi32>,
    tpu.vector_store %arg7[%swap3A_10], %and3A_4 {strides = array<i32>} : memref<1024xi32, #tpu.memory_space<vmem>>, vector<16xi32>,
    %swap3A_12 = arith.constant 48 : index
    %swap3A_13 = tpu.vector_load %arg7[%swap3A_12] {strides = array<i32>} : memref<1024xi32, #tpu.memory_space<vmem>>, vector<16xi32>,
    tpu.vector_store %arg7[%swap3A_12], %and3A_4 {strides = array<i32>} : memref<1024xi32, #tpu.memory_space<vmem>>, vector<16xi32>,
    %swap3A_14 = arith.constant 64 : index
    %swap3A_15 = tpu.vector_load %arg7[%swap3A_14] {strides = array<i32>} : memref<1024xi32, #tpu.memory_space<vmem>>, vector<16xi32>,
    tpu.vector_store %arg7[%swap3A_14], %and3A_4 {strides = array<i32>} : memref<1024xi32, #tpu.memory_space<vmem>>, vector<16xi32>,
    %swap3A_16 = arith.constant 80 : index
    %swap3A_17 = tpu.vector_load %arg7[%swap3A_16] {strides = array<i32>} : memref<1024xi32, #tpu.memory_space<vmem>>, vector<16xi32>,
    tpu.vector_store %arg7[%swap3A_16], %and3A_4 {strides = array<i32>} : memref<1024xi32, #tpu.memory_space<vmem>>, vector<16xi32>,
    %swap3A_18 = arith.constant 96 : index
    %swap3A_19 = tpu.vector_load %arg7[%swap3A_18] {strides = array<i32>} : memref<1024xi32, #tpu.memory_space<vmem>>, vector<16xi32>,
    tpu.vector_store %arg7[%swap3A_18], %and3A_4 {strides = array<i32>} : memref<1024xi32, #tpu.memory_space<vmem>>, vector<16xi32>,
    %swap3A_20 = arith.constant 112 : index
    %swap3A_21 = tpu.vector_load %arg7[%swap3A_20] {strides = array<i32>} : memref<1024xi32, #tpu.memory_space<vmem>>, vector<16xi32>,
    tpu.vector_store %arg7[%swap3A_20], %and3A_4 {strides = array<i32>} : memref<1024xi32, #tpu.memory_space<vmem>>, vector<16xi32>,
    %swap3A_22 = arith.constant 128 : index
    %swap3A_23 = tpu.vector_load %arg7[%swap3A_22] {strides = array<i32>} : memref<1024xi32, #tpu.memory_space<vmem>>, vector<16xi32>,
    tpu.vector_store %arg7[%swap3A_22], %and3A_4 {strides = array<i32>} : memref<1024xi32, #tpu.memory_space<vmem>>, vector<16xi32>,
    %swap3A_24 = arith.constant 144 : index
    %swap3A_25 = tpu.vector_load %arg7[%swap3A_24] {strides = array<i32>} : memref<1024xi32, #tpu.memory_space<vmem>>, vector<16xi32>,
    tpu.vector_store %arg7[%swap3A_24], %and3A_4 {strides = array<i32>} : memref<1024xi32, #tpu.memory_space<vmem>>, vector<16xi32>,
    %swap3A_26 = arith.constant 160 : index
    %swap3A_27 = tpu.vector_load %arg7[%swap3A_26] {strides = array<i32>} : memref<1024xi32, #tpu.memory_space<vmem>>, vector<16xi32>,
    tpu.vector_store %arg7[%swap3A_26], %and3A_4 {strides = array<i32>} : memref<1024xi32, #tpu.memory_space<vmem>>, vector<16xi32>,
    %swap3A_28 = arith.constant 176 : index
    %swap3A_29 = tpu.vector_load %arg7[%swap3A_28] {strides = array<i32>} : memref<1024xi32, #tpu.memory_space<vmem>>, vector<16xi32>,
    tpu.vector_store %arg7[%swap3A_28], %and3A_4 {strides = array<i32>} : memref<1024xi32, #tpu.memory_space<vmem>>, vector<16xi32>,
    %swap3A_30 = arith.constant 192 : index
    %swap3A_31 = tpu.vector_load %arg7[%swap3A_30] {strides = array<i32>} : memref<1024xi32, #tpu.memory_space<vmem>>, vector<16xi32>,
    tpu.vector_store %arg7[%swap3A_30], %and3A_4 {strides = array<i32>} : memref<1024xi32, #tpu.memory_space<vmem>>, vector<16xi32>,
    %swap3A_32 = arith.constant 208 : index
    %swap3A_33 = tpu.vector_load %arg7[%swap3A_32] {strides = array<i32>} : memref<1024xi32, #tpu.memory_space<vmem>>, vector<16xi32>,
    tpu.vector_store %arg7[%swap3A_32], %and3A_4 {strides = array<i32>} : memref<1024xi32, #tpu.memory_space<vmem>>, vector<16xi32>,
    %swap3A_34 = arith.constant 224 : index
    %swap3A_35 = tpu.vector_load %arg7[%swap3A_34] {strides = array<i32>} : memref<1024xi32, #tpu.memory_space<vmem>>, vector<16xi32>,
    tpu.vector_store %arg7[%swap3A_34], %and3A_4 {strides = array<i32>} : memref<1024xi32, #tpu.memory_space<vmem>>, vector<16xi32>,
    %swap3A_36 = arith.constant 240 : index
    %swap3A_37 = tpu.vector_load %arg7[%swap3A_36] {strides = array<i32>} : memref<1024xi32, #tpu.memory_space<vmem>>, vector<16xi32>,
    tpu.vector_store %arg7[%swap3A_36], %and3A_4 {strides = array<i32>} : memref<1024xi32, #tpu.memory_space<vmem>>, vector<16xi32>,
    %swap3A_38 = arith.constant 256 : index
    %swap3A_39 = tpu.vector_load %arg7[%swap3A_38] {strides = array<i32>} : memref<1024xi32, #tpu.memory_space<vmem>>, vector<16xi32>,
    tpu.vector_store %arg7[%swap3A_38], %and3A_4 {strides = array<i32>} : memref<1024xi32, #tpu.memory_space<vmem>>, vector<16xi32>,
    %swap3A_40 = arith.constant 272 : index
    %swap3A_41 = tpu.vector_load %arg7[%swap3A_40] {strides = array<i32>} : memref<1024xi32, #tpu.memory_space<vmem>>, vector<16xi32>,
    tpu.vector_store %arg7[%swap3A_40], %and3A_4 {strides = array<i32>} : memref<1024xi32, #tpu.memory_space<vmem>>, vector<16xi32>,
    %swap3A_42 = arith.constant 288 : index
    %swap3A_43 = tpu.vector_load %arg7[%swap3A_42] {strides = array<i32>} : memref<1024xi32, #tpu.memory_space<vmem>>, vector<16xi32>,
    tpu.vector_store %arg7[%swap3A_42], %and3A_4 {strides = array<i32>} : memref<1024xi32, #tpu.memory_space<vmem>>, vector<16xi32>,
    %swap3A_44 = arith.constant 304 : index
    %swap3A_45 = tpu.vector_load %arg7[%swap3A_44] {strides = array<i32>} : memref<1024xi32, #tpu.memory_space<vmem>>, vector<16xi32>,
    tpu.vector_store %arg7[%swap3A_44], %and3A_4 {strides = array<i32>} : memref<1024xi32, #tpu.memory_space<vmem>>, vector<16xi32>,
    %swap3A_46 = arith.constant 320 : index
    %swap3A_47 = tpu.vector_load %arg7[%swap3A_46] {strides = array<i32>} : memref<1024xi32, #tpu.memory_space<vmem>>, vector<16xi32>,
    tpu.vector_store %arg7[%swap3A_46], %and3A_4 {strides = array<i32>} : memref<1024xi32, #tpu.memory_space<vmem>>, vector<16xi32>,
    %swap3A_48 = arith.constant 336 : index
    %swap3A_49 = tpu.vector_load %arg7[%swap3A_48] {strides = array<i32>} : memref<1024xi32, #tpu.memory_space<vmem>>, vector<16xi32>,
    tpu.vector_store %arg7[%swap3A_48], %and3A_4 {strides = array<i32>} : memref<1024xi32, #tpu.memory_space<vmem>>, vector<16xi32>,
    %swap3A_50 = arith.constant 352 : index
    %swap3A_51 = tpu.vector_load %arg7[%swap3A_50] {strides = array<i32>} : memref<1024xi32, #tpu.memory_space<vmem>>, vector<16xi32>,
    tpu.vector_store %arg7[%swap3A_50], %and3A_4 {strides = array<i32>} : memref<1024xi32, #tpu.memory_space<vmem>>, vector<16xi32>,
    %swap3A_52 = arith.constant 368 : index
    %swap3A_53 = tpu.vector_load %arg7[%swap3A_52] {strides = array<i32>} : memref<1024xi32, #tpu.memory_space<vmem>>, vector<16xi32>,
    tpu.vector_store %arg7[%swap3A_52], %and3A_4 {strides = array<i32>} : memref<1024xi32, #tpu.memory_space<vmem>>, vector<16xi32>,
    %swap3A_54 = arith.constant 384 : index
    %swap3A_55 = tpu.vector_load %arg7[%swap3A_54] {strides = array<i32>} : memref<1024xi32, #tpu.memory_space<vmem>>, vector<16xi32>,
    tpu.vector_store %arg7[%swap3A_54], %and3A_4 {strides = array<i32>} : memref<1024xi32, #tpu.memory_space<vmem>>, vector<16xi32>,
    %swap3A_56 = arith.constant 400 : index
    %swap3A_57 = tpu.vector_load %arg7[%swap3A_56] {strides = array<i32>} : memref<1024xi32, #tpu.memory_space<vmem>>, vector<16xi32>,
    tpu.vector_store %arg7[%swap3A_56], %and3A_4 {strides = array<i32>} : memref<1024xi32, #tpu.memory_space<vmem>>, vector<16xi32>,
    %swap3A_58 = arith.constant 416 : index
    %swap3A_59 = tpu.vector_load %arg7[%swap3A_58] {strides = array<i32>} : memref<1024xi32, #tpu.memory_space<vmem>>, vector<16xi32>,
    tpu.vector_store %arg7[%swap3A_58], %and3A_4 {strides = array<i32>} : memref<1024xi32, #tpu.memory_space<vmem>>, vector<16xi32>,
    %swap3A_60 = arith.constant 432 : index
    %swap3A_61 = tpu.vector_load %arg7[%swap3A_60] {strides = array<i32>} : memref<1024xi32, #tpu.memory_space<vmem>>, vector<16xi32>,
    tpu.vector_store %arg7[%swap3A_60], %and3A_4 {strides = array<i32>} : memref<1024xi32, #tpu.memory_space<vmem>>, vector<16xi32>,
    %swap3A_62 = arith.constant 448 : index
    %swap3A_63 = tpu.vector_load %arg7[%swap3A_62] {strides = array<i32>} : memref<1024xi32, #tpu.memory_space<vmem>>, vector<16xi32>,
    tpu.vector_store %arg7[%swap3A_62], %and3A_4 {strides = array<i32>} : memref<1024xi32, #tpu.memory_space<vmem>>, vector<16xi32>,
    %swap3A_64 = arith.constant 464 : index
    %swap3A_65 = tpu.vector_load %arg7[%swap3A_64] {strides = array<i32>} : memref<1024xi32, #tpu.memory_space<vmem>>, vector<16xi32>,
    tpu.vector_store %arg7[%swap3A_64], %and3A_4 {strides = array<i32>} : memref<1024xi32, #tpu.memory_space<vmem>>, vector<16xi32>,
    %swap3A_66 = arith.constant 480 : index
    %swap3A_67 = tpu.vector_load %arg7[%swap3A_66] {strides = array<i32>} : memref<1024xi32, #tpu.memory_space<vmem>>, vector<16xi32>,
    tpu.vector_store %arg7[%swap3A_66], %and3A_4 {strides = array<i32>} : memref<1024xi32, #tpu.memory_space<vmem>>, vector<16xi32>,
    %swap3A_68 = arith.constant 496 : index
    %swap3A_69 = tpu.vector_load %arg7[%swap3A_68] {strides = array<i32>} : memref<1024xi32, #tpu.memory_space<vmem>>, vector<16xi32>,
    tpu.vector_store %arg7[%swap3A_68], %and3A_4 {strides = array<i32>} : memref<1024xi32, #tpu.memory_space<vmem>>, vector<16xi32>,
    %swap3A_70 = arith.constant 512 : index
    %swap3A_71 = tpu.vector_load %arg7[%swap3A_70] {strides = array<i32>} : memref<1024xi32, #tpu.memory_space<vmem>>, vector<16xi32>,
    tpu.vector_store %arg7[%swap3A_70], %and3A_4 {strides = array<i32>} : memref<1024xi32, #tpu.memory_space<vmem>>, vector<16xi32>,
    %swap3A_72 = arith.constant 528 : index
    %swap3A_73 = tpu.vector_load %arg7[%swap3A_72] {strides = array<i32>} : memref<1024xi32, #tpu.memory_space<vmem>>, vector<16xi32>,
    tpu.vector_store %arg7[%swap3A_72], %and3A_4 {strides = array<i32>} : memref<1024xi32, #tpu.memory_space<vmem>>, vector<16xi32>,
    %swap3A_74 = arith.constant 544 : index
    %swap3A_75 = tpu.vector_load %arg7[%swap3A_74] {strides = array<i32>} : memref<1024xi32, #tpu.memory_space<vmem>>, vector<16xi32>,
    tpu.vector_store %arg7[%swap3A_74], %and3A_4 {strides = array<i32>} : memref<1024xi32, #tpu.memory_space<vmem>>, vector<16xi32>,
    %swap3A_76 = arith.constant 560 : index
    %swap3A_77 = tpu.vector_load %arg7[%swap3A_76] {strides = array<i32>} : memref<1024xi32, #tpu.memory_space<vmem>>, vector<16xi32>,
    tpu.vector_store %arg7[%swap3A_76], %and3A_4 {strides = array<i32>} : memref<1024xi32, #tpu.memory_space<vmem>>, vector<16xi32>,
    %swap3A_78 = arith.constant 576 : index
    %swap3A_79 = tpu.vector_load %arg7[%swap3A_78] {strides = array<i32>} : memref<1024xi32, #tpu.memory_space<vmem>>, vector<16xi32>,
    tpu.vector_store %arg7[%swap3A_78], %and3A_4 {strides = array<i32>} : memref<1024xi32, #tpu.memory_space<vmem>>, vector<16xi32>,
    %swap3A_80 = arith.constant 592 : index
    %swap3A_81 = tpu.vector_load %arg7[%swap3A_80] {strides = array<i32>} : memref<1024xi32, #tpu.memory_space<vmem>>, vector<16xi32>,
    tpu.vector_store %arg7[%swap3A_80], %and3A_4 {strides = array<i32>} : memref<1024xi32, #tpu.memory_space<vmem>>, vector<16xi32>,
    %swap3A_82 = arith.constant 608 : index
    %swap3A_83 = tpu.vector_load %arg7[%swap3A_82] {strides = array<i32>} : memref<1024xi32, #tpu.memory_space<vmem>>, vector<16xi32>,
    tpu.vector_store %arg7[%swap3A_82], %and3A_4 {strides = array<i32>} : memref<1024xi32, #tpu.memory_space<vmem>>, vector<16xi32>,
    %swap3A_84 = arith.constant 624 : index
    %swap3A_85 = tpu.vector_load %arg7[%swap3A_84] {strides = array<i32>} : memref<1024xi32, #tpu.memory_space<vmem>>, vector<16xi32>,
    tpu.vector_store %arg7[%swap3A_84], %and3A_4 {strides = array<i32>} : memref<1024xi32, #tpu.memory_space<vmem>>, vector<16xi32>,
    %swap3A_86 = arith.constant 640 : index
    %swap3A_87 = tpu.vector_load %arg7[%swap3A_86] {strides = array<i32>} : memref<1024xi32, #tpu.memory_space<vmem>>, vector<16xi32>,
    tpu.vector_store %arg7[%swap3A_86], %and3A_4 {strides = array<i32>} : memref<1024xi32, #tpu.memory_space<vmem>>, vector<16xi32>,
    %swap3A_88 = arith.constant 656 : index
    %swap3A_89 = tpu.vector_load %arg7[%swap3A_88] {strides = array<i32>} : memref<1024xi32, #tpu.memory_space<vmem>>, vector<16xi32>,
    tpu.vector_store %arg7[%swap3A_88], %and3A_4 {strides = array<i32>} : memref<1024xi32, #tpu.memory_space<vmem>>, vector<16xi32>,
    %swap3A_90 = arith.constant 672 : index
    %swap3A_91 = tpu.vector_load %arg7[%swap3A_90] {strides = array<i32>} : memref<1024xi32, #tpu.memory_space<vmem>>, vector<16xi32>,
    tpu.vector_store %arg7[%swap3A_90], %and3A_4 {strides = array<i32>} : memref<1024xi32, #tpu.memory_space<vmem>>, vector<16xi32>,
    %swap3A_92 = arith.constant 688 : index
    %swap3A_93 = tpu.vector_load %arg7[%swap3A_92] {strides = array<i32>} : memref<1024xi32, #tpu.memory_space<vmem>>, vector<16xi32>,
    tpu.vector_store %arg7[%swap3A_92], %and3A_4 {strides = array<i32>} : memref<1024xi32, #tpu.memory_space<vmem>>, vector<16xi32>,
    %swap3A_94 = arith.constant 704 : index
    %swap3A_95 = tpu.vector_load %arg7[%swap3A_94] {strides = array<i32>} : memref<1024xi32, #tpu.memory_space<vmem>>, vector<16xi32>,
    tpu.vector_store %arg7[%swap3A_94], %and3A_4 {strides = array<i32>} : memref<1024xi32, #tpu.memory_space<vmem>>, vector<16xi32>,
    %swap3A_96 = arith.constant 720 : index
    %swap3A_97 = tpu.vector_load %arg7[%swap3A_96] {strides = array<i32>} : memref<1024xi32, #tpu.memory_space<vmem>>, vector<16xi32>,
    tpu.vector_store %arg7[%swap3A_96], %and3A_4 {strides = array<i32>} : memref<1024xi32, #tpu.memory_space<vmem>>, vector<16xi32>,
    %swap3A_98 = arith.constant 736 : index
    %swap3A_99 = tpu.vector_load %arg7[%swap3A_98] {strides = array<i32>} : memref<1024xi32, #tpu.memory_space<vmem>>, vector<16xi32>,
    tpu.vector_store %arg7[%swap3A_98], %and3A_4 {strides = array<i32>} : memref<1024xi32, #tpu.memory_space<vmem>>, vector<16xi32>,
    %swap3A_100 = arith.constant 752 : index
    %swap3A_101 = tpu.vector_load %arg7[%swap3A_100] {strides = array<i32>} : memref<1024xi32, #tpu.memory_space<vmem>>, vector<16xi32>,
    tpu.vector_store %arg7[%swap3A_100], %and3A_4 {strides = array<i32>} : memref<1024xi32, #tpu.memory_space<vmem>>, vector<16xi32>,
    %swap3A_102 = arith.constant 768 : index
    %swap3A_103 = tpu.vector_load %arg7[%swap3A_102] {strides = array<i32>} : memref<1024xi32, #tpu.memory_space<vmem>>, vector<16xi32>,
    tpu.vector_store %arg7[%swap3A_102], %and3A_4 {strides = array<i32>} : memref<1024xi32, #tpu.memory_space<vmem>>, vector<16xi32>,
    %swap3A_104 = arith.constant 784 : index
    %swap3A_105 = tpu.vector_load %arg7[%swap3A_104] {strides = array<i32>} : memref<1024xi32, #tpu.memory_space<vmem>>, vector<16xi32>,
    tpu.vector_store %arg7[%swap3A_104], %and3A_4 {strides = array<i32>} : memref<1024xi32, #tpu.memory_space<vmem>>, vector<16xi32>,
    %swap3A_106 = arith.constant 800 : index
    %swap3A_107 = tpu.vector_load %arg7[%swap3A_106] {strides = array<i32>} : memref<1024xi32, #tpu.memory_space<vmem>>, vector<16xi32>,
    tpu.vector_store %arg7[%swap3A_106], %and3A_4 {strides = array<i32>} : memref<1024xi32, #tpu.memory_space<vmem>>, vector<16xi32>,
    %swap3A_108 = arith.constant 816 : index
    %swap3A_109 = tpu.vector_load %arg7[%swap3A_108] {strides = array<i32>} : memref<1024xi32, #tpu.memory_space<vmem>>, vector<16xi32>,
    tpu.vector_store %arg7[%swap3A_108], %and3A_4 {strides = array<i32>} : memref<1024xi32, #tpu.memory_space<vmem>>, vector<16xi32>,
    %swap3A_110 = arith.constant 832 : index
    %swap3A_111 = tpu.vector_load %arg7[%swap3A_110] {strides = array<i32>} : memref<1024xi32, #tpu.memory_space<vmem>>, vector<16xi32>,
    tpu.vector_store %arg7[%swap3A_110], %and3A_4 {strides = array<i32>} : memref<1024xi32, #tpu.memory_space<vmem>>, vector<16xi32>,
    %swap3A_112 = arith.constant 848 : index
    %swap3A_113 = tpu.vector_load %arg7[%swap3A_112] {strides = array<i32>} : memref<1024xi32, #tpu.memory_space<vmem>>, vector<16xi32>,
    tpu.vector_store %arg7[%swap3A_112], %and3A_4 {strides = array<i32>} : memref<1024xi32, #tpu.memory_space<vmem>>, vector<16xi32>,
    %swap3A_114 = arith.constant 864 : index
    %swap3A_115 = tpu.vector_load %arg7[%swap3A_114] {strides = array<i32>} : memref<1024xi32, #tpu.memory_space<vmem>>, vector<16xi32>,
    tpu.vector_store %arg7[%swap3A_114], %and3A_4 {strides = array<i32>} : memref<1024xi32, #tpu.memory_space<vmem>>, vector<16xi32>,
    %swap3A_116 = arith.constant 880 : index
    %swap3A_117 = tpu.vector_load %arg7[%swap3A_116] {strides = array<i32>} : memref<1024xi32, #tpu.memory_space<vmem>>, vector<16xi32>,
    tpu.vector_store %arg7[%swap3A_116], %and3A_4 {strides = array<i32>} : memref<1024xi32, #tpu.memory_space<vmem>>, vector<16xi32>,
    %swap3A_118 = arith.constant 896 : index
    %swap3A_119 = tpu.vector_load %arg7[%swap3A_118] {strides = array<i32>} : memref<1024xi32, #tpu.memory_space<vmem>>, vector<16xi32>,
    tpu.vector_store %arg7[%swap3A_118], %and3A_4 {strides = array<i32>} : memref<1024xi32, #tpu.memory_space<vmem>>, vector<16xi32>,
    %swap3A_120 = arith.constant 912 : index
    %swap3A_121 = tpu.vector_load %arg7[%swap3A_120] {strides = array<i32>} : memref<1024xi32, #tpu.memory_space<vmem>>, vector<16xi32>,
    tpu.vector_store %arg7[%swap3A_120], %and3A_4 {strides = array<i32>} : memref<1024xi32, #tpu.memory_space<vmem>>, vector<16xi32>,
    %swap3A_122 = arith.constant 928 : index
    %swap3A_123 = tpu.vector_load %arg7[%swap3A_122] {strides = array<i32>} : memref<1024xi32, #tpu.memory_space<vmem>>, vector<16xi32>,
    tpu.vector_store %arg7[%swap3A_122], %and3A_4 {strides = array<i32>} : memref<1024xi32, #tpu.memory_space<vmem>>, vector<16xi32>,
    %swap3A_124 = arith.constant 944 : index
    %swap3A_125 = tpu.vector_load %arg7[%swap3A_124] {strides = array<i32>} : memref<1024xi32, #tpu.memory_space<vmem>>, vector<16xi32>,
    tpu.vector_store %arg7[%swap3A_124], %and3A_4 {strides = array<i32>} : memref<1024xi32, #tpu.memory_space<vmem>>, vector<16xi32>,
    %swap3A_126 = arith.constant 960 : index
    %swap3A_127 = tpu.vector_load %arg7[%swap3A_126] {strides = array<i32>} : memref<1024xi32, #tpu.memory_space<vmem>>, vector<16xi32>,
    tpu.vector_store %arg7[%swap3A_126], %and3A_4 {strides = array<i32>} : memref<1024xi32, #tpu.memory_space<vmem>>, vector<16xi32>,
    %swap3A_128 = arith.constant 976 : index
    %swap3A_129 = tpu.vector_load %arg7[%swap3A_128] {strides = array<i32>} : memref<1024xi32, #tpu.memory_space<vmem>>, vector<16xi32>,
    tpu.vector_store %arg7[%swap3A_128], %and3A_4 {strides = array<i32>} : memref<1024xi32, #tpu.memory_space<vmem>>, vector<16xi32>,
    %swap3A_130 = arith.constant 992 : index
    %swap3A_131 = tpu.vector_load %arg7[%swap3A_130] {strides = array<i32>} : memref<1024xi32, #tpu.memory_space<vmem>>, vector<16xi32>,
    tpu.vector_store %arg7[%swap3A_130], %and3A_4 {strides = array<i32>} : memref<1024xi32, #tpu.memory_space<vmem>>, vector<16xi32>,
    %swap3A_132 = arith.constant 1008 : index
    %swap3A_133 = tpu.vector_load %arg7[%swap3A_132] {strides = array<i32>} : memref<1024xi32, #tpu.memory_space<vmem>>, vector<16xi32>,
    tpu.vector_store %arg7[%swap3A_132], %and3A_4 {strides = array<i32>} : memref<1024xi32, #tpu.memory_space<vmem>>, vector<16xi32>,
    %add3A_134 = arith.constant 1 : i32
    %add3A_135 = vector.broadcast %add3A_134 : i32 to vector<16xi32>
    %add3A_136 = arith.addi %and3A_4, %add3A_135 : vector<16xi32>
    "tpu.region"() ({
      %run_scoped3A = tpu.sem_alloc : memref<!tpu.dma_semaphore, #tpu.memory_space<semaphore_mem>>
      %dma_start3A_654 = arith.constant 0 : i32
      %dma_start3A_655 = tpu.memref_slice %arg3[%dma_start3A_654] : memref<20480xi32, #tpu.memory_space<hbm>> -> memref<1280xi32, #tpu.memory_space<hbm>>
      %dma_start3A_656 = arith.constant 0 : i32
      %dma_start3A_657 = tpu.memref_slice %arg3[%dma_start3A_656] : memref<20480xi32, #tpu.memory_space<hbm>> -> memref<1280xi32, #tpu.memory_space<hbm>>
      tpu.enqueue_dma source(%dma_start3A_657 : memref<1280xi32, #tpu.memory_space<hbm>>) target(%arg5 : memref<1280xi32, #tpu.memory_space<vmem>>) target_semaphore(%run_scoped3A : memref<!tpu.dma_semaphore, #tpu.memory_space<semaphore_mem>>)
      %dma_wait3A_658 = arith.constant 0 : i32
      %dma_wait3A_659 = tpu.memref_slice %arg3[%dma_wait3A_658] : memref<20480xi32, #tpu.memory_space<hbm>> -> memref<1280xi32, #tpu.memory_space<hbm>>
      %dma_wait3A_660 = arith.constant 0 : i32
      %dma_wait3A_661 = tpu.memref_slice %arg3[%dma_wait3A_660] : memref<20480xi32, #tpu.memory_space<hbm>> -> memref<1280xi32, #tpu.memory_space<hbm>>
      tpu.wait_dma2 semaphore(%run_scoped3A : memref<!tpu.dma_semaphore, #tpu.memory_space<semaphore_mem>>) src(%dma_wait3A_661 : memref<1280xi32, #tpu.memory_space<hbm>>) dst(%arg5 : memref<1280xi32, #tpu.memory_space<vmem>>)
      tpu.yield
    }) : () -> ()
    %scan3A = arith.constant 0 : i32
    %scan3A_137 = arith.constant 0 : i32
    %scan3A_138 = arith.constant 80 : i32
    %scan3A_139 = arith.addi %scan3A_137, %scan3A_138 : i32
    %scan3A_140 = arith.constant 1 : i32
    scf.for %scan3A_654 = %scan3A_137 to %scan3A_139 step %scan3A_140  : i32 {
      %mul3A_655 = arith.constant 16 : i32
      %mul3A_656 = arith.muli %scan3A_654, %mul3A_655 : i32
      %get3A_657 = arith.index_cast %mul3A_656 : i32 to index
      %get3A_658 = tpu.vector_load %arg5[%get3A_657] {strides = array<i32>} : memref<1280xi32, #tpu.memory_space<vmem>>, vector<16xi32>,
      %shift_right_arithmetic3A = arith.constant 9 : i32
      %shift_right_arithmetic3A_659 = vector.broadcast %shift_right_arithmetic3A : i32 to vector<16xi32>
      %shift_right_arithmetic3A_660 = arith.shrsi %get3A_658, %shift_right_arithmetic3A_659 : vector<16xi32>
      %and3A_661 = arith.constant 31 : i32
      %and3A_662 = vector.broadcast %and3A_661 : i32 to vector<16xi32>
      %and3A_663 = arith.andi %shift_right_arithmetic3A_660, %and3A_662 : vector<16xi32>
      %eq3A_664 = vector.broadcast %add3A : i32 to vector<16xi32>
      %eq3A_665 = arith.cmpi eq, %and3A_663, %eq3A_664 : vector<16xi32>
      %shift_right_arithmetic3A_666 = arith.constant 14 : i32
      %shift_right_arithmetic3A_667 = vector.broadcast %shift_right_arithmetic3A_666 : i32 to vector<16xi32>
      %shift_right_arithmetic3A_668 = arith.shrsi %get3A_658, %shift_right_arithmetic3A_667 : vector<16xi32>
      %mul3A_669 = arith.constant 64 : i32
      %mul3A_670 = vector.broadcast %mul3A_669 : i32 to vector<16xi32>
      %mul3A_671 = arith.muli %iota3A, %mul3A_670 : vector<16xi32>
      %add3A_672 = arith.addi %mul3A_671, %shift_right_arithmetic3A_668 : vector<16xi32>
      tpu.vector_store_idx %arg7[%add3A_672], %add3A_136 masked %eq3A_665 {add = true} : memref<1024xi32, #tpu.memory_space<vmem>>[vector<16xi32>], vector<16xi32>, vector<16xi1>
    }
    %scan3A_141 = arith.constant 80 : i32
    "tpu.region"() ({
      %run_scoped3A = tpu.sem_alloc : memref<!tpu.dma_semaphore, #tpu.memory_space<semaphore_mem>>
      %dma_start3A_654 = arith.constant 1280 : i32
      %dma_start3A_655 = tpu.memref_slice %arg3[%dma_start3A_654] : memref<20480xi32, #tpu.memory_space<hbm>> -> memref<1280xi32, #tpu.memory_space<hbm>>
      %dma_start3A_656 = arith.constant 1280 : i32
      %dma_start3A_657 = tpu.memref_slice %arg3[%dma_start3A_656] : memref<20480xi32, #tpu.memory_space<hbm>> -> memref<1280xi32, #tpu.memory_space<hbm>>
      tpu.enqueue_dma source(%dma_start3A_657 : memref<1280xi32, #tpu.memory_space<hbm>>) target(%arg5 : memref<1280xi32, #tpu.memory_space<vmem>>) target_semaphore(%run_scoped3A : memref<!tpu.dma_semaphore, #tpu.memory_space<semaphore_mem>>)
      %dma_wait3A_658 = arith.constant 1280 : i32
      %dma_wait3A_659 = tpu.memref_slice %arg3[%dma_wait3A_658] : memref<20480xi32, #tpu.memory_space<hbm>> -> memref<1280xi32, #tpu.memory_space<hbm>>
      %dma_wait3A_660 = arith.constant 1280 : i32
      %dma_wait3A_661 = tpu.memref_slice %arg3[%dma_wait3A_660] : memref<20480xi32, #tpu.memory_space<hbm>> -> memref<1280xi32, #tpu.memory_space<hbm>>
      tpu.wait_dma2 semaphore(%run_scoped3A : memref<!tpu.dma_semaphore, #tpu.memory_space<semaphore_mem>>) src(%dma_wait3A_661 : memref<1280xi32, #tpu.memory_space<hbm>>) dst(%arg5 : memref<1280xi32, #tpu.memory_space<vmem>>)
      tpu.yield
    }) : () -> ()
    %scan3A_142 = arith.constant 0 : i32
    %scan3A_143 = arith.constant 0 : i32
    %scan3A_144 = arith.constant 80 : i32
    %scan3A_145 = arith.addi %scan3A_143, %scan3A_144 : i32
    %scan3A_146 = arith.constant 1 : i32
    scf.for %scan3A_654 = %scan3A_143 to %scan3A_145 step %scan3A_146  : i32 {
      %mul3A_655 = arith.constant 16 : i32
      %mul3A_656 = arith.muli %scan3A_654, %mul3A_655 : i32
      %get3A_657 = arith.index_cast %mul3A_656 : i32 to index
      %get3A_658 = tpu.vector_load %arg5[%get3A_657] {strides = array<i32>} : memref<1280xi32, #tpu.memory_space<vmem>>, vector<16xi32>,
      %shift_right_arithmetic3A = arith.constant 9 : i32
      %shift_right_arithmetic3A_659 = vector.broadcast %shift_right_arithmetic3A : i32 to vector<16xi32>
      %shift_right_arithmetic3A_660 = arith.shrsi %get3A_658, %shift_right_arithmetic3A_659 : vector<16xi32>
      %and3A_661 = arith.constant 31 : i32
      %and3A_662 = vector.broadcast %and3A_661 : i32 to vector<16xi32>
      %and3A_663 = arith.andi %shift_right_arithmetic3A_660, %and3A_662 : vector<16xi32>
      %eq3A_664 = vector.broadcast %add3A : i32 to vector<16xi32>
      %eq3A_665 = arith.cmpi eq, %and3A_663, %eq3A_664 : vector<16xi32>
      %shift_right_arithmetic3A_666 = arith.constant 14 : i32
      %shift_right_arithmetic3A_667 = vector.broadcast %shift_right_arithmetic3A_666 : i32 to vector<16xi32>
      %shift_right_arithmetic3A_668 = arith.shrsi %get3A_658, %shift_right_arithmetic3A_667 : vector<16xi32>
      %mul3A_669 = arith.constant 64 : i32
      %mul3A_670 = vector.broadcast %mul3A_669 : i32 to vector<16xi32>
      %mul3A_671 = arith.muli %iota3A, %mul3A_670 : vector<16xi32>
      %add3A_672 = arith.addi %mul3A_671, %shift_right_arithmetic3A_668 : vector<16xi32>
      tpu.vector_store_idx %arg7[%add3A_672], %add3A_136 masked %eq3A_665 {add = true} : memref<1024xi32, #tpu.memory_space<vmem>>[vector<16xi32>], vector<16xi32>, vector<16xi1>
    }
    %scan3A_147 = arith.constant 80 : i32
    "tpu.region"() ({
      %run_scoped3A = tpu.sem_alloc : memref<!tpu.dma_semaphore, #tpu.memory_space<semaphore_mem>>
      %dma_start3A_654 = arith.constant 2560 : i32
      %dma_start3A_655 = tpu.memref_slice %arg3[%dma_start3A_654] : memref<20480xi32, #tpu.memory_space<hbm>> -> memref<1280xi32, #tpu.memory_space<hbm>>
      %dma_start3A_656 = arith.constant 2560 : i32
      %dma_start3A_657 = tpu.memref_slice %arg3[%dma_start3A_656] : memref<20480xi32, #tpu.memory_space<hbm>> -> memref<1280xi32, #tpu.memory_space<hbm>>
      tpu.enqueue_dma source(%dma_start3A_657 : memref<1280xi32, #tpu.memory_space<hbm>>) target(%arg5 : memref<1280xi32, #tpu.memory_space<vmem>>) target_semaphore(%run_scoped3A : memref<!tpu.dma_semaphore, #tpu.memory_space<semaphore_mem>>)
      %dma_wait3A_658 = arith.constant 2560 : i32
      %dma_wait3A_659 = tpu.memref_slice %arg3[%dma_wait3A_658] : memref<20480xi32, #tpu.memory_space<hbm>> -> memref<1280xi32, #tpu.memory_space<hbm>>
      %dma_wait3A_660 = arith.constant 2560 : i32
      %dma_wait3A_661 = tpu.memref_slice %arg3[%dma_wait3A_660] : memref<20480xi32, #tpu.memory_space<hbm>> -> memref<1280xi32, #tpu.memory_space<hbm>>
      tpu.wait_dma2 semaphore(%run_scoped3A : memref<!tpu.dma_semaphore, #tpu.memory_space<semaphore_mem>>) src(%dma_wait3A_661 : memref<1280xi32, #tpu.memory_space<hbm>>) dst(%arg5 : memref<1280xi32, #tpu.memory_space<vmem>>)
      tpu.yield
    }) : () -> ()
    %scan3A_148 = arith.constant 0 : i32
    %scan3A_149 = arith.constant 0 : i32
    %scan3A_150 = arith.constant 80 : i32
    %scan3A_151 = arith.addi %scan3A_149, %scan3A_150 : i32
    %scan3A_152 = arith.constant 1 : i32
    scf.for %scan3A_654 = %scan3A_149 to %scan3A_151 step %scan3A_152  : i32 {
      %mul3A_655 = arith.constant 16 : i32
      %mul3A_656 = arith.muli %scan3A_654, %mul3A_655 : i32
      %get3A_657 = arith.index_cast %mul3A_656 : i32 to index
      %get3A_658 = tpu.vector_load %arg5[%get3A_657] {strides = array<i32>} : memref<1280xi32, #tpu.memory_space<vmem>>, vector<16xi32>,
      %shift_right_arithmetic3A = arith.constant 9 : i32
      %shift_right_arithmetic3A_659 = vector.broadcast %shift_right_arithmetic3A : i32 to vector<16xi32>
      %shift_right_arithmetic3A_660 = arith.shrsi %get3A_658, %shift_right_arithmetic3A_659 : vector<16xi32>
      %and3A_661 = arith.constant 31 : i32
      %and3A_662 = vector.broadcast %and3A_661 : i32 to vector<16xi32>
      %and3A_663 = arith.andi %shift_right_arithmetic3A_660, %and3A_662 : vector<16xi32>
      %eq3A_664 = vector.broadcast %add3A : i32 to vector<16xi32>
      %eq3A_665 = arith.cmpi eq, %and3A_663, %eq3A_664 : vector<16xi32>
      %shift_right_arithmetic3A_666 = arith.constant 14 : i32
      %shift_right_arithmetic3A_667 = vector.broadcast %shift_right_arithmetic3A_666 : i32 to vector<16xi32>
      %shift_right_arithmetic3A_668 = arith.shrsi %get3A_658, %shift_right_arithmetic3A_667 : vector<16xi32>
      %mul3A_669 = arith.constant 64 : i32
      %mul3A_670 = vector.broadcast %mul3A_669 : i32 to vector<16xi32>
      %mul3A_671 = arith.muli %iota3A, %mul3A_670 : vector<16xi32>
      %add3A_672 = arith.addi %mul3A_671, %shift_right_arithmetic3A_668 : vector<16xi32>
      tpu.vector_store_idx %arg7[%add3A_672], %add3A_136 masked %eq3A_665 {add = true} : memref<1024xi32, #tpu.memory_space<vmem>>[vector<16xi32>], vector<16xi32>, vector<16xi1>
    }
    %scan3A_153 = arith.constant 80 : i32
    "tpu.region"() ({
      %run_scoped3A = tpu.sem_alloc : memref<!tpu.dma_semaphore, #tpu.memory_space<semaphore_mem>>
      %dma_start3A_654 = arith.constant 3840 : i32
      %dma_start3A_655 = tpu.memref_slice %arg3[%dma_start3A_654] : memref<20480xi32, #tpu.memory_space<hbm>> -> memref<1280xi32, #tpu.memory_space<hbm>>
      %dma_start3A_656 = arith.constant 3840 : i32
      %dma_start3A_657 = tpu.memref_slice %arg3[%dma_start3A_656] : memref<20480xi32, #tpu.memory_space<hbm>> -> memref<1280xi32, #tpu.memory_space<hbm>>
      tpu.enqueue_dma source(%dma_start3A_657 : memref<1280xi32, #tpu.memory_space<hbm>>) target(%arg5 : memref<1280xi32, #tpu.memory_space<vmem>>) target_semaphore(%run_scoped3A : memref<!tpu.dma_semaphore, #tpu.memory_space<semaphore_mem>>)
      %dma_wait3A_658 = arith.constant 3840 : i32
      %dma_wait3A_659 = tpu.memref_slice %arg3[%dma_wait3A_658] : memref<20480xi32, #tpu.memory_space<hbm>> -> memref<1280xi32, #tpu.memory_space<hbm>>
      %dma_wait3A_660 = arith.constant 3840 : i32
      %dma_wait3A_661 = tpu.memref_slice %arg3[%dma_wait3A_660] : memref<20480xi32, #tpu.memory_space<hbm>> -> memref<1280xi32, #tpu.memory_space<hbm>>
      tpu.wait_dma2 semaphore(%run_scoped3A : memref<!tpu.dma_semaphore, #tpu.memory_space<semaphore_mem>>) src(%dma_wait3A_661 : memref<1280xi32, #tpu.memory_space<hbm>>) dst(%arg5 : memref<1280xi32, #tpu.memory_space<vmem>>)
      tpu.yield
    }) : () -> ()
    %scan3A_154 = arith.constant 0 : i32
    %scan3A_155 = arith.constant 0 : i32
    %scan3A_156 = arith.constant 80 : i32
    %scan3A_157 = arith.addi %scan3A_155, %scan3A_156 : i32
    %scan3A_158 = arith.constant 1 : i32
    scf.for %scan3A_654 = %scan3A_155 to %scan3A_157 step %scan3A_158  : i32 {
      %mul3A_655 = arith.constant 16 : i32
      %mul3A_656 = arith.muli %scan3A_654, %mul3A_655 : i32
      %get3A_657 = arith.index_cast %mul3A_656 : i32 to index
      %get3A_658 = tpu.vector_load %arg5[%get3A_657] {strides = array<i32>} : memref<1280xi32, #tpu.memory_space<vmem>>, vector<16xi32>,
      %shift_right_arithmetic3A = arith.constant 9 : i32
      %shift_right_arithmetic3A_659 = vector.broadcast %shift_right_arithmetic3A : i32 to vector<16xi32>
      %shift_right_arithmetic3A_660 = arith.shrsi %get3A_658, %shift_right_arithmetic3A_659 : vector<16xi32>
      %and3A_661 = arith.constant 31 : i32
      %and3A_662 = vector.broadcast %and3A_661 : i32 to vector<16xi32>
      %and3A_663 = arith.andi %shift_right_arithmetic3A_660, %and3A_662 : vector<16xi32>
      %eq3A_664 = vector.broadcast %add3A : i32 to vector<16xi32>
      %eq3A_665 = arith.cmpi eq, %and3A_663, %eq3A_664 : vector<16xi32>
      %shift_right_arithmetic3A_666 = arith.constant 14 : i32
      %shift_right_arithmetic3A_667 = vector.broadcast %shift_right_arithmetic3A_666 : i32 to vector<16xi32>
      %shift_right_arithmetic3A_668 = arith.shrsi %get3A_658, %shift_right_arithmetic3A_667 : vector<16xi32>
      %mul3A_669 = arith.constant 64 : i32
      %mul3A_670 = vector.broadcast %mul3A_669 : i32 to vector<16xi32>
      %mul3A_671 = arith.muli %iota3A, %mul3A_670 : vector<16xi32>
      %add3A_672 = arith.addi %mul3A_671, %shift_right_arithmetic3A_668 : vector<16xi32>
      tpu.vector_store_idx %arg7[%add3A_672], %add3A_136 masked %eq3A_665 {add = true} : memref<1024xi32, #tpu.memory_space<vmem>>[vector<16xi32>], vector<16xi32>, vector<16xi1>
    }
    %scan3A_159 = arith.constant 80 : i32
    "tpu.region"() ({
      %run_scoped3A = tpu.sem_alloc : memref<!tpu.dma_semaphore, #tpu.memory_space<semaphore_mem>>
      %dma_start3A_654 = arith.constant 5120 : i32
      %dma_start3A_655 = tpu.memref_slice %arg3[%dma_start3A_654] : memref<20480xi32, #tpu.memory_space<hbm>> -> memref<1280xi32, #tpu.memory_space<hbm>>
      %dma_start3A_656 = arith.constant 5120 : i32
      %dma_start3A_657 = tpu.memref_slice %arg3[%dma_start3A_656] : memref<20480xi32, #tpu.memory_space<hbm>> -> memref<1280xi32, #tpu.memory_space<hbm>>
      tpu.enqueue_dma source(%dma_start3A_657 : memref<1280xi32, #tpu.memory_space<hbm>>) target(%arg5 : memref<1280xi32, #tpu.memory_space<vmem>>) target_semaphore(%run_scoped3A : memref<!tpu.dma_semaphore, #tpu.memory_space<semaphore_mem>>)
      %dma_wait3A_658 = arith.constant 5120 : i32
      %dma_wait3A_659 = tpu.memref_slice %arg3[%dma_wait3A_658] : memref<20480xi32, #tpu.memory_space<hbm>> -> memref<1280xi32, #tpu.memory_space<hbm>>
      %dma_wait3A_660 = arith.constant 5120 : i32
      %dma_wait3A_661 = tpu.memref_slice %arg3[%dma_wait3A_660] : memref<20480xi32, #tpu.memory_space<hbm>> -> memref<1280xi32, #tpu.memory_space<hbm>>
      tpu.wait_dma2 semaphore(%run_scoped3A : memref<!tpu.dma_semaphore, #tpu.memory_space<semaphore_mem>>) src(%dma_wait3A_661 : memref<1280xi32, #tpu.memory_space<hbm>>) dst(%arg5 : memref<1280xi32, #tpu.memory_space<vmem>>)
      tpu.yield
    }) : () -> ()
    %scan3A_160 = arith.constant 0 : i32
    %scan3A_161 = arith.constant 0 : i32
    %scan3A_162 = arith.constant 80 : i32
    %scan3A_163 = arith.addi %scan3A_161, %scan3A_162 : i32
    %scan3A_164 = arith.constant 1 : i32
    scf.for %scan3A_654 = %scan3A_161 to %scan3A_163 step %scan3A_164  : i32 {
      %mul3A_655 = arith.constant 16 : i32
      %mul3A_656 = arith.muli %scan3A_654, %mul3A_655 : i32
      %get3A_657 = arith.index_cast %mul3A_656 : i32 to index
      %get3A_658 = tpu.vector_load %arg5[%get3A_657] {strides = array<i32>} : memref<1280xi32, #tpu.memory_space<vmem>>, vector<16xi32>,
      %shift_right_arithmetic3A = arith.constant 9 : i32
      %shift_right_arithmetic3A_659 = vector.broadcast %shift_right_arithmetic3A : i32 to vector<16xi32>
      %shift_right_arithmetic3A_660 = arith.shrsi %get3A_658, %shift_right_arithmetic3A_659 : vector<16xi32>
      %and3A_661 = arith.constant 31 : i32
      %and3A_662 = vector.broadcast %and3A_661 : i32 to vector<16xi32>
      %and3A_663 = arith.andi %shift_right_arithmetic3A_660, %and3A_662 : vector<16xi32>
      %eq3A_664 = vector.broadcast %add3A : i32 to vector<16xi32>
      %eq3A_665 = arith.cmpi eq, %and3A_663, %eq3A_664 : vector<16xi32>
      %shift_right_arithmetic3A_666 = arith.constant 14 : i32
      %shift_right_arithmetic3A_667 = vector.broadcast %shift_right_arithmetic3A_666 : i32 to vector<16xi32>
      %shift_right_arithmetic3A_668 = arith.shrsi %get3A_658, %shift_right_arithmetic3A_667 : vector<16xi32>
      %mul3A_669 = arith.constant 64 : i32
      %mul3A_670 = vector.broadcast %mul3A_669 : i32 to vector<16xi32>
      %mul3A_671 = arith.muli %iota3A, %mul3A_670 : vector<16xi32>
      %add3A_672 = arith.addi %mul3A_671, %shift_right_arithmetic3A_668 : vector<16xi32>
      tpu.vector_store_idx %arg7[%add3A_672], %add3A_136 masked %eq3A_665 {add = true} : memref<1024xi32, #tpu.memory_space<vmem>>[vector<16xi32>], vector<16xi32>, vector<16xi1>
    }
    %scan3A_165 = arith.constant 80 : i32
    "tpu.region"() ({
      %run_scoped3A = tpu.sem_alloc : memref<!tpu.dma_semaphore, #tpu.memory_space<semaphore_mem>>
      %dma_start3A_654 = arith.constant 6400 : i32
      %dma_start3A_655 = tpu.memref_slice %arg3[%dma_start3A_654] : memref<20480xi32, #tpu.memory_space<hbm>> -> memref<1280xi32, #tpu.memory_space<hbm>>
      %dma_start3A_656 = arith.constant 6400 : i32
      %dma_start3A_657 = tpu.memref_slice %arg3[%dma_start3A_656] : memref<20480xi32, #tpu.memory_space<hbm>> -> memref<1280xi32, #tpu.memory_space<hbm>>
      tpu.enqueue_dma source(%dma_start3A_657 : memref<1280xi32, #tpu.memory_space<hbm>>) target(%arg5 : memref<1280xi32, #tpu.memory_space<vmem>>) target_semaphore(%run_scoped3A : memref<!tpu.dma_semaphore, #tpu.memory_space<semaphore_mem>>)
      %dma_wait3A_658 = arith.constant 6400 : i32
      %dma_wait3A_659 = tpu.memref_slice %arg3[%dma_wait3A_658] : memref<20480xi32, #tpu.memory_space<hbm>> -> memref<1280xi32, #tpu.memory_space<hbm>>
      %dma_wait3A_660 = arith.constant 6400 : i32
      %dma_wait3A_661 = tpu.memref_slice %arg3[%dma_wait3A_660] : memref<20480xi32, #tpu.memory_space<hbm>> -> memref<1280xi32, #tpu.memory_space<hbm>>
      tpu.wait_dma2 semaphore(%run_scoped3A : memref<!tpu.dma_semaphore, #tpu.memory_space<semaphore_mem>>) src(%dma_wait3A_661 : memref<1280xi32, #tpu.memory_space<hbm>>) dst(%arg5 : memref<1280xi32, #tpu.memory_space<vmem>>)
      tpu.yield
    }) : () -> ()
    %scan3A_166 = arith.constant 0 : i32
    %scan3A_167 = arith.constant 0 : i32
    %scan3A_168 = arith.constant 80 : i32
    %scan3A_169 = arith.addi %scan3A_167, %scan3A_168 : i32
    %scan3A_170 = arith.constant 1 : i32
    scf.for %scan3A_654 = %scan3A_167 to %scan3A_169 step %scan3A_170  : i32 {
      %mul3A_655 = arith.constant 16 : i32
      %mul3A_656 = arith.muli %scan3A_654, %mul3A_655 : i32
      %get3A_657 = arith.index_cast %mul3A_656 : i32 to index
      %get3A_658 = tpu.vector_load %arg5[%get3A_657] {strides = array<i32>} : memref<1280xi32, #tpu.memory_space<vmem>>, vector<16xi32>,
      %shift_right_arithmetic3A = arith.constant 9 : i32
      %shift_right_arithmetic3A_659 = vector.broadcast %shift_right_arithmetic3A : i32 to vector<16xi32>
      %shift_right_arithmetic3A_660 = arith.shrsi %get3A_658, %shift_right_arithmetic3A_659 : vector<16xi32>
      %and3A_661 = arith.constant 31 : i32
      %and3A_662 = vector.broadcast %and3A_661 : i32 to vector<16xi32>
      %and3A_663 = arith.andi %shift_right_arithmetic3A_660, %and3A_662 : vector<16xi32>
      %eq3A_664 = vector.broadcast %add3A : i32 to vector<16xi32>
      %eq3A_665 = arith.cmpi eq, %and3A_663, %eq3A_664 : vector<16xi32>
      %shift_right_arithmetic3A_666 = arith.constant 14 : i32
      %shift_right_arithmetic3A_667 = vector.broadcast %shift_right_arithmetic3A_666 : i32 to vector<16xi32>
      %shift_right_arithmetic3A_668 = arith.shrsi %get3A_658, %shift_right_arithmetic3A_667 : vector<16xi32>
      %mul3A_669 = arith.constant 64 : i32
      %mul3A_670 = vector.broadcast %mul3A_669 : i32 to vector<16xi32>
      %mul3A_671 = arith.muli %iota3A, %mul3A_670 : vector<16xi32>
      %add3A_672 = arith.addi %mul3A_671, %shift_right_arithmetic3A_668 : vector<16xi32>
      tpu.vector_store_idx %arg7[%add3A_672], %add3A_136 masked %eq3A_665 {add = true} : memref<1024xi32, #tpu.memory_space<vmem>>[vector<16xi32>], vector<16xi32>, vector<16xi1>
    }
    %scan3A_171 = arith.constant 80 : i32
    "tpu.region"() ({
      %run_scoped3A = tpu.sem_alloc : memref<!tpu.dma_semaphore, #tpu.memory_space<semaphore_mem>>
      %dma_start3A_654 = arith.constant 7680 : i32
      %dma_start3A_655 = tpu.memref_slice %arg3[%dma_start3A_654] : memref<20480xi32, #tpu.memory_space<hbm>> -> memref<1280xi32, #tpu.memory_space<hbm>>
      %dma_start3A_656 = arith.constant 7680 : i32
      %dma_start3A_657 = tpu.memref_slice %arg3[%dma_start3A_656] : memref<20480xi32, #tpu.memory_space<hbm>> -> memref<1280xi32, #tpu.memory_space<hbm>>
      tpu.enqueue_dma source(%dma_start3A_657 : memref<1280xi32, #tpu.memory_space<hbm>>) target(%arg5 : memref<1280xi32, #tpu.memory_space<vmem>>) target_semaphore(%run_scoped3A : memref<!tpu.dma_semaphore, #tpu.memory_space<semaphore_mem>>)
      %dma_wait3A_658 = arith.constant 7680 : i32
      %dma_wait3A_659 = tpu.memref_slice %arg3[%dma_wait3A_658] : memref<20480xi32, #tpu.memory_space<hbm>> -> memref<1280xi32, #tpu.memory_space<hbm>>
      %dma_wait3A_660 = arith.constant 7680 : i32
      %dma_wait3A_661 = tpu.memref_slice %arg3[%dma_wait3A_660] : memref<20480xi32, #tpu.memory_space<hbm>> -> memref<1280xi32, #tpu.memory_space<hbm>>
      tpu.wait_dma2 semaphore(%run_scoped3A : memref<!tpu.dma_semaphore, #tpu.memory_space<semaphore_mem>>) src(%dma_wait3A_661 : memref<1280xi32, #tpu.memory_space<hbm>>) dst(%arg5 : memref<1280xi32, #tpu.memory_space<vmem>>)
      tpu.yield
    }) : () -> ()
    %scan3A_172 = arith.constant 0 : i32
    %scan3A_173 = arith.constant 0 : i32
    %scan3A_174 = arith.constant 80 : i32
    %scan3A_175 = arith.addi %scan3A_173, %scan3A_174 : i32
    %scan3A_176 = arith.constant 1 : i32
    scf.for %scan3A_654 = %scan3A_173 to %scan3A_175 step %scan3A_176  : i32 {
      %mul3A_655 = arith.constant 16 : i32
      %mul3A_656 = arith.muli %scan3A_654, %mul3A_655 : i32
      %get3A_657 = arith.index_cast %mul3A_656 : i32 to index
      %get3A_658 = tpu.vector_load %arg5[%get3A_657] {strides = array<i32>} : memref<1280xi32, #tpu.memory_space<vmem>>, vector<16xi32>,
      %shift_right_arithmetic3A = arith.constant 9 : i32
      %shift_right_arithmetic3A_659 = vector.broadcast %shift_right_arithmetic3A : i32 to vector<16xi32>
      %shift_right_arithmetic3A_660 = arith.shrsi %get3A_658, %shift_right_arithmetic3A_659 : vector<16xi32>
      %and3A_661 = arith.constant 31 : i32
      %and3A_662 = vector.broadcast %and3A_661 : i32 to vector<16xi32>
      %and3A_663 = arith.andi %shift_right_arithmetic3A_660, %and3A_662 : vector<16xi32>
      %eq3A_664 = vector.broadcast %add3A : i32 to vector<16xi32>
      %eq3A_665 = arith.cmpi eq, %and3A_663, %eq3A_664 : vector<16xi32>
      %shift_right_arithmetic3A_666 = arith.constant 14 : i32
      %shift_right_arithmetic3A_667 = vector.broadcast %shift_right_arithmetic3A_666 : i32 to vector<16xi32>
      %shift_right_arithmetic3A_668 = arith.shrsi %get3A_658, %shift_right_arithmetic3A_667 : vector<16xi32>
      %mul3A_669 = arith.constant 64 : i32
      %mul3A_670 = vector.broadcast %mul3A_669 : i32 to vector<16xi32>
      %mul3A_671 = arith.muli %iota3A, %mul3A_670 : vector<16xi32>
      %add3A_672 = arith.addi %mul3A_671, %shift_right_arithmetic3A_668 : vector<16xi32>
      tpu.vector_store_idx %arg7[%add3A_672], %add3A_136 masked %eq3A_665 {add = true} : memref<1024xi32, #tpu.memory_space<vmem>>[vector<16xi32>], vector<16xi32>, vector<16xi1>
    }
    %scan3A_177 = arith.constant 80 : i32
    "tpu.region"() ({
      %run_scoped3A = tpu.sem_alloc : memref<!tpu.dma_semaphore, #tpu.memory_space<semaphore_mem>>
      %dma_start3A_654 = arith.constant 8960 : i32
      %dma_start3A_655 = tpu.memref_slice %arg3[%dma_start3A_654] : memref<20480xi32, #tpu.memory_space<hbm>> -> memref<1280xi32, #tpu.memory_space<hbm>>
      %dma_start3A_656 = arith.constant 8960 : i32
      %dma_start3A_657 = tpu.memref_slice %arg3[%dma_start3A_656] : memref<20480xi32, #tpu.memory_space<hbm>> -> memref<1280xi32, #tpu.memory_space<hbm>>
      tpu.enqueue_dma source(%dma_start3A_657 : memref<1280xi32, #tpu.memory_space<hbm>>) target(%arg5 : memref<1280xi32, #tpu.memory_space<vmem>>) target_semaphore(%run_scoped3A : memref<!tpu.dma_semaphore, #tpu.memory_space<semaphore_mem>>)
      %dma_wait3A_658 = arith.constant 8960 : i32
      %dma_wait3A_659 = tpu.memref_slice %arg3[%dma_wait3A_658] : memref<20480xi32, #tpu.memory_space<hbm>> -> memref<1280xi32, #tpu.memory_space<hbm>>
      %dma_wait3A_660 = arith.constant 8960 : i32
      %dma_wait3A_661 = tpu.memref_slice %arg3[%dma_wait3A_660] : memref<20480xi32, #tpu.memory_space<hbm>> -> memref<1280xi32, #tpu.memory_space<hbm>>
      tpu.wait_dma2 semaphore(%run_scoped3A : memref<!tpu.dma_semaphore, #tpu.memory_space<semaphore_mem>>) src(%dma_wait3A_661 : memref<1280xi32, #tpu.memory_space<hbm>>) dst(%arg5 : memref<1280xi32, #tpu.memory_space<vmem>>)
      tpu.yield
    }) : () -> ()
    %scan3A_178 = arith.constant 0 : i32
    %scan3A_179 = arith.constant 0 : i32
    %scan3A_180 = arith.constant 80 : i32
    %scan3A_181 = arith.addi %scan3A_179, %scan3A_180 : i32
    %scan3A_182 = arith.constant 1 : i32
    scf.for %scan3A_654 = %scan3A_179 to %scan3A_181 step %scan3A_182  : i32 {
      %mul3A_655 = arith.constant 16 : i32
      %mul3A_656 = arith.muli %scan3A_654, %mul3A_655 : i32
      %get3A_657 = arith.index_cast %mul3A_656 : i32 to index
      %get3A_658 = tpu.vector_load %arg5[%get3A_657] {strides = array<i32>} : memref<1280xi32, #tpu.memory_space<vmem>>, vector<16xi32>,
      %shift_right_arithmetic3A = arith.constant 9 : i32
      %shift_right_arithmetic3A_659 = vector.broadcast %shift_right_arithmetic3A : i32 to vector<16xi32>
      %shift_right_arithmetic3A_660 = arith.shrsi %get3A_658, %shift_right_arithmetic3A_659 : vector<16xi32>
      %and3A_661 = arith.constant 31 : i32
      %and3A_662 = vector.broadcast %and3A_661 : i32 to vector<16xi32>
      %and3A_663 = arith.andi %shift_right_arithmetic3A_660, %and3A_662 : vector<16xi32>
      %eq3A_664 = vector.broadcast %add3A : i32 to vector<16xi32>
      %eq3A_665 = arith.cmpi eq, %and3A_663, %eq3A_664 : vector<16xi32>
      %shift_right_arithmetic3A_666 = arith.constant 14 : i32
      %shift_right_arithmetic3A_667 = vector.broadcast %shift_right_arithmetic3A_666 : i32 to vector<16xi32>
      %shift_right_arithmetic3A_668 = arith.shrsi %get3A_658, %shift_right_arithmetic3A_667 : vector<16xi32>
      %mul3A_669 = arith.constant 64 : i32
      %mul3A_670 = vector.broadcast %mul3A_669 : i32 to vector<16xi32>
      %mul3A_671 = arith.muli %iota3A, %mul3A_670 : vector<16xi32>
      %add3A_672 = arith.addi %mul3A_671, %shift_right_arithmetic3A_668 : vector<16xi32>
      tpu.vector_store_idx %arg7[%add3A_672], %add3A_136 masked %eq3A_665 {add = true} : memref<1024xi32, #tpu.memory_space<vmem>>[vector<16xi32>], vector<16xi32>, vector<16xi1>
    }
    %scan3A_183 = arith.constant 80 : i32
    "tpu.region"() ({
      %run_scoped3A = tpu.sem_alloc : memref<!tpu.dma_semaphore, #tpu.memory_space<semaphore_mem>>
      %dma_start3A_654 = arith.constant 10240 : i32
      %dma_start3A_655 = tpu.memref_slice %arg3[%dma_start3A_654] : memref<20480xi32, #tpu.memory_space<hbm>> -> memref<1280xi32, #tpu.memory_space<hbm>>
      %dma_start3A_656 = arith.constant 10240 : i32
      %dma_start3A_657 = tpu.memref_slice %arg3[%dma_start3A_656] : memref<20480xi32, #tpu.memory_space<hbm>> -> memref<1280xi32, #tpu.memory_space<hbm>>
      tpu.enqueue_dma source(%dma_start3A_657 : memref<1280xi32, #tpu.memory_space<hbm>>) target(%arg5 : memref<1280xi32, #tpu.memory_space<vmem>>) target_semaphore(%run_scoped3A : memref<!tpu.dma_semaphore, #tpu.memory_space<semaphore_mem>>)
      %dma_wait3A_658 = arith.constant 10240 : i32
      %dma_wait3A_659 = tpu.memref_slice %arg3[%dma_wait3A_658] : memref<20480xi32, #tpu.memory_space<hbm>> -> memref<1280xi32, #tpu.memory_space<hbm>>
      %dma_wait3A_660 = arith.constant 10240 : i32
      %dma_wait3A_661 = tpu.memref_slice %arg3[%dma_wait3A_660] : memref<20480xi32, #tpu.memory_space<hbm>> -> memref<1280xi32, #tpu.memory_space<hbm>>
      tpu.wait_dma2 semaphore(%run_scoped3A : memref<!tpu.dma_semaphore, #tpu.memory_space<semaphore_mem>>) src(%dma_wait3A_661 : memref<1280xi32, #tpu.memory_space<hbm>>) dst(%arg5 : memref<1280xi32, #tpu.memory_space<vmem>>)
      tpu.yield
    }) : () -> ()
    %scan3A_184 = arith.constant 0 : i32
    %scan3A_185 = arith.constant 0 : i32
    %scan3A_186 = arith.constant 80 : i32
    %scan3A_187 = arith.addi %scan3A_185, %scan3A_186 : i32
    %scan3A_188 = arith.constant 1 : i32
    scf.for %scan3A_654 = %scan3A_185 to %scan3A_187 step %scan3A_188  : i32 {
      %mul3A_655 = arith.constant 16 : i32
      %mul3A_656 = arith.muli %scan3A_654, %mul3A_655 : i32
      %get3A_657 = arith.index_cast %mul3A_656 : i32 to index
      %get3A_658 = tpu.vector_load %arg5[%get3A_657] {strides = array<i32>} : memref<1280xi32, #tpu.memory_space<vmem>>, vector<16xi32>,
      %shift_right_arithmetic3A = arith.constant 9 : i32
      %shift_right_arithmetic3A_659 = vector.broadcast %shift_right_arithmetic3A : i32 to vector<16xi32>
      %shift_right_arithmetic3A_660 = arith.shrsi %get3A_658, %shift_right_arithmetic3A_659 : vector<16xi32>
      %and3A_661 = arith.constant 31 : i32
      %and3A_662 = vector.broadcast %and3A_661 : i32 to vector<16xi32>
      %and3A_663 = arith.andi %shift_right_arithmetic3A_660, %and3A_662 : vector<16xi32>
      %eq3A_664 = vector.broadcast %add3A : i32 to vector<16xi32>
      %eq3A_665 = arith.cmpi eq, %and3A_663, %eq3A_664 : vector<16xi32>
      %shift_right_arithmetic3A_666 = arith.constant 14 : i32
      %shift_right_arithmetic3A_667 = vector.broadcast %shift_right_arithmetic3A_666 : i32 to vector<16xi32>
      %shift_right_arithmetic3A_668 = arith.shrsi %get3A_658, %shift_right_arithmetic3A_667 : vector<16xi32>
      %mul3A_669 = arith.constant 64 : i32
      %mul3A_670 = vector.broadcast %mul3A_669 : i32 to vector<16xi32>
      %mul3A_671 = arith.muli %iota3A, %mul3A_670 : vector<16xi32>
      %add3A_672 = arith.addi %mul3A_671, %shift_right_arithmetic3A_668 : vector<16xi32>
      tpu.vector_store_idx %arg7[%add3A_672], %add3A_136 masked %eq3A_665 {add = true} : memref<1024xi32, #tpu.memory_space<vmem>>[vector<16xi32>], vector<16xi32>, vector<16xi1>
    }
    %scan3A_189 = arith.constant 80 : i32
    "tpu.region"() ({
      %run_scoped3A = tpu.sem_alloc : memref<!tpu.dma_semaphore, #tpu.memory_space<semaphore_mem>>
      %dma_start3A_654 = arith.constant 11520 : i32
      %dma_start3A_655 = tpu.memref_slice %arg3[%dma_start3A_654] : memref<20480xi32, #tpu.memory_space<hbm>> -> memref<1280xi32, #tpu.memory_space<hbm>>
      %dma_start3A_656 = arith.constant 11520 : i32
      %dma_start3A_657 = tpu.memref_slice %arg3[%dma_start3A_656] : memref<20480xi32, #tpu.memory_space<hbm>> -> memref<1280xi32, #tpu.memory_space<hbm>>
      tpu.enqueue_dma source(%dma_start3A_657 : memref<1280xi32, #tpu.memory_space<hbm>>) target(%arg5 : memref<1280xi32, #tpu.memory_space<vmem>>) target_semaphore(%run_scoped3A : memref<!tpu.dma_semaphore, #tpu.memory_space<semaphore_mem>>)
      %dma_wait3A_658 = arith.constant 11520 : i32
      %dma_wait3A_659 = tpu.memref_slice %arg3[%dma_wait3A_658] : memref<20480xi32, #tpu.memory_space<hbm>> -> memref<1280xi32, #tpu.memory_space<hbm>>
      %dma_wait3A_660 = arith.constant 11520 : i32
      %dma_wait3A_661 = tpu.memref_slice %arg3[%dma_wait3A_660] : memref<20480xi32, #tpu.memory_space<hbm>> -> memref<1280xi32, #tpu.memory_space<hbm>>
      tpu.wait_dma2 semaphore(%run_scoped3A : memref<!tpu.dma_semaphore, #tpu.memory_space<semaphore_mem>>) src(%dma_wait3A_661 : memref<1280xi32, #tpu.memory_space<hbm>>) dst(%arg5 : memref<1280xi32, #tpu.memory_space<vmem>>)
      tpu.yield
    }) : () -> ()
    %scan3A_190 = arith.constant 0 : i32
    %scan3A_191 = arith.constant 0 : i32
    %scan3A_192 = arith.constant 80 : i32
    %scan3A_193 = arith.addi %scan3A_191, %scan3A_192 : i32
    %scan3A_194 = arith.constant 1 : i32
    scf.for %scan3A_654 = %scan3A_191 to %scan3A_193 step %scan3A_194  : i32 {
      %mul3A_655 = arith.constant 16 : i32
      %mul3A_656 = arith.muli %scan3A_654, %mul3A_655 : i32
      %get3A_657 = arith.index_cast %mul3A_656 : i32 to index
      %get3A_658 = tpu.vector_load %arg5[%get3A_657] {strides = array<i32>} : memref<1280xi32, #tpu.memory_space<vmem>>, vector<16xi32>,
      %shift_right_arithmetic3A = arith.constant 9 : i32
      %shift_right_arithmetic3A_659 = vector.broadcast %shift_right_arithmetic3A : i32 to vector<16xi32>
      %shift_right_arithmetic3A_660 = arith.shrsi %get3A_658, %shift_right_arithmetic3A_659 : vector<16xi32>
      %and3A_661 = arith.constant 31 : i32
      %and3A_662 = vector.broadcast %and3A_661 : i32 to vector<16xi32>
      %and3A_663 = arith.andi %shift_right_arithmetic3A_660, %and3A_662 : vector<16xi32>
      %eq3A_664 = vector.broadcast %add3A : i32 to vector<16xi32>
      %eq3A_665 = arith.cmpi eq, %and3A_663, %eq3A_664 : vector<16xi32>
      %shift_right_arithmetic3A_666 = arith.constant 14 : i32
      %shift_right_arithmetic3A_667 = vector.broadcast %shift_right_arithmetic3A_666 : i32 to vector<16xi32>
      %shift_right_arithmetic3A_668 = arith.shrsi %get3A_658, %shift_right_arithmetic3A_667 : vector<16xi32>
      %mul3A_669 = arith.constant 64 : i32
      %mul3A_670 = vector.broadcast %mul3A_669 : i32 to vector<16xi32>
      %mul3A_671 = arith.muli %iota3A, %mul3A_670 : vector<16xi32>
      %add3A_672 = arith.addi %mul3A_671, %shift_right_arithmetic3A_668 : vector<16xi32>
      tpu.vector_store_idx %arg7[%add3A_672], %add3A_136 masked %eq3A_665 {add = true} : memref<1024xi32, #tpu.memory_space<vmem>>[vector<16xi32>], vector<16xi32>, vector<16xi1>
    }
    %scan3A_195 = arith.constant 80 : i32
    "tpu.region"() ({
      %run_scoped3A = tpu.sem_alloc : memref<!tpu.dma_semaphore, #tpu.memory_space<semaphore_mem>>
      %dma_start3A_654 = arith.constant 12800 : i32
      %dma_start3A_655 = tpu.memref_slice %arg3[%dma_start3A_654] : memref<20480xi32, #tpu.memory_space<hbm>> -> memref<1280xi32, #tpu.memory_space<hbm>>
      %dma_start3A_656 = arith.constant 12800 : i32
      %dma_start3A_657 = tpu.memref_slice %arg3[%dma_start3A_656] : memref<20480xi32, #tpu.memory_space<hbm>> -> memref<1280xi32, #tpu.memory_space<hbm>>
      tpu.enqueue_dma source(%dma_start3A_657 : memref<1280xi32, #tpu.memory_space<hbm>>) target(%arg5 : memref<1280xi32, #tpu.memory_space<vmem>>) target_semaphore(%run_scoped3A : memref<!tpu.dma_semaphore, #tpu.memory_space<semaphore_mem>>)
      %dma_wait3A_658 = arith.constant 12800 : i32
      %dma_wait3A_659 = tpu.memref_slice %arg3[%dma_wait3A_658] : memref<20480xi32, #tpu.memory_space<hbm>> -> memref<1280xi32, #tpu.memory_space<hbm>>
      %dma_wait3A_660 = arith.constant 12800 : i32
      %dma_wait3A_661 = tpu.memref_slice %arg3[%dma_wait3A_660] : memref<20480xi32, #tpu.memory_space<hbm>> -> memref<1280xi32, #tpu.memory_space<hbm>>
      tpu.wait_dma2 semaphore(%run_scoped3A : memref<!tpu.dma_semaphore, #tpu.memory_space<semaphore_mem>>) src(%dma_wait3A_661 : memref<1280xi32, #tpu.memory_space<hbm>>) dst(%arg5 : memref<1280xi32, #tpu.memory_space<vmem>>)
      tpu.yield
    }) : () -> ()
    %scan3A_196 = arith.constant 0 : i32
    %scan3A_197 = arith.constant 0 : i32
    %scan3A_198 = arith.constant 80 : i32
    %scan3A_199 = arith.addi %scan3A_197, %scan3A_198 : i32
    %scan3A_200 = arith.constant 1 : i32
    scf.for %scan3A_654 = %scan3A_197 to %scan3A_199 step %scan3A_200  : i32 {
      %mul3A_655 = arith.constant 16 : i32
      %mul3A_656 = arith.muli %scan3A_654, %mul3A_655 : i32
      %get3A_657 = arith.index_cast %mul3A_656 : i32 to index
      %get3A_658 = tpu.vector_load %arg5[%get3A_657] {strides = array<i32>} : memref<1280xi32, #tpu.memory_space<vmem>>, vector<16xi32>,
      %shift_right_arithmetic3A = arith.constant 9 : i32
      %shift_right_arithmetic3A_659 = vector.broadcast %shift_right_arithmetic3A : i32 to vector<16xi32>
      %shift_right_arithmetic3A_660 = arith.shrsi %get3A_658, %shift_right_arithmetic3A_659 : vector<16xi32>
      %and3A_661 = arith.constant 31 : i32
      %and3A_662 = vector.broadcast %and3A_661 : i32 to vector<16xi32>
      %and3A_663 = arith.andi %shift_right_arithmetic3A_660, %and3A_662 : vector<16xi32>
      %eq3A_664 = vector.broadcast %add3A : i32 to vector<16xi32>
      %eq3A_665 = arith.cmpi eq, %and3A_663, %eq3A_664 : vector<16xi32>
      %shift_right_arithmetic3A_666 = arith.constant 14 : i32
      %shift_right_arithmetic3A_667 = vector.broadcast %shift_right_arithmetic3A_666 : i32 to vector<16xi32>
      %shift_right_arithmetic3A_668 = arith.shrsi %get3A_658, %shift_right_arithmetic3A_667 : vector<16xi32>
      %mul3A_669 = arith.constant 64 : i32
      %mul3A_670 = vector.broadcast %mul3A_669 : i32 to vector<16xi32>
      %mul3A_671 = arith.muli %iota3A, %mul3A_670 : vector<16xi32>
      %add3A_672 = arith.addi %mul3A_671, %shift_right_arithmetic3A_668 : vector<16xi32>
      tpu.vector_store_idx %arg7[%add3A_672], %add3A_136 masked %eq3A_665 {add = true} : memref<1024xi32, #tpu.memory_space<vmem>>[vector<16xi32>], vector<16xi32>, vector<16xi1>
    }
    %scan3A_201 = arith.constant 80 : i32
    "tpu.region"() ({
      %run_scoped3A = tpu.sem_alloc : memref<!tpu.dma_semaphore, #tpu.memory_space<semaphore_mem>>
      %dma_start3A_654 = arith.constant 14080 : i32
      %dma_start3A_655 = tpu.memref_slice %arg3[%dma_start3A_654] : memref<20480xi32, #tpu.memory_space<hbm>> -> memref<1280xi32, #tpu.memory_space<hbm>>
      %dma_start3A_656 = arith.constant 14080 : i32
      %dma_start3A_657 = tpu.memref_slice %arg3[%dma_start3A_656] : memref<20480xi32, #tpu.memory_space<hbm>> -> memref<1280xi32, #tpu.memory_space<hbm>>
      tpu.enqueue_dma source(%dma_start3A_657 : memref<1280xi32, #tpu.memory_space<hbm>>) target(%arg5 : memref<1280xi32, #tpu.memory_space<vmem>>) target_semaphore(%run_scoped3A : memref<!tpu.dma_semaphore, #tpu.memory_space<semaphore_mem>>)
      %dma_wait3A_658 = arith.constant 14080 : i32
      %dma_wait3A_659 = tpu.memref_slice %arg3[%dma_wait3A_658] : memref<20480xi32, #tpu.memory_space<hbm>> -> memref<1280xi32, #tpu.memory_space<hbm>>
      %dma_wait3A_660 = arith.constant 14080 : i32
      %dma_wait3A_661 = tpu.memref_slice %arg3[%dma_wait3A_660] : memref<20480xi32, #tpu.memory_space<hbm>> -> memref<1280xi32, #tpu.memory_space<hbm>>
      tpu.wait_dma2 semaphore(%run_scoped3A : memref<!tpu.dma_semaphore, #tpu.memory_space<semaphore_mem>>) src(%dma_wait3A_661 : memref<1280xi32, #tpu.memory_space<hbm>>) dst(%arg5 : memref<1280xi32, #tpu.memory_space<vmem>>)
      tpu.yield
    }) : () -> ()
    %scan3A_202 = arith.constant 0 : i32
    %scan3A_203 = arith.constant 0 : i32
    %scan3A_204 = arith.constant 80 : i32
    %scan3A_205 = arith.addi %scan3A_203, %scan3A_204 : i32
    %scan3A_206 = arith.constant 1 : i32
    scf.for %scan3A_654 = %scan3A_203 to %scan3A_205 step %scan3A_206  : i32 {
      %mul3A_655 = arith.constant 16 : i32
      %mul3A_656 = arith.muli %scan3A_654, %mul3A_655 : i32
      %get3A_657 = arith.index_cast %mul3A_656 : i32 to index
      %get3A_658 = tpu.vector_load %arg5[%get3A_657] {strides = array<i32>} : memref<1280xi32, #tpu.memory_space<vmem>>, vector<16xi32>,
      %shift_right_arithmetic3A = arith.constant 9 : i32
      %shift_right_arithmetic3A_659 = vector.broadcast %shift_right_arithmetic3A : i32 to vector<16xi32>
      %shift_right_arithmetic3A_660 = arith.shrsi %get3A_658, %shift_right_arithmetic3A_659 : vector<16xi32>
      %and3A_661 = arith.constant 31 : i32
      %and3A_662 = vector.broadcast %and3A_661 : i32 to vector<16xi32>
      %and3A_663 = arith.andi %shift_right_arithmetic3A_660, %and3A_662 : vector<16xi32>
      %eq3A_664 = vector.broadcast %add3A : i32 to vector<16xi32>
      %eq3A_665 = arith.cmpi eq, %and3A_663, %eq3A_664 : vector<16xi32>
      %shift_right_arithmetic3A_666 = arith.constant 14 : i32
      %shift_right_arithmetic3A_667 = vector.broadcast %shift_right_arithmetic3A_666 : i32 to vector<16xi32>
      %shift_right_arithmetic3A_668 = arith.shrsi %get3A_658, %shift_right_arithmetic3A_667 : vector<16xi32>
      %mul3A_669 = arith.constant 64 : i32
      %mul3A_670 = vector.broadcast %mul3A_669 : i32 to vector<16xi32>
      %mul3A_671 = arith.muli %iota3A, %mul3A_670 : vector<16xi32>
      %add3A_672 = arith.addi %mul3A_671, %shift_right_arithmetic3A_668 : vector<16xi32>
      tpu.vector_store_idx %arg7[%add3A_672], %add3A_136 masked %eq3A_665 {add = true} : memref<1024xi32, #tpu.memory_space<vmem>>[vector<16xi32>], vector<16xi32>, vector<16xi1>
    }
    %scan3A_207 = arith.constant 80 : i32
    "tpu.region"() ({
      %run_scoped3A = tpu.sem_alloc : memref<!tpu.dma_semaphore, #tpu.memory_space<semaphore_mem>>
      %dma_start3A_654 = arith.constant 15360 : i32
      %dma_start3A_655 = tpu.memref_slice %arg3[%dma_start3A_654] : memref<20480xi32, #tpu.memory_space<hbm>> -> memref<1280xi32, #tpu.memory_space<hbm>>
      %dma_start3A_656 = arith.constant 15360 : i32
      %dma_start3A_657 = tpu.memref_slice %arg3[%dma_start3A_656] : memref<20480xi32, #tpu.memory_space<hbm>> -> memref<1280xi32, #tpu.memory_space<hbm>>
      tpu.enqueue_dma source(%dma_start3A_657 : memref<1280xi32, #tpu.memory_space<hbm>>) target(%arg5 : memref<1280xi32, #tpu.memory_space<vmem>>) target_semaphore(%run_scoped3A : memref<!tpu.dma_semaphore, #tpu.memory_space<semaphore_mem>>)
      %dma_wait3A_658 = arith.constant 15360 : i32
      %dma_wait3A_659 = tpu.memref_slice %arg3[%dma_wait3A_658] : memref<20480xi32, #tpu.memory_space<hbm>> -> memref<1280xi32, #tpu.memory_space<hbm>>
      %dma_wait3A_660 = arith.constant 15360 : i32
      %dma_wait3A_661 = tpu.memref_slice %arg3[%dma_wait3A_660] : memref<20480xi32, #tpu.memory_space<hbm>> -> memref<1280xi32, #tpu.memory_space<hbm>>
      tpu.wait_dma2 semaphore(%run_scoped3A : memref<!tpu.dma_semaphore, #tpu.memory_space<semaphore_mem>>) src(%dma_wait3A_661 : memref<1280xi32, #tpu.memory_space<hbm>>) dst(%arg5 : memref<1280xi32, #tpu.memory_space<vmem>>)
      tpu.yield
    }) : () -> ()
    %scan3A_208 = arith.constant 0 : i32
    %scan3A_209 = arith.constant 0 : i32
    %scan3A_210 = arith.constant 80 : i32
    %scan3A_211 = arith.addi %scan3A_209, %scan3A_210 : i32
    %scan3A_212 = arith.constant 1 : i32
    scf.for %scan3A_654 = %scan3A_209 to %scan3A_211 step %scan3A_212  : i32 {
      %mul3A_655 = arith.constant 16 : i32
      %mul3A_656 = arith.muli %scan3A_654, %mul3A_655 : i32
      %get3A_657 = arith.index_cast %mul3A_656 : i32 to index
      %get3A_658 = tpu.vector_load %arg5[%get3A_657] {strides = array<i32>} : memref<1280xi32, #tpu.memory_space<vmem>>, vector<16xi32>,
      %shift_right_arithmetic3A = arith.constant 9 : i32
      %shift_right_arithmetic3A_659 = vector.broadcast %shift_right_arithmetic3A : i32 to vector<16xi32>
      %shift_right_arithmetic3A_660 = arith.shrsi %get3A_658, %shift_right_arithmetic3A_659 : vector<16xi32>
      %and3A_661 = arith.constant 31 : i32
      %and3A_662 = vector.broadcast %and3A_661 : i32 to vector<16xi32>
      %and3A_663 = arith.andi %shift_right_arithmetic3A_660, %and3A_662 : vector<16xi32>
      %eq3A_664 = vector.broadcast %add3A : i32 to vector<16xi32>
      %eq3A_665 = arith.cmpi eq, %and3A_663, %eq3A_664 : vector<16xi32>
      %shift_right_arithmetic3A_666 = arith.constant 14 : i32
      %shift_right_arithmetic3A_667 = vector.broadcast %shift_right_arithmetic3A_666 : i32 to vector<16xi32>
      %shift_right_arithmetic3A_668 = arith.shrsi %get3A_658, %shift_right_arithmetic3A_667 : vector<16xi32>
      %mul3A_669 = arith.constant 64 : i32
      %mul3A_670 = vector.broadcast %mul3A_669 : i32 to vector<16xi32>
      %mul3A_671 = arith.muli %iota3A, %mul3A_670 : vector<16xi32>
      %add3A_672 = arith.addi %mul3A_671, %shift_right_arithmetic3A_668 : vector<16xi32>
      tpu.vector_store_idx %arg7[%add3A_672], %add3A_136 masked %eq3A_665 {add = true} : memref<1024xi32, #tpu.memory_space<vmem>>[vector<16xi32>], vector<16xi32>, vector<16xi1>
    }
    %scan3A_213 = arith.constant 80 : i32
    "tpu.region"() ({
      %run_scoped3A = tpu.sem_alloc : memref<!tpu.dma_semaphore, #tpu.memory_space<semaphore_mem>>
      %dma_start3A_654 = arith.constant 16640 : i32
      %dma_start3A_655 = tpu.memref_slice %arg3[%dma_start3A_654] : memref<20480xi32, #tpu.memory_space<hbm>> -> memref<1280xi32, #tpu.memory_space<hbm>>
      %dma_start3A_656 = arith.constant 16640 : i32
      %dma_start3A_657 = tpu.memref_slice %arg3[%dma_start3A_656] : memref<20480xi32, #tpu.memory_space<hbm>> -> memref<1280xi32, #tpu.memory_space<hbm>>
      tpu.enqueue_dma source(%dma_start3A_657 : memref<1280xi32, #tpu.memory_space<hbm>>) target(%arg5 : memref<1280xi32, #tpu.memory_space<vmem>>) target_semaphore(%run_scoped3A : memref<!tpu.dma_semaphore, #tpu.memory_space<semaphore_mem>>)
      %dma_wait3A_658 = arith.constant 16640 : i32
      %dma_wait3A_659 = tpu.memref_slice %arg3[%dma_wait3A_658] : memref<20480xi32, #tpu.memory_space<hbm>> -> memref<1280xi32, #tpu.memory_space<hbm>>
      %dma_wait3A_660 = arith.constant 16640 : i32
      %dma_wait3A_661 = tpu.memref_slice %arg3[%dma_wait3A_660] : memref<20480xi32, #tpu.memory_space<hbm>> -> memref<1280xi32, #tpu.memory_space<hbm>>
      tpu.wait_dma2 semaphore(%run_scoped3A : memref<!tpu.dma_semaphore, #tpu.memory_space<semaphore_mem>>) src(%dma_wait3A_661 : memref<1280xi32, #tpu.memory_space<hbm>>) dst(%arg5 : memref<1280xi32, #tpu.memory_space<vmem>>)
      tpu.yield
    }) : () -> ()
    %scan3A_214 = arith.constant 0 : i32
    %scan3A_215 = arith.constant 0 : i32
    %scan3A_216 = arith.constant 80 : i32
    %scan3A_217 = arith.addi %scan3A_215, %scan3A_216 : i32
    %scan3A_218 = arith.constant 1 : i32
    scf.for %scan3A_654 = %scan3A_215 to %scan3A_217 step %scan3A_218  : i32 {
      %mul3A_655 = arith.constant 16 : i32
      %mul3A_656 = arith.muli %scan3A_654, %mul3A_655 : i32
      %get3A_657 = arith.index_cast %mul3A_656 : i32 to index
      %get3A_658 = tpu.vector_load %arg5[%get3A_657] {strides = array<i32>} : memref<1280xi32, #tpu.memory_space<vmem>>, vector<16xi32>,
      %shift_right_arithmetic3A = arith.constant 9 : i32
      %shift_right_arithmetic3A_659 = vector.broadcast %shift_right_arithmetic3A : i32 to vector<16xi32>
      %shift_right_arithmetic3A_660 = arith.shrsi %get3A_658, %shift_right_arithmetic3A_659 : vector<16xi32>
      %and3A_661 = arith.constant 31 : i32
      %and3A_662 = vector.broadcast %and3A_661 : i32 to vector<16xi32>
      %and3A_663 = arith.andi %shift_right_arithmetic3A_660, %and3A_662 : vector<16xi32>
      %eq3A_664 = vector.broadcast %add3A : i32 to vector<16xi32>
      %eq3A_665 = arith.cmpi eq, %and3A_663, %eq3A_664 : vector<16xi32>
      %shift_right_arithmetic3A_666 = arith.constant 14 : i32
      %shift_right_arithmetic3A_667 = vector.broadcast %shift_right_arithmetic3A_666 : i32 to vector<16xi32>
      %shift_right_arithmetic3A_668 = arith.shrsi %get3A_658, %shift_right_arithmetic3A_667 : vector<16xi32>
      %mul3A_669 = arith.constant 64 : i32
      %mul3A_670 = vector.broadcast %mul3A_669 : i32 to vector<16xi32>
      %mul3A_671 = arith.muli %iota3A, %mul3A_670 : vector<16xi32>
      %add3A_672 = arith.addi %mul3A_671, %shift_right_arithmetic3A_668 : vector<16xi32>
      tpu.vector_store_idx %arg7[%add3A_672], %add3A_136 masked %eq3A_665 {add = true} : memref<1024xi32, #tpu.memory_space<vmem>>[vector<16xi32>], vector<16xi32>, vector<16xi1>
    }
    %scan3A_219 = arith.constant 80 : i32
    "tpu.region"() ({
      %run_scoped3A = tpu.sem_alloc : memref<!tpu.dma_semaphore, #tpu.memory_space<semaphore_mem>>
      %dma_start3A_654 = arith.constant 17920 : i32
      %dma_start3A_655 = tpu.memref_slice %arg3[%dma_start3A_654] : memref<20480xi32, #tpu.memory_space<hbm>> -> memref<1280xi32, #tpu.memory_space<hbm>>
      %dma_start3A_656 = arith.constant 17920 : i32
      %dma_start3A_657 = tpu.memref_slice %arg3[%dma_start3A_656] : memref<20480xi32, #tpu.memory_space<hbm>> -> memref<1280xi32, #tpu.memory_space<hbm>>
      tpu.enqueue_dma source(%dma_start3A_657 : memref<1280xi32, #tpu.memory_space<hbm>>) target(%arg5 : memref<1280xi32, #tpu.memory_space<vmem>>) target_semaphore(%run_scoped3A : memref<!tpu.dma_semaphore, #tpu.memory_space<semaphore_mem>>)
      %dma_wait3A_658 = arith.constant 17920 : i32
      %dma_wait3A_659 = tpu.memref_slice %arg3[%dma_wait3A_658] : memref<20480xi32, #tpu.memory_space<hbm>> -> memref<1280xi32, #tpu.memory_space<hbm>>
      %dma_wait3A_660 = arith.constant 17920 : i32
      %dma_wait3A_661 = tpu.memref_slice %arg3[%dma_wait3A_660] : memref<20480xi32, #tpu.memory_space<hbm>> -> memref<1280xi32, #tpu.memory_space<hbm>>
      tpu.wait_dma2 semaphore(%run_scoped3A : memref<!tpu.dma_semaphore, #tpu.memory_space<semaphore_mem>>) src(%dma_wait3A_661 : memref<1280xi32, #tpu.memory_space<hbm>>) dst(%arg5 : memref<1280xi32, #tpu.memory_space<vmem>>)
      tpu.yield
    }) : () -> ()
    %scan3A_220 = arith.constant 0 : i32
    %scan3A_221 = arith.constant 0 : i32
    %scan3A_222 = arith.constant 80 : i32
    %scan3A_223 = arith.addi %scan3A_221, %scan3A_222 : i32
    %scan3A_224 = arith.constant 1 : i32
    scf.for %scan3A_654 = %scan3A_221 to %scan3A_223 step %scan3A_224  : i32 {
      %mul3A_655 = arith.constant 16 : i32
      %mul3A_656 = arith.muli %scan3A_654, %mul3A_655 : i32
      %get3A_657 = arith.index_cast %mul3A_656 : i32 to index
      %get3A_658 = tpu.vector_load %arg5[%get3A_657] {strides = array<i32>} : memref<1280xi32, #tpu.memory_space<vmem>>, vector<16xi32>,
      %shift_right_arithmetic3A = arith.constant 9 : i32
      %shift_right_arithmetic3A_659 = vector.broadcast %shift_right_arithmetic3A : i32 to vector<16xi32>
      %shift_right_arithmetic3A_660 = arith.shrsi %get3A_658, %shift_right_arithmetic3A_659 : vector<16xi32>
      %and3A_661 = arith.constant 31 : i32
      %and3A_662 = vector.broadcast %and3A_661 : i32 to vector<16xi32>
      %and3A_663 = arith.andi %shift_right_arithmetic3A_660, %and3A_662 : vector<16xi32>
      %eq3A_664 = vector.broadcast %add3A : i32 to vector<16xi32>
      %eq3A_665 = arith.cmpi eq, %and3A_663, %eq3A_664 : vector<16xi32>
      %shift_right_arithmetic3A_666 = arith.constant 14 : i32
      %shift_right_arithmetic3A_667 = vector.broadcast %shift_right_arithmetic3A_666 : i32 to vector<16xi32>
      %shift_right_arithmetic3A_668 = arith.shrsi %get3A_658, %shift_right_arithmetic3A_667 : vector<16xi32>
      %mul3A_669 = arith.constant 64 : i32
      %mul3A_670 = vector.broadcast %mul3A_669 : i32 to vector<16xi32>
      %mul3A_671 = arith.muli %iota3A, %mul3A_670 : vector<16xi32>
      %add3A_672 = arith.addi %mul3A_671, %shift_right_arithmetic3A_668 : vector<16xi32>
      tpu.vector_store_idx %arg7[%add3A_672], %add3A_136 masked %eq3A_665 {add = true} : memref<1024xi32, #tpu.memory_space<vmem>>[vector<16xi32>], vector<16xi32>, vector<16xi1>
    }
    %scan3A_225 = arith.constant 80 : i32
    "tpu.region"() ({
      %run_scoped3A = tpu.sem_alloc : memref<!tpu.dma_semaphore, #tpu.memory_space<semaphore_mem>>
      %dma_start3A_654 = arith.constant 19200 : i32
      %dma_start3A_655 = tpu.memref_slice %arg3[%dma_start3A_654] : memref<20480xi32, #tpu.memory_space<hbm>> -> memref<1280xi32, #tpu.memory_space<hbm>>
      %dma_start3A_656 = arith.constant 19200 : i32
      %dma_start3A_657 = tpu.memref_slice %arg3[%dma_start3A_656] : memref<20480xi32, #tpu.memory_space<hbm>> -> memref<1280xi32, #tpu.memory_space<hbm>>
      tpu.enqueue_dma source(%dma_start3A_657 : memref<1280xi32, #tpu.memory_space<hbm>>) target(%arg5 : memref<1280xi32, #tpu.memory_space<vmem>>) target_semaphore(%run_scoped3A : memref<!tpu.dma_semaphore, #tpu.memory_space<semaphore_mem>>)
      %dma_wait3A_658 = arith.constant 19200 : i32
      %dma_wait3A_659 = tpu.memref_slice %arg3[%dma_wait3A_658] : memref<20480xi32, #tpu.memory_space<hbm>> -> memref<1280xi32, #tpu.memory_space<hbm>>
      %dma_wait3A_660 = arith.constant 19200 : i32
      %dma_wait3A_661 = tpu.memref_slice %arg3[%dma_wait3A_660] : memref<20480xi32, #tpu.memory_space<hbm>> -> memref<1280xi32, #tpu.memory_space<hbm>>
      tpu.wait_dma2 semaphore(%run_scoped3A : memref<!tpu.dma_semaphore, #tpu.memory_space<semaphore_mem>>) src(%dma_wait3A_661 : memref<1280xi32, #tpu.memory_space<hbm>>) dst(%arg5 : memref<1280xi32, #tpu.memory_space<vmem>>)
      tpu.yield
    }) : () -> ()
    %scan3A_226 = arith.constant 0 : i32
    %scan3A_227 = arith.constant 0 : i32
    %scan3A_228 = arith.constant 80 : i32
    %scan3A_229 = arith.addi %scan3A_227, %scan3A_228 : i32
    %scan3A_230 = arith.constant 1 : i32
    scf.for %scan3A_654 = %scan3A_227 to %scan3A_229 step %scan3A_230  : i32 {
      %mul3A_655 = arith.constant 16 : i32
      %mul3A_656 = arith.muli %scan3A_654, %mul3A_655 : i32
      %get3A_657 = arith.index_cast %mul3A_656 : i32 to index
      %get3A_658 = tpu.vector_load %arg5[%get3A_657] {strides = array<i32>} : memref<1280xi32, #tpu.memory_space<vmem>>, vector<16xi32>,
      %shift_right_arithmetic3A = arith.constant 9 : i32
      %shift_right_arithmetic3A_659 = vector.broadcast %shift_right_arithmetic3A : i32 to vector<16xi32>
      %shift_right_arithmetic3A_660 = arith.shrsi %get3A_658, %shift_right_arithmetic3A_659 : vector<16xi32>
      %and3A_661 = arith.constant 31 : i32
      %and3A_662 = vector.broadcast %and3A_661 : i32 to vector<16xi32>
      %and3A_663 = arith.andi %shift_right_arithmetic3A_660, %and3A_662 : vector<16xi32>
      %eq3A_664 = vector.broadcast %add3A : i32 to vector<16xi32>
      %eq3A_665 = arith.cmpi eq, %and3A_663, %eq3A_664 : vector<16xi32>
      %shift_right_arithmetic3A_666 = arith.constant 14 : i32
      %shift_right_arithmetic3A_667 = vector.broadcast %shift_right_arithmetic3A_666 : i32 to vector<16xi32>
      %shift_right_arithmetic3A_668 = arith.shrsi %get3A_658, %shift_right_arithmetic3A_667 : vector<16xi32>
      %mul3A_669 = arith.constant 64 : i32
      %mul3A_670 = vector.broadcast %mul3A_669 : i32 to vector<16xi32>
      %mul3A_671 = arith.muli %iota3A, %mul3A_670 : vector<16xi32>
      %add3A_672 = arith.addi %mul3A_671, %shift_right_arithmetic3A_668 : vector<16xi32>
      tpu.vector_store_idx %arg7[%add3A_672], %add3A_136 masked %eq3A_665 {add = true} : memref<1024xi32, #tpu.memory_space<vmem>>[vector<16xi32>], vector<16xi32>, vector<16xi1>
    }
    %scan3A_231 = arith.constant 80 : i32
    %get3A = arith.constant 0 : index
    %get3A_232 = tpu.vector_load %arg7[%get3A] {strides = array<i32>} : memref<1024xi32, #tpu.memory_space<vmem>>, vector<16xi32>,
    %add3A_233 = arith.addi %and3A_4, %get3A_232 : vector<16xi32>
    %get3A_234 = arith.constant 64 : index
    %get3A_235 = tpu.vector_load %arg7[%get3A_234] {strides = array<i32>} : memref<1024xi32, #tpu.memory_space<vmem>>, vector<16xi32>,
    %add3A_236 = arith.addi %add3A_233, %get3A_235 : vector<16xi32>
    %get3A_237 = arith.constant 128 : index
    %get3A_238 = tpu.vector_load %arg7[%get3A_237] {strides = array<i32>} : memref<1024xi32, #tpu.memory_space<vmem>>, vector<16xi32>,
    %add3A_239 = arith.addi %add3A_236, %get3A_238 : vector<16xi32>
    %get3A_240 = arith.constant 192 : index
    %get3A_241 = tpu.vector_load %arg7[%get3A_240] {strides = array<i32>} : memref<1024xi32, #tpu.memory_space<vmem>>, vector<16xi32>,
    %add3A_242 = arith.addi %add3A_239, %get3A_241 : vector<16xi32>
    %get3A_243 = arith.constant 256 : index
    %get3A_244 = tpu.vector_load %arg7[%get3A_243] {strides = array<i32>} : memref<1024xi32, #tpu.memory_space<vmem>>, vector<16xi32>,
    %add3A_245 = arith.addi %add3A_242, %get3A_244 : vector<16xi32>
    %get3A_246 = arith.constant 320 : index
    %get3A_247 = tpu.vector_load %arg7[%get3A_246] {strides = array<i32>} : memref<1024xi32, #tpu.memory_space<vmem>>, vector<16xi32>,
    %add3A_248 = arith.addi %add3A_245, %get3A_247 : vector<16xi32>
    %get3A_249 = arith.constant 384 : index
    %get3A_250 = tpu.vector_load %arg7[%get3A_249] {strides = array<i32>} : memref<1024xi32, #tpu.memory_space<vmem>>, vector<16xi32>,
    %add3A_251 = arith.addi %add3A_248, %get3A_250 : vector<16xi32>
    %get3A_252 = arith.constant 448 : index
    %get3A_253 = tpu.vector_load %arg7[%get3A_252] {strides = array<i32>} : memref<1024xi32, #tpu.memory_space<vmem>>, vector<16xi32>,
    %add3A_254 = arith.addi %add3A_251, %get3A_253 : vector<16xi32>
    %get3A_255 = arith.constant 512 : index
    %get3A_256 = tpu.vector_load %arg7[%get3A_255] {strides = array<i32>} : memref<1024xi32, #tpu.memory_space<vmem>>, vector<16xi32>,
    %add3A_257 = arith.addi %add3A_254, %get3A_256 : vector<16xi32>
    %get3A_258 = arith.constant 576 : index
    %get3A_259 = tpu.vector_load %arg7[%get3A_258] {strides = array<i32>} : memref<1024xi32, #tpu.memory_space<vmem>>, vector<16xi32>,
    %add3A_260 = arith.addi %add3A_257, %get3A_259 : vector<16xi32>
    %get3A_261 = arith.constant 640 : index
    %get3A_262 = tpu.vector_load %arg7[%get3A_261] {strides = array<i32>} : memref<1024xi32, #tpu.memory_space<vmem>>, vector<16xi32>,
    %add3A_263 = arith.addi %add3A_260, %get3A_262 : vector<16xi32>
    %get3A_264 = arith.constant 704 : index
    %get3A_265 = tpu.vector_load %arg7[%get3A_264] {strides = array<i32>} : memref<1024xi32, #tpu.memory_space<vmem>>, vector<16xi32>,
    %add3A_266 = arith.addi %add3A_263, %get3A_265 : vector<16xi32>
    %get3A_267 = arith.constant 768 : index
    %get3A_268 = tpu.vector_load %arg7[%get3A_267] {strides = array<i32>} : memref<1024xi32, #tpu.memory_space<vmem>>, vector<16xi32>,
    %add3A_269 = arith.addi %add3A_266, %get3A_268 : vector<16xi32>
    %get3A_270 = arith.constant 832 : index
    %get3A_271 = tpu.vector_load %arg7[%get3A_270] {strides = array<i32>} : memref<1024xi32, #tpu.memory_space<vmem>>, vector<16xi32>,
    %add3A_272 = arith.addi %add3A_269, %get3A_271 : vector<16xi32>
    %get3A_273 = arith.constant 896 : index
    %get3A_274 = tpu.vector_load %arg7[%get3A_273] {strides = array<i32>} : memref<1024xi32, #tpu.memory_space<vmem>>, vector<16xi32>,
    %add3A_275 = arith.addi %add3A_272, %get3A_274 : vector<16xi32>
    %get3A_276 = arith.constant 960 : index
    %get3A_277 = tpu.vector_load %arg7[%get3A_276] {strides = array<i32>} : memref<1024xi32, #tpu.memory_space<vmem>>, vector<16xi32>,
    %add3A_278 = arith.addi %add3A_275, %get3A_277 : vector<16xi32>
    %broadcast_in_dim3A = arith.constant true
    %broadcast_in_dim3A_279 = vector.broadcast %broadcast_in_dim3A : i1 to vector<16xi1>
    %masked_cumsum3A = tpu.scan <sum>, %add3A_278 masked %broadcast_in_dim3A_279 : vector<16xi32>, vector<16xi1> -> vector<16xi32>
    %add3A_280 = arith.constant 0 : i32
    %add3A_281 = vector.broadcast %add3A_280 : i32 to vector<16xi32>
    %add3A_282 = arith.addi %masked_cumsum3A, %add3A_281 : vector<16xi32>
    %swap3A_283 = arith.constant 0 : index
    %swap3A_284 = tpu.vector_load %arg8[%swap3A_283] {strides = array<i32>} : memref<80xi32, #tpu.memory_space<vmem>>, vector<16xi32>,
    tpu.vector_store %arg8[%swap3A_283], %add3A_282 {strides = array<i32>} : memref<80xi32, #tpu.memory_space<vmem>>, vector<16xi32>,
    %slice3A = vector.extract_strided_slice %add3A_282 {offsets = [15], sizes = [1], strides = [1]} : vector<16xi32> to vector<1xi32>
    %squeeze3A = vector.extract %slice3A[0] : i32 from vector<1xi32>
    %get3A_285 = arith.constant 16 : index
    %get3A_286 = tpu.vector_load %arg7[%get3A_285] {strides = array<i32>} : memref<1024xi32, #tpu.memory_space<vmem>>, vector<16xi32>,
    %add3A_287 = arith.addi %and3A_4, %get3A_286 : vector<16xi32>
    %get3A_288 = arith.constant 80 : index
    %get3A_289 = tpu.vector_load %arg7[%get3A_288] {strides = array<i32>} : memref<1024xi32, #tpu.memory_space<vmem>>, vector<16xi32>,
    %add3A_290 = arith.addi %add3A_287, %get3A_289 : vector<16xi32>
    %get3A_291 = arith.constant 144 : index
    %get3A_292 = tpu.vector_load %arg7[%get3A_291] {strides = array<i32>} : memref<1024xi32, #tpu.memory_space<vmem>>, vector<16xi32>,
    %add3A_293 = arith.addi %add3A_290, %get3A_292 : vector<16xi32>
    %get3A_294 = arith.constant 208 : index
    %get3A_295 = tpu.vector_load %arg7[%get3A_294] {strides = array<i32>} : memref<1024xi32, #tpu.memory_space<vmem>>, vector<16xi32>,
    %add3A_296 = arith.addi %add3A_293, %get3A_295 : vector<16xi32>
    %get3A_297 = arith.constant 272 : index
    %get3A_298 = tpu.vector_load %arg7[%get3A_297] {strides = array<i32>} : memref<1024xi32, #tpu.memory_space<vmem>>, vector<16xi32>,
    %add3A_299 = arith.addi %add3A_296, %get3A_298 : vector<16xi32>
    %get3A_300 = arith.constant 336 : index
    %get3A_301 = tpu.vector_load %arg7[%get3A_300] {strides = array<i32>} : memref<1024xi32, #tpu.memory_space<vmem>>, vector<16xi32>,
    %add3A_302 = arith.addi %add3A_299, %get3A_301 : vector<16xi32>
    %get3A_303 = arith.constant 400 : index
    %get3A_304 = tpu.vector_load %arg7[%get3A_303] {strides = array<i32>} : memref<1024xi32, #tpu.memory_space<vmem>>, vector<16xi32>,
    %add3A_305 = arith.addi %add3A_302, %get3A_304 : vector<16xi32>
    %get3A_306 = arith.constant 464 : index
    %get3A_307 = tpu.vector_load %arg7[%get3A_306] {strides = array<i32>} : memref<1024xi32, #tpu.memory_space<vmem>>, vector<16xi32>,
    %add3A_308 = arith.addi %add3A_305, %get3A_307 : vector<16xi32>
    %get3A_309 = arith.constant 528 : index
    %get3A_310 = tpu.vector_load %arg7[%get3A_309] {strides = array<i32>} : memref<1024xi32, #tpu.memory_space<vmem>>, vector<16xi32>,
    %add3A_311 = arith.addi %add3A_308, %get3A_310 : vector<16xi32>
    %get3A_312 = arith.constant 592 : index
    %get3A_313 = tpu.vector_load %arg7[%get3A_312] {strides = array<i32>} : memref<1024xi32, #tpu.memory_space<vmem>>, vector<16xi32>,
    %add3A_314 = arith.addi %add3A_311, %get3A_313 : vector<16xi32>
    %get3A_315 = arith.constant 656 : index
    %get3A_316 = tpu.vector_load %arg7[%get3A_315] {strides = array<i32>} : memref<1024xi32, #tpu.memory_space<vmem>>, vector<16xi32>,
    %add3A_317 = arith.addi %add3A_314, %get3A_316 : vector<16xi32>
    %get3A_318 = arith.constant 720 : index
    %get3A_319 = tpu.vector_load %arg7[%get3A_318] {strides = array<i32>} : memref<1024xi32, #tpu.memory_space<vmem>>, vector<16xi32>,
    %add3A_320 = arith.addi %add3A_317, %get3A_319 : vector<16xi32>
    %get3A_321 = arith.constant 784 : index
    %get3A_322 = tpu.vector_load %arg7[%get3A_321] {strides = array<i32>} : memref<1024xi32, #tpu.memory_space<vmem>>, vector<16xi32>,
    %add3A_323 = arith.addi %add3A_320, %get3A_322 : vector<16xi32>
    %get3A_324 = arith.constant 848 : index
    %get3A_325 = tpu.vector_load %arg7[%get3A_324] {strides = array<i32>} : memref<1024xi32, #tpu.memory_space<vmem>>, vector<16xi32>,
    %add3A_326 = arith.addi %add3A_323, %get3A_325 : vector<16xi32>
    %get3A_327 = arith.constant 912 : index
    %get3A_328 = tpu.vector_load %arg7[%get3A_327] {strides = array<i32>} : memref<1024xi32, #tpu.memory_space<vmem>>, vector<16xi32>,
    %add3A_329 = arith.addi %add3A_326, %get3A_328 : vector<16xi32>
    %get3A_330 = arith.constant 976 : index
    %get3A_331 = tpu.vector_load %arg7[%get3A_330] {strides = array<i32>} : memref<1024xi32, #tpu.memory_space<vmem>>, vector<16xi32>,
    %add3A_332 = arith.addi %add3A_329, %get3A_331 : vector<16xi32>
    %broadcast_in_dim3A_333 = arith.constant true
    %broadcast_in_dim3A_334 = vector.broadcast %broadcast_in_dim3A_333 : i1 to vector<16xi1>
    %masked_cumsum3A_335 = tpu.scan <sum>, %add3A_332 masked %broadcast_in_dim3A_334 : vector<16xi32>, vector<16xi1> -> vector<16xi32>
    %add3A_336 = vector.broadcast %squeeze3A : i32 to vector<16xi32>
    %add3A_337 = arith.addi %masked_cumsum3A_335, %add3A_336 : vector<16xi32>
    %swap3A_338 = arith.constant 16 : index
    %swap3A_339 = tpu.vector_load %arg8[%swap3A_338] {strides = array<i32>} : memref<80xi32, #tpu.memory_space<vmem>>, vector<16xi32>,
    tpu.vector_store %arg8[%swap3A_338], %add3A_337 {strides = array<i32>} : memref<80xi32, #tpu.memory_space<vmem>>, vector<16xi32>,
    %slice3A_340 = vector.extract_strided_slice %add3A_337 {offsets = [15], sizes = [1], strides = [1]} : vector<16xi32> to vector<1xi32>
    %squeeze3A_341 = vector.extract %slice3A_340[0] : i32 from vector<1xi32>
    %get3A_342 = arith.constant 32 : index
    %get3A_343 = tpu.vector_load %arg7[%get3A_342] {strides = array<i32>} : memref<1024xi32, #tpu.memory_space<vmem>>, vector<16xi32>,
    %add3A_344 = arith.addi %and3A_4, %get3A_343 : vector<16xi32>
    %get3A_345 = arith.constant 96 : index
    %get3A_346 = tpu.vector_load %arg7[%get3A_345] {strides = array<i32>} : memref<1024xi32, #tpu.memory_space<vmem>>, vector<16xi32>,
    %add3A_347 = arith.addi %add3A_344, %get3A_346 : vector<16xi32>
    %get3A_348 = arith.constant 160 : index
    %get3A_349 = tpu.vector_load %arg7[%get3A_348] {strides = array<i32>} : memref<1024xi32, #tpu.memory_space<vmem>>, vector<16xi32>,
    %add3A_350 = arith.addi %add3A_347, %get3A_349 : vector<16xi32>
    %get3A_351 = arith.constant 224 : index
    %get3A_352 = tpu.vector_load %arg7[%get3A_351] {strides = array<i32>} : memref<1024xi32, #tpu.memory_space<vmem>>, vector<16xi32>,
    %add3A_353 = arith.addi %add3A_350, %get3A_352 : vector<16xi32>
    %get3A_354 = arith.constant 288 : index
    %get3A_355 = tpu.vector_load %arg7[%get3A_354] {strides = array<i32>} : memref<1024xi32, #tpu.memory_space<vmem>>, vector<16xi32>,
    %add3A_356 = arith.addi %add3A_353, %get3A_355 : vector<16xi32>
    %get3A_357 = arith.constant 352 : index
    %get3A_358 = tpu.vector_load %arg7[%get3A_357] {strides = array<i32>} : memref<1024xi32, #tpu.memory_space<vmem>>, vector<16xi32>,
    %add3A_359 = arith.addi %add3A_356, %get3A_358 : vector<16xi32>
    %get3A_360 = arith.constant 416 : index
    %get3A_361 = tpu.vector_load %arg7[%get3A_360] {strides = array<i32>} : memref<1024xi32, #tpu.memory_space<vmem>>, vector<16xi32>,
    %add3A_362 = arith.addi %add3A_359, %get3A_361 : vector<16xi32>
    %get3A_363 = arith.constant 480 : index
    %get3A_364 = tpu.vector_load %arg7[%get3A_363] {strides = array<i32>} : memref<1024xi32, #tpu.memory_space<vmem>>, vector<16xi32>,
    %add3A_365 = arith.addi %add3A_362, %get3A_364 : vector<16xi32>
    %get3A_366 = arith.constant 544 : index
    %get3A_367 = tpu.vector_load %arg7[%get3A_366] {strides = array<i32>} : memref<1024xi32, #tpu.memory_space<vmem>>, vector<16xi32>,
    %add3A_368 = arith.addi %add3A_365, %get3A_367 : vector<16xi32>
    %get3A_369 = arith.constant 608 : index
    %get3A_370 = tpu.vector_load %arg7[%get3A_369] {strides = array<i32>} : memref<1024xi32, #tpu.memory_space<vmem>>, vector<16xi32>,
    %add3A_371 = arith.addi %add3A_368, %get3A_370 : vector<16xi32>
    %get3A_372 = arith.constant 672 : index
    %get3A_373 = tpu.vector_load %arg7[%get3A_372] {strides = array<i32>} : memref<1024xi32, #tpu.memory_space<vmem>>, vector<16xi32>,
    %add3A_374 = arith.addi %add3A_371, %get3A_373 : vector<16xi32>
    %get3A_375 = arith.constant 736 : index
    %get3A_376 = tpu.vector_load %arg7[%get3A_375] {strides = array<i32>} : memref<1024xi32, #tpu.memory_space<vmem>>, vector<16xi32>,
    %add3A_377 = arith.addi %add3A_374, %get3A_376 : vector<16xi32>
    %get3A_378 = arith.constant 800 : index
    %get3A_379 = tpu.vector_load %arg7[%get3A_378] {strides = array<i32>} : memref<1024xi32, #tpu.memory_space<vmem>>, vector<16xi32>,
    %add3A_380 = arith.addi %add3A_377, %get3A_379 : vector<16xi32>
    %get3A_381 = arith.constant 864 : index
    %get3A_382 = tpu.vector_load %arg7[%get3A_381] {strides = array<i32>} : memref<1024xi32, #tpu.memory_space<vmem>>, vector<16xi32>,
    %add3A_383 = arith.addi %add3A_380, %get3A_382 : vector<16xi32>
    %get3A_384 = arith.constant 928 : index
    %get3A_385 = tpu.vector_load %arg7[%get3A_384] {strides = array<i32>} : memref<1024xi32, #tpu.memory_space<vmem>>, vector<16xi32>,
    %add3A_386 = arith.addi %add3A_383, %get3A_385 : vector<16xi32>
    %get3A_387 = arith.constant 992 : index
    %get3A_388 = tpu.vector_load %arg7[%get3A_387] {strides = array<i32>} : memref<1024xi32, #tpu.memory_space<vmem>>, vector<16xi32>,
    %add3A_389 = arith.addi %add3A_386, %get3A_388 : vector<16xi32>
    %broadcast_in_dim3A_390 = arith.constant true
    %broadcast_in_dim3A_391 = vector.broadcast %broadcast_in_dim3A_390 : i1 to vector<16xi1>
    %masked_cumsum3A_392 = tpu.scan <sum>, %add3A_389 masked %broadcast_in_dim3A_391 : vector<16xi32>, vector<16xi1> -> vector<16xi32>
    %add3A_393 = vector.broadcast %squeeze3A_341 : i32 to vector<16xi32>
    %add3A_394 = arith.addi %masked_cumsum3A_392, %add3A_393 : vector<16xi32>
    %swap3A_395 = arith.constant 32 : index
    %swap3A_396 = tpu.vector_load %arg8[%swap3A_395] {strides = array<i32>} : memref<80xi32, #tpu.memory_space<vmem>>, vector<16xi32>,
    tpu.vector_store %arg8[%swap3A_395], %add3A_394 {strides = array<i32>} : memref<80xi32, #tpu.memory_space<vmem>>, vector<16xi32>,
    %slice3A_397 = vector.extract_strided_slice %add3A_394 {offsets = [15], sizes = [1], strides = [1]} : vector<16xi32> to vector<1xi32>
    %squeeze3A_398 = vector.extract %slice3A_397[0] : i32 from vector<1xi32>
    %get3A_399 = arith.constant 48 : index
    %get3A_400 = tpu.vector_load %arg7[%get3A_399] {strides = array<i32>} : memref<1024xi32, #tpu.memory_space<vmem>>, vector<16xi32>,
    %add3A_401 = arith.addi %and3A_4, %get3A_400 : vector<16xi32>
    %get3A_402 = arith.constant 112 : index
    %get3A_403 = tpu.vector_load %arg7[%get3A_402] {strides = array<i32>} : memref<1024xi32, #tpu.memory_space<vmem>>, vector<16xi32>,
    %add3A_404 = arith.addi %add3A_401, %get3A_403 : vector<16xi32>
    %get3A_405 = arith.constant 176 : index
    %get3A_406 = tpu.vector_load %arg7[%get3A_405] {strides = array<i32>} : memref<1024xi32, #tpu.memory_space<vmem>>, vector<16xi32>,
    %add3A_407 = arith.addi %add3A_404, %get3A_406 : vector<16xi32>
    %get3A_408 = arith.constant 240 : index
    %get3A_409 = tpu.vector_load %arg7[%get3A_408] {strides = array<i32>} : memref<1024xi32, #tpu.memory_space<vmem>>, vector<16xi32>,
    %add3A_410 = arith.addi %add3A_407, %get3A_409 : vector<16xi32>
    %get3A_411 = arith.constant 304 : index
    %get3A_412 = tpu.vector_load %arg7[%get3A_411] {strides = array<i32>} : memref<1024xi32, #tpu.memory_space<vmem>>, vector<16xi32>,
    %add3A_413 = arith.addi %add3A_410, %get3A_412 : vector<16xi32>
    %get3A_414 = arith.constant 368 : index
    %get3A_415 = tpu.vector_load %arg7[%get3A_414] {strides = array<i32>} : memref<1024xi32, #tpu.memory_space<vmem>>, vector<16xi32>,
    %add3A_416 = arith.addi %add3A_413, %get3A_415 : vector<16xi32>
    %get3A_417 = arith.constant 432 : index
    %get3A_418 = tpu.vector_load %arg7[%get3A_417] {strides = array<i32>} : memref<1024xi32, #tpu.memory_space<vmem>>, vector<16xi32>,
    %add3A_419 = arith.addi %add3A_416, %get3A_418 : vector<16xi32>
    %get3A_420 = arith.constant 496 : index
    %get3A_421 = tpu.vector_load %arg7[%get3A_420] {strides = array<i32>} : memref<1024xi32, #tpu.memory_space<vmem>>, vector<16xi32>,
    %add3A_422 = arith.addi %add3A_419, %get3A_421 : vector<16xi32>
    %get3A_423 = arith.constant 560 : index
    %get3A_424 = tpu.vector_load %arg7[%get3A_423] {strides = array<i32>} : memref<1024xi32, #tpu.memory_space<vmem>>, vector<16xi32>,
    %add3A_425 = arith.addi %add3A_422, %get3A_424 : vector<16xi32>
    %get3A_426 = arith.constant 624 : index
    %get3A_427 = tpu.vector_load %arg7[%get3A_426] {strides = array<i32>} : memref<1024xi32, #tpu.memory_space<vmem>>, vector<16xi32>,
    %add3A_428 = arith.addi %add3A_425, %get3A_427 : vector<16xi32>
    %get3A_429 = arith.constant 688 : index
    %get3A_430 = tpu.vector_load %arg7[%get3A_429] {strides = array<i32>} : memref<1024xi32, #tpu.memory_space<vmem>>, vector<16xi32>,
    %add3A_431 = arith.addi %add3A_428, %get3A_430 : vector<16xi32>
    %get3A_432 = arith.constant 752 : index
    %get3A_433 = tpu.vector_load %arg7[%get3A_432] {strides = array<i32>} : memref<1024xi32, #tpu.memory_space<vmem>>, vector<16xi32>,
    %add3A_434 = arith.addi %add3A_431, %get3A_433 : vector<16xi32>
    %get3A_435 = arith.constant 816 : index
    %get3A_436 = tpu.vector_load %arg7[%get3A_435] {strides = array<i32>} : memref<1024xi32, #tpu.memory_space<vmem>>, vector<16xi32>,
    %add3A_437 = arith.addi %add3A_434, %get3A_436 : vector<16xi32>
    %get3A_438 = arith.constant 880 : index
    %get3A_439 = tpu.vector_load %arg7[%get3A_438] {strides = array<i32>} : memref<1024xi32, #tpu.memory_space<vmem>>, vector<16xi32>,
    %add3A_440 = arith.addi %add3A_437, %get3A_439 : vector<16xi32>
    %get3A_441 = arith.constant 944 : index
    %get3A_442 = tpu.vector_load %arg7[%get3A_441] {strides = array<i32>} : memref<1024xi32, #tpu.memory_space<vmem>>, vector<16xi32>,
    %add3A_443 = arith.addi %add3A_440, %get3A_442 : vector<16xi32>
    %get3A_444 = arith.constant 1008 : index
    %get3A_445 = tpu.vector_load %arg7[%get3A_444] {strides = array<i32>} : memref<1024xi32, #tpu.memory_space<vmem>>, vector<16xi32>,
    %add3A_446 = arith.addi %add3A_443, %get3A_445 : vector<16xi32>
    %broadcast_in_dim3A_447 = arith.constant true
    %broadcast_in_dim3A_448 = vector.broadcast %broadcast_in_dim3A_447 : i1 to vector<16xi1>
    %masked_cumsum3A_449 = tpu.scan <sum>, %add3A_446 masked %broadcast_in_dim3A_448 : vector<16xi32>, vector<16xi1> -> vector<16xi32>
    %add3A_450 = vector.broadcast %squeeze3A_398 : i32 to vector<16xi32>
    %add3A_451 = arith.addi %masked_cumsum3A_449, %add3A_450 : vector<16xi32>
    %swap3A_452 = arith.constant 48 : index
    %swap3A_453 = tpu.vector_load %arg8[%swap3A_452] {strides = array<i32>} : memref<80xi32, #tpu.memory_space<vmem>>, vector<16xi32>,
    tpu.vector_store %arg8[%swap3A_452], %add3A_451 {strides = array<i32>} : memref<80xi32, #tpu.memory_space<vmem>>, vector<16xi32>,
    %slice3A_454 = vector.extract_strided_slice %add3A_451 {offsets = [15], sizes = [1], strides = [1]} : vector<16xi32> to vector<1xi32>
    %squeeze3A_455 = vector.extract %slice3A_454[0] : i32 from vector<1xi32>
    %swap3A_456 = arith.constant 64 : index
    %swap3A_457 = tpu.vector_load %arg8[%swap3A_456] {strides = array<i32>} : memref<80xi32, #tpu.memory_space<vmem>>, vector<16xi32>,
    tpu.vector_store %arg8[%swap3A_456], %and3A_4 {strides = array<i32>} : memref<80xi32, #tpu.memory_space<vmem>>, vector<16xi32>,
    %scan3A_458 = arith.constant 0 : i32
    %scan3A_459 = arith.constant 0 : i32
    %scan3A_460 = arith.constant 64 : i32
    %scan3A_461 = arith.addi %scan3A_459, %scan3A_460 : i32
    %scan3A_462 = arith.constant 1 : i32
    scf.for %scan3A_654 = %scan3A_459 to %scan3A_461 step %scan3A_462  : i32 {
      %sub3A = arith.constant 1 : i32
      %sub3A_655 = arith.subi %scan3A_654, %sub3A : i32
      %max3A = arith.constant 0 : i32
      %max3A_656 = arith.maxsi %sub3A_655, %max3A : i32
      %get3A_657 = arith.index_cast %max3A_656 : i32 to index
      %get3A_658 = tpu.vector_load %arg8[%get3A_657] {strides = array<i32>} : memref<80xi32, #tpu.memory_space<vmem>>, vector<16xi32>,
      %slice3A_659 = vector.extract_strided_slice %get3A_658 {offsets = [0], sizes = [1], strides = [1]} : vector<16xi32> to vector<1xi32>
      %squeeze3A_660 = vector.extract %slice3A_659[0] : i32 from vector<1xi32>
      %eq3A_661 = arith.constant 0 : i32
      %eq3A_662 = arith.cmpi eq, %scan3A_654, %eq3A_661 : i32
      %jit3A_663 = arith.constant 0 : i32
      %select_n3A_664 = arith.select %eq3A_662, %jit3A_663, %squeeze3A_660 : i32
      %swap3A_665 = arith.index_cast %scan3A_654 : i32 to index
      %swap3A_666 = memref.load %arg14[%swap3A_665] : memref<64xi32, #tpu.memory_space<smem>>
      memref.store %select_n3A_664, %arg14[%swap3A_665] : memref<64xi32, #tpu.memory_space<smem>>
    }
    %scan3A_463 = arith.constant 64 : i32
    "tpu.region"() ({
      %run_scoped3A = tpu.sem_alloc : memref<!tpu.dma_semaphore, #tpu.memory_space<semaphore_mem>>
      %dma_start3A_654 = arith.constant 0 : i32
      %dma_start3A_655 = tpu.memref_slice %arg3[%dma_start3A_654] : memref<20480xi32, #tpu.memory_space<hbm>> -> memref<1280xi32, #tpu.memory_space<hbm>>
      %dma_start3A_656 = arith.constant 0 : i32
      %dma_start3A_657 = tpu.memref_slice %arg3[%dma_start3A_656] : memref<20480xi32, #tpu.memory_space<hbm>> -> memref<1280xi32, #tpu.memory_space<hbm>>
      tpu.enqueue_dma source(%dma_start3A_657 : memref<1280xi32, #tpu.memory_space<hbm>>) target(%arg5 : memref<1280xi32, #tpu.memory_space<vmem>>) target_semaphore(%run_scoped3A : memref<!tpu.dma_semaphore, #tpu.memory_space<semaphore_mem>>)
      %dma_wait3A_658 = arith.constant 0 : i32
      %dma_wait3A_659 = tpu.memref_slice %arg3[%dma_wait3A_658] : memref<20480xi32, #tpu.memory_space<hbm>> -> memref<1280xi32, #tpu.memory_space<hbm>>
      %dma_wait3A_660 = arith.constant 0 : i32
      %dma_wait3A_661 = tpu.memref_slice %arg3[%dma_wait3A_660] : memref<20480xi32, #tpu.memory_space<hbm>> -> memref<1280xi32, #tpu.memory_space<hbm>>
      tpu.wait_dma2 semaphore(%run_scoped3A : memref<!tpu.dma_semaphore, #tpu.memory_space<semaphore_mem>>) src(%dma_wait3A_661 : memref<1280xi32, #tpu.memory_space<hbm>>) dst(%arg5 : memref<1280xi32, #tpu.memory_space<vmem>>)
      tpu.yield
    }) : () -> ()
    %scan3A_464 = arith.constant 0 : i32
    %scan3A_465 = arith.constant 0 : i32
    %scan3A_466 = arith.constant 80 : i32
    %scan3A_467 = arith.addi %scan3A_465, %scan3A_466 : i32
    %scan3A_468 = arith.constant 1 : i32
    scf.for %scan3A_654 = %scan3A_465 to %scan3A_467 step %scan3A_468  : i32 {
      %mul3A_655 = arith.constant 16 : i32
      %mul3A_656 = arith.muli %scan3A_654, %mul3A_655 : i32
      %get3A_657 = arith.index_cast %mul3A_656 : i32 to index
      %get3A_658 = tpu.vector_load %arg5[%get3A_657] {strides = array<i32>} : memref<1280xi32, #tpu.memory_space<vmem>>, vector<16xi32>,
      %add3A_659 = arith.constant 0 : i32
      %add3A_660 = vector.broadcast %add3A_659 : i32 to vector<16xi32>
      %add3A_661 = arith.addi %iota3A, %add3A_660 : vector<16xi32>
      %mul3A_662 = arith.constant 16 : i32
      %mul3A_663 = arith.muli %scan3A_654, %mul3A_662 : i32
      %add3A_664 = vector.broadcast %mul3A_663 : i32 to vector<16xi32>
      %add3A_665 = arith.addi %add3A_661, %add3A_664 : vector<16xi32>
      %shift_right_arithmetic3A = arith.constant 9 : i32
      %shift_right_arithmetic3A_666 = vector.broadcast %shift_right_arithmetic3A : i32 to vector<16xi32>
      %shift_right_arithmetic3A_667 = arith.shrsi %get3A_658, %shift_right_arithmetic3A_666 : vector<16xi32>
      %and3A_668 = arith.constant 31 : i32
      %and3A_669 = vector.broadcast %and3A_668 : i32 to vector<16xi32>
      %and3A_670 = arith.andi %shift_right_arithmetic3A_667, %and3A_669 : vector<16xi32>
      %eq3A_671 = vector.broadcast %add3A : i32 to vector<16xi32>
      %eq3A_672 = arith.cmpi eq, %and3A_670, %eq3A_671 : vector<16xi32>
      %all_reduce_population_count3A = tpu.all_reduce %eq3A_672 {dim = 0 : i64, kind = #tpu.reduction_kind<sum>} : vector<16xi1> -> vector<16xi32>
      %slice3A_673 = vector.extract_strided_slice %all_reduce_population_count3A {offsets = [0], sizes = [1], strides = [1]} : vector<16xi32> to vector<1xi32>
      %squeeze3A_674 = vector.extract %slice3A_673[0] : i32 from vector<1xi32>
      %shift_left3A = arith.constant 9 : i32
      %shift_left3A_675 = vector.broadcast %shift_left3A : i32 to vector<16xi32>
      %shift_left3A_676 = arith.shli %add3A_665, %shift_left3A_675 : vector<16xi32>
      %and3A_677 = arith.constant 511 : i32
      %and3A_678 = vector.broadcast %and3A_677 : i32 to vector<16xi32>
      %and3A_679 = arith.andi %get3A_658, %and3A_678 : vector<16xi32>
      %or3A = arith.ori %shift_left3A_676, %and3A_679 : vector<16xi32>
      %swap3A_680 = arith.constant 0 : index
      %swap3A_681 = tpu.vector_load %arg12[%swap3A_680] masked %eq3A_672 {strides = array<i32>} : memref<32xi32, #tpu.memory_space<vmem>>, vector<16xi32>, vector<16xi1>
      tpu.vector_store %arg12[%swap3A_680], %get3A_658 masked %eq3A_672 {strides = array<i32>} : memref<32xi32, #tpu.memory_space<vmem>>, vector<16xi32>, vector<16xi1>
      %swap3A_682 = arith.constant 0 : index
      %swap3A_683 = tpu.vector_load %arg13[%swap3A_682] masked %eq3A_672 {strides = array<i32>} : memref<32xi32, #tpu.memory_space<vmem>>, vector<16xi32>, vector<16xi1>
      tpu.vector_store %arg13[%swap3A_682], %or3A masked %eq3A_672 {strides = array<i32>} : memref<32xi32, #tpu.memory_space<vmem>>, vector<16xi32>, vector<16xi1>
      %while3A_684 = arith.constant 0 : i32
      %while3A_685 = arith.subi %squeeze3A_674, %while3A_684 : i32
      %while3A_686 = arith.addi %while3A_684, %while3A_685 : i32
      %while3A_687 = arith.constant 1 : i32
      %while3A_688 = arith.divsi %while3A_685, %while3A_687 : i32
      %while3A_689 = arith.muli %while3A_688, %while3A_687 : i32
      %while3A_690 = arith.addi %while3A_684, %while3A_689 : i32
      %while3A_691 = arith.constant 1 : i32
      scf.for %while3A_693 = %while3A_684 to %while3A_690 step %while3A_691  : i32 {
        %get3A_694 = arith.index_cast %while3A_693 : i32 to index
        %get3A_695 = tpu.vector_load %arg12[%get3A_694] {strides = array<i32>} : memref<32xi32, #tpu.memory_space<vmem>>, vector<16xi32>,
        %slice3A_696 = vector.extract_strided_slice %get3A_695 {offsets = [0], sizes = [1], strides = [1]} : vector<16xi32> to vector<1xi32>
        %squeeze3A_697 = vector.extract %slice3A_696[0] : i32 from vector<1xi32>
        %get3A_698 = arith.index_cast %while3A_693 : i32 to index
        %get3A_699 = tpu.vector_load %arg13[%get3A_698] {strides = array<i32>} : memref<32xi32, #tpu.memory_space<vmem>>, vector<16xi32>,
        %slice3A_700 = vector.extract_strided_slice %get3A_699 {offsets = [0], sizes = [1], strides = [1]} : vector<16xi32> to vector<1xi32>
        %squeeze3A_701 = vector.extract %slice3A_700[0] : i32 from vector<1xi32>
        %shift_right_arithmetic3A_702 = arith.constant 14 : i32
        %shift_right_arithmetic3A_703 = arith.shrsi %squeeze3A_697, %shift_right_arithmetic3A_702 : i32
        %get3A_704 = arith.index_cast %shift_right_arithmetic3A_703 : i32 to index
        %get3A_705 = memref.load %arg14[%get3A_704] : memref<64xi32, #tpu.memory_space<smem>>
        %add3A_706 = arith.constant 1 : i32
        %add3A_707 = arith.addi %get3A_705, %add3A_706 : i32
        %swap3A_708 = arith.index_cast %shift_right_arithmetic3A_703 : i32 to index
        %swap3A_709 = memref.load %arg14[%swap3A_708] : memref<64xi32, #tpu.memory_space<smem>>
        memref.store %add3A_707, %arg14[%swap3A_708] : memref<64xi32, #tpu.memory_space<smem>>
        %add3A_710 = vector.broadcast %get3A_705 : i32 to vector<16xi32>
        %add3A_711 = arith.addi %and3A_4, %add3A_710 : vector<16xi32>
        %add3A_712 = vector.broadcast %squeeze3A_701 : i32 to vector<16xi32>
        %add3A_713 = arith.addi %and3A_4, %add3A_712 : vector<16xi32>
        tpu.vector_store_idx %arg6[%add3A_711], %add3A_713 masked %eq3A_2 : memref<20496xi32, #tpu.memory_space<vmem>>[vector<16xi32>], vector<16xi32>, vector<16xi1>
      }
      %while3A_692 = arith.constant 1 : i32
      scf.for %while3A_693 = %while3A_690 to %while3A_686 step %while3A_692  : i32 {
        %get3A_694 = arith.index_cast %while3A_693 : i32 to index
        %get3A_695 = tpu.vector_load %arg12[%get3A_694] {strides = array<i32>} : memref<32xi32, #tpu.memory_space<vmem>>, vector<16xi32>,
        %slice3A_696 = vector.extract_strided_slice %get3A_695 {offsets = [0], sizes = [1], strides = [1]} : vector<16xi32> to vector<1xi32>
        %squeeze3A_697 = vector.extract %slice3A_696[0] : i32 from vector<1xi32>
        %get3A_698 = arith.index_cast %while3A_693 : i32 to index
        %get3A_699 = tpu.vector_load %arg13[%get3A_698] {strides = array<i32>} : memref<32xi32, #tpu.memory_space<vmem>>, vector<16xi32>,
        %slice3A_700 = vector.extract_strided_slice %get3A_699 {offsets = [0], sizes = [1], strides = [1]} : vector<16xi32> to vector<1xi32>
        %squeeze3A_701 = vector.extract %slice3A_700[0] : i32 from vector<1xi32>
        %shift_right_arithmetic3A_702 = arith.constant 14 : i32
        %shift_right_arithmetic3A_703 = arith.shrsi %squeeze3A_697, %shift_right_arithmetic3A_702 : i32
        %get3A_704 = arith.index_cast %shift_right_arithmetic3A_703 : i32 to index
        %get3A_705 = memref.load %arg14[%get3A_704] : memref<64xi32, #tpu.memory_space<smem>>
        %add3A_706 = arith.constant 1 : i32
        %add3A_707 = arith.addi %get3A_705, %add3A_706 : i32
        %swap3A_708 = arith.index_cast %shift_right_arithmetic3A_703 : i32 to index
        %swap3A_709 = memref.load %arg14[%swap3A_708] : memref<64xi32, #tpu.memory_space<smem>>
        memref.store %add3A_707, %arg14[%swap3A_708] : memref<64xi32, #tpu.memory_space<smem>>
        %add3A_710 = vector.broadcast %get3A_705 : i32 to vector<16xi32>
        %add3A_711 = arith.addi %and3A_4, %add3A_710 : vector<16xi32>
        %add3A_712 = vector.broadcast %squeeze3A_701 : i32 to vector<16xi32>
        %add3A_713 = arith.addi %and3A_4, %add3A_712 : vector<16xi32>
        tpu.vector_store_idx %arg6[%add3A_711], %add3A_713 masked %eq3A_2 : memref<20496xi32, #tpu.memory_space<vmem>>[vector<16xi32>], vector<16xi32>, vector<16xi1>
      }
    }
    %scan3A_469 = arith.constant 80 : i32
    "tpu.region"() ({
      %run_scoped3A = tpu.sem_alloc : memref<!tpu.dma_semaphore, #tpu.memory_space<semaphore_mem>>
      %dma_start3A_654 = arith.constant 1280 : i32
      %dma_start3A_655 = tpu.memref_slice %arg3[%dma_start3A_654] : memref<20480xi32, #tpu.memory_space<hbm>> -> memref<1280xi32, #tpu.memory_space<hbm>>
      %dma_start3A_656 = arith.constant 1280 : i32
      %dma_start3A_657 = tpu.memref_slice %arg3[%dma_start3A_656] : memref<20480xi32, #tpu.memory_space<hbm>> -> memref<1280xi32, #tpu.memory_space<hbm>>
      tpu.enqueue_dma source(%dma_start3A_657 : memref<1280xi32, #tpu.memory_space<hbm>>) target(%arg5 : memref<1280xi32, #tpu.memory_space<vmem>>) target_semaphore(%run_scoped3A : memref<!tpu.dma_semaphore, #tpu.memory_space<semaphore_mem>>)
      %dma_wait3A_658 = arith.constant 1280 : i32
      %dma_wait3A_659 = tpu.memref_slice %arg3[%dma_wait3A_658] : memref<20480xi32, #tpu.memory_space<hbm>> -> memref<1280xi32, #tpu.memory_space<hbm>>
      %dma_wait3A_660 = arith.constant 1280 : i32
      %dma_wait3A_661 = tpu.memref_slice %arg3[%dma_wait3A_660] : memref<20480xi32, #tpu.memory_space<hbm>> -> memref<1280xi32, #tpu.memory_space<hbm>>
      tpu.wait_dma2 semaphore(%run_scoped3A : memref<!tpu.dma_semaphore, #tpu.memory_space<semaphore_mem>>) src(%dma_wait3A_661 : memref<1280xi32, #tpu.memory_space<hbm>>) dst(%arg5 : memref<1280xi32, #tpu.memory_space<vmem>>)
      tpu.yield
    }) : () -> ()
    %scan3A_470 = arith.constant 0 : i32
    %scan3A_471 = arith.constant 0 : i32
    %scan3A_472 = arith.constant 80 : i32
    %scan3A_473 = arith.addi %scan3A_471, %scan3A_472 : i32
    %scan3A_474 = arith.constant 1 : i32
    scf.for %scan3A_654 = %scan3A_471 to %scan3A_473 step %scan3A_474  : i32 {
      %mul3A_655 = arith.constant 16 : i32
      %mul3A_656 = arith.muli %scan3A_654, %mul3A_655 : i32
      %get3A_657 = arith.index_cast %mul3A_656 : i32 to index
      %get3A_658 = tpu.vector_load %arg5[%get3A_657] {strides = array<i32>} : memref<1280xi32, #tpu.memory_space<vmem>>, vector<16xi32>,
      %add3A_659 = arith.constant 1280 : i32
      %add3A_660 = vector.broadcast %add3A_659 : i32 to vector<16xi32>
      %add3A_661 = arith.addi %iota3A, %add3A_660 : vector<16xi32>
      %mul3A_662 = arith.constant 16 : i32
      %mul3A_663 = arith.muli %scan3A_654, %mul3A_662 : i32
      %add3A_664 = vector.broadcast %mul3A_663 : i32 to vector<16xi32>
      %add3A_665 = arith.addi %add3A_661, %add3A_664 : vector<16xi32>
      %shift_right_arithmetic3A = arith.constant 9 : i32
      %shift_right_arithmetic3A_666 = vector.broadcast %shift_right_arithmetic3A : i32 to vector<16xi32>
      %shift_right_arithmetic3A_667 = arith.shrsi %get3A_658, %shift_right_arithmetic3A_666 : vector<16xi32>
      %and3A_668 = arith.constant 31 : i32
      %and3A_669 = vector.broadcast %and3A_668 : i32 to vector<16xi32>
      %and3A_670 = arith.andi %shift_right_arithmetic3A_667, %and3A_669 : vector<16xi32>
      %eq3A_671 = vector.broadcast %add3A : i32 to vector<16xi32>
      %eq3A_672 = arith.cmpi eq, %and3A_670, %eq3A_671 : vector<16xi32>
      %all_reduce_population_count3A = tpu.all_reduce %eq3A_672 {dim = 0 : i64, kind = #tpu.reduction_kind<sum>} : vector<16xi1> -> vector<16xi32>
      %slice3A_673 = vector.extract_strided_slice %all_reduce_population_count3A {offsets = [0], sizes = [1], strides = [1]} : vector<16xi32> to vector<1xi32>
      %squeeze3A_674 = vector.extract %slice3A_673[0] : i32 from vector<1xi32>
      %shift_left3A = arith.constant 9 : i32
      %shift_left3A_675 = vector.broadcast %shift_left3A : i32 to vector<16xi32>
      %shift_left3A_676 = arith.shli %add3A_665, %shift_left3A_675 : vector<16xi32>
      %and3A_677 = arith.constant 511 : i32
      %and3A_678 = vector.broadcast %and3A_677 : i32 to vector<16xi32>
      %and3A_679 = arith.andi %get3A_658, %and3A_678 : vector<16xi32>
      %or3A = arith.ori %shift_left3A_676, %and3A_679 : vector<16xi32>
      %swap3A_680 = arith.constant 0 : index
      %swap3A_681 = tpu.vector_load %arg12[%swap3A_680] masked %eq3A_672 {strides = array<i32>} : memref<32xi32, #tpu.memory_space<vmem>>, vector<16xi32>, vector<16xi1>
      tpu.vector_store %arg12[%swap3A_680], %get3A_658 masked %eq3A_672 {strides = array<i32>} : memref<32xi32, #tpu.memory_space<vmem>>, vector<16xi32>, vector<16xi1>
      %swap3A_682 = arith.constant 0 : index
      %swap3A_683 = tpu.vector_load %arg13[%swap3A_682] masked %eq3A_672 {strides = array<i32>} : memref<32xi32, #tpu.memory_space<vmem>>, vector<16xi32>, vector<16xi1>
      tpu.vector_store %arg13[%swap3A_682], %or3A masked %eq3A_672 {strides = array<i32>} : memref<32xi32, #tpu.memory_space<vmem>>, vector<16xi32>, vector<16xi1>
      %while3A_684 = arith.constant 0 : i32
      %while3A_685 = arith.subi %squeeze3A_674, %while3A_684 : i32
      %while3A_686 = arith.addi %while3A_684, %while3A_685 : i32
      %while3A_687 = arith.constant 1 : i32
      %while3A_688 = arith.divsi %while3A_685, %while3A_687 : i32
      %while3A_689 = arith.muli %while3A_688, %while3A_687 : i32
      %while3A_690 = arith.addi %while3A_684, %while3A_689 : i32
      %while3A_691 = arith.constant 1 : i32
      scf.for %while3A_693 = %while3A_684 to %while3A_690 step %while3A_691  : i32 {
        %get3A_694 = arith.index_cast %while3A_693 : i32 to index
        %get3A_695 = tpu.vector_load %arg12[%get3A_694] {strides = array<i32>} : memref<32xi32, #tpu.memory_space<vmem>>, vector<16xi32>,
        %slice3A_696 = vector.extract_strided_slice %get3A_695 {offsets = [0], sizes = [1], strides = [1]} : vector<16xi32> to vector<1xi32>
        %squeeze3A_697 = vector.extract %slice3A_696[0] : i32 from vector<1xi32>
        %get3A_698 = arith.index_cast %while3A_693 : i32 to index
        %get3A_699 = tpu.vector_load %arg13[%get3A_698] {strides = array<i32>} : memref<32xi32, #tpu.memory_space<vmem>>, vector<16xi32>,
        %slice3A_700 = vector.extract_strided_slice %get3A_699 {offsets = [0], sizes = [1], strides = [1]} : vector<16xi32> to vector<1xi32>
        %squeeze3A_701 = vector.extract %slice3A_700[0] : i32 from vector<1xi32>
        %shift_right_arithmetic3A_702 = arith.constant 14 : i32
        %shift_right_arithmetic3A_703 = arith.shrsi %squeeze3A_697, %shift_right_arithmetic3A_702 : i32
        %get3A_704 = arith.index_cast %shift_right_arithmetic3A_703 : i32 to index
        %get3A_705 = memref.load %arg14[%get3A_704] : memref<64xi32, #tpu.memory_space<smem>>
        %add3A_706 = arith.constant 1 : i32
        %add3A_707 = arith.addi %get3A_705, %add3A_706 : i32
        %swap3A_708 = arith.index_cast %shift_right_arithmetic3A_703 : i32 to index
        %swap3A_709 = memref.load %arg14[%swap3A_708] : memref<64xi32, #tpu.memory_space<smem>>
        memref.store %add3A_707, %arg14[%swap3A_708] : memref<64xi32, #tpu.memory_space<smem>>
        %add3A_710 = vector.broadcast %get3A_705 : i32 to vector<16xi32>
        %add3A_711 = arith.addi %and3A_4, %add3A_710 : vector<16xi32>
        %add3A_712 = vector.broadcast %squeeze3A_701 : i32 to vector<16xi32>
        %add3A_713 = arith.addi %and3A_4, %add3A_712 : vector<16xi32>
        tpu.vector_store_idx %arg6[%add3A_711], %add3A_713 masked %eq3A_2 : memref<20496xi32, #tpu.memory_space<vmem>>[vector<16xi32>], vector<16xi32>, vector<16xi1>
      }
      %while3A_692 = arith.constant 1 : i32
      scf.for %while3A_693 = %while3A_690 to %while3A_686 step %while3A_692  : i32 {
        %get3A_694 = arith.index_cast %while3A_693 : i32 to index
        %get3A_695 = tpu.vector_load %arg12[%get3A_694] {strides = array<i32>} : memref<32xi32, #tpu.memory_space<vmem>>, vector<16xi32>,
        %slice3A_696 = vector.extract_strided_slice %get3A_695 {offsets = [0], sizes = [1], strides = [1]} : vector<16xi32> to vector<1xi32>
        %squeeze3A_697 = vector.extract %slice3A_696[0] : i32 from vector<1xi32>
        %get3A_698 = arith.index_cast %while3A_693 : i32 to index
        %get3A_699 = tpu.vector_load %arg13[%get3A_698] {strides = array<i32>} : memref<32xi32, #tpu.memory_space<vmem>>, vector<16xi32>,
        %slice3A_700 = vector.extract_strided_slice %get3A_699 {offsets = [0], sizes = [1], strides = [1]} : vector<16xi32> to vector<1xi32>
        %squeeze3A_701 = vector.extract %slice3A_700[0] : i32 from vector<1xi32>
        %shift_right_arithmetic3A_702 = arith.constant 14 : i32
        %shift_right_arithmetic3A_703 = arith.shrsi %squeeze3A_697, %shift_right_arithmetic3A_702 : i32
        %get3A_704 = arith.index_cast %shift_right_arithmetic3A_703 : i32 to index
        %get3A_705 = memref.load %arg14[%get3A_704] : memref<64xi32, #tpu.memory_space<smem>>
        %add3A_706 = arith.constant 1 : i32
        %add3A_707 = arith.addi %get3A_705, %add3A_706 : i32
        %swap3A_708 = arith.index_cast %shift_right_arithmetic3A_703 : i32 to index
        %swap3A_709 = memref.load %arg14[%swap3A_708] : memref<64xi32, #tpu.memory_space<smem>>
        memref.store %add3A_707, %arg14[%swap3A_708] : memref<64xi32, #tpu.memory_space<smem>>
        %add3A_710 = vector.broadcast %get3A_705 : i32 to vector<16xi32>
        %add3A_711 = arith.addi %and3A_4, %add3A_710 : vector<16xi32>
        %add3A_712 = vector.broadcast %squeeze3A_701 : i32 to vector<16xi32>
        %add3A_713 = arith.addi %and3A_4, %add3A_712 : vector<16xi32>
        tpu.vector_store_idx %arg6[%add3A_711], %add3A_713 masked %eq3A_2 : memref<20496xi32, #tpu.memory_space<vmem>>[vector<16xi32>], vector<16xi32>, vector<16xi1>
      }
    }
    %scan3A_475 = arith.constant 80 : i32
    "tpu.region"() ({
      %run_scoped3A = tpu.sem_alloc : memref<!tpu.dma_semaphore, #tpu.memory_space<semaphore_mem>>
      %dma_start3A_654 = arith.constant 2560 : i32
      %dma_start3A_655 = tpu.memref_slice %arg3[%dma_start3A_654] : memref<20480xi32, #tpu.memory_space<hbm>> -> memref<1280xi32, #tpu.memory_space<hbm>>
      %dma_start3A_656 = arith.constant 2560 : i32
      %dma_start3A_657 = tpu.memref_slice %arg3[%dma_start3A_656] : memref<20480xi32, #tpu.memory_space<hbm>> -> memref<1280xi32, #tpu.memory_space<hbm>>
      tpu.enqueue_dma source(%dma_start3A_657 : memref<1280xi32, #tpu.memory_space<hbm>>) target(%arg5 : memref<1280xi32, #tpu.memory_space<vmem>>) target_semaphore(%run_scoped3A : memref<!tpu.dma_semaphore, #tpu.memory_space<semaphore_mem>>)
      %dma_wait3A_658 = arith.constant 2560 : i32
      %dma_wait3A_659 = tpu.memref_slice %arg3[%dma_wait3A_658] : memref<20480xi32, #tpu.memory_space<hbm>> -> memref<1280xi32, #tpu.memory_space<hbm>>
      %dma_wait3A_660 = arith.constant 2560 : i32
      %dma_wait3A_661 = tpu.memref_slice %arg3[%dma_wait3A_660] : memref<20480xi32, #tpu.memory_space<hbm>> -> memref<1280xi32, #tpu.memory_space<hbm>>
      tpu.wait_dma2 semaphore(%run_scoped3A : memref<!tpu.dma_semaphore, #tpu.memory_space<semaphore_mem>>) src(%dma_wait3A_661 : memref<1280xi32, #tpu.memory_space<hbm>>) dst(%arg5 : memref<1280xi32, #tpu.memory_space<vmem>>)
      tpu.yield
    }) : () -> ()
    %scan3A_476 = arith.constant 0 : i32
    %scan3A_477 = arith.constant 0 : i32
    %scan3A_478 = arith.constant 80 : i32
    %scan3A_479 = arith.addi %scan3A_477, %scan3A_478 : i32
    %scan3A_480 = arith.constant 1 : i32
    scf.for %scan3A_654 = %scan3A_477 to %scan3A_479 step %scan3A_480  : i32 {
      %mul3A_655 = arith.constant 16 : i32
      %mul3A_656 = arith.muli %scan3A_654, %mul3A_655 : i32
      %get3A_657 = arith.index_cast %mul3A_656 : i32 to index
      %get3A_658 = tpu.vector_load %arg5[%get3A_657] {strides = array<i32>} : memref<1280xi32, #tpu.memory_space<vmem>>, vector<16xi32>,
      %add3A_659 = arith.constant 2560 : i32
      %add3A_660 = vector.broadcast %add3A_659 : i32 to vector<16xi32>
      %add3A_661 = arith.addi %iota3A, %add3A_660 : vector<16xi32>
      %mul3A_662 = arith.constant 16 : i32
      %mul3A_663 = arith.muli %scan3A_654, %mul3A_662 : i32
      %add3A_664 = vector.broadcast %mul3A_663 : i32 to vector<16xi32>
      %add3A_665 = arith.addi %add3A_661, %add3A_664 : vector<16xi32>
      %shift_right_arithmetic3A = arith.constant 9 : i32
      %shift_right_arithmetic3A_666 = vector.broadcast %shift_right_arithmetic3A : i32 to vector<16xi32>
      %shift_right_arithmetic3A_667 = arith.shrsi %get3A_658, %shift_right_arithmetic3A_666 : vector<16xi32>
      %and3A_668 = arith.constant 31 : i32
      %and3A_669 = vector.broadcast %and3A_668 : i32 to vector<16xi32>
      %and3A_670 = arith.andi %shift_right_arithmetic3A_667, %and3A_669 : vector<16xi32>
      %eq3A_671 = vector.broadcast %add3A : i32 to vector<16xi32>
      %eq3A_672 = arith.cmpi eq, %and3A_670, %eq3A_671 : vector<16xi32>
      %all_reduce_population_count3A = tpu.all_reduce %eq3A_672 {dim = 0 : i64, kind = #tpu.reduction_kind<sum>} : vector<16xi1> -> vector<16xi32>
      %slice3A_673 = vector.extract_strided_slice %all_reduce_population_count3A {offsets = [0], sizes = [1], strides = [1]} : vector<16xi32> to vector<1xi32>
      %squeeze3A_674 = vector.extract %slice3A_673[0] : i32 from vector<1xi32>
      %shift_left3A = arith.constant 9 : i32
      %shift_left3A_675 = vector.broadcast %shift_left3A : i32 to vector<16xi32>
      %shift_left3A_676 = arith.shli %add3A_665, %shift_left3A_675 : vector<16xi32>
      %and3A_677 = arith.constant 511 : i32
      %and3A_678 = vector.broadcast %and3A_677 : i32 to vector<16xi32>
      %and3A_679 = arith.andi %get3A_658, %and3A_678 : vector<16xi32>
      %or3A = arith.ori %shift_left3A_676, %and3A_679 : vector<16xi32>
      %swap3A_680 = arith.constant 0 : index
      %swap3A_681 = tpu.vector_load %arg12[%swap3A_680] masked %eq3A_672 {strides = array<i32>} : memref<32xi32, #tpu.memory_space<vmem>>, vector<16xi32>, vector<16xi1>
      tpu.vector_store %arg12[%swap3A_680], %get3A_658 masked %eq3A_672 {strides = array<i32>} : memref<32xi32, #tpu.memory_space<vmem>>, vector<16xi32>, vector<16xi1>
      %swap3A_682 = arith.constant 0 : index
      %swap3A_683 = tpu.vector_load %arg13[%swap3A_682] masked %eq3A_672 {strides = array<i32>} : memref<32xi32, #tpu.memory_space<vmem>>, vector<16xi32>, vector<16xi1>
      tpu.vector_store %arg13[%swap3A_682], %or3A masked %eq3A_672 {strides = array<i32>} : memref<32xi32, #tpu.memory_space<vmem>>, vector<16xi32>, vector<16xi1>
      %while3A_684 = arith.constant 0 : i32
      %while3A_685 = arith.subi %squeeze3A_674, %while3A_684 : i32
      %while3A_686 = arith.addi %while3A_684, %while3A_685 : i32
      %while3A_687 = arith.constant 1 : i32
      %while3A_688 = arith.divsi %while3A_685, %while3A_687 : i32
      %while3A_689 = arith.muli %while3A_688, %while3A_687 : i32
      %while3A_690 = arith.addi %while3A_684, %while3A_689 : i32
      %while3A_691 = arith.constant 1 : i32
      scf.for %while3A_693 = %while3A_684 to %while3A_690 step %while3A_691  : i32 {
        %get3A_694 = arith.index_cast %while3A_693 : i32 to index
        %get3A_695 = tpu.vector_load %arg12[%get3A_694] {strides = array<i32>} : memref<32xi32, #tpu.memory_space<vmem>>, vector<16xi32>,
        %slice3A_696 = vector.extract_strided_slice %get3A_695 {offsets = [0], sizes = [1], strides = [1]} : vector<16xi32> to vector<1xi32>
        %squeeze3A_697 = vector.extract %slice3A_696[0] : i32 from vector<1xi32>
        %get3A_698 = arith.index_cast %while3A_693 : i32 to index
        %get3A_699 = tpu.vector_load %arg13[%get3A_698] {strides = array<i32>} : memref<32xi32, #tpu.memory_space<vmem>>, vector<16xi32>,
        %slice3A_700 = vector.extract_strided_slice %get3A_699 {offsets = [0], sizes = [1], strides = [1]} : vector<16xi32> to vector<1xi32>
        %squeeze3A_701 = vector.extract %slice3A_700[0] : i32 from vector<1xi32>
        %shift_right_arithmetic3A_702 = arith.constant 14 : i32
        %shift_right_arithmetic3A_703 = arith.shrsi %squeeze3A_697, %shift_right_arithmetic3A_702 : i32
        %get3A_704 = arith.index_cast %shift_right_arithmetic3A_703 : i32 to index
        %get3A_705 = memref.load %arg14[%get3A_704] : memref<64xi32, #tpu.memory_space<smem>>
        %add3A_706 = arith.constant 1 : i32
        %add3A_707 = arith.addi %get3A_705, %add3A_706 : i32
        %swap3A_708 = arith.index_cast %shift_right_arithmetic3A_703 : i32 to index
        %swap3A_709 = memref.load %arg14[%swap3A_708] : memref<64xi32, #tpu.memory_space<smem>>
        memref.store %add3A_707, %arg14[%swap3A_708] : memref<64xi32, #tpu.memory_space<smem>>
        %add3A_710 = vector.broadcast %get3A_705 : i32 to vector<16xi32>
        %add3A_711 = arith.addi %and3A_4, %add3A_710 : vector<16xi32>
        %add3A_712 = vector.broadcast %squeeze3A_701 : i32 to vector<16xi32>
        %add3A_713 = arith.addi %and3A_4, %add3A_712 : vector<16xi32>
        tpu.vector_store_idx %arg6[%add3A_711], %add3A_713 masked %eq3A_2 : memref<20496xi32, #tpu.memory_space<vmem>>[vector<16xi32>], vector<16xi32>, vector<16xi1>
      }
      %while3A_692 = arith.constant 1 : i32
      scf.for %while3A_693 = %while3A_690 to %while3A_686 step %while3A_692  : i32 {
        %get3A_694 = arith.index_cast %while3A_693 : i32 to index
        %get3A_695 = tpu.vector_load %arg12[%get3A_694] {strides = array<i32>} : memref<32xi32, #tpu.memory_space<vmem>>, vector<16xi32>,
        %slice3A_696 = vector.extract_strided_slice %get3A_695 {offsets = [0], sizes = [1], strides = [1]} : vector<16xi32> to vector<1xi32>
        %squeeze3A_697 = vector.extract %slice3A_696[0] : i32 from vector<1xi32>
        %get3A_698 = arith.index_cast %while3A_693 : i32 to index
        %get3A_699 = tpu.vector_load %arg13[%get3A_698] {strides = array<i32>} : memref<32xi32, #tpu.memory_space<vmem>>, vector<16xi32>,
        %slice3A_700 = vector.extract_strided_slice %get3A_699 {offsets = [0], sizes = [1], strides = [1]} : vector<16xi32> to vector<1xi32>
        %squeeze3A_701 = vector.extract %slice3A_700[0] : i32 from vector<1xi32>
        %shift_right_arithmetic3A_702 = arith.constant 14 : i32
        %shift_right_arithmetic3A_703 = arith.shrsi %squeeze3A_697, %shift_right_arithmetic3A_702 : i32
        %get3A_704 = arith.index_cast %shift_right_arithmetic3A_703 : i32 to index
        %get3A_705 = memref.load %arg14[%get3A_704] : memref<64xi32, #tpu.memory_space<smem>>
        %add3A_706 = arith.constant 1 : i32
        %add3A_707 = arith.addi %get3A_705, %add3A_706 : i32
        %swap3A_708 = arith.index_cast %shift_right_arithmetic3A_703 : i32 to index
        %swap3A_709 = memref.load %arg14[%swap3A_708] : memref<64xi32, #tpu.memory_space<smem>>
        memref.store %add3A_707, %arg14[%swap3A_708] : memref<64xi32, #tpu.memory_space<smem>>
        %add3A_710 = vector.broadcast %get3A_705 : i32 to vector<16xi32>
        %add3A_711 = arith.addi %and3A_4, %add3A_710 : vector<16xi32>
        %add3A_712 = vector.broadcast %squeeze3A_701 : i32 to vector<16xi32>
        %add3A_713 = arith.addi %and3A_4, %add3A_712 : vector<16xi32>
        tpu.vector_store_idx %arg6[%add3A_711], %add3A_713 masked %eq3A_2 : memref<20496xi32, #tpu.memory_space<vmem>>[vector<16xi32>], vector<16xi32>, vector<16xi1>
      }
    }
    %scan3A_481 = arith.constant 80 : i32
    "tpu.region"() ({
      %run_scoped3A = tpu.sem_alloc : memref<!tpu.dma_semaphore, #tpu.memory_space<semaphore_mem>>
      %dma_start3A_654 = arith.constant 3840 : i32
      %dma_start3A_655 = tpu.memref_slice %arg3[%dma_start3A_654] : memref<20480xi32, #tpu.memory_space<hbm>> -> memref<1280xi32, #tpu.memory_space<hbm>>
      %dma_start3A_656 = arith.constant 3840 : i32
      %dma_start3A_657 = tpu.memref_slice %arg3[%dma_start3A_656] : memref<20480xi32, #tpu.memory_space<hbm>> -> memref<1280xi32, #tpu.memory_space<hbm>>
      tpu.enqueue_dma source(%dma_start3A_657 : memref<1280xi32, #tpu.memory_space<hbm>>) target(%arg5 : memref<1280xi32, #tpu.memory_space<vmem>>) target_semaphore(%run_scoped3A : memref<!tpu.dma_semaphore, #tpu.memory_space<semaphore_mem>>)
      %dma_wait3A_658 = arith.constant 3840 : i32
      %dma_wait3A_659 = tpu.memref_slice %arg3[%dma_wait3A_658] : memref<20480xi32, #tpu.memory_space<hbm>> -> memref<1280xi32, #tpu.memory_space<hbm>>
      %dma_wait3A_660 = arith.constant 3840 : i32
      %dma_wait3A_661 = tpu.memref_slice %arg3[%dma_wait3A_660] : memref<20480xi32, #tpu.memory_space<hbm>> -> memref<1280xi32, #tpu.memory_space<hbm>>
      tpu.wait_dma2 semaphore(%run_scoped3A : memref<!tpu.dma_semaphore, #tpu.memory_space<semaphore_mem>>) src(%dma_wait3A_661 : memref<1280xi32, #tpu.memory_space<hbm>>) dst(%arg5 : memref<1280xi32, #tpu.memory_space<vmem>>)
      tpu.yield
    }) : () -> ()
    %scan3A_482 = arith.constant 0 : i32
    %scan3A_483 = arith.constant 0 : i32
    %scan3A_484 = arith.constant 80 : i32
    %scan3A_485 = arith.addi %scan3A_483, %scan3A_484 : i32
    %scan3A_486 = arith.constant 1 : i32
    scf.for %scan3A_654 = %scan3A_483 to %scan3A_485 step %scan3A_486  : i32 {
      %mul3A_655 = arith.constant 16 : i32
      %mul3A_656 = arith.muli %scan3A_654, %mul3A_655 : i32
      %get3A_657 = arith.index_cast %mul3A_656 : i32 to index
      %get3A_658 = tpu.vector_load %arg5[%get3A_657] {strides = array<i32>} : memref<1280xi32, #tpu.memory_space<vmem>>, vector<16xi32>,
      %add3A_659 = arith.constant 3840 : i32
      %add3A_660 = vector.broadcast %add3A_659 : i32 to vector<16xi32>
      %add3A_661 = arith.addi %iota3A, %add3A_660 : vector<16xi32>
      %mul3A_662 = arith.constant 16 : i32
      %mul3A_663 = arith.muli %scan3A_654, %mul3A_662 : i32
      %add3A_664 = vector.broadcast %mul3A_663 : i32 to vector<16xi32>
      %add3A_665 = arith.addi %add3A_661, %add3A_664 : vector<16xi32>
      %shift_right_arithmetic3A = arith.constant 9 : i32
      %shift_right_arithmetic3A_666 = vector.broadcast %shift_right_arithmetic3A : i32 to vector<16xi32>
      %shift_right_arithmetic3A_667 = arith.shrsi %get3A_658, %shift_right_arithmetic3A_666 : vector<16xi32>
      %and3A_668 = arith.constant 31 : i32
      %and3A_669 = vector.broadcast %and3A_668 : i32 to vector<16xi32>
      %and3A_670 = arith.andi %shift_right_arithmetic3A_667, %and3A_669 : vector<16xi32>
      %eq3A_671 = vector.broadcast %add3A : i32 to vector<16xi32>
      %eq3A_672 = arith.cmpi eq, %and3A_670, %eq3A_671 : vector<16xi32>
      %all_reduce_population_count3A = tpu.all_reduce %eq3A_672 {dim = 0 : i64, kind = #tpu.reduction_kind<sum>} : vector<16xi1> -> vector<16xi32>
      %slice3A_673 = vector.extract_strided_slice %all_reduce_population_count3A {offsets = [0], sizes = [1], strides = [1]} : vector<16xi32> to vector<1xi32>
      %squeeze3A_674 = vector.extract %slice3A_673[0] : i32 from vector<1xi32>
      %shift_left3A = arith.constant 9 : i32
      %shift_left3A_675 = vector.broadcast %shift_left3A : i32 to vector<16xi32>
      %shift_left3A_676 = arith.shli %add3A_665, %shift_left3A_675 : vector<16xi32>
      %and3A_677 = arith.constant 511 : i32
      %and3A_678 = vector.broadcast %and3A_677 : i32 to vector<16xi32>
      %and3A_679 = arith.andi %get3A_658, %and3A_678 : vector<16xi32>
      %or3A = arith.ori %shift_left3A_676, %and3A_679 : vector<16xi32>
      %swap3A_680 = arith.constant 0 : index
      %swap3A_681 = tpu.vector_load %arg12[%swap3A_680] masked %eq3A_672 {strides = array<i32>} : memref<32xi32, #tpu.memory_space<vmem>>, vector<16xi32>, vector<16xi1>
      tpu.vector_store %arg12[%swap3A_680], %get3A_658 masked %eq3A_672 {strides = array<i32>} : memref<32xi32, #tpu.memory_space<vmem>>, vector<16xi32>, vector<16xi1>
      %swap3A_682 = arith.constant 0 : index
      %swap3A_683 = tpu.vector_load %arg13[%swap3A_682] masked %eq3A_672 {strides = array<i32>} : memref<32xi32, #tpu.memory_space<vmem>>, vector<16xi32>, vector<16xi1>
      tpu.vector_store %arg13[%swap3A_682], %or3A masked %eq3A_672 {strides = array<i32>} : memref<32xi32, #tpu.memory_space<vmem>>, vector<16xi32>, vector<16xi1>
      %while3A_684 = arith.constant 0 : i32
      %while3A_685 = arith.subi %squeeze3A_674, %while3A_684 : i32
      %while3A_686 = arith.addi %while3A_684, %while3A_685 : i32
      %while3A_687 = arith.constant 1 : i32
      %while3A_688 = arith.divsi %while3A_685, %while3A_687 : i32
      %while3A_689 = arith.muli %while3A_688, %while3A_687 : i32
      %while3A_690 = arith.addi %while3A_684, %while3A_689 : i32
      %while3A_691 = arith.constant 1 : i32
      scf.for %while3A_693 = %while3A_684 to %while3A_690 step %while3A_691  : i32 {
        %get3A_694 = arith.index_cast %while3A_693 : i32 to index
        %get3A_695 = tpu.vector_load %arg12[%get3A_694] {strides = array<i32>} : memref<32xi32, #tpu.memory_space<vmem>>, vector<16xi32>,
        %slice3A_696 = vector.extract_strided_slice %get3A_695 {offsets = [0], sizes = [1], strides = [1]} : vector<16xi32> to vector<1xi32>
        %squeeze3A_697 = vector.extract %slice3A_696[0] : i32 from vector<1xi32>
        %get3A_698 = arith.index_cast %while3A_693 : i32 to index
        %get3A_699 = tpu.vector_load %arg13[%get3A_698] {strides = array<i32>} : memref<32xi32, #tpu.memory_space<vmem>>, vector<16xi32>,
        %slice3A_700 = vector.extract_strided_slice %get3A_699 {offsets = [0], sizes = [1], strides = [1]} : vector<16xi32> to vector<1xi32>
        %squeeze3A_701 = vector.extract %slice3A_700[0] : i32 from vector<1xi32>
        %shift_right_arithmetic3A_702 = arith.constant 14 : i32
        %shift_right_arithmetic3A_703 = arith.shrsi %squeeze3A_697, %shift_right_arithmetic3A_702 : i32
        %get3A_704 = arith.index_cast %shift_right_arithmetic3A_703 : i32 to index
        %get3A_705 = memref.load %arg14[%get3A_704] : memref<64xi32, #tpu.memory_space<smem>>
        %add3A_706 = arith.constant 1 : i32
        %add3A_707 = arith.addi %get3A_705, %add3A_706 : i32
        %swap3A_708 = arith.index_cast %shift_right_arithmetic3A_703 : i32 to index
        %swap3A_709 = memref.load %arg14[%swap3A_708] : memref<64xi32, #tpu.memory_space<smem>>
        memref.store %add3A_707, %arg14[%swap3A_708] : memref<64xi32, #tpu.memory_space<smem>>
        %add3A_710 = vector.broadcast %get3A_705 : i32 to vector<16xi32>
        %add3A_711 = arith.addi %and3A_4, %add3A_710 : vector<16xi32>
        %add3A_712 = vector.broadcast %squeeze3A_701 : i32 to vector<16xi32>
        %add3A_713 = arith.addi %and3A_4, %add3A_712 : vector<16xi32>
        tpu.vector_store_idx %arg6[%add3A_711], %add3A_713 masked %eq3A_2 : memref<20496xi32, #tpu.memory_space<vmem>>[vector<16xi32>], vector<16xi32>, vector<16xi1>
      }
      %while3A_692 = arith.constant 1 : i32
      scf.for %while3A_693 = %while3A_690 to %while3A_686 step %while3A_692  : i32 {
        %get3A_694 = arith.index_cast %while3A_693 : i32 to index
        %get3A_695 = tpu.vector_load %arg12[%get3A_694] {strides = array<i32>} : memref<32xi32, #tpu.memory_space<vmem>>, vector<16xi32>,
        %slice3A_696 = vector.extract_strided_slice %get3A_695 {offsets = [0], sizes = [1], strides = [1]} : vector<16xi32> to vector<1xi32>
        %squeeze3A_697 = vector.extract %slice3A_696[0] : i32 from vector<1xi32>
        %get3A_698 = arith.index_cast %while3A_693 : i32 to index
        %get3A_699 = tpu.vector_load %arg13[%get3A_698] {strides = array<i32>} : memref<32xi32, #tpu.memory_space<vmem>>, vector<16xi32>,
        %slice3A_700 = vector.extract_strided_slice %get3A_699 {offsets = [0], sizes = [1], strides = [1]} : vector<16xi32> to vector<1xi32>
        %squeeze3A_701 = vector.extract %slice3A_700[0] : i32 from vector<1xi32>
        %shift_right_arithmetic3A_702 = arith.constant 14 : i32
        %shift_right_arithmetic3A_703 = arith.shrsi %squeeze3A_697, %shift_right_arithmetic3A_702 : i32
        %get3A_704 = arith.index_cast %shift_right_arithmetic3A_703 : i32 to index
        %get3A_705 = memref.load %arg14[%get3A_704] : memref<64xi32, #tpu.memory_space<smem>>
        %add3A_706 = arith.constant 1 : i32
        %add3A_707 = arith.addi %get3A_705, %add3A_706 : i32
        %swap3A_708 = arith.index_cast %shift_right_arithmetic3A_703 : i32 to index
        %swap3A_709 = memref.load %arg14[%swap3A_708] : memref<64xi32, #tpu.memory_space<smem>>
        memref.store %add3A_707, %arg14[%swap3A_708] : memref<64xi32, #tpu.memory_space<smem>>
        %add3A_710 = vector.broadcast %get3A_705 : i32 to vector<16xi32>
        %add3A_711 = arith.addi %and3A_4, %add3A_710 : vector<16xi32>
        %add3A_712 = vector.broadcast %squeeze3A_701 : i32 to vector<16xi32>
        %add3A_713 = arith.addi %and3A_4, %add3A_712 : vector<16xi32>
        tpu.vector_store_idx %arg6[%add3A_711], %add3A_713 masked %eq3A_2 : memref<20496xi32, #tpu.memory_space<vmem>>[vector<16xi32>], vector<16xi32>, vector<16xi1>
      }
    }
    %scan3A_487 = arith.constant 80 : i32
    "tpu.region"() ({
      %run_scoped3A = tpu.sem_alloc : memref<!tpu.dma_semaphore, #tpu.memory_space<semaphore_mem>>
      %dma_start3A_654 = arith.constant 5120 : i32
      %dma_start3A_655 = tpu.memref_slice %arg3[%dma_start3A_654] : memref<20480xi32, #tpu.memory_space<hbm>> -> memref<1280xi32, #tpu.memory_space<hbm>>
      %dma_start3A_656 = arith.constant 5120 : i32
      %dma_start3A_657 = tpu.memref_slice %arg3[%dma_start3A_656] : memref<20480xi32, #tpu.memory_space<hbm>> -> memref<1280xi32, #tpu.memory_space<hbm>>
      tpu.enqueue_dma source(%dma_start3A_657 : memref<1280xi32, #tpu.memory_space<hbm>>) target(%arg5 : memref<1280xi32, #tpu.memory_space<vmem>>) target_semaphore(%run_scoped3A : memref<!tpu.dma_semaphore, #tpu.memory_space<semaphore_mem>>)
      %dma_wait3A_658 = arith.constant 5120 : i32
      %dma_wait3A_659 = tpu.memref_slice %arg3[%dma_wait3A_658] : memref<20480xi32, #tpu.memory_space<hbm>> -> memref<1280xi32, #tpu.memory_space<hbm>>
      %dma_wait3A_660 = arith.constant 5120 : i32
      %dma_wait3A_661 = tpu.memref_slice %arg3[%dma_wait3A_660] : memref<20480xi32, #tpu.memory_space<hbm>> -> memref<1280xi32, #tpu.memory_space<hbm>>
      tpu.wait_dma2 semaphore(%run_scoped3A : memref<!tpu.dma_semaphore, #tpu.memory_space<semaphore_mem>>) src(%dma_wait3A_661 : memref<1280xi32, #tpu.memory_space<hbm>>) dst(%arg5 : memref<1280xi32, #tpu.memory_space<vmem>>)
      tpu.yield
    }) : () -> ()
    %scan3A_488 = arith.constant 0 : i32
    %scan3A_489 = arith.constant 0 : i32
    %scan3A_490 = arith.constant 80 : i32
    %scan3A_491 = arith.addi %scan3A_489, %scan3A_490 : i32
    %scan3A_492 = arith.constant 1 : i32
    scf.for %scan3A_654 = %scan3A_489 to %scan3A_491 step %scan3A_492  : i32 {
      %mul3A_655 = arith.constant 16 : i32
      %mul3A_656 = arith.muli %scan3A_654, %mul3A_655 : i32
      %get3A_657 = arith.index_cast %mul3A_656 : i32 to index
      %get3A_658 = tpu.vector_load %arg5[%get3A_657] {strides = array<i32>} : memref<1280xi32, #tpu.memory_space<vmem>>, vector<16xi32>,
      %add3A_659 = arith.constant 5120 : i32
      %add3A_660 = vector.broadcast %add3A_659 : i32 to vector<16xi32>
      %add3A_661 = arith.addi %iota3A, %add3A_660 : vector<16xi32>
      %mul3A_662 = arith.constant 16 : i32
      %mul3A_663 = arith.muli %scan3A_654, %mul3A_662 : i32
      %add3A_664 = vector.broadcast %mul3A_663 : i32 to vector<16xi32>
      %add3A_665 = arith.addi %add3A_661, %add3A_664 : vector<16xi32>
      %shift_right_arithmetic3A = arith.constant 9 : i32
      %shift_right_arithmetic3A_666 = vector.broadcast %shift_right_arithmetic3A : i32 to vector<16xi32>
      %shift_right_arithmetic3A_667 = arith.shrsi %get3A_658, %shift_right_arithmetic3A_666 : vector<16xi32>
      %and3A_668 = arith.constant 31 : i32
      %and3A_669 = vector.broadcast %and3A_668 : i32 to vector<16xi32>
      %and3A_670 = arith.andi %shift_right_arithmetic3A_667, %and3A_669 : vector<16xi32>
      %eq3A_671 = vector.broadcast %add3A : i32 to vector<16xi32>
      %eq3A_672 = arith.cmpi eq, %and3A_670, %eq3A_671 : vector<16xi32>
      %all_reduce_population_count3A = tpu.all_reduce %eq3A_672 {dim = 0 : i64, kind = #tpu.reduction_kind<sum>} : vector<16xi1> -> vector<16xi32>
      %slice3A_673 = vector.extract_strided_slice %all_reduce_population_count3A {offsets = [0], sizes = [1], strides = [1]} : vector<16xi32> to vector<1xi32>
      %squeeze3A_674 = vector.extract %slice3A_673[0] : i32 from vector<1xi32>
      %shift_left3A = arith.constant 9 : i32
      %shift_left3A_675 = vector.broadcast %shift_left3A : i32 to vector<16xi32>
      %shift_left3A_676 = arith.shli %add3A_665, %shift_left3A_675 : vector<16xi32>
      %and3A_677 = arith.constant 511 : i32
      %and3A_678 = vector.broadcast %and3A_677 : i32 to vector<16xi32>
      %and3A_679 = arith.andi %get3A_658, %and3A_678 : vector<16xi32>
      %or3A = arith.ori %shift_left3A_676, %and3A_679 : vector<16xi32>
      %swap3A_680 = arith.constant 0 : index
      %swap3A_681 = tpu.vector_load %arg12[%swap3A_680] masked %eq3A_672 {strides = array<i32>} : memref<32xi32, #tpu.memory_space<vmem>>, vector<16xi32>, vector<16xi1>
      tpu.vector_store %arg12[%swap3A_680], %get3A_658 masked %eq3A_672 {strides = array<i32>} : memref<32xi32, #tpu.memory_space<vmem>>, vector<16xi32>, vector<16xi1>
      %swap3A_682 = arith.constant 0 : index
      %swap3A_683 = tpu.vector_load %arg13[%swap3A_682] masked %eq3A_672 {strides = array<i32>} : memref<32xi32, #tpu.memory_space<vmem>>, vector<16xi32>, vector<16xi1>
      tpu.vector_store %arg13[%swap3A_682], %or3A masked %eq3A_672 {strides = array<i32>} : memref<32xi32, #tpu.memory_space<vmem>>, vector<16xi32>, vector<16xi1>
      %while3A_684 = arith.constant 0 : i32
      %while3A_685 = arith.subi %squeeze3A_674, %while3A_684 : i32
      %while3A_686 = arith.addi %while3A_684, %while3A_685 : i32
      %while3A_687 = arith.constant 1 : i32
      %while3A_688 = arith.divsi %while3A_685, %while3A_687 : i32
      %while3A_689 = arith.muli %while3A_688, %while3A_687 : i32
      %while3A_690 = arith.addi %while3A_684, %while3A_689 : i32
      %while3A_691 = arith.constant 1 : i32
      scf.for %while3A_693 = %while3A_684 to %while3A_690 step %while3A_691  : i32 {
        %get3A_694 = arith.index_cast %while3A_693 : i32 to index
        %get3A_695 = tpu.vector_load %arg12[%get3A_694] {strides = array<i32>} : memref<32xi32, #tpu.memory_space<vmem>>, vector<16xi32>,
        %slice3A_696 = vector.extract_strided_slice %get3A_695 {offsets = [0], sizes = [1], strides = [1]} : vector<16xi32> to vector<1xi32>
        %squeeze3A_697 = vector.extract %slice3A_696[0] : i32 from vector<1xi32>
        %get3A_698 = arith.index_cast %while3A_693 : i32 to index
        %get3A_699 = tpu.vector_load %arg13[%get3A_698] {strides = array<i32>} : memref<32xi32, #tpu.memory_space<vmem>>, vector<16xi32>,
        %slice3A_700 = vector.extract_strided_slice %get3A_699 {offsets = [0], sizes = [1], strides = [1]} : vector<16xi32> to vector<1xi32>
        %squeeze3A_701 = vector.extract %slice3A_700[0] : i32 from vector<1xi32>
        %shift_right_arithmetic3A_702 = arith.constant 14 : i32
        %shift_right_arithmetic3A_703 = arith.shrsi %squeeze3A_697, %shift_right_arithmetic3A_702 : i32
        %get3A_704 = arith.index_cast %shift_right_arithmetic3A_703 : i32 to index
        %get3A_705 = memref.load %arg14[%get3A_704] : memref<64xi32, #tpu.memory_space<smem>>
        %add3A_706 = arith.constant 1 : i32
        %add3A_707 = arith.addi %get3A_705, %add3A_706 : i32
        %swap3A_708 = arith.index_cast %shift_right_arithmetic3A_703 : i32 to index
        %swap3A_709 = memref.load %arg14[%swap3A_708] : memref<64xi32, #tpu.memory_space<smem>>
        memref.store %add3A_707, %arg14[%swap3A_708] : memref<64xi32, #tpu.memory_space<smem>>
        %add3A_710 = vector.broadcast %get3A_705 : i32 to vector<16xi32>
        %add3A_711 = arith.addi %and3A_4, %add3A_710 : vector<16xi32>
        %add3A_712 = vector.broadcast %squeeze3A_701 : i32 to vector<16xi32>
        %add3A_713 = arith.addi %and3A_4, %add3A_712 : vector<16xi32>
        tpu.vector_store_idx %arg6[%add3A_711], %add3A_713 masked %eq3A_2 : memref<20496xi32, #tpu.memory_space<vmem>>[vector<16xi32>], vector<16xi32>, vector<16xi1>
      }
      %while3A_692 = arith.constant 1 : i32
      scf.for %while3A_693 = %while3A_690 to %while3A_686 step %while3A_692  : i32 {
        %get3A_694 = arith.index_cast %while3A_693 : i32 to index
        %get3A_695 = tpu.vector_load %arg12[%get3A_694] {strides = array<i32>} : memref<32xi32, #tpu.memory_space<vmem>>, vector<16xi32>,
        %slice3A_696 = vector.extract_strided_slice %get3A_695 {offsets = [0], sizes = [1], strides = [1]} : vector<16xi32> to vector<1xi32>
        %squeeze3A_697 = vector.extract %slice3A_696[0] : i32 from vector<1xi32>
        %get3A_698 = arith.index_cast %while3A_693 : i32 to index
        %get3A_699 = tpu.vector_load %arg13[%get3A_698] {strides = array<i32>} : memref<32xi32, #tpu.memory_space<vmem>>, vector<16xi32>,
        %slice3A_700 = vector.extract_strided_slice %get3A_699 {offsets = [0], sizes = [1], strides = [1]} : vector<16xi32> to vector<1xi32>
        %squeeze3A_701 = vector.extract %slice3A_700[0] : i32 from vector<1xi32>
        %shift_right_arithmetic3A_702 = arith.constant 14 : i32
        %shift_right_arithmetic3A_703 = arith.shrsi %squeeze3A_697, %shift_right_arithmetic3A_702 : i32
        %get3A_704 = arith.index_cast %shift_right_arithmetic3A_703 : i32 to index
        %get3A_705 = memref.load %arg14[%get3A_704] : memref<64xi32, #tpu.memory_space<smem>>
        %add3A_706 = arith.constant 1 : i32
        %add3A_707 = arith.addi %get3A_705, %add3A_706 : i32
        %swap3A_708 = arith.index_cast %shift_right_arithmetic3A_703 : i32 to index
        %swap3A_709 = memref.load %arg14[%swap3A_708] : memref<64xi32, #tpu.memory_space<smem>>
        memref.store %add3A_707, %arg14[%swap3A_708] : memref<64xi32, #tpu.memory_space<smem>>
        %add3A_710 = vector.broadcast %get3A_705 : i32 to vector<16xi32>
        %add3A_711 = arith.addi %and3A_4, %add3A_710 : vector<16xi32>
        %add3A_712 = vector.broadcast %squeeze3A_701 : i32 to vector<16xi32>
        %add3A_713 = arith.addi %and3A_4, %add3A_712 : vector<16xi32>
        tpu.vector_store_idx %arg6[%add3A_711], %add3A_713 masked %eq3A_2 : memref<20496xi32, #tpu.memory_space<vmem>>[vector<16xi32>], vector<16xi32>, vector<16xi1>
      }
    }
    %scan3A_493 = arith.constant 80 : i32
    "tpu.region"() ({
      %run_scoped3A = tpu.sem_alloc : memref<!tpu.dma_semaphore, #tpu.memory_space<semaphore_mem>>
      %dma_start3A_654 = arith.constant 6400 : i32
      %dma_start3A_655 = tpu.memref_slice %arg3[%dma_start3A_654] : memref<20480xi32, #tpu.memory_space<hbm>> -> memref<1280xi32, #tpu.memory_space<hbm>>
      %dma_start3A_656 = arith.constant 6400 : i32
      %dma_start3A_657 = tpu.memref_slice %arg3[%dma_start3A_656] : memref<20480xi32, #tpu.memory_space<hbm>> -> memref<1280xi32, #tpu.memory_space<hbm>>
      tpu.enqueue_dma source(%dma_start3A_657 : memref<1280xi32, #tpu.memory_space<hbm>>) target(%arg5 : memref<1280xi32, #tpu.memory_space<vmem>>) target_semaphore(%run_scoped3A : memref<!tpu.dma_semaphore, #tpu.memory_space<semaphore_mem>>)
      %dma_wait3A_658 = arith.constant 6400 : i32
      %dma_wait3A_659 = tpu.memref_slice %arg3[%dma_wait3A_658] : memref<20480xi32, #tpu.memory_space<hbm>> -> memref<1280xi32, #tpu.memory_space<hbm>>
      %dma_wait3A_660 = arith.constant 6400 : i32
      %dma_wait3A_661 = tpu.memref_slice %arg3[%dma_wait3A_660] : memref<20480xi32, #tpu.memory_space<hbm>> -> memref<1280xi32, #tpu.memory_space<hbm>>
      tpu.wait_dma2 semaphore(%run_scoped3A : memref<!tpu.dma_semaphore, #tpu.memory_space<semaphore_mem>>) src(%dma_wait3A_661 : memref<1280xi32, #tpu.memory_space<hbm>>) dst(%arg5 : memref<1280xi32, #tpu.memory_space<vmem>>)
      tpu.yield
    }) : () -> ()
    %scan3A_494 = arith.constant 0 : i32
    %scan3A_495 = arith.constant 0 : i32
    %scan3A_496 = arith.constant 80 : i32
    %scan3A_497 = arith.addi %scan3A_495, %scan3A_496 : i32
    %scan3A_498 = arith.constant 1 : i32
    scf.for %scan3A_654 = %scan3A_495 to %scan3A_497 step %scan3A_498  : i32 {
      %mul3A_655 = arith.constant 16 : i32
      %mul3A_656 = arith.muli %scan3A_654, %mul3A_655 : i32
      %get3A_657 = arith.index_cast %mul3A_656 : i32 to index
      %get3A_658 = tpu.vector_load %arg5[%get3A_657] {strides = array<i32>} : memref<1280xi32, #tpu.memory_space<vmem>>, vector<16xi32>,
      %add3A_659 = arith.constant 6400 : i32
      %add3A_660 = vector.broadcast %add3A_659 : i32 to vector<16xi32>
      %add3A_661 = arith.addi %iota3A, %add3A_660 : vector<16xi32>
      %mul3A_662 = arith.constant 16 : i32
      %mul3A_663 = arith.muli %scan3A_654, %mul3A_662 : i32
      %add3A_664 = vector.broadcast %mul3A_663 : i32 to vector<16xi32>
      %add3A_665 = arith.addi %add3A_661, %add3A_664 : vector<16xi32>
      %shift_right_arithmetic3A = arith.constant 9 : i32
      %shift_right_arithmetic3A_666 = vector.broadcast %shift_right_arithmetic3A : i32 to vector<16xi32>
      %shift_right_arithmetic3A_667 = arith.shrsi %get3A_658, %shift_right_arithmetic3A_666 : vector<16xi32>
      %and3A_668 = arith.constant 31 : i32
      %and3A_669 = vector.broadcast %and3A_668 : i32 to vector<16xi32>
      %and3A_670 = arith.andi %shift_right_arithmetic3A_667, %and3A_669 : vector<16xi32>
      %eq3A_671 = vector.broadcast %add3A : i32 to vector<16xi32>
      %eq3A_672 = arith.cmpi eq, %and3A_670, %eq3A_671 : vector<16xi32>
      %all_reduce_population_count3A = tpu.all_reduce %eq3A_672 {dim = 0 : i64, kind = #tpu.reduction_kind<sum>} : vector<16xi1> -> vector<16xi32>
      %slice3A_673 = vector.extract_strided_slice %all_reduce_population_count3A {offsets = [0], sizes = [1], strides = [1]} : vector<16xi32> to vector<1xi32>
      %squeeze3A_674 = vector.extract %slice3A_673[0] : i32 from vector<1xi32>
      %shift_left3A = arith.constant 9 : i32
      %shift_left3A_675 = vector.broadcast %shift_left3A : i32 to vector<16xi32>
      %shift_left3A_676 = arith.shli %add3A_665, %shift_left3A_675 : vector<16xi32>
      %and3A_677 = arith.constant 511 : i32
      %and3A_678 = vector.broadcast %and3A_677 : i32 to vector<16xi32>
      %and3A_679 = arith.andi %get3A_658, %and3A_678 : vector<16xi32>
      %or3A = arith.ori %shift_left3A_676, %and3A_679 : vector<16xi32>
      %swap3A_680 = arith.constant 0 : index
      %swap3A_681 = tpu.vector_load %arg12[%swap3A_680] masked %eq3A_672 {strides = array<i32>} : memref<32xi32, #tpu.memory_space<vmem>>, vector<16xi32>, vector<16xi1>
      tpu.vector_store %arg12[%swap3A_680], %get3A_658 masked %eq3A_672 {strides = array<i32>} : memref<32xi32, #tpu.memory_space<vmem>>, vector<16xi32>, vector<16xi1>
      %swap3A_682 = arith.constant 0 : index
      %swap3A_683 = tpu.vector_load %arg13[%swap3A_682] masked %eq3A_672 {strides = array<i32>} : memref<32xi32, #tpu.memory_space<vmem>>, vector<16xi32>, vector<16xi1>
      tpu.vector_store %arg13[%swap3A_682], %or3A masked %eq3A_672 {strides = array<i32>} : memref<32xi32, #tpu.memory_space<vmem>>, vector<16xi32>, vector<16xi1>
      %while3A_684 = arith.constant 0 : i32
      %while3A_685 = arith.subi %squeeze3A_674, %while3A_684 : i32
      %while3A_686 = arith.addi %while3A_684, %while3A_685 : i32
      %while3A_687 = arith.constant 1 : i32
      %while3A_688 = arith.divsi %while3A_685, %while3A_687 : i32
      %while3A_689 = arith.muli %while3A_688, %while3A_687 : i32
      %while3A_690 = arith.addi %while3A_684, %while3A_689 : i32
      %while3A_691 = arith.constant 1 : i32
      scf.for %while3A_693 = %while3A_684 to %while3A_690 step %while3A_691  : i32 {
        %get3A_694 = arith.index_cast %while3A_693 : i32 to index
        %get3A_695 = tpu.vector_load %arg12[%get3A_694] {strides = array<i32>} : memref<32xi32, #tpu.memory_space<vmem>>, vector<16xi32>,
        %slice3A_696 = vector.extract_strided_slice %get3A_695 {offsets = [0], sizes = [1], strides = [1]} : vector<16xi32> to vector<1xi32>
        %squeeze3A_697 = vector.extract %slice3A_696[0] : i32 from vector<1xi32>
        %get3A_698 = arith.index_cast %while3A_693 : i32 to index
        %get3A_699 = tpu.vector_load %arg13[%get3A_698] {strides = array<i32>} : memref<32xi32, #tpu.memory_space<vmem>>, vector<16xi32>,
        %slice3A_700 = vector.extract_strided_slice %get3A_699 {offsets = [0], sizes = [1], strides = [1]} : vector<16xi32> to vector<1xi32>
        %squeeze3A_701 = vector.extract %slice3A_700[0] : i32 from vector<1xi32>
        %shift_right_arithmetic3A_702 = arith.constant 14 : i32
        %shift_right_arithmetic3A_703 = arith.shrsi %squeeze3A_697, %shift_right_arithmetic3A_702 : i32
        %get3A_704 = arith.index_cast %shift_right_arithmetic3A_703 : i32 to index
        %get3A_705 = memref.load %arg14[%get3A_704] : memref<64xi32, #tpu.memory_space<smem>>
        %add3A_706 = arith.constant 1 : i32
        %add3A_707 = arith.addi %get3A_705, %add3A_706 : i32
        %swap3A_708 = arith.index_cast %shift_right_arithmetic3A_703 : i32 to index
        %swap3A_709 = memref.load %arg14[%swap3A_708] : memref<64xi32, #tpu.memory_space<smem>>
        memref.store %add3A_707, %arg14[%swap3A_708] : memref<64xi32, #tpu.memory_space<smem>>
        %add3A_710 = vector.broadcast %get3A_705 : i32 to vector<16xi32>
        %add3A_711 = arith.addi %and3A_4, %add3A_710 : vector<16xi32>
        %add3A_712 = vector.broadcast %squeeze3A_701 : i32 to vector<16xi32>
        %add3A_713 = arith.addi %and3A_4, %add3A_712 : vector<16xi32>
        tpu.vector_store_idx %arg6[%add3A_711], %add3A_713 masked %eq3A_2 : memref<20496xi32, #tpu.memory_space<vmem>>[vector<16xi32>], vector<16xi32>, vector<16xi1>
      }
      %while3A_692 = arith.constant 1 : i32
      scf.for %while3A_693 = %while3A_690 to %while3A_686 step %while3A_692  : i32 {
        %get3A_694 = arith.index_cast %while3A_693 : i32 to index
        %get3A_695 = tpu.vector_load %arg12[%get3A_694] {strides = array<i32>} : memref<32xi32, #tpu.memory_space<vmem>>, vector<16xi32>,
        %slice3A_696 = vector.extract_strided_slice %get3A_695 {offsets = [0], sizes = [1], strides = [1]} : vector<16xi32> to vector<1xi32>
        %squeeze3A_697 = vector.extract %slice3A_696[0] : i32 from vector<1xi32>
        %get3A_698 = arith.index_cast %while3A_693 : i32 to index
        %get3A_699 = tpu.vector_load %arg13[%get3A_698] {strides = array<i32>} : memref<32xi32, #tpu.memory_space<vmem>>, vector<16xi32>,
        %slice3A_700 = vector.extract_strided_slice %get3A_699 {offsets = [0], sizes = [1], strides = [1]} : vector<16xi32> to vector<1xi32>
        %squeeze3A_701 = vector.extract %slice3A_700[0] : i32 from vector<1xi32>
        %shift_right_arithmetic3A_702 = arith.constant 14 : i32
        %shift_right_arithmetic3A_703 = arith.shrsi %squeeze3A_697, %shift_right_arithmetic3A_702 : i32
        %get3A_704 = arith.index_cast %shift_right_arithmetic3A_703 : i32 to index
        %get3A_705 = memref.load %arg14[%get3A_704] : memref<64xi32, #tpu.memory_space<smem>>
        %add3A_706 = arith.constant 1 : i32
        %add3A_707 = arith.addi %get3A_705, %add3A_706 : i32
        %swap3A_708 = arith.index_cast %shift_right_arithmetic3A_703 : i32 to index
        %swap3A_709 = memref.load %arg14[%swap3A_708] : memref<64xi32, #tpu.memory_space<smem>>
        memref.store %add3A_707, %arg14[%swap3A_708] : memref<64xi32, #tpu.memory_space<smem>>
        %add3A_710 = vector.broadcast %get3A_705 : i32 to vector<16xi32>
        %add3A_711 = arith.addi %and3A_4, %add3A_710 : vector<16xi32>
        %add3A_712 = vector.broadcast %squeeze3A_701 : i32 to vector<16xi32>
        %add3A_713 = arith.addi %and3A_4, %add3A_712 : vector<16xi32>
        tpu.vector_store_idx %arg6[%add3A_711], %add3A_713 masked %eq3A_2 : memref<20496xi32, #tpu.memory_space<vmem>>[vector<16xi32>], vector<16xi32>, vector<16xi1>
      }
    }
    %scan3A_499 = arith.constant 80 : i32
    "tpu.region"() ({
      %run_scoped3A = tpu.sem_alloc : memref<!tpu.dma_semaphore, #tpu.memory_space<semaphore_mem>>
      %dma_start3A_654 = arith.constant 7680 : i32
      %dma_start3A_655 = tpu.memref_slice %arg3[%dma_start3A_654] : memref<20480xi32, #tpu.memory_space<hbm>> -> memref<1280xi32, #tpu.memory_space<hbm>>
      %dma_start3A_656 = arith.constant 7680 : i32
      %dma_start3A_657 = tpu.memref_slice %arg3[%dma_start3A_656] : memref<20480xi32, #tpu.memory_space<hbm>> -> memref<1280xi32, #tpu.memory_space<hbm>>
      tpu.enqueue_dma source(%dma_start3A_657 : memref<1280xi32, #tpu.memory_space<hbm>>) target(%arg5 : memref<1280xi32, #tpu.memory_space<vmem>>) target_semaphore(%run_scoped3A : memref<!tpu.dma_semaphore, #tpu.memory_space<semaphore_mem>>)
      %dma_wait3A_658 = arith.constant 7680 : i32
      %dma_wait3A_659 = tpu.memref_slice %arg3[%dma_wait3A_658] : memref<20480xi32, #tpu.memory_space<hbm>> -> memref<1280xi32, #tpu.memory_space<hbm>>
      %dma_wait3A_660 = arith.constant 7680 : i32
      %dma_wait3A_661 = tpu.memref_slice %arg3[%dma_wait3A_660] : memref<20480xi32, #tpu.memory_space<hbm>> -> memref<1280xi32, #tpu.memory_space<hbm>>
      tpu.wait_dma2 semaphore(%run_scoped3A : memref<!tpu.dma_semaphore, #tpu.memory_space<semaphore_mem>>) src(%dma_wait3A_661 : memref<1280xi32, #tpu.memory_space<hbm>>) dst(%arg5 : memref<1280xi32, #tpu.memory_space<vmem>>)
      tpu.yield
    }) : () -> ()
    %scan3A_500 = arith.constant 0 : i32
    %scan3A_501 = arith.constant 0 : i32
    %scan3A_502 = arith.constant 80 : i32
    %scan3A_503 = arith.addi %scan3A_501, %scan3A_502 : i32
    %scan3A_504 = arith.constant 1 : i32
    scf.for %scan3A_654 = %scan3A_501 to %scan3A_503 step %scan3A_504  : i32 {
      %mul3A_655 = arith.constant 16 : i32
      %mul3A_656 = arith.muli %scan3A_654, %mul3A_655 : i32
      %get3A_657 = arith.index_cast %mul3A_656 : i32 to index
      %get3A_658 = tpu.vector_load %arg5[%get3A_657] {strides = array<i32>} : memref<1280xi32, #tpu.memory_space<vmem>>, vector<16xi32>,
      %add3A_659 = arith.constant 7680 : i32
      %add3A_660 = vector.broadcast %add3A_659 : i32 to vector<16xi32>
      %add3A_661 = arith.addi %iota3A, %add3A_660 : vector<16xi32>
      %mul3A_662 = arith.constant 16 : i32
      %mul3A_663 = arith.muli %scan3A_654, %mul3A_662 : i32
      %add3A_664 = vector.broadcast %mul3A_663 : i32 to vector<16xi32>
      %add3A_665 = arith.addi %add3A_661, %add3A_664 : vector<16xi32>
      %shift_right_arithmetic3A = arith.constant 9 : i32
      %shift_right_arithmetic3A_666 = vector.broadcast %shift_right_arithmetic3A : i32 to vector<16xi32>
      %shift_right_arithmetic3A_667 = arith.shrsi %get3A_658, %shift_right_arithmetic3A_666 : vector<16xi32>
      %and3A_668 = arith.constant 31 : i32
      %and3A_669 = vector.broadcast %and3A_668 : i32 to vector<16xi32>
      %and3A_670 = arith.andi %shift_right_arithmetic3A_667, %and3A_669 : vector<16xi32>
      %eq3A_671 = vector.broadcast %add3A : i32 to vector<16xi32>
      %eq3A_672 = arith.cmpi eq, %and3A_670, %eq3A_671 : vector<16xi32>
      %all_reduce_population_count3A = tpu.all_reduce %eq3A_672 {dim = 0 : i64, kind = #tpu.reduction_kind<sum>} : vector<16xi1> -> vector<16xi32>
      %slice3A_673 = vector.extract_strided_slice %all_reduce_population_count3A {offsets = [0], sizes = [1], strides = [1]} : vector<16xi32> to vector<1xi32>
      %squeeze3A_674 = vector.extract %slice3A_673[0] : i32 from vector<1xi32>
      %shift_left3A = arith.constant 9 : i32
      %shift_left3A_675 = vector.broadcast %shift_left3A : i32 to vector<16xi32>
      %shift_left3A_676 = arith.shli %add3A_665, %shift_left3A_675 : vector<16xi32>
      %and3A_677 = arith.constant 511 : i32
      %and3A_678 = vector.broadcast %and3A_677 : i32 to vector<16xi32>
      %and3A_679 = arith.andi %get3A_658, %and3A_678 : vector<16xi32>
      %or3A = arith.ori %shift_left3A_676, %and3A_679 : vector<16xi32>
      %swap3A_680 = arith.constant 0 : index
      %swap3A_681 = tpu.vector_load %arg12[%swap3A_680] masked %eq3A_672 {strides = array<i32>} : memref<32xi32, #tpu.memory_space<vmem>>, vector<16xi32>, vector<16xi1>
      tpu.vector_store %arg12[%swap3A_680], %get3A_658 masked %eq3A_672 {strides = array<i32>} : memref<32xi32, #tpu.memory_space<vmem>>, vector<16xi32>, vector<16xi1>
      %swap3A_682 = arith.constant 0 : index
      %swap3A_683 = tpu.vector_load %arg13[%swap3A_682] masked %eq3A_672 {strides = array<i32>} : memref<32xi32, #tpu.memory_space<vmem>>, vector<16xi32>, vector<16xi1>
      tpu.vector_store %arg13[%swap3A_682], %or3A masked %eq3A_672 {strides = array<i32>} : memref<32xi32, #tpu.memory_space<vmem>>, vector<16xi32>, vector<16xi1>
      %while3A_684 = arith.constant 0 : i32
      %while3A_685 = arith.subi %squeeze3A_674, %while3A_684 : i32
      %while3A_686 = arith.addi %while3A_684, %while3A_685 : i32
      %while3A_687 = arith.constant 1 : i32
      %while3A_688 = arith.divsi %while3A_685, %while3A_687 : i32
      %while3A_689 = arith.muli %while3A_688, %while3A_687 : i32
      %while3A_690 = arith.addi %while3A_684, %while3A_689 : i32
      %while3A_691 = arith.constant 1 : i32
      scf.for %while3A_693 = %while3A_684 to %while3A_690 step %while3A_691  : i32 {
        %get3A_694 = arith.index_cast %while3A_693 : i32 to index
        %get3A_695 = tpu.vector_load %arg12[%get3A_694] {strides = array<i32>} : memref<32xi32, #tpu.memory_space<vmem>>, vector<16xi32>,
        %slice3A_696 = vector.extract_strided_slice %get3A_695 {offsets = [0], sizes = [1], strides = [1]} : vector<16xi32> to vector<1xi32>
        %squeeze3A_697 = vector.extract %slice3A_696[0] : i32 from vector<1xi32>
        %get3A_698 = arith.index_cast %while3A_693 : i32 to index
        %get3A_699 = tpu.vector_load %arg13[%get3A_698] {strides = array<i32>} : memref<32xi32, #tpu.memory_space<vmem>>, vector<16xi32>,
        %slice3A_700 = vector.extract_strided_slice %get3A_699 {offsets = [0], sizes = [1], strides = [1]} : vector<16xi32> to vector<1xi32>
        %squeeze3A_701 = vector.extract %slice3A_700[0] : i32 from vector<1xi32>
        %shift_right_arithmetic3A_702 = arith.constant 14 : i32
        %shift_right_arithmetic3A_703 = arith.shrsi %squeeze3A_697, %shift_right_arithmetic3A_702 : i32
        %get3A_704 = arith.index_cast %shift_right_arithmetic3A_703 : i32 to index
        %get3A_705 = memref.load %arg14[%get3A_704] : memref<64xi32, #tpu.memory_space<smem>>
        %add3A_706 = arith.constant 1 : i32
        %add3A_707 = arith.addi %get3A_705, %add3A_706 : i32
        %swap3A_708 = arith.index_cast %shift_right_arithmetic3A_703 : i32 to index
        %swap3A_709 = memref.load %arg14[%swap3A_708] : memref<64xi32, #tpu.memory_space<smem>>
        memref.store %add3A_707, %arg14[%swap3A_708] : memref<64xi32, #tpu.memory_space<smem>>
        %add3A_710 = vector.broadcast %get3A_705 : i32 to vector<16xi32>
        %add3A_711 = arith.addi %and3A_4, %add3A_710 : vector<16xi32>
        %add3A_712 = vector.broadcast %squeeze3A_701 : i32 to vector<16xi32>
        %add3A_713 = arith.addi %and3A_4, %add3A_712 : vector<16xi32>
        tpu.vector_store_idx %arg6[%add3A_711], %add3A_713 masked %eq3A_2 : memref<20496xi32, #tpu.memory_space<vmem>>[vector<16xi32>], vector<16xi32>, vector<16xi1>
      }
      %while3A_692 = arith.constant 1 : i32
      scf.for %while3A_693 = %while3A_690 to %while3A_686 step %while3A_692  : i32 {
        %get3A_694 = arith.index_cast %while3A_693 : i32 to index
        %get3A_695 = tpu.vector_load %arg12[%get3A_694] {strides = array<i32>} : memref<32xi32, #tpu.memory_space<vmem>>, vector<16xi32>,
        %slice3A_696 = vector.extract_strided_slice %get3A_695 {offsets = [0], sizes = [1], strides = [1]} : vector<16xi32> to vector<1xi32>
        %squeeze3A_697 = vector.extract %slice3A_696[0] : i32 from vector<1xi32>
        %get3A_698 = arith.index_cast %while3A_693 : i32 to index
        %get3A_699 = tpu.vector_load %arg13[%get3A_698] {strides = array<i32>} : memref<32xi32, #tpu.memory_space<vmem>>, vector<16xi32>,
        %slice3A_700 = vector.extract_strided_slice %get3A_699 {offsets = [0], sizes = [1], strides = [1]} : vector<16xi32> to vector<1xi32>
        %squeeze3A_701 = vector.extract %slice3A_700[0] : i32 from vector<1xi32>
        %shift_right_arithmetic3A_702 = arith.constant 14 : i32
        %shift_right_arithmetic3A_703 = arith.shrsi %squeeze3A_697, %shift_right_arithmetic3A_702 : i32
        %get3A_704 = arith.index_cast %shift_right_arithmetic3A_703 : i32 to index
        %get3A_705 = memref.load %arg14[%get3A_704] : memref<64xi32, #tpu.memory_space<smem>>
        %add3A_706 = arith.constant 1 : i32
        %add3A_707 = arith.addi %get3A_705, %add3A_706 : i32
        %swap3A_708 = arith.index_cast %shift_right_arithmetic3A_703 : i32 to index
        %swap3A_709 = memref.load %arg14[%swap3A_708] : memref<64xi32, #tpu.memory_space<smem>>
        memref.store %add3A_707, %arg14[%swap3A_708] : memref<64xi32, #tpu.memory_space<smem>>
        %add3A_710 = vector.broadcast %get3A_705 : i32 to vector<16xi32>
        %add3A_711 = arith.addi %and3A_4, %add3A_710 : vector<16xi32>
        %add3A_712 = vector.broadcast %squeeze3A_701 : i32 to vector<16xi32>
        %add3A_713 = arith.addi %and3A_4, %add3A_712 : vector<16xi32>
        tpu.vector_store_idx %arg6[%add3A_711], %add3A_713 masked %eq3A_2 : memref<20496xi32, #tpu.memory_space<vmem>>[vector<16xi32>], vector<16xi32>, vector<16xi1>
      }
    }
    %scan3A_505 = arith.constant 80 : i32
    "tpu.region"() ({
      %run_scoped3A = tpu.sem_alloc : memref<!tpu.dma_semaphore, #tpu.memory_space<semaphore_mem>>
      %dma_start3A_654 = arith.constant 8960 : i32
      %dma_start3A_655 = tpu.memref_slice %arg3[%dma_start3A_654] : memref<20480xi32, #tpu.memory_space<hbm>> -> memref<1280xi32, #tpu.memory_space<hbm>>
      %dma_start3A_656 = arith.constant 8960 : i32
      %dma_start3A_657 = tpu.memref_slice %arg3[%dma_start3A_656] : memref<20480xi32, #tpu.memory_space<hbm>> -> memref<1280xi32, #tpu.memory_space<hbm>>
      tpu.enqueue_dma source(%dma_start3A_657 : memref<1280xi32, #tpu.memory_space<hbm>>) target(%arg5 : memref<1280xi32, #tpu.memory_space<vmem>>) target_semaphore(%run_scoped3A : memref<!tpu.dma_semaphore, #tpu.memory_space<semaphore_mem>>)
      %dma_wait3A_658 = arith.constant 8960 : i32
      %dma_wait3A_659 = tpu.memref_slice %arg3[%dma_wait3A_658] : memref<20480xi32, #tpu.memory_space<hbm>> -> memref<1280xi32, #tpu.memory_space<hbm>>
      %dma_wait3A_660 = arith.constant 8960 : i32
      %dma_wait3A_661 = tpu.memref_slice %arg3[%dma_wait3A_660] : memref<20480xi32, #tpu.memory_space<hbm>> -> memref<1280xi32, #tpu.memory_space<hbm>>
      tpu.wait_dma2 semaphore(%run_scoped3A : memref<!tpu.dma_semaphore, #tpu.memory_space<semaphore_mem>>) src(%dma_wait3A_661 : memref<1280xi32, #tpu.memory_space<hbm>>) dst(%arg5 : memref<1280xi32, #tpu.memory_space<vmem>>)
      tpu.yield
    }) : () -> ()
    %scan3A_506 = arith.constant 0 : i32
    %scan3A_507 = arith.constant 0 : i32
    %scan3A_508 = arith.constant 80 : i32
    %scan3A_509 = arith.addi %scan3A_507, %scan3A_508 : i32
    %scan3A_510 = arith.constant 1 : i32
    scf.for %scan3A_654 = %scan3A_507 to %scan3A_509 step %scan3A_510  : i32 {
      %mul3A_655 = arith.constant 16 : i32
      %mul3A_656 = arith.muli %scan3A_654, %mul3A_655 : i32
      %get3A_657 = arith.index_cast %mul3A_656 : i32 to index
      %get3A_658 = tpu.vector_load %arg5[%get3A_657] {strides = array<i32>} : memref<1280xi32, #tpu.memory_space<vmem>>, vector<16xi32>,
      %add3A_659 = arith.constant 8960 : i32
      %add3A_660 = vector.broadcast %add3A_659 : i32 to vector<16xi32>
      %add3A_661 = arith.addi %iota3A, %add3A_660 : vector<16xi32>
      %mul3A_662 = arith.constant 16 : i32
      %mul3A_663 = arith.muli %scan3A_654, %mul3A_662 : i32
      %add3A_664 = vector.broadcast %mul3A_663 : i32 to vector<16xi32>
      %add3A_665 = arith.addi %add3A_661, %add3A_664 : vector<16xi32>
      %shift_right_arithmetic3A = arith.constant 9 : i32
      %shift_right_arithmetic3A_666 = vector.broadcast %shift_right_arithmetic3A : i32 to vector<16xi32>
      %shift_right_arithmetic3A_667 = arith.shrsi %get3A_658, %shift_right_arithmetic3A_666 : vector<16xi32>
      %and3A_668 = arith.constant 31 : i32
      %and3A_669 = vector.broadcast %and3A_668 : i32 to vector<16xi32>
      %and3A_670 = arith.andi %shift_right_arithmetic3A_667, %and3A_669 : vector<16xi32>
      %eq3A_671 = vector.broadcast %add3A : i32 to vector<16xi32>
      %eq3A_672 = arith.cmpi eq, %and3A_670, %eq3A_671 : vector<16xi32>
      %all_reduce_population_count3A = tpu.all_reduce %eq3A_672 {dim = 0 : i64, kind = #tpu.reduction_kind<sum>} : vector<16xi1> -> vector<16xi32>
      %slice3A_673 = vector.extract_strided_slice %all_reduce_population_count3A {offsets = [0], sizes = [1], strides = [1]} : vector<16xi32> to vector<1xi32>
      %squeeze3A_674 = vector.extract %slice3A_673[0] : i32 from vector<1xi32>
      %shift_left3A = arith.constant 9 : i32
      %shift_left3A_675 = vector.broadcast %shift_left3A : i32 to vector<16xi32>
      %shift_left3A_676 = arith.shli %add3A_665, %shift_left3A_675 : vector<16xi32>
      %and3A_677 = arith.constant 511 : i32
      %and3A_678 = vector.broadcast %and3A_677 : i32 to vector<16xi32>
      %and3A_679 = arith.andi %get3A_658, %and3A_678 : vector<16xi32>
      %or3A = arith.ori %shift_left3A_676, %and3A_679 : vector<16xi32>
      %swap3A_680 = arith.constant 0 : index
      %swap3A_681 = tpu.vector_load %arg12[%swap3A_680] masked %eq3A_672 {strides = array<i32>} : memref<32xi32, #tpu.memory_space<vmem>>, vector<16xi32>, vector<16xi1>
      tpu.vector_store %arg12[%swap3A_680], %get3A_658 masked %eq3A_672 {strides = array<i32>} : memref<32xi32, #tpu.memory_space<vmem>>, vector<16xi32>, vector<16xi1>
      %swap3A_682 = arith.constant 0 : index
      %swap3A_683 = tpu.vector_load %arg13[%swap3A_682] masked %eq3A_672 {strides = array<i32>} : memref<32xi32, #tpu.memory_space<vmem>>, vector<16xi32>, vector<16xi1>
      tpu.vector_store %arg13[%swap3A_682], %or3A masked %eq3A_672 {strides = array<i32>} : memref<32xi32, #tpu.memory_space<vmem>>, vector<16xi32>, vector<16xi1>
      %while3A_684 = arith.constant 0 : i32
      %while3A_685 = arith.subi %squeeze3A_674, %while3A_684 : i32
      %while3A_686 = arith.addi %while3A_684, %while3A_685 : i32
      %while3A_687 = arith.constant 1 : i32
      %while3A_688 = arith.divsi %while3A_685, %while3A_687 : i32
      %while3A_689 = arith.muli %while3A_688, %while3A_687 : i32
      %while3A_690 = arith.addi %while3A_684, %while3A_689 : i32
      %while3A_691 = arith.constant 1 : i32
      scf.for %while3A_693 = %while3A_684 to %while3A_690 step %while3A_691  : i32 {
        %get3A_694 = arith.index_cast %while3A_693 : i32 to index
        %get3A_695 = tpu.vector_load %arg12[%get3A_694] {strides = array<i32>} : memref<32xi32, #tpu.memory_space<vmem>>, vector<16xi32>,
        %slice3A_696 = vector.extract_strided_slice %get3A_695 {offsets = [0], sizes = [1], strides = [1]} : vector<16xi32> to vector<1xi32>
        %squeeze3A_697 = vector.extract %slice3A_696[0] : i32 from vector<1xi32>
        %get3A_698 = arith.index_cast %while3A_693 : i32 to index
        %get3A_699 = tpu.vector_load %arg13[%get3A_698] {strides = array<i32>} : memref<32xi32, #tpu.memory_space<vmem>>, vector<16xi32>,
        %slice3A_700 = vector.extract_strided_slice %get3A_699 {offsets = [0], sizes = [1], strides = [1]} : vector<16xi32> to vector<1xi32>
        %squeeze3A_701 = vector.extract %slice3A_700[0] : i32 from vector<1xi32>
        %shift_right_arithmetic3A_702 = arith.constant 14 : i32
        %shift_right_arithmetic3A_703 = arith.shrsi %squeeze3A_697, %shift_right_arithmetic3A_702 : i32
        %get3A_704 = arith.index_cast %shift_right_arithmetic3A_703 : i32 to index
        %get3A_705 = memref.load %arg14[%get3A_704] : memref<64xi32, #tpu.memory_space<smem>>
        %add3A_706 = arith.constant 1 : i32
        %add3A_707 = arith.addi %get3A_705, %add3A_706 : i32
        %swap3A_708 = arith.index_cast %shift_right_arithmetic3A_703 : i32 to index
        %swap3A_709 = memref.load %arg14[%swap3A_708] : memref<64xi32, #tpu.memory_space<smem>>
        memref.store %add3A_707, %arg14[%swap3A_708] : memref<64xi32, #tpu.memory_space<smem>>
        %add3A_710 = vector.broadcast %get3A_705 : i32 to vector<16xi32>
        %add3A_711 = arith.addi %and3A_4, %add3A_710 : vector<16xi32>
        %add3A_712 = vector.broadcast %squeeze3A_701 : i32 to vector<16xi32>
        %add3A_713 = arith.addi %and3A_4, %add3A_712 : vector<16xi32>
        tpu.vector_store_idx %arg6[%add3A_711], %add3A_713 masked %eq3A_2 : memref<20496xi32, #tpu.memory_space<vmem>>[vector<16xi32>], vector<16xi32>, vector<16xi1>
      }
      %while3A_692 = arith.constant 1 : i32
      scf.for %while3A_693 = %while3A_690 to %while3A_686 step %while3A_692  : i32 {
        %get3A_694 = arith.index_cast %while3A_693 : i32 to index
        %get3A_695 = tpu.vector_load %arg12[%get3A_694] {strides = array<i32>} : memref<32xi32, #tpu.memory_space<vmem>>, vector<16xi32>,
        %slice3A_696 = vector.extract_strided_slice %get3A_695 {offsets = [0], sizes = [1], strides = [1]} : vector<16xi32> to vector<1xi32>
        %squeeze3A_697 = vector.extract %slice3A_696[0] : i32 from vector<1xi32>
        %get3A_698 = arith.index_cast %while3A_693 : i32 to index
        %get3A_699 = tpu.vector_load %arg13[%get3A_698] {strides = array<i32>} : memref<32xi32, #tpu.memory_space<vmem>>, vector<16xi32>,
        %slice3A_700 = vector.extract_strided_slice %get3A_699 {offsets = [0], sizes = [1], strides = [1]} : vector<16xi32> to vector<1xi32>
        %squeeze3A_701 = vector.extract %slice3A_700[0] : i32 from vector<1xi32>
        %shift_right_arithmetic3A_702 = arith.constant 14 : i32
        %shift_right_arithmetic3A_703 = arith.shrsi %squeeze3A_697, %shift_right_arithmetic3A_702 : i32
        %get3A_704 = arith.index_cast %shift_right_arithmetic3A_703 : i32 to index
        %get3A_705 = memref.load %arg14[%get3A_704] : memref<64xi32, #tpu.memory_space<smem>>
        %add3A_706 = arith.constant 1 : i32
        %add3A_707 = arith.addi %get3A_705, %add3A_706 : i32
        %swap3A_708 = arith.index_cast %shift_right_arithmetic3A_703 : i32 to index
        %swap3A_709 = memref.load %arg14[%swap3A_708] : memref<64xi32, #tpu.memory_space<smem>>
        memref.store %add3A_707, %arg14[%swap3A_708] : memref<64xi32, #tpu.memory_space<smem>>
        %add3A_710 = vector.broadcast %get3A_705 : i32 to vector<16xi32>
        %add3A_711 = arith.addi %and3A_4, %add3A_710 : vector<16xi32>
        %add3A_712 = vector.broadcast %squeeze3A_701 : i32 to vector<16xi32>
        %add3A_713 = arith.addi %and3A_4, %add3A_712 : vector<16xi32>
        tpu.vector_store_idx %arg6[%add3A_711], %add3A_713 masked %eq3A_2 : memref<20496xi32, #tpu.memory_space<vmem>>[vector<16xi32>], vector<16xi32>, vector<16xi1>
      }
    }
    %scan3A_511 = arith.constant 80 : i32
    "tpu.region"() ({
      %run_scoped3A = tpu.sem_alloc : memref<!tpu.dma_semaphore, #tpu.memory_space<semaphore_mem>>
      %dma_start3A_654 = arith.constant 10240 : i32
      %dma_start3A_655 = tpu.memref_slice %arg3[%dma_start3A_654] : memref<20480xi32, #tpu.memory_space<hbm>> -> memref<1280xi32, #tpu.memory_space<hbm>>
      %dma_start3A_656 = arith.constant 10240 : i32
      %dma_start3A_657 = tpu.memref_slice %arg3[%dma_start3A_656] : memref<20480xi32, #tpu.memory_space<hbm>> -> memref<1280xi32, #tpu.memory_space<hbm>>
      tpu.enqueue_dma source(%dma_start3A_657 : memref<1280xi32, #tpu.memory_space<hbm>>) target(%arg5 : memref<1280xi32, #tpu.memory_space<vmem>>) target_semaphore(%run_scoped3A : memref<!tpu.dma_semaphore, #tpu.memory_space<semaphore_mem>>)
      %dma_wait3A_658 = arith.constant 10240 : i32
      %dma_wait3A_659 = tpu.memref_slice %arg3[%dma_wait3A_658] : memref<20480xi32, #tpu.memory_space<hbm>> -> memref<1280xi32, #tpu.memory_space<hbm>>
      %dma_wait3A_660 = arith.constant 10240 : i32
      %dma_wait3A_661 = tpu.memref_slice %arg3[%dma_wait3A_660] : memref<20480xi32, #tpu.memory_space<hbm>> -> memref<1280xi32, #tpu.memory_space<hbm>>
      tpu.wait_dma2 semaphore(%run_scoped3A : memref<!tpu.dma_semaphore, #tpu.memory_space<semaphore_mem>>) src(%dma_wait3A_661 : memref<1280xi32, #tpu.memory_space<hbm>>) dst(%arg5 : memref<1280xi32, #tpu.memory_space<vmem>>)
      tpu.yield
    }) : () -> ()
    %scan3A_512 = arith.constant 0 : i32
    %scan3A_513 = arith.constant 0 : i32
    %scan3A_514 = arith.constant 80 : i32
    %scan3A_515 = arith.addi %scan3A_513, %scan3A_514 : i32
    %scan3A_516 = arith.constant 1 : i32
    scf.for %scan3A_654 = %scan3A_513 to %scan3A_515 step %scan3A_516  : i32 {
      %mul3A_655 = arith.constant 16 : i32
      %mul3A_656 = arith.muli %scan3A_654, %mul3A_655 : i32
      %get3A_657 = arith.index_cast %mul3A_656 : i32 to index
      %get3A_658 = tpu.vector_load %arg5[%get3A_657] {strides = array<i32>} : memref<1280xi32, #tpu.memory_space<vmem>>, vector<16xi32>,
      %add3A_659 = arith.constant 10240 : i32
      %add3A_660 = vector.broadcast %add3A_659 : i32 to vector<16xi32>
      %add3A_661 = arith.addi %iota3A, %add3A_660 : vector<16xi32>
      %mul3A_662 = arith.constant 16 : i32
      %mul3A_663 = arith.muli %scan3A_654, %mul3A_662 : i32
      %add3A_664 = vector.broadcast %mul3A_663 : i32 to vector<16xi32>
      %add3A_665 = arith.addi %add3A_661, %add3A_664 : vector<16xi32>
      %shift_right_arithmetic3A = arith.constant 9 : i32
      %shift_right_arithmetic3A_666 = vector.broadcast %shift_right_arithmetic3A : i32 to vector<16xi32>
      %shift_right_arithmetic3A_667 = arith.shrsi %get3A_658, %shift_right_arithmetic3A_666 : vector<16xi32>
      %and3A_668 = arith.constant 31 : i32
      %and3A_669 = vector.broadcast %and3A_668 : i32 to vector<16xi32>
      %and3A_670 = arith.andi %shift_right_arithmetic3A_667, %and3A_669 : vector<16xi32>
      %eq3A_671 = vector.broadcast %add3A : i32 to vector<16xi32>
      %eq3A_672 = arith.cmpi eq, %and3A_670, %eq3A_671 : vector<16xi32>
      %all_reduce_population_count3A = tpu.all_reduce %eq3A_672 {dim = 0 : i64, kind = #tpu.reduction_kind<sum>} : vector<16xi1> -> vector<16xi32>
      %slice3A_673 = vector.extract_strided_slice %all_reduce_population_count3A {offsets = [0], sizes = [1], strides = [1]} : vector<16xi32> to vector<1xi32>
      %squeeze3A_674 = vector.extract %slice3A_673[0] : i32 from vector<1xi32>
      %shift_left3A = arith.constant 9 : i32
      %shift_left3A_675 = vector.broadcast %shift_left3A : i32 to vector<16xi32>
      %shift_left3A_676 = arith.shli %add3A_665, %shift_left3A_675 : vector<16xi32>
      %and3A_677 = arith.constant 511 : i32
      %and3A_678 = vector.broadcast %and3A_677 : i32 to vector<16xi32>
      %and3A_679 = arith.andi %get3A_658, %and3A_678 : vector<16xi32>
      %or3A = arith.ori %shift_left3A_676, %and3A_679 : vector<16xi32>
      %swap3A_680 = arith.constant 0 : index
      %swap3A_681 = tpu.vector_load %arg12[%swap3A_680] masked %eq3A_672 {strides = array<i32>} : memref<32xi32, #tpu.memory_space<vmem>>, vector<16xi32>, vector<16xi1>
      tpu.vector_store %arg12[%swap3A_680], %get3A_658 masked %eq3A_672 {strides = array<i32>} : memref<32xi32, #tpu.memory_space<vmem>>, vector<16xi32>, vector<16xi1>
      %swap3A_682 = arith.constant 0 : index
      %swap3A_683 = tpu.vector_load %arg13[%swap3A_682] masked %eq3A_672 {strides = array<i32>} : memref<32xi32, #tpu.memory_space<vmem>>, vector<16xi32>, vector<16xi1>
      tpu.vector_store %arg13[%swap3A_682], %or3A masked %eq3A_672 {strides = array<i32>} : memref<32xi32, #tpu.memory_space<vmem>>, vector<16xi32>, vector<16xi1>
      %while3A_684 = arith.constant 0 : i32
      %while3A_685 = arith.subi %squeeze3A_674, %while3A_684 : i32
      %while3A_686 = arith.addi %while3A_684, %while3A_685 : i32
      %while3A_687 = arith.constant 1 : i32
      %while3A_688 = arith.divsi %while3A_685, %while3A_687 : i32
      %while3A_689 = arith.muli %while3A_688, %while3A_687 : i32
      %while3A_690 = arith.addi %while3A_684, %while3A_689 : i32
      %while3A_691 = arith.constant 1 : i32
      scf.for %while3A_693 = %while3A_684 to %while3A_690 step %while3A_691  : i32 {
        %get3A_694 = arith.index_cast %while3A_693 : i32 to index
        %get3A_695 = tpu.vector_load %arg12[%get3A_694] {strides = array<i32>} : memref<32xi32, #tpu.memory_space<vmem>>, vector<16xi32>,
        %slice3A_696 = vector.extract_strided_slice %get3A_695 {offsets = [0], sizes = [1], strides = [1]} : vector<16xi32> to vector<1xi32>
        %squeeze3A_697 = vector.extract %slice3A_696[0] : i32 from vector<1xi32>
        %get3A_698 = arith.index_cast %while3A_693 : i32 to index
        %get3A_699 = tpu.vector_load %arg13[%get3A_698] {strides = array<i32>} : memref<32xi32, #tpu.memory_space<vmem>>, vector<16xi32>,
        %slice3A_700 = vector.extract_strided_slice %get3A_699 {offsets = [0], sizes = [1], strides = [1]} : vector<16xi32> to vector<1xi32>
        %squeeze3A_701 = vector.extract %slice3A_700[0] : i32 from vector<1xi32>
        %shift_right_arithmetic3A_702 = arith.constant 14 : i32
        %shift_right_arithmetic3A_703 = arith.shrsi %squeeze3A_697, %shift_right_arithmetic3A_702 : i32
        %get3A_704 = arith.index_cast %shift_right_arithmetic3A_703 : i32 to index
        %get3A_705 = memref.load %arg14[%get3A_704] : memref<64xi32, #tpu.memory_space<smem>>
        %add3A_706 = arith.constant 1 : i32
        %add3A_707 = arith.addi %get3A_705, %add3A_706 : i32
        %swap3A_708 = arith.index_cast %shift_right_arithmetic3A_703 : i32 to index
        %swap3A_709 = memref.load %arg14[%swap3A_708] : memref<64xi32, #tpu.memory_space<smem>>
        memref.store %add3A_707, %arg14[%swap3A_708] : memref<64xi32, #tpu.memory_space<smem>>
        %add3A_710 = vector.broadcast %get3A_705 : i32 to vector<16xi32>
        %add3A_711 = arith.addi %and3A_4, %add3A_710 : vector<16xi32>
        %add3A_712 = vector.broadcast %squeeze3A_701 : i32 to vector<16xi32>
        %add3A_713 = arith.addi %and3A_4, %add3A_712 : vector<16xi32>
        tpu.vector_store_idx %arg6[%add3A_711], %add3A_713 masked %eq3A_2 : memref<20496xi32, #tpu.memory_space<vmem>>[vector<16xi32>], vector<16xi32>, vector<16xi1>
      }
      %while3A_692 = arith.constant 1 : i32
      scf.for %while3A_693 = %while3A_690 to %while3A_686 step %while3A_692  : i32 {
        %get3A_694 = arith.index_cast %while3A_693 : i32 to index
        %get3A_695 = tpu.vector_load %arg12[%get3A_694] {strides = array<i32>} : memref<32xi32, #tpu.memory_space<vmem>>, vector<16xi32>,
        %slice3A_696 = vector.extract_strided_slice %get3A_695 {offsets = [0], sizes = [1], strides = [1]} : vector<16xi32> to vector<1xi32>
        %squeeze3A_697 = vector.extract %slice3A_696[0] : i32 from vector<1xi32>
        %get3A_698 = arith.index_cast %while3A_693 : i32 to index
        %get3A_699 = tpu.vector_load %arg13[%get3A_698] {strides = array<i32>} : memref<32xi32, #tpu.memory_space<vmem>>, vector<16xi32>,
        %slice3A_700 = vector.extract_strided_slice %get3A_699 {offsets = [0], sizes = [1], strides = [1]} : vector<16xi32> to vector<1xi32>
        %squeeze3A_701 = vector.extract %slice3A_700[0] : i32 from vector<1xi32>
        %shift_right_arithmetic3A_702 = arith.constant 14 : i32
        %shift_right_arithmetic3A_703 = arith.shrsi %squeeze3A_697, %shift_right_arithmetic3A_702 : i32
        %get3A_704 = arith.index_cast %shift_right_arithmetic3A_703 : i32 to index
        %get3A_705 = memref.load %arg14[%get3A_704] : memref<64xi32, #tpu.memory_space<smem>>
        %add3A_706 = arith.constant 1 : i32
        %add3A_707 = arith.addi %get3A_705, %add3A_706 : i32
        %swap3A_708 = arith.index_cast %shift_right_arithmetic3A_703 : i32 to index
        %swap3A_709 = memref.load %arg14[%swap3A_708] : memref<64xi32, #tpu.memory_space<smem>>
        memref.store %add3A_707, %arg14[%swap3A_708] : memref<64xi32, #tpu.memory_space<smem>>
        %add3A_710 = vector.broadcast %get3A_705 : i32 to vector<16xi32>
        %add3A_711 = arith.addi %and3A_4, %add3A_710 : vector<16xi32>
        %add3A_712 = vector.broadcast %squeeze3A_701 : i32 to vector<16xi32>
        %add3A_713 = arith.addi %and3A_4, %add3A_712 : vector<16xi32>
        tpu.vector_store_idx %arg6[%add3A_711], %add3A_713 masked %eq3A_2 : memref<20496xi32, #tpu.memory_space<vmem>>[vector<16xi32>], vector<16xi32>, vector<16xi1>
      }
    }
    %scan3A_517 = arith.constant 80 : i32
    "tpu.region"() ({
      %run_scoped3A = tpu.sem_alloc : memref<!tpu.dma_semaphore, #tpu.memory_space<semaphore_mem>>
      %dma_start3A_654 = arith.constant 11520 : i32
      %dma_start3A_655 = tpu.memref_slice %arg3[%dma_start3A_654] : memref<20480xi32, #tpu.memory_space<hbm>> -> memref<1280xi32, #tpu.memory_space<hbm>>
      %dma_start3A_656 = arith.constant 11520 : i32
      %dma_start3A_657 = tpu.memref_slice %arg3[%dma_start3A_656] : memref<20480xi32, #tpu.memory_space<hbm>> -> memref<1280xi32, #tpu.memory_space<hbm>>
      tpu.enqueue_dma source(%dma_start3A_657 : memref<1280xi32, #tpu.memory_space<hbm>>) target(%arg5 : memref<1280xi32, #tpu.memory_space<vmem>>) target_semaphore(%run_scoped3A : memref<!tpu.dma_semaphore, #tpu.memory_space<semaphore_mem>>)
      %dma_wait3A_658 = arith.constant 11520 : i32
      %dma_wait3A_659 = tpu.memref_slice %arg3[%dma_wait3A_658] : memref<20480xi32, #tpu.memory_space<hbm>> -> memref<1280xi32, #tpu.memory_space<hbm>>
      %dma_wait3A_660 = arith.constant 11520 : i32
      %dma_wait3A_661 = tpu.memref_slice %arg3[%dma_wait3A_660] : memref<20480xi32, #tpu.memory_space<hbm>> -> memref<1280xi32, #tpu.memory_space<hbm>>
      tpu.wait_dma2 semaphore(%run_scoped3A : memref<!tpu.dma_semaphore, #tpu.memory_space<semaphore_mem>>) src(%dma_wait3A_661 : memref<1280xi32, #tpu.memory_space<hbm>>) dst(%arg5 : memref<1280xi32, #tpu.memory_space<vmem>>)
      tpu.yield
    }) : () -> ()
    %scan3A_518 = arith.constant 0 : i32
    %scan3A_519 = arith.constant 0 : i32
    %scan3A_520 = arith.constant 80 : i32
    %scan3A_521 = arith.addi %scan3A_519, %scan3A_520 : i32
    %scan3A_522 = arith.constant 1 : i32
    scf.for %scan3A_654 = %scan3A_519 to %scan3A_521 step %scan3A_522  : i32 {
      %mul3A_655 = arith.constant 16 : i32
      %mul3A_656 = arith.muli %scan3A_654, %mul3A_655 : i32
      %get3A_657 = arith.index_cast %mul3A_656 : i32 to index
      %get3A_658 = tpu.vector_load %arg5[%get3A_657] {strides = array<i32>} : memref<1280xi32, #tpu.memory_space<vmem>>, vector<16xi32>,
      %add3A_659 = arith.constant 11520 : i32
      %add3A_660 = vector.broadcast %add3A_659 : i32 to vector<16xi32>
      %add3A_661 = arith.addi %iota3A, %add3A_660 : vector<16xi32>
      %mul3A_662 = arith.constant 16 : i32
      %mul3A_663 = arith.muli %scan3A_654, %mul3A_662 : i32
      %add3A_664 = vector.broadcast %mul3A_663 : i32 to vector<16xi32>
      %add3A_665 = arith.addi %add3A_661, %add3A_664 : vector<16xi32>
      %shift_right_arithmetic3A = arith.constant 9 : i32
      %shift_right_arithmetic3A_666 = vector.broadcast %shift_right_arithmetic3A : i32 to vector<16xi32>
      %shift_right_arithmetic3A_667 = arith.shrsi %get3A_658, %shift_right_arithmetic3A_666 : vector<16xi32>
      %and3A_668 = arith.constant 31 : i32
      %and3A_669 = vector.broadcast %and3A_668 : i32 to vector<16xi32>
      %and3A_670 = arith.andi %shift_right_arithmetic3A_667, %and3A_669 : vector<16xi32>
      %eq3A_671 = vector.broadcast %add3A : i32 to vector<16xi32>
      %eq3A_672 = arith.cmpi eq, %and3A_670, %eq3A_671 : vector<16xi32>
      %all_reduce_population_count3A = tpu.all_reduce %eq3A_672 {dim = 0 : i64, kind = #tpu.reduction_kind<sum>} : vector<16xi1> -> vector<16xi32>
      %slice3A_673 = vector.extract_strided_slice %all_reduce_population_count3A {offsets = [0], sizes = [1], strides = [1]} : vector<16xi32> to vector<1xi32>
      %squeeze3A_674 = vector.extract %slice3A_673[0] : i32 from vector<1xi32>
      %shift_left3A = arith.constant 9 : i32
      %shift_left3A_675 = vector.broadcast %shift_left3A : i32 to vector<16xi32>
      %shift_left3A_676 = arith.shli %add3A_665, %shift_left3A_675 : vector<16xi32>
      %and3A_677 = arith.constant 511 : i32
      %and3A_678 = vector.broadcast %and3A_677 : i32 to vector<16xi32>
      %and3A_679 = arith.andi %get3A_658, %and3A_678 : vector<16xi32>
      %or3A = arith.ori %shift_left3A_676, %and3A_679 : vector<16xi32>
      %swap3A_680 = arith.constant 0 : index
      %swap3A_681 = tpu.vector_load %arg12[%swap3A_680] masked %eq3A_672 {strides = array<i32>} : memref<32xi32, #tpu.memory_space<vmem>>, vector<16xi32>, vector<16xi1>
      tpu.vector_store %arg12[%swap3A_680], %get3A_658 masked %eq3A_672 {strides = array<i32>} : memref<32xi32, #tpu.memory_space<vmem>>, vector<16xi32>, vector<16xi1>
      %swap3A_682 = arith.constant 0 : index
      %swap3A_683 = tpu.vector_load %arg13[%swap3A_682] masked %eq3A_672 {strides = array<i32>} : memref<32xi32, #tpu.memory_space<vmem>>, vector<16xi32>, vector<16xi1>
      tpu.vector_store %arg13[%swap3A_682], %or3A masked %eq3A_672 {strides = array<i32>} : memref<32xi32, #tpu.memory_space<vmem>>, vector<16xi32>, vector<16xi1>
      %while3A_684 = arith.constant 0 : i32
      %while3A_685 = arith.subi %squeeze3A_674, %while3A_684 : i32
      %while3A_686 = arith.addi %while3A_684, %while3A_685 : i32
      %while3A_687 = arith.constant 1 : i32
      %while3A_688 = arith.divsi %while3A_685, %while3A_687 : i32
      %while3A_689 = arith.muli %while3A_688, %while3A_687 : i32
      %while3A_690 = arith.addi %while3A_684, %while3A_689 : i32
      %while3A_691 = arith.constant 1 : i32
      scf.for %while3A_693 = %while3A_684 to %while3A_690 step %while3A_691  : i32 {
        %get3A_694 = arith.index_cast %while3A_693 : i32 to index
        %get3A_695 = tpu.vector_load %arg12[%get3A_694] {strides = array<i32>} : memref<32xi32, #tpu.memory_space<vmem>>, vector<16xi32>,
        %slice3A_696 = vector.extract_strided_slice %get3A_695 {offsets = [0], sizes = [1], strides = [1]} : vector<16xi32> to vector<1xi32>
        %squeeze3A_697 = vector.extract %slice3A_696[0] : i32 from vector<1xi32>
        %get3A_698 = arith.index_cast %while3A_693 : i32 to index
        %get3A_699 = tpu.vector_load %arg13[%get3A_698] {strides = array<i32>} : memref<32xi32, #tpu.memory_space<vmem>>, vector<16xi32>,
        %slice3A_700 = vector.extract_strided_slice %get3A_699 {offsets = [0], sizes = [1], strides = [1]} : vector<16xi32> to vector<1xi32>
        %squeeze3A_701 = vector.extract %slice3A_700[0] : i32 from vector<1xi32>
        %shift_right_arithmetic3A_702 = arith.constant 14 : i32
        %shift_right_arithmetic3A_703 = arith.shrsi %squeeze3A_697, %shift_right_arithmetic3A_702 : i32
        %get3A_704 = arith.index_cast %shift_right_arithmetic3A_703 : i32 to index
        %get3A_705 = memref.load %arg14[%get3A_704] : memref<64xi32, #tpu.memory_space<smem>>
        %add3A_706 = arith.constant 1 : i32
        %add3A_707 = arith.addi %get3A_705, %add3A_706 : i32
        %swap3A_708 = arith.index_cast %shift_right_arithmetic3A_703 : i32 to index
        %swap3A_709 = memref.load %arg14[%swap3A_708] : memref<64xi32, #tpu.memory_space<smem>>
        memref.store %add3A_707, %arg14[%swap3A_708] : memref<64xi32, #tpu.memory_space<smem>>
        %add3A_710 = vector.broadcast %get3A_705 : i32 to vector<16xi32>
        %add3A_711 = arith.addi %and3A_4, %add3A_710 : vector<16xi32>
        %add3A_712 = vector.broadcast %squeeze3A_701 : i32 to vector<16xi32>
        %add3A_713 = arith.addi %and3A_4, %add3A_712 : vector<16xi32>
        tpu.vector_store_idx %arg6[%add3A_711], %add3A_713 masked %eq3A_2 : memref<20496xi32, #tpu.memory_space<vmem>>[vector<16xi32>], vector<16xi32>, vector<16xi1>
      }
      %while3A_692 = arith.constant 1 : i32
      scf.for %while3A_693 = %while3A_690 to %while3A_686 step %while3A_692  : i32 {
        %get3A_694 = arith.index_cast %while3A_693 : i32 to index
        %get3A_695 = tpu.vector_load %arg12[%get3A_694] {strides = array<i32>} : memref<32xi32, #tpu.memory_space<vmem>>, vector<16xi32>,
        %slice3A_696 = vector.extract_strided_slice %get3A_695 {offsets = [0], sizes = [1], strides = [1]} : vector<16xi32> to vector<1xi32>
        %squeeze3A_697 = vector.extract %slice3A_696[0] : i32 from vector<1xi32>
        %get3A_698 = arith.index_cast %while3A_693 : i32 to index
        %get3A_699 = tpu.vector_load %arg13[%get3A_698] {strides = array<i32>} : memref<32xi32, #tpu.memory_space<vmem>>, vector<16xi32>,
        %slice3A_700 = vector.extract_strided_slice %get3A_699 {offsets = [0], sizes = [1], strides = [1]} : vector<16xi32> to vector<1xi32>
        %squeeze3A_701 = vector.extract %slice3A_700[0] : i32 from vector<1xi32>
        %shift_right_arithmetic3A_702 = arith.constant 14 : i32
        %shift_right_arithmetic3A_703 = arith.shrsi %squeeze3A_697, %shift_right_arithmetic3A_702 : i32
        %get3A_704 = arith.index_cast %shift_right_arithmetic3A_703 : i32 to index
        %get3A_705 = memref.load %arg14[%get3A_704] : memref<64xi32, #tpu.memory_space<smem>>
        %add3A_706 = arith.constant 1 : i32
        %add3A_707 = arith.addi %get3A_705, %add3A_706 : i32
        %swap3A_708 = arith.index_cast %shift_right_arithmetic3A_703 : i32 to index
        %swap3A_709 = memref.load %arg14[%swap3A_708] : memref<64xi32, #tpu.memory_space<smem>>
        memref.store %add3A_707, %arg14[%swap3A_708] : memref<64xi32, #tpu.memory_space<smem>>
        %add3A_710 = vector.broadcast %get3A_705 : i32 to vector<16xi32>
        %add3A_711 = arith.addi %and3A_4, %add3A_710 : vector<16xi32>
        %add3A_712 = vector.broadcast %squeeze3A_701 : i32 to vector<16xi32>
        %add3A_713 = arith.addi %and3A_4, %add3A_712 : vector<16xi32>
        tpu.vector_store_idx %arg6[%add3A_711], %add3A_713 masked %eq3A_2 : memref<20496xi32, #tpu.memory_space<vmem>>[vector<16xi32>], vector<16xi32>, vector<16xi1>
      }
    }
    %scan3A_523 = arith.constant 80 : i32
    "tpu.region"() ({
      %run_scoped3A = tpu.sem_alloc : memref<!tpu.dma_semaphore, #tpu.memory_space<semaphore_mem>>
      %dma_start3A_654 = arith.constant 12800 : i32
      %dma_start3A_655 = tpu.memref_slice %arg3[%dma_start3A_654] : memref<20480xi32, #tpu.memory_space<hbm>> -> memref<1280xi32, #tpu.memory_space<hbm>>
      %dma_start3A_656 = arith.constant 12800 : i32
      %dma_start3A_657 = tpu.memref_slice %arg3[%dma_start3A_656] : memref<20480xi32, #tpu.memory_space<hbm>> -> memref<1280xi32, #tpu.memory_space<hbm>>
      tpu.enqueue_dma source(%dma_start3A_657 : memref<1280xi32, #tpu.memory_space<hbm>>) target(%arg5 : memref<1280xi32, #tpu.memory_space<vmem>>) target_semaphore(%run_scoped3A : memref<!tpu.dma_semaphore, #tpu.memory_space<semaphore_mem>>)
      %dma_wait3A_658 = arith.constant 12800 : i32
      %dma_wait3A_659 = tpu.memref_slice %arg3[%dma_wait3A_658] : memref<20480xi32, #tpu.memory_space<hbm>> -> memref<1280xi32, #tpu.memory_space<hbm>>
      %dma_wait3A_660 = arith.constant 12800 : i32
      %dma_wait3A_661 = tpu.memref_slice %arg3[%dma_wait3A_660] : memref<20480xi32, #tpu.memory_space<hbm>> -> memref<1280xi32, #tpu.memory_space<hbm>>
      tpu.wait_dma2 semaphore(%run_scoped3A : memref<!tpu.dma_semaphore, #tpu.memory_space<semaphore_mem>>) src(%dma_wait3A_661 : memref<1280xi32, #tpu.memory_space<hbm>>) dst(%arg5 : memref<1280xi32, #tpu.memory_space<vmem>>)
      tpu.yield
    }) : () -> ()
    %scan3A_524 = arith.constant 0 : i32
    %scan3A_525 = arith.constant 0 : i32
    %scan3A_526 = arith.constant 80 : i32
    %scan3A_527 = arith.addi %scan3A_525, %scan3A_526 : i32
    %scan3A_528 = arith.constant 1 : i32
    scf.for %scan3A_654 = %scan3A_525 to %scan3A_527 step %scan3A_528  : i32 {
      %mul3A_655 = arith.constant 16 : i32
      %mul3A_656 = arith.muli %scan3A_654, %mul3A_655 : i32
      %get3A_657 = arith.index_cast %mul3A_656 : i32 to index
      %get3A_658 = tpu.vector_load %arg5[%get3A_657] {strides = array<i32>} : memref<1280xi32, #tpu.memory_space<vmem>>, vector<16xi32>,
      %add3A_659 = arith.constant 12800 : i32
      %add3A_660 = vector.broadcast %add3A_659 : i32 to vector<16xi32>
      %add3A_661 = arith.addi %iota3A, %add3A_660 : vector<16xi32>
      %mul3A_662 = arith.constant 16 : i32
      %mul3A_663 = arith.muli %scan3A_654, %mul3A_662 : i32
      %add3A_664 = vector.broadcast %mul3A_663 : i32 to vector<16xi32>
      %add3A_665 = arith.addi %add3A_661, %add3A_664 : vector<16xi32>
      %shift_right_arithmetic3A = arith.constant 9 : i32
      %shift_right_arithmetic3A_666 = vector.broadcast %shift_right_arithmetic3A : i32 to vector<16xi32>
      %shift_right_arithmetic3A_667 = arith.shrsi %get3A_658, %shift_right_arithmetic3A_666 : vector<16xi32>
      %and3A_668 = arith.constant 31 : i32
      %and3A_669 = vector.broadcast %and3A_668 : i32 to vector<16xi32>
      %and3A_670 = arith.andi %shift_right_arithmetic3A_667, %and3A_669 : vector<16xi32>
      %eq3A_671 = vector.broadcast %add3A : i32 to vector<16xi32>
      %eq3A_672 = arith.cmpi eq, %and3A_670, %eq3A_671 : vector<16xi32>
      %all_reduce_population_count3A = tpu.all_reduce %eq3A_672 {dim = 0 : i64, kind = #tpu.reduction_kind<sum>} : vector<16xi1> -> vector<16xi32>
      %slice3A_673 = vector.extract_strided_slice %all_reduce_population_count3A {offsets = [0], sizes = [1], strides = [1]} : vector<16xi32> to vector<1xi32>
      %squeeze3A_674 = vector.extract %slice3A_673[0] : i32 from vector<1xi32>
      %shift_left3A = arith.constant 9 : i32
      %shift_left3A_675 = vector.broadcast %shift_left3A : i32 to vector<16xi32>
      %shift_left3A_676 = arith.shli %add3A_665, %shift_left3A_675 : vector<16xi32>
      %and3A_677 = arith.constant 511 : i32
      %and3A_678 = vector.broadcast %and3A_677 : i32 to vector<16xi32>
      %and3A_679 = arith.andi %get3A_658, %and3A_678 : vector<16xi32>
      %or3A = arith.ori %shift_left3A_676, %and3A_679 : vector<16xi32>
      %swap3A_680 = arith.constant 0 : index
      %swap3A_681 = tpu.vector_load %arg12[%swap3A_680] masked %eq3A_672 {strides = array<i32>} : memref<32xi32, #tpu.memory_space<vmem>>, vector<16xi32>, vector<16xi1>
      tpu.vector_store %arg12[%swap3A_680], %get3A_658 masked %eq3A_672 {strides = array<i32>} : memref<32xi32, #tpu.memory_space<vmem>>, vector<16xi32>, vector<16xi1>
      %swap3A_682 = arith.constant 0 : index
      %swap3A_683 = tpu.vector_load %arg13[%swap3A_682] masked %eq3A_672 {strides = array<i32>} : memref<32xi32, #tpu.memory_space<vmem>>, vector<16xi32>, vector<16xi1>
      tpu.vector_store %arg13[%swap3A_682], %or3A masked %eq3A_672 {strides = array<i32>} : memref<32xi32, #tpu.memory_space<vmem>>, vector<16xi32>, vector<16xi1>
      %while3A_684 = arith.constant 0 : i32
      %while3A_685 = arith.subi %squeeze3A_674, %while3A_684 : i32
      %while3A_686 = arith.addi %while3A_684, %while3A_685 : i32
      %while3A_687 = arith.constant 1 : i32
      %while3A_688 = arith.divsi %while3A_685, %while3A_687 : i32
      %while3A_689 = arith.muli %while3A_688, %while3A_687 : i32
      %while3A_690 = arith.addi %while3A_684, %while3A_689 : i32
      %while3A_691 = arith.constant 1 : i32
      scf.for %while3A_693 = %while3A_684 to %while3A_690 step %while3A_691  : i32 {
        %get3A_694 = arith.index_cast %while3A_693 : i32 to index
        %get3A_695 = tpu.vector_load %arg12[%get3A_694] {strides = array<i32>} : memref<32xi32, #tpu.memory_space<vmem>>, vector<16xi32>,
        %slice3A_696 = vector.extract_strided_slice %get3A_695 {offsets = [0], sizes = [1], strides = [1]} : vector<16xi32> to vector<1xi32>
        %squeeze3A_697 = vector.extract %slice3A_696[0] : i32 from vector<1xi32>
        %get3A_698 = arith.index_cast %while3A_693 : i32 to index
        %get3A_699 = tpu.vector_load %arg13[%get3A_698] {strides = array<i32>} : memref<32xi32, #tpu.memory_space<vmem>>, vector<16xi32>,
        %slice3A_700 = vector.extract_strided_slice %get3A_699 {offsets = [0], sizes = [1], strides = [1]} : vector<16xi32> to vector<1xi32>
        %squeeze3A_701 = vector.extract %slice3A_700[0] : i32 from vector<1xi32>
        %shift_right_arithmetic3A_702 = arith.constant 14 : i32
        %shift_right_arithmetic3A_703 = arith.shrsi %squeeze3A_697, %shift_right_arithmetic3A_702 : i32
        %get3A_704 = arith.index_cast %shift_right_arithmetic3A_703 : i32 to index
        %get3A_705 = memref.load %arg14[%get3A_704] : memref<64xi32, #tpu.memory_space<smem>>
        %add3A_706 = arith.constant 1 : i32
        %add3A_707 = arith.addi %get3A_705, %add3A_706 : i32
        %swap3A_708 = arith.index_cast %shift_right_arithmetic3A_703 : i32 to index
        %swap3A_709 = memref.load %arg14[%swap3A_708] : memref<64xi32, #tpu.memory_space<smem>>
        memref.store %add3A_707, %arg14[%swap3A_708] : memref<64xi32, #tpu.memory_space<smem>>
        %add3A_710 = vector.broadcast %get3A_705 : i32 to vector<16xi32>
        %add3A_711 = arith.addi %and3A_4, %add3A_710 : vector<16xi32>
        %add3A_712 = vector.broadcast %squeeze3A_701 : i32 to vector<16xi32>
        %add3A_713 = arith.addi %and3A_4, %add3A_712 : vector<16xi32>
        tpu.vector_store_idx %arg6[%add3A_711], %add3A_713 masked %eq3A_2 : memref<20496xi32, #tpu.memory_space<vmem>>[vector<16xi32>], vector<16xi32>, vector<16xi1>
      }
      %while3A_692 = arith.constant 1 : i32
      scf.for %while3A_693 = %while3A_690 to %while3A_686 step %while3A_692  : i32 {
        %get3A_694 = arith.index_cast %while3A_693 : i32 to index
        %get3A_695 = tpu.vector_load %arg12[%get3A_694] {strides = array<i32>} : memref<32xi32, #tpu.memory_space<vmem>>, vector<16xi32>,
        %slice3A_696 = vector.extract_strided_slice %get3A_695 {offsets = [0], sizes = [1], strides = [1]} : vector<16xi32> to vector<1xi32>
        %squeeze3A_697 = vector.extract %slice3A_696[0] : i32 from vector<1xi32>
        %get3A_698 = arith.index_cast %while3A_693 : i32 to index
        %get3A_699 = tpu.vector_load %arg13[%get3A_698] {strides = array<i32>} : memref<32xi32, #tpu.memory_space<vmem>>, vector<16xi32>,
        %slice3A_700 = vector.extract_strided_slice %get3A_699 {offsets = [0], sizes = [1], strides = [1]} : vector<16xi32> to vector<1xi32>
        %squeeze3A_701 = vector.extract %slice3A_700[0] : i32 from vector<1xi32>
        %shift_right_arithmetic3A_702 = arith.constant 14 : i32
        %shift_right_arithmetic3A_703 = arith.shrsi %squeeze3A_697, %shift_right_arithmetic3A_702 : i32
        %get3A_704 = arith.index_cast %shift_right_arithmetic3A_703 : i32 to index
        %get3A_705 = memref.load %arg14[%get3A_704] : memref<64xi32, #tpu.memory_space<smem>>
        %add3A_706 = arith.constant 1 : i32
        %add3A_707 = arith.addi %get3A_705, %add3A_706 : i32
        %swap3A_708 = arith.index_cast %shift_right_arithmetic3A_703 : i32 to index
        %swap3A_709 = memref.load %arg14[%swap3A_708] : memref<64xi32, #tpu.memory_space<smem>>
        memref.store %add3A_707, %arg14[%swap3A_708] : memref<64xi32, #tpu.memory_space<smem>>
        %add3A_710 = vector.broadcast %get3A_705 : i32 to vector<16xi32>
        %add3A_711 = arith.addi %and3A_4, %add3A_710 : vector<16xi32>
        %add3A_712 = vector.broadcast %squeeze3A_701 : i32 to vector<16xi32>
        %add3A_713 = arith.addi %and3A_4, %add3A_712 : vector<16xi32>
        tpu.vector_store_idx %arg6[%add3A_711], %add3A_713 masked %eq3A_2 : memref<20496xi32, #tpu.memory_space<vmem>>[vector<16xi32>], vector<16xi32>, vector<16xi1>
      }
    }
    %scan3A_529 = arith.constant 80 : i32
    "tpu.region"() ({
      %run_scoped3A = tpu.sem_alloc : memref<!tpu.dma_semaphore, #tpu.memory_space<semaphore_mem>>
      %dma_start3A_654 = arith.constant 14080 : i32
      %dma_start3A_655 = tpu.memref_slice %arg3[%dma_start3A_654] : memref<20480xi32, #tpu.memory_space<hbm>> -> memref<1280xi32, #tpu.memory_space<hbm>>
      %dma_start3A_656 = arith.constant 14080 : i32
      %dma_start3A_657 = tpu.memref_slice %arg3[%dma_start3A_656] : memref<20480xi32, #tpu.memory_space<hbm>> -> memref<1280xi32, #tpu.memory_space<hbm>>
      tpu.enqueue_dma source(%dma_start3A_657 : memref<1280xi32, #tpu.memory_space<hbm>>) target(%arg5 : memref<1280xi32, #tpu.memory_space<vmem>>) target_semaphore(%run_scoped3A : memref<!tpu.dma_semaphore, #tpu.memory_space<semaphore_mem>>)
      %dma_wait3A_658 = arith.constant 14080 : i32
      %dma_wait3A_659 = tpu.memref_slice %arg3[%dma_wait3A_658] : memref<20480xi32, #tpu.memory_space<hbm>> -> memref<1280xi32, #tpu.memory_space<hbm>>
      %dma_wait3A_660 = arith.constant 14080 : i32
      %dma_wait3A_661 = tpu.memref_slice %arg3[%dma_wait3A_660] : memref<20480xi32, #tpu.memory_space<hbm>> -> memref<1280xi32, #tpu.memory_space<hbm>>
      tpu.wait_dma2 semaphore(%run_scoped3A : memref<!tpu.dma_semaphore, #tpu.memory_space<semaphore_mem>>) src(%dma_wait3A_661 : memref<1280xi32, #tpu.memory_space<hbm>>) dst(%arg5 : memref<1280xi32, #tpu.memory_space<vmem>>)
      tpu.yield
    }) : () -> ()
    %scan3A_530 = arith.constant 0 : i32
    %scan3A_531 = arith.constant 0 : i32
    %scan3A_532 = arith.constant 80 : i32
    %scan3A_533 = arith.addi %scan3A_531, %scan3A_532 : i32
    %scan3A_534 = arith.constant 1 : i32
    scf.for %scan3A_654 = %scan3A_531 to %scan3A_533 step %scan3A_534  : i32 {
      %mul3A_655 = arith.constant 16 : i32
      %mul3A_656 = arith.muli %scan3A_654, %mul3A_655 : i32
      %get3A_657 = arith.index_cast %mul3A_656 : i32 to index
      %get3A_658 = tpu.vector_load %arg5[%get3A_657] {strides = array<i32>} : memref<1280xi32, #tpu.memory_space<vmem>>, vector<16xi32>,
      %add3A_659 = arith.constant 14080 : i32
      %add3A_660 = vector.broadcast %add3A_659 : i32 to vector<16xi32>
      %add3A_661 = arith.addi %iota3A, %add3A_660 : vector<16xi32>
      %mul3A_662 = arith.constant 16 : i32
      %mul3A_663 = arith.muli %scan3A_654, %mul3A_662 : i32
      %add3A_664 = vector.broadcast %mul3A_663 : i32 to vector<16xi32>
      %add3A_665 = arith.addi %add3A_661, %add3A_664 : vector<16xi32>
      %shift_right_arithmetic3A = arith.constant 9 : i32
      %shift_right_arithmetic3A_666 = vector.broadcast %shift_right_arithmetic3A : i32 to vector<16xi32>
      %shift_right_arithmetic3A_667 = arith.shrsi %get3A_658, %shift_right_arithmetic3A_666 : vector<16xi32>
      %and3A_668 = arith.constant 31 : i32
      %and3A_669 = vector.broadcast %and3A_668 : i32 to vector<16xi32>
      %and3A_670 = arith.andi %shift_right_arithmetic3A_667, %and3A_669 : vector<16xi32>
      %eq3A_671 = vector.broadcast %add3A : i32 to vector<16xi32>
      %eq3A_672 = arith.cmpi eq, %and3A_670, %eq3A_671 : vector<16xi32>
      %all_reduce_population_count3A = tpu.all_reduce %eq3A_672 {dim = 0 : i64, kind = #tpu.reduction_kind<sum>} : vector<16xi1> -> vector<16xi32>
      %slice3A_673 = vector.extract_strided_slice %all_reduce_population_count3A {offsets = [0], sizes = [1], strides = [1]} : vector<16xi32> to vector<1xi32>
      %squeeze3A_674 = vector.extract %slice3A_673[0] : i32 from vector<1xi32>
      %shift_left3A = arith.constant 9 : i32
      %shift_left3A_675 = vector.broadcast %shift_left3A : i32 to vector<16xi32>
      %shift_left3A_676 = arith.shli %add3A_665, %shift_left3A_675 : vector<16xi32>
      %and3A_677 = arith.constant 511 : i32
      %and3A_678 = vector.broadcast %and3A_677 : i32 to vector<16xi32>
      %and3A_679 = arith.andi %get3A_658, %and3A_678 : vector<16xi32>
      %or3A = arith.ori %shift_left3A_676, %and3A_679 : vector<16xi32>
      %swap3A_680 = arith.constant 0 : index
      %swap3A_681 = tpu.vector_load %arg12[%swap3A_680] masked %eq3A_672 {strides = array<i32>} : memref<32xi32, #tpu.memory_space<vmem>>, vector<16xi32>, vector<16xi1>
      tpu.vector_store %arg12[%swap3A_680], %get3A_658 masked %eq3A_672 {strides = array<i32>} : memref<32xi32, #tpu.memory_space<vmem>>, vector<16xi32>, vector<16xi1>
      %swap3A_682 = arith.constant 0 : index
      %swap3A_683 = tpu.vector_load %arg13[%swap3A_682] masked %eq3A_672 {strides = array<i32>} : memref<32xi32, #tpu.memory_space<vmem>>, vector<16xi32>, vector<16xi1>
      tpu.vector_store %arg13[%swap3A_682], %or3A masked %eq3A_672 {strides = array<i32>} : memref<32xi32, #tpu.memory_space<vmem>>, vector<16xi32>, vector<16xi1>
      %while3A_684 = arith.constant 0 : i32
      %while3A_685 = arith.subi %squeeze3A_674, %while3A_684 : i32
      %while3A_686 = arith.addi %while3A_684, %while3A_685 : i32
      %while3A_687 = arith.constant 1 : i32
      %while3A_688 = arith.divsi %while3A_685, %while3A_687 : i32
      %while3A_689 = arith.muli %while3A_688, %while3A_687 : i32
      %while3A_690 = arith.addi %while3A_684, %while3A_689 : i32
      %while3A_691 = arith.constant 1 : i32
      scf.for %while3A_693 = %while3A_684 to %while3A_690 step %while3A_691  : i32 {
        %get3A_694 = arith.index_cast %while3A_693 : i32 to index
        %get3A_695 = tpu.vector_load %arg12[%get3A_694] {strides = array<i32>} : memref<32xi32, #tpu.memory_space<vmem>>, vector<16xi32>,
        %slice3A_696 = vector.extract_strided_slice %get3A_695 {offsets = [0], sizes = [1], strides = [1]} : vector<16xi32> to vector<1xi32>
        %squeeze3A_697 = vector.extract %slice3A_696[0] : i32 from vector<1xi32>
        %get3A_698 = arith.index_cast %while3A_693 : i32 to index
        %get3A_699 = tpu.vector_load %arg13[%get3A_698] {strides = array<i32>} : memref<32xi32, #tpu.memory_space<vmem>>, vector<16xi32>,
        %slice3A_700 = vector.extract_strided_slice %get3A_699 {offsets = [0], sizes = [1], strides = [1]} : vector<16xi32> to vector<1xi32>
        %squeeze3A_701 = vector.extract %slice3A_700[0] : i32 from vector<1xi32>
        %shift_right_arithmetic3A_702 = arith.constant 14 : i32
        %shift_right_arithmetic3A_703 = arith.shrsi %squeeze3A_697, %shift_right_arithmetic3A_702 : i32
        %get3A_704 = arith.index_cast %shift_right_arithmetic3A_703 : i32 to index
        %get3A_705 = memref.load %arg14[%get3A_704] : memref<64xi32, #tpu.memory_space<smem>>
        %add3A_706 = arith.constant 1 : i32
        %add3A_707 = arith.addi %get3A_705, %add3A_706 : i32
        %swap3A_708 = arith.index_cast %shift_right_arithmetic3A_703 : i32 to index
        %swap3A_709 = memref.load %arg14[%swap3A_708] : memref<64xi32, #tpu.memory_space<smem>>
        memref.store %add3A_707, %arg14[%swap3A_708] : memref<64xi32, #tpu.memory_space<smem>>
        %add3A_710 = vector.broadcast %get3A_705 : i32 to vector<16xi32>
        %add3A_711 = arith.addi %and3A_4, %add3A_710 : vector<16xi32>
        %add3A_712 = vector.broadcast %squeeze3A_701 : i32 to vector<16xi32>
        %add3A_713 = arith.addi %and3A_4, %add3A_712 : vector<16xi32>
        tpu.vector_store_idx %arg6[%add3A_711], %add3A_713 masked %eq3A_2 : memref<20496xi32, #tpu.memory_space<vmem>>[vector<16xi32>], vector<16xi32>, vector<16xi1>
      }
      %while3A_692 = arith.constant 1 : i32
      scf.for %while3A_693 = %while3A_690 to %while3A_686 step %while3A_692  : i32 {
        %get3A_694 = arith.index_cast %while3A_693 : i32 to index
        %get3A_695 = tpu.vector_load %arg12[%get3A_694] {strides = array<i32>} : memref<32xi32, #tpu.memory_space<vmem>>, vector<16xi32>,
        %slice3A_696 = vector.extract_strided_slice %get3A_695 {offsets = [0], sizes = [1], strides = [1]} : vector<16xi32> to vector<1xi32>
        %squeeze3A_697 = vector.extract %slice3A_696[0] : i32 from vector<1xi32>
        %get3A_698 = arith.index_cast %while3A_693 : i32 to index
        %get3A_699 = tpu.vector_load %arg13[%get3A_698] {strides = array<i32>} : memref<32xi32, #tpu.memory_space<vmem>>, vector<16xi32>,
        %slice3A_700 = vector.extract_strided_slice %get3A_699 {offsets = [0], sizes = [1], strides = [1]} : vector<16xi32> to vector<1xi32>
        %squeeze3A_701 = vector.extract %slice3A_700[0] : i32 from vector<1xi32>
        %shift_right_arithmetic3A_702 = arith.constant 14 : i32
        %shift_right_arithmetic3A_703 = arith.shrsi %squeeze3A_697, %shift_right_arithmetic3A_702 : i32
        %get3A_704 = arith.index_cast %shift_right_arithmetic3A_703 : i32 to index
        %get3A_705 = memref.load %arg14[%get3A_704] : memref<64xi32, #tpu.memory_space<smem>>
        %add3A_706 = arith.constant 1 : i32
        %add3A_707 = arith.addi %get3A_705, %add3A_706 : i32
        %swap3A_708 = arith.index_cast %shift_right_arithmetic3A_703 : i32 to index
        %swap3A_709 = memref.load %arg14[%swap3A_708] : memref<64xi32, #tpu.memory_space<smem>>
        memref.store %add3A_707, %arg14[%swap3A_708] : memref<64xi32, #tpu.memory_space<smem>>
        %add3A_710 = vector.broadcast %get3A_705 : i32 to vector<16xi32>
        %add3A_711 = arith.addi %and3A_4, %add3A_710 : vector<16xi32>
        %add3A_712 = vector.broadcast %squeeze3A_701 : i32 to vector<16xi32>
        %add3A_713 = arith.addi %and3A_4, %add3A_712 : vector<16xi32>
        tpu.vector_store_idx %arg6[%add3A_711], %add3A_713 masked %eq3A_2 : memref<20496xi32, #tpu.memory_space<vmem>>[vector<16xi32>], vector<16xi32>, vector<16xi1>
      }
    }
    %scan3A_535 = arith.constant 80 : i32
    "tpu.region"() ({
      %run_scoped3A = tpu.sem_alloc : memref<!tpu.dma_semaphore, #tpu.memory_space<semaphore_mem>>
      %dma_start3A_654 = arith.constant 15360 : i32
      %dma_start3A_655 = tpu.memref_slice %arg3[%dma_start3A_654] : memref<20480xi32, #tpu.memory_space<hbm>> -> memref<1280xi32, #tpu.memory_space<hbm>>
      %dma_start3A_656 = arith.constant 15360 : i32
      %dma_start3A_657 = tpu.memref_slice %arg3[%dma_start3A_656] : memref<20480xi32, #tpu.memory_space<hbm>> -> memref<1280xi32, #tpu.memory_space<hbm>>
      tpu.enqueue_dma source(%dma_start3A_657 : memref<1280xi32, #tpu.memory_space<hbm>>) target(%arg5 : memref<1280xi32, #tpu.memory_space<vmem>>) target_semaphore(%run_scoped3A : memref<!tpu.dma_semaphore, #tpu.memory_space<semaphore_mem>>)
      %dma_wait3A_658 = arith.constant 15360 : i32
      %dma_wait3A_659 = tpu.memref_slice %arg3[%dma_wait3A_658] : memref<20480xi32, #tpu.memory_space<hbm>> -> memref<1280xi32, #tpu.memory_space<hbm>>
      %dma_wait3A_660 = arith.constant 15360 : i32
      %dma_wait3A_661 = tpu.memref_slice %arg3[%dma_wait3A_660] : memref<20480xi32, #tpu.memory_space<hbm>> -> memref<1280xi32, #tpu.memory_space<hbm>>
      tpu.wait_dma2 semaphore(%run_scoped3A : memref<!tpu.dma_semaphore, #tpu.memory_space<semaphore_mem>>) src(%dma_wait3A_661 : memref<1280xi32, #tpu.memory_space<hbm>>) dst(%arg5 : memref<1280xi32, #tpu.memory_space<vmem>>)
      tpu.yield
    }) : () -> ()
    %scan3A_536 = arith.constant 0 : i32
    %scan3A_537 = arith.constant 0 : i32
    %scan3A_538 = arith.constant 80 : i32
    %scan3A_539 = arith.addi %scan3A_537, %scan3A_538 : i32
    %scan3A_540 = arith.constant 1 : i32
    scf.for %scan3A_654 = %scan3A_537 to %scan3A_539 step %scan3A_540  : i32 {
      %mul3A_655 = arith.constant 16 : i32
      %mul3A_656 = arith.muli %scan3A_654, %mul3A_655 : i32
      %get3A_657 = arith.index_cast %mul3A_656 : i32 to index
      %get3A_658 = tpu.vector_load %arg5[%get3A_657] {strides = array<i32>} : memref<1280xi32, #tpu.memory_space<vmem>>, vector<16xi32>,
      %add3A_659 = arith.constant 15360 : i32
      %add3A_660 = vector.broadcast %add3A_659 : i32 to vector<16xi32>
      %add3A_661 = arith.addi %iota3A, %add3A_660 : vector<16xi32>
      %mul3A_662 = arith.constant 16 : i32
      %mul3A_663 = arith.muli %scan3A_654, %mul3A_662 : i32
      %add3A_664 = vector.broadcast %mul3A_663 : i32 to vector<16xi32>
      %add3A_665 = arith.addi %add3A_661, %add3A_664 : vector<16xi32>
      %shift_right_arithmetic3A = arith.constant 9 : i32
      %shift_right_arithmetic3A_666 = vector.broadcast %shift_right_arithmetic3A : i32 to vector<16xi32>
      %shift_right_arithmetic3A_667 = arith.shrsi %get3A_658, %shift_right_arithmetic3A_666 : vector<16xi32>
      %and3A_668 = arith.constant 31 : i32
      %and3A_669 = vector.broadcast %and3A_668 : i32 to vector<16xi32>
      %and3A_670 = arith.andi %shift_right_arithmetic3A_667, %and3A_669 : vector<16xi32>
      %eq3A_671 = vector.broadcast %add3A : i32 to vector<16xi32>
      %eq3A_672 = arith.cmpi eq, %and3A_670, %eq3A_671 : vector<16xi32>
      %all_reduce_population_count3A = tpu.all_reduce %eq3A_672 {dim = 0 : i64, kind = #tpu.reduction_kind<sum>} : vector<16xi1> -> vector<16xi32>
      %slice3A_673 = vector.extract_strided_slice %all_reduce_population_count3A {offsets = [0], sizes = [1], strides = [1]} : vector<16xi32> to vector<1xi32>
      %squeeze3A_674 = vector.extract %slice3A_673[0] : i32 from vector<1xi32>
      %shift_left3A = arith.constant 9 : i32
      %shift_left3A_675 = vector.broadcast %shift_left3A : i32 to vector<16xi32>
      %shift_left3A_676 = arith.shli %add3A_665, %shift_left3A_675 : vector<16xi32>
      %and3A_677 = arith.constant 511 : i32
      %and3A_678 = vector.broadcast %and3A_677 : i32 to vector<16xi32>
      %and3A_679 = arith.andi %get3A_658, %and3A_678 : vector<16xi32>
      %or3A = arith.ori %shift_left3A_676, %and3A_679 : vector<16xi32>
      %swap3A_680 = arith.constant 0 : index
      %swap3A_681 = tpu.vector_load %arg12[%swap3A_680] masked %eq3A_672 {strides = array<i32>} : memref<32xi32, #tpu.memory_space<vmem>>, vector<16xi32>, vector<16xi1>
      tpu.vector_store %arg12[%swap3A_680], %get3A_658 masked %eq3A_672 {strides = array<i32>} : memref<32xi32, #tpu.memory_space<vmem>>, vector<16xi32>, vector<16xi1>
      %swap3A_682 = arith.constant 0 : index
      %swap3A_683 = tpu.vector_load %arg13[%swap3A_682] masked %eq3A_672 {strides = array<i32>} : memref<32xi32, #tpu.memory_space<vmem>>, vector<16xi32>, vector<16xi1>
      tpu.vector_store %arg13[%swap3A_682], %or3A masked %eq3A_672 {strides = array<i32>} : memref<32xi32, #tpu.memory_space<vmem>>, vector<16xi32>, vector<16xi1>
      %while3A_684 = arith.constant 0 : i32
      %while3A_685 = arith.subi %squeeze3A_674, %while3A_684 : i32
      %while3A_686 = arith.addi %while3A_684, %while3A_685 : i32
      %while3A_687 = arith.constant 1 : i32
      %while3A_688 = arith.divsi %while3A_685, %while3A_687 : i32
      %while3A_689 = arith.muli %while3A_688, %while3A_687 : i32
      %while3A_690 = arith.addi %while3A_684, %while3A_689 : i32
      %while3A_691 = arith.constant 1 : i32
      scf.for %while3A_693 = %while3A_684 to %while3A_690 step %while3A_691  : i32 {
        %get3A_694 = arith.index_cast %while3A_693 : i32 to index
        %get3A_695 = tpu.vector_load %arg12[%get3A_694] {strides = array<i32>} : memref<32xi32, #tpu.memory_space<vmem>>, vector<16xi32>,
        %slice3A_696 = vector.extract_strided_slice %get3A_695 {offsets = [0], sizes = [1], strides = [1]} : vector<16xi32> to vector<1xi32>
        %squeeze3A_697 = vector.extract %slice3A_696[0] : i32 from vector<1xi32>
        %get3A_698 = arith.index_cast %while3A_693 : i32 to index
        %get3A_699 = tpu.vector_load %arg13[%get3A_698] {strides = array<i32>} : memref<32xi32, #tpu.memory_space<vmem>>, vector<16xi32>,
        %slice3A_700 = vector.extract_strided_slice %get3A_699 {offsets = [0], sizes = [1], strides = [1]} : vector<16xi32> to vector<1xi32>
        %squeeze3A_701 = vector.extract %slice3A_700[0] : i32 from vector<1xi32>
        %shift_right_arithmetic3A_702 = arith.constant 14 : i32
        %shift_right_arithmetic3A_703 = arith.shrsi %squeeze3A_697, %shift_right_arithmetic3A_702 : i32
        %get3A_704 = arith.index_cast %shift_right_arithmetic3A_703 : i32 to index
        %get3A_705 = memref.load %arg14[%get3A_704] : memref<64xi32, #tpu.memory_space<smem>>
        %add3A_706 = arith.constant 1 : i32
        %add3A_707 = arith.addi %get3A_705, %add3A_706 : i32
        %swap3A_708 = arith.index_cast %shift_right_arithmetic3A_703 : i32 to index
        %swap3A_709 = memref.load %arg14[%swap3A_708] : memref<64xi32, #tpu.memory_space<smem>>
        memref.store %add3A_707, %arg14[%swap3A_708] : memref<64xi32, #tpu.memory_space<smem>>
        %add3A_710 = vector.broadcast %get3A_705 : i32 to vector<16xi32>
        %add3A_711 = arith.addi %and3A_4, %add3A_710 : vector<16xi32>
        %add3A_712 = vector.broadcast %squeeze3A_701 : i32 to vector<16xi32>
        %add3A_713 = arith.addi %and3A_4, %add3A_712 : vector<16xi32>
        tpu.vector_store_idx %arg6[%add3A_711], %add3A_713 masked %eq3A_2 : memref<20496xi32, #tpu.memory_space<vmem>>[vector<16xi32>], vector<16xi32>, vector<16xi1>
      }
      %while3A_692 = arith.constant 1 : i32
      scf.for %while3A_693 = %while3A_690 to %while3A_686 step %while3A_692  : i32 {
        %get3A_694 = arith.index_cast %while3A_693 : i32 to index
        %get3A_695 = tpu.vector_load %arg12[%get3A_694] {strides = array<i32>} : memref<32xi32, #tpu.memory_space<vmem>>, vector<16xi32>,
        %slice3A_696 = vector.extract_strided_slice %get3A_695 {offsets = [0], sizes = [1], strides = [1]} : vector<16xi32> to vector<1xi32>
        %squeeze3A_697 = vector.extract %slice3A_696[0] : i32 from vector<1xi32>
        %get3A_698 = arith.index_cast %while3A_693 : i32 to index
        %get3A_699 = tpu.vector_load %arg13[%get3A_698] {strides = array<i32>} : memref<32xi32, #tpu.memory_space<vmem>>, vector<16xi32>,
        %slice3A_700 = vector.extract_strided_slice %get3A_699 {offsets = [0], sizes = [1], strides = [1]} : vector<16xi32> to vector<1xi32>
        %squeeze3A_701 = vector.extract %slice3A_700[0] : i32 from vector<1xi32>
        %shift_right_arithmetic3A_702 = arith.constant 14 : i32
        %shift_right_arithmetic3A_703 = arith.shrsi %squeeze3A_697, %shift_right_arithmetic3A_702 : i32
        %get3A_704 = arith.index_cast %shift_right_arithmetic3A_703 : i32 to index
        %get3A_705 = memref.load %arg14[%get3A_704] : memref<64xi32, #tpu.memory_space<smem>>
        %add3A_706 = arith.constant 1 : i32
        %add3A_707 = arith.addi %get3A_705, %add3A_706 : i32
        %swap3A_708 = arith.index_cast %shift_right_arithmetic3A_703 : i32 to index
        %swap3A_709 = memref.load %arg14[%swap3A_708] : memref<64xi32, #tpu.memory_space<smem>>
        memref.store %add3A_707, %arg14[%swap3A_708] : memref<64xi32, #tpu.memory_space<smem>>
        %add3A_710 = vector.broadcast %get3A_705 : i32 to vector<16xi32>
        %add3A_711 = arith.addi %and3A_4, %add3A_710 : vector<16xi32>
        %add3A_712 = vector.broadcast %squeeze3A_701 : i32 to vector<16xi32>
        %add3A_713 = arith.addi %and3A_4, %add3A_712 : vector<16xi32>
        tpu.vector_store_idx %arg6[%add3A_711], %add3A_713 masked %eq3A_2 : memref<20496xi32, #tpu.memory_space<vmem>>[vector<16xi32>], vector<16xi32>, vector<16xi1>
      }
    }
    %scan3A_541 = arith.constant 80 : i32
    "tpu.region"() ({
      %run_scoped3A = tpu.sem_alloc : memref<!tpu.dma_semaphore, #tpu.memory_space<semaphore_mem>>
      %dma_start3A_654 = arith.constant 16640 : i32
      %dma_start3A_655 = tpu.memref_slice %arg3[%dma_start3A_654] : memref<20480xi32, #tpu.memory_space<hbm>> -> memref<1280xi32, #tpu.memory_space<hbm>>
      %dma_start3A_656 = arith.constant 16640 : i32
      %dma_start3A_657 = tpu.memref_slice %arg3[%dma_start3A_656] : memref<20480xi32, #tpu.memory_space<hbm>> -> memref<1280xi32, #tpu.memory_space<hbm>>
      tpu.enqueue_dma source(%dma_start3A_657 : memref<1280xi32, #tpu.memory_space<hbm>>) target(%arg5 : memref<1280xi32, #tpu.memory_space<vmem>>) target_semaphore(%run_scoped3A : memref<!tpu.dma_semaphore, #tpu.memory_space<semaphore_mem>>)
      %dma_wait3A_658 = arith.constant 16640 : i32
      %dma_wait3A_659 = tpu.memref_slice %arg3[%dma_wait3A_658] : memref<20480xi32, #tpu.memory_space<hbm>> -> memref<1280xi32, #tpu.memory_space<hbm>>
      %dma_wait3A_660 = arith.constant 16640 : i32
      %dma_wait3A_661 = tpu.memref_slice %arg3[%dma_wait3A_660] : memref<20480xi32, #tpu.memory_space<hbm>> -> memref<1280xi32, #tpu.memory_space<hbm>>
      tpu.wait_dma2 semaphore(%run_scoped3A : memref<!tpu.dma_semaphore, #tpu.memory_space<semaphore_mem>>) src(%dma_wait3A_661 : memref<1280xi32, #tpu.memory_space<hbm>>) dst(%arg5 : memref<1280xi32, #tpu.memory_space<vmem>>)
      tpu.yield
    }) : () -> ()
    %scan3A_542 = arith.constant 0 : i32
    %scan3A_543 = arith.constant 0 : i32
    %scan3A_544 = arith.constant 80 : i32
    %scan3A_545 = arith.addi %scan3A_543, %scan3A_544 : i32
    %scan3A_546 = arith.constant 1 : i32
    scf.for %scan3A_654 = %scan3A_543 to %scan3A_545 step %scan3A_546  : i32 {
      %mul3A_655 = arith.constant 16 : i32
      %mul3A_656 = arith.muli %scan3A_654, %mul3A_655 : i32
      %get3A_657 = arith.index_cast %mul3A_656 : i32 to index
      %get3A_658 = tpu.vector_load %arg5[%get3A_657] {strides = array<i32>} : memref<1280xi32, #tpu.memory_space<vmem>>, vector<16xi32>,
      %add3A_659 = arith.constant 16640 : i32
      %add3A_660 = vector.broadcast %add3A_659 : i32 to vector<16xi32>
      %add3A_661 = arith.addi %iota3A, %add3A_660 : vector<16xi32>
      %mul3A_662 = arith.constant 16 : i32
      %mul3A_663 = arith.muli %scan3A_654, %mul3A_662 : i32
      %add3A_664 = vector.broadcast %mul3A_663 : i32 to vector<16xi32>
      %add3A_665 = arith.addi %add3A_661, %add3A_664 : vector<16xi32>
      %shift_right_arithmetic3A = arith.constant 9 : i32
      %shift_right_arithmetic3A_666 = vector.broadcast %shift_right_arithmetic3A : i32 to vector<16xi32>
      %shift_right_arithmetic3A_667 = arith.shrsi %get3A_658, %shift_right_arithmetic3A_666 : vector<16xi32>
      %and3A_668 = arith.constant 31 : i32
      %and3A_669 = vector.broadcast %and3A_668 : i32 to vector<16xi32>
      %and3A_670 = arith.andi %shift_right_arithmetic3A_667, %and3A_669 : vector<16xi32>
      %eq3A_671 = vector.broadcast %add3A : i32 to vector<16xi32>
      %eq3A_672 = arith.cmpi eq, %and3A_670, %eq3A_671 : vector<16xi32>
      %all_reduce_population_count3A = tpu.all_reduce %eq3A_672 {dim = 0 : i64, kind = #tpu.reduction_kind<sum>} : vector<16xi1> -> vector<16xi32>
      %slice3A_673 = vector.extract_strided_slice %all_reduce_population_count3A {offsets = [0], sizes = [1], strides = [1]} : vector<16xi32> to vector<1xi32>
      %squeeze3A_674 = vector.extract %slice3A_673[0] : i32 from vector<1xi32>
      %shift_left3A = arith.constant 9 : i32
      %shift_left3A_675 = vector.broadcast %shift_left3A : i32 to vector<16xi32>
      %shift_left3A_676 = arith.shli %add3A_665, %shift_left3A_675 : vector<16xi32>
      %and3A_677 = arith.constant 511 : i32
      %and3A_678 = vector.broadcast %and3A_677 : i32 to vector<16xi32>
      %and3A_679 = arith.andi %get3A_658, %and3A_678 : vector<16xi32>
      %or3A = arith.ori %shift_left3A_676, %and3A_679 : vector<16xi32>
      %swap3A_680 = arith.constant 0 : index
      %swap3A_681 = tpu.vector_load %arg12[%swap3A_680] masked %eq3A_672 {strides = array<i32>} : memref<32xi32, #tpu.memory_space<vmem>>, vector<16xi32>, vector<16xi1>
      tpu.vector_store %arg12[%swap3A_680], %get3A_658 masked %eq3A_672 {strides = array<i32>} : memref<32xi32, #tpu.memory_space<vmem>>, vector<16xi32>, vector<16xi1>
      %swap3A_682 = arith.constant 0 : index
      %swap3A_683 = tpu.vector_load %arg13[%swap3A_682] masked %eq3A_672 {strides = array<i32>} : memref<32xi32, #tpu.memory_space<vmem>>, vector<16xi32>, vector<16xi1>
      tpu.vector_store %arg13[%swap3A_682], %or3A masked %eq3A_672 {strides = array<i32>} : memref<32xi32, #tpu.memory_space<vmem>>, vector<16xi32>, vector<16xi1>
      %while3A_684 = arith.constant 0 : i32
      %while3A_685 = arith.subi %squeeze3A_674, %while3A_684 : i32
      %while3A_686 = arith.addi %while3A_684, %while3A_685 : i32
      %while3A_687 = arith.constant 1 : i32
      %while3A_688 = arith.divsi %while3A_685, %while3A_687 : i32
      %while3A_689 = arith.muli %while3A_688, %while3A_687 : i32
      %while3A_690 = arith.addi %while3A_684, %while3A_689 : i32
      %while3A_691 = arith.constant 1 : i32
      scf.for %while3A_693 = %while3A_684 to %while3A_690 step %while3A_691  : i32 {
        %get3A_694 = arith.index_cast %while3A_693 : i32 to index
        %get3A_695 = tpu.vector_load %arg12[%get3A_694] {strides = array<i32>} : memref<32xi32, #tpu.memory_space<vmem>>, vector<16xi32>,
        %slice3A_696 = vector.extract_strided_slice %get3A_695 {offsets = [0], sizes = [1], strides = [1]} : vector<16xi32> to vector<1xi32>
        %squeeze3A_697 = vector.extract %slice3A_696[0] : i32 from vector<1xi32>
        %get3A_698 = arith.index_cast %while3A_693 : i32 to index
        %get3A_699 = tpu.vector_load %arg13[%get3A_698] {strides = array<i32>} : memref<32xi32, #tpu.memory_space<vmem>>, vector<16xi32>,
        %slice3A_700 = vector.extract_strided_slice %get3A_699 {offsets = [0], sizes = [1], strides = [1]} : vector<16xi32> to vector<1xi32>
        %squeeze3A_701 = vector.extract %slice3A_700[0] : i32 from vector<1xi32>
        %shift_right_arithmetic3A_702 = arith.constant 14 : i32
        %shift_right_arithmetic3A_703 = arith.shrsi %squeeze3A_697, %shift_right_arithmetic3A_702 : i32
        %get3A_704 = arith.index_cast %shift_right_arithmetic3A_703 : i32 to index
        %get3A_705 = memref.load %arg14[%get3A_704] : memref<64xi32, #tpu.memory_space<smem>>
        %add3A_706 = arith.constant 1 : i32
        %add3A_707 = arith.addi %get3A_705, %add3A_706 : i32
        %swap3A_708 = arith.index_cast %shift_right_arithmetic3A_703 : i32 to index
        %swap3A_709 = memref.load %arg14[%swap3A_708] : memref<64xi32, #tpu.memory_space<smem>>
        memref.store %add3A_707, %arg14[%swap3A_708] : memref<64xi32, #tpu.memory_space<smem>>
        %add3A_710 = vector.broadcast %get3A_705 : i32 to vector<16xi32>
        %add3A_711 = arith.addi %and3A_4, %add3A_710 : vector<16xi32>
        %add3A_712 = vector.broadcast %squeeze3A_701 : i32 to vector<16xi32>
        %add3A_713 = arith.addi %and3A_4, %add3A_712 : vector<16xi32>
        tpu.vector_store_idx %arg6[%add3A_711], %add3A_713 masked %eq3A_2 : memref<20496xi32, #tpu.memory_space<vmem>>[vector<16xi32>], vector<16xi32>, vector<16xi1>
      }
      %while3A_692 = arith.constant 1 : i32
      scf.for %while3A_693 = %while3A_690 to %while3A_686 step %while3A_692  : i32 {
        %get3A_694 = arith.index_cast %while3A_693 : i32 to index
        %get3A_695 = tpu.vector_load %arg12[%get3A_694] {strides = array<i32>} : memref<32xi32, #tpu.memory_space<vmem>>, vector<16xi32>,
        %slice3A_696 = vector.extract_strided_slice %get3A_695 {offsets = [0], sizes = [1], strides = [1]} : vector<16xi32> to vector<1xi32>
        %squeeze3A_697 = vector.extract %slice3A_696[0] : i32 from vector<1xi32>
        %get3A_698 = arith.index_cast %while3A_693 : i32 to index
        %get3A_699 = tpu.vector_load %arg13[%get3A_698] {strides = array<i32>} : memref<32xi32, #tpu.memory_space<vmem>>, vector<16xi32>,
        %slice3A_700 = vector.extract_strided_slice %get3A_699 {offsets = [0], sizes = [1], strides = [1]} : vector<16xi32> to vector<1xi32>
        %squeeze3A_701 = vector.extract %slice3A_700[0] : i32 from vector<1xi32>
        %shift_right_arithmetic3A_702 = arith.constant 14 : i32
        %shift_right_arithmetic3A_703 = arith.shrsi %squeeze3A_697, %shift_right_arithmetic3A_702 : i32
        %get3A_704 = arith.index_cast %shift_right_arithmetic3A_703 : i32 to index
        %get3A_705 = memref.load %arg14[%get3A_704] : memref<64xi32, #tpu.memory_space<smem>>
        %add3A_706 = arith.constant 1 : i32
        %add3A_707 = arith.addi %get3A_705, %add3A_706 : i32
        %swap3A_708 = arith.index_cast %shift_right_arithmetic3A_703 : i32 to index
        %swap3A_709 = memref.load %arg14[%swap3A_708] : memref<64xi32, #tpu.memory_space<smem>>
        memref.store %add3A_707, %arg14[%swap3A_708] : memref<64xi32, #tpu.memory_space<smem>>
        %add3A_710 = vector.broadcast %get3A_705 : i32 to vector<16xi32>
        %add3A_711 = arith.addi %and3A_4, %add3A_710 : vector<16xi32>
        %add3A_712 = vector.broadcast %squeeze3A_701 : i32 to vector<16xi32>
        %add3A_713 = arith.addi %and3A_4, %add3A_712 : vector<16xi32>
        tpu.vector_store_idx %arg6[%add3A_711], %add3A_713 masked %eq3A_2 : memref<20496xi32, #tpu.memory_space<vmem>>[vector<16xi32>], vector<16xi32>, vector<16xi1>
      }
    }
    %scan3A_547 = arith.constant 80 : i32
    "tpu.region"() ({
      %run_scoped3A = tpu.sem_alloc : memref<!tpu.dma_semaphore, #tpu.memory_space<semaphore_mem>>
      %dma_start3A_654 = arith.constant 17920 : i32
      %dma_start3A_655 = tpu.memref_slice %arg3[%dma_start3A_654] : memref<20480xi32, #tpu.memory_space<hbm>> -> memref<1280xi32, #tpu.memory_space<hbm>>
      %dma_start3A_656 = arith.constant 17920 : i32
      %dma_start3A_657 = tpu.memref_slice %arg3[%dma_start3A_656] : memref<20480xi32, #tpu.memory_space<hbm>> -> memref<1280xi32, #tpu.memory_space<hbm>>
      tpu.enqueue_dma source(%dma_start3A_657 : memref<1280xi32, #tpu.memory_space<hbm>>) target(%arg5 : memref<1280xi32, #tpu.memory_space<vmem>>) target_semaphore(%run_scoped3A : memref<!tpu.dma_semaphore, #tpu.memory_space<semaphore_mem>>)
      %dma_wait3A_658 = arith.constant 17920 : i32
      %dma_wait3A_659 = tpu.memref_slice %arg3[%dma_wait3A_658] : memref<20480xi32, #tpu.memory_space<hbm>> -> memref<1280xi32, #tpu.memory_space<hbm>>
      %dma_wait3A_660 = arith.constant 17920 : i32
      %dma_wait3A_661 = tpu.memref_slice %arg3[%dma_wait3A_660] : memref<20480xi32, #tpu.memory_space<hbm>> -> memref<1280xi32, #tpu.memory_space<hbm>>
      tpu.wait_dma2 semaphore(%run_scoped3A : memref<!tpu.dma_semaphore, #tpu.memory_space<semaphore_mem>>) src(%dma_wait3A_661 : memref<1280xi32, #tpu.memory_space<hbm>>) dst(%arg5 : memref<1280xi32, #tpu.memory_space<vmem>>)
      tpu.yield
    }) : () -> ()
    %scan3A_548 = arith.constant 0 : i32
    %scan3A_549 = arith.constant 0 : i32
    %scan3A_550 = arith.constant 80 : i32
    %scan3A_551 = arith.addi %scan3A_549, %scan3A_550 : i32
    %scan3A_552 = arith.constant 1 : i32
    scf.for %scan3A_654 = %scan3A_549 to %scan3A_551 step %scan3A_552  : i32 {
      %mul3A_655 = arith.constant 16 : i32
      %mul3A_656 = arith.muli %scan3A_654, %mul3A_655 : i32
      %get3A_657 = arith.index_cast %mul3A_656 : i32 to index
      %get3A_658 = tpu.vector_load %arg5[%get3A_657] {strides = array<i32>} : memref<1280xi32, #tpu.memory_space<vmem>>, vector<16xi32>,
      %add3A_659 = arith.constant 17920 : i32
      %add3A_660 = vector.broadcast %add3A_659 : i32 to vector<16xi32>
      %add3A_661 = arith.addi %iota3A, %add3A_660 : vector<16xi32>
      %mul3A_662 = arith.constant 16 : i32
      %mul3A_663 = arith.muli %scan3A_654, %mul3A_662 : i32
      %add3A_664 = vector.broadcast %mul3A_663 : i32 to vector<16xi32>
      %add3A_665 = arith.addi %add3A_661, %add3A_664 : vector<16xi32>
      %shift_right_arithmetic3A = arith.constant 9 : i32
      %shift_right_arithmetic3A_666 = vector.broadcast %shift_right_arithmetic3A : i32 to vector<16xi32>
      %shift_right_arithmetic3A_667 = arith.shrsi %get3A_658, %shift_right_arithmetic3A_666 : vector<16xi32>
      %and3A_668 = arith.constant 31 : i32
      %and3A_669 = vector.broadcast %and3A_668 : i32 to vector<16xi32>
      %and3A_670 = arith.andi %shift_right_arithmetic3A_667, %and3A_669 : vector<16xi32>
      %eq3A_671 = vector.broadcast %add3A : i32 to vector<16xi32>
      %eq3A_672 = arith.cmpi eq, %and3A_670, %eq3A_671 : vector<16xi32>
      %all_reduce_population_count3A = tpu.all_reduce %eq3A_672 {dim = 0 : i64, kind = #tpu.reduction_kind<sum>} : vector<16xi1> -> vector<16xi32>
      %slice3A_673 = vector.extract_strided_slice %all_reduce_population_count3A {offsets = [0], sizes = [1], strides = [1]} : vector<16xi32> to vector<1xi32>
      %squeeze3A_674 = vector.extract %slice3A_673[0] : i32 from vector<1xi32>
      %shift_left3A = arith.constant 9 : i32
      %shift_left3A_675 = vector.broadcast %shift_left3A : i32 to vector<16xi32>
      %shift_left3A_676 = arith.shli %add3A_665, %shift_left3A_675 : vector<16xi32>
      %and3A_677 = arith.constant 511 : i32
      %and3A_678 = vector.broadcast %and3A_677 : i32 to vector<16xi32>
      %and3A_679 = arith.andi %get3A_658, %and3A_678 : vector<16xi32>
      %or3A = arith.ori %shift_left3A_676, %and3A_679 : vector<16xi32>
      %swap3A_680 = arith.constant 0 : index
      %swap3A_681 = tpu.vector_load %arg12[%swap3A_680] masked %eq3A_672 {strides = array<i32>} : memref<32xi32, #tpu.memory_space<vmem>>, vector<16xi32>, vector<16xi1>
      tpu.vector_store %arg12[%swap3A_680], %get3A_658 masked %eq3A_672 {strides = array<i32>} : memref<32xi32, #tpu.memory_space<vmem>>, vector<16xi32>, vector<16xi1>
      %swap3A_682 = arith.constant 0 : index
      %swap3A_683 = tpu.vector_load %arg13[%swap3A_682] masked %eq3A_672 {strides = array<i32>} : memref<32xi32, #tpu.memory_space<vmem>>, vector<16xi32>, vector<16xi1>
      tpu.vector_store %arg13[%swap3A_682], %or3A masked %eq3A_672 {strides = array<i32>} : memref<32xi32, #tpu.memory_space<vmem>>, vector<16xi32>, vector<16xi1>
      %while3A_684 = arith.constant 0 : i32
      %while3A_685 = arith.subi %squeeze3A_674, %while3A_684 : i32
      %while3A_686 = arith.addi %while3A_684, %while3A_685 : i32
      %while3A_687 = arith.constant 1 : i32
      %while3A_688 = arith.divsi %while3A_685, %while3A_687 : i32
      %while3A_689 = arith.muli %while3A_688, %while3A_687 : i32
      %while3A_690 = arith.addi %while3A_684, %while3A_689 : i32
      %while3A_691 = arith.constant 1 : i32
      scf.for %while3A_693 = %while3A_684 to %while3A_690 step %while3A_691  : i32 {
        %get3A_694 = arith.index_cast %while3A_693 : i32 to index
        %get3A_695 = tpu.vector_load %arg12[%get3A_694] {strides = array<i32>} : memref<32xi32, #tpu.memory_space<vmem>>, vector<16xi32>,
        %slice3A_696 = vector.extract_strided_slice %get3A_695 {offsets = [0], sizes = [1], strides = [1]} : vector<16xi32> to vector<1xi32>
        %squeeze3A_697 = vector.extract %slice3A_696[0] : i32 from vector<1xi32>
        %get3A_698 = arith.index_cast %while3A_693 : i32 to index
        %get3A_699 = tpu.vector_load %arg13[%get3A_698] {strides = array<i32>} : memref<32xi32, #tpu.memory_space<vmem>>, vector<16xi32>,
        %slice3A_700 = vector.extract_strided_slice %get3A_699 {offsets = [0], sizes = [1], strides = [1]} : vector<16xi32> to vector<1xi32>
        %squeeze3A_701 = vector.extract %slice3A_700[0] : i32 from vector<1xi32>
        %shift_right_arithmetic3A_702 = arith.constant 14 : i32
        %shift_right_arithmetic3A_703 = arith.shrsi %squeeze3A_697, %shift_right_arithmetic3A_702 : i32
        %get3A_704 = arith.index_cast %shift_right_arithmetic3A_703 : i32 to index
        %get3A_705 = memref.load %arg14[%get3A_704] : memref<64xi32, #tpu.memory_space<smem>>
        %add3A_706 = arith.constant 1 : i32
        %add3A_707 = arith.addi %get3A_705, %add3A_706 : i32
        %swap3A_708 = arith.index_cast %shift_right_arithmetic3A_703 : i32 to index
        %swap3A_709 = memref.load %arg14[%swap3A_708] : memref<64xi32, #tpu.memory_space<smem>>
        memref.store %add3A_707, %arg14[%swap3A_708] : memref<64xi32, #tpu.memory_space<smem>>
        %add3A_710 = vector.broadcast %get3A_705 : i32 to vector<16xi32>
        %add3A_711 = arith.addi %and3A_4, %add3A_710 : vector<16xi32>
        %add3A_712 = vector.broadcast %squeeze3A_701 : i32 to vector<16xi32>
        %add3A_713 = arith.addi %and3A_4, %add3A_712 : vector<16xi32>
        tpu.vector_store_idx %arg6[%add3A_711], %add3A_713 masked %eq3A_2 : memref<20496xi32, #tpu.memory_space<vmem>>[vector<16xi32>], vector<16xi32>, vector<16xi1>
      }
      %while3A_692 = arith.constant 1 : i32
      scf.for %while3A_693 = %while3A_690 to %while3A_686 step %while3A_692  : i32 {
        %get3A_694 = arith.index_cast %while3A_693 : i32 to index
        %get3A_695 = tpu.vector_load %arg12[%get3A_694] {strides = array<i32>} : memref<32xi32, #tpu.memory_space<vmem>>, vector<16xi32>,
        %slice3A_696 = vector.extract_strided_slice %get3A_695 {offsets = [0], sizes = [1], strides = [1]} : vector<16xi32> to vector<1xi32>
        %squeeze3A_697 = vector.extract %slice3A_696[0] : i32 from vector<1xi32>
        %get3A_698 = arith.index_cast %while3A_693 : i32 to index
        %get3A_699 = tpu.vector_load %arg13[%get3A_698] {strides = array<i32>} : memref<32xi32, #tpu.memory_space<vmem>>, vector<16xi32>,
        %slice3A_700 = vector.extract_strided_slice %get3A_699 {offsets = [0], sizes = [1], strides = [1]} : vector<16xi32> to vector<1xi32>
        %squeeze3A_701 = vector.extract %slice3A_700[0] : i32 from vector<1xi32>
        %shift_right_arithmetic3A_702 = arith.constant 14 : i32
        %shift_right_arithmetic3A_703 = arith.shrsi %squeeze3A_697, %shift_right_arithmetic3A_702 : i32
        %get3A_704 = arith.index_cast %shift_right_arithmetic3A_703 : i32 to index
        %get3A_705 = memref.load %arg14[%get3A_704] : memref<64xi32, #tpu.memory_space<smem>>
        %add3A_706 = arith.constant 1 : i32
        %add3A_707 = arith.addi %get3A_705, %add3A_706 : i32
        %swap3A_708 = arith.index_cast %shift_right_arithmetic3A_703 : i32 to index
        %swap3A_709 = memref.load %arg14[%swap3A_708] : memref<64xi32, #tpu.memory_space<smem>>
        memref.store %add3A_707, %arg14[%swap3A_708] : memref<64xi32, #tpu.memory_space<smem>>
        %add3A_710 = vector.broadcast %get3A_705 : i32 to vector<16xi32>
        %add3A_711 = arith.addi %and3A_4, %add3A_710 : vector<16xi32>
        %add3A_712 = vector.broadcast %squeeze3A_701 : i32 to vector<16xi32>
        %add3A_713 = arith.addi %and3A_4, %add3A_712 : vector<16xi32>
        tpu.vector_store_idx %arg6[%add3A_711], %add3A_713 masked %eq3A_2 : memref<20496xi32, #tpu.memory_space<vmem>>[vector<16xi32>], vector<16xi32>, vector<16xi1>
      }
    }
    %scan3A_553 = arith.constant 80 : i32
    "tpu.region"() ({
      %run_scoped3A = tpu.sem_alloc : memref<!tpu.dma_semaphore, #tpu.memory_space<semaphore_mem>>
      %dma_start3A_654 = arith.constant 19200 : i32
      %dma_start3A_655 = tpu.memref_slice %arg3[%dma_start3A_654] : memref<20480xi32, #tpu.memory_space<hbm>> -> memref<1280xi32, #tpu.memory_space<hbm>>
      %dma_start3A_656 = arith.constant 19200 : i32
      %dma_start3A_657 = tpu.memref_slice %arg3[%dma_start3A_656] : memref<20480xi32, #tpu.memory_space<hbm>> -> memref<1280xi32, #tpu.memory_space<hbm>>
      tpu.enqueue_dma source(%dma_start3A_657 : memref<1280xi32, #tpu.memory_space<hbm>>) target(%arg5 : memref<1280xi32, #tpu.memory_space<vmem>>) target_semaphore(%run_scoped3A : memref<!tpu.dma_semaphore, #tpu.memory_space<semaphore_mem>>)
      %dma_wait3A_658 = arith.constant 19200 : i32
      %dma_wait3A_659 = tpu.memref_slice %arg3[%dma_wait3A_658] : memref<20480xi32, #tpu.memory_space<hbm>> -> memref<1280xi32, #tpu.memory_space<hbm>>
      %dma_wait3A_660 = arith.constant 19200 : i32
      %dma_wait3A_661 = tpu.memref_slice %arg3[%dma_wait3A_660] : memref<20480xi32, #tpu.memory_space<hbm>> -> memref<1280xi32, #tpu.memory_space<hbm>>
      tpu.wait_dma2 semaphore(%run_scoped3A : memref<!tpu.dma_semaphore, #tpu.memory_space<semaphore_mem>>) src(%dma_wait3A_661 : memref<1280xi32, #tpu.memory_space<hbm>>) dst(%arg5 : memref<1280xi32, #tpu.memory_space<vmem>>)
      tpu.yield
    }) : () -> ()
    %scan3A_554 = arith.constant 0 : i32
    %scan3A_555 = arith.constant 0 : i32
    %scan3A_556 = arith.constant 80 : i32
    %scan3A_557 = arith.addi %scan3A_555, %scan3A_556 : i32
    %scan3A_558 = arith.constant 1 : i32
    scf.for %scan3A_654 = %scan3A_555 to %scan3A_557 step %scan3A_558  : i32 {
      %mul3A_655 = arith.constant 16 : i32
      %mul3A_656 = arith.muli %scan3A_654, %mul3A_655 : i32
      %get3A_657 = arith.index_cast %mul3A_656 : i32 to index
      %get3A_658 = tpu.vector_load %arg5[%get3A_657] {strides = array<i32>} : memref<1280xi32, #tpu.memory_space<vmem>>, vector<16xi32>,
      %add3A_659 = arith.constant 19200 : i32
      %add3A_660 = vector.broadcast %add3A_659 : i32 to vector<16xi32>
      %add3A_661 = arith.addi %iota3A, %add3A_660 : vector<16xi32>
      %mul3A_662 = arith.constant 16 : i32
      %mul3A_663 = arith.muli %scan3A_654, %mul3A_662 : i32
      %add3A_664 = vector.broadcast %mul3A_663 : i32 to vector<16xi32>
      %add3A_665 = arith.addi %add3A_661, %add3A_664 : vector<16xi32>
      %shift_right_arithmetic3A = arith.constant 9 : i32
      %shift_right_arithmetic3A_666 = vector.broadcast %shift_right_arithmetic3A : i32 to vector<16xi32>
      %shift_right_arithmetic3A_667 = arith.shrsi %get3A_658, %shift_right_arithmetic3A_666 : vector<16xi32>
      %and3A_668 = arith.constant 31 : i32
      %and3A_669 = vector.broadcast %and3A_668 : i32 to vector<16xi32>
      %and3A_670 = arith.andi %shift_right_arithmetic3A_667, %and3A_669 : vector<16xi32>
      %eq3A_671 = vector.broadcast %add3A : i32 to vector<16xi32>
      %eq3A_672 = arith.cmpi eq, %and3A_670, %eq3A_671 : vector<16xi32>
      %all_reduce_population_count3A = tpu.all_reduce %eq3A_672 {dim = 0 : i64, kind = #tpu.reduction_kind<sum>} : vector<16xi1> -> vector<16xi32>
      %slice3A_673 = vector.extract_strided_slice %all_reduce_population_count3A {offsets = [0], sizes = [1], strides = [1]} : vector<16xi32> to vector<1xi32>
      %squeeze3A_674 = vector.extract %slice3A_673[0] : i32 from vector<1xi32>
      %shift_left3A = arith.constant 9 : i32
      %shift_left3A_675 = vector.broadcast %shift_left3A : i32 to vector<16xi32>
      %shift_left3A_676 = arith.shli %add3A_665, %shift_left3A_675 : vector<16xi32>
      %and3A_677 = arith.constant 511 : i32
      %and3A_678 = vector.broadcast %and3A_677 : i32 to vector<16xi32>
      %and3A_679 = arith.andi %get3A_658, %and3A_678 : vector<16xi32>
      %or3A = arith.ori %shift_left3A_676, %and3A_679 : vector<16xi32>
      %swap3A_680 = arith.constant 0 : index
      %swap3A_681 = tpu.vector_load %arg12[%swap3A_680] masked %eq3A_672 {strides = array<i32>} : memref<32xi32, #tpu.memory_space<vmem>>, vector<16xi32>, vector<16xi1>
      tpu.vector_store %arg12[%swap3A_680], %get3A_658 masked %eq3A_672 {strides = array<i32>} : memref<32xi32, #tpu.memory_space<vmem>>, vector<16xi32>, vector<16xi1>
      %swap3A_682 = arith.constant 0 : index
      %swap3A_683 = tpu.vector_load %arg13[%swap3A_682] masked %eq3A_672 {strides = array<i32>} : memref<32xi32, #tpu.memory_space<vmem>>, vector<16xi32>, vector<16xi1>
      tpu.vector_store %arg13[%swap3A_682], %or3A masked %eq3A_672 {strides = array<i32>} : memref<32xi32, #tpu.memory_space<vmem>>, vector<16xi32>, vector<16xi1>
      %while3A_684 = arith.constant 0 : i32
      %while3A_685 = arith.subi %squeeze3A_674, %while3A_684 : i32
      %while3A_686 = arith.addi %while3A_684, %while3A_685 : i32
      %while3A_687 = arith.constant 1 : i32
      %while3A_688 = arith.divsi %while3A_685, %while3A_687 : i32
      %while3A_689 = arith.muli %while3A_688, %while3A_687 : i32
      %while3A_690 = arith.addi %while3A_684, %while3A_689 : i32
      %while3A_691 = arith.constant 1 : i32
      scf.for %while3A_693 = %while3A_684 to %while3A_690 step %while3A_691  : i32 {
        %get3A_694 = arith.index_cast %while3A_693 : i32 to index
        %get3A_695 = tpu.vector_load %arg12[%get3A_694] {strides = array<i32>} : memref<32xi32, #tpu.memory_space<vmem>>, vector<16xi32>,
        %slice3A_696 = vector.extract_strided_slice %get3A_695 {offsets = [0], sizes = [1], strides = [1]} : vector<16xi32> to vector<1xi32>
        %squeeze3A_697 = vector.extract %slice3A_696[0] : i32 from vector<1xi32>
        %get3A_698 = arith.index_cast %while3A_693 : i32 to index
        %get3A_699 = tpu.vector_load %arg13[%get3A_698] {strides = array<i32>} : memref<32xi32, #tpu.memory_space<vmem>>, vector<16xi32>,
        %slice3A_700 = vector.extract_strided_slice %get3A_699 {offsets = [0], sizes = [1], strides = [1]} : vector<16xi32> to vector<1xi32>
        %squeeze3A_701 = vector.extract %slice3A_700[0] : i32 from vector<1xi32>
        %shift_right_arithmetic3A_702 = arith.constant 14 : i32
        %shift_right_arithmetic3A_703 = arith.shrsi %squeeze3A_697, %shift_right_arithmetic3A_702 : i32
        %get3A_704 = arith.index_cast %shift_right_arithmetic3A_703 : i32 to index
        %get3A_705 = memref.load %arg14[%get3A_704] : memref<64xi32, #tpu.memory_space<smem>>
        %add3A_706 = arith.constant 1 : i32
        %add3A_707 = arith.addi %get3A_705, %add3A_706 : i32
        %swap3A_708 = arith.index_cast %shift_right_arithmetic3A_703 : i32 to index
        %swap3A_709 = memref.load %arg14[%swap3A_708] : memref<64xi32, #tpu.memory_space<smem>>
        memref.store %add3A_707, %arg14[%swap3A_708] : memref<64xi32, #tpu.memory_space<smem>>
        %add3A_710 = vector.broadcast %get3A_705 : i32 to vector<16xi32>
        %add3A_711 = arith.addi %and3A_4, %add3A_710 : vector<16xi32>
        %add3A_712 = vector.broadcast %squeeze3A_701 : i32 to vector<16xi32>
        %add3A_713 = arith.addi %and3A_4, %add3A_712 : vector<16xi32>
        tpu.vector_store_idx %arg6[%add3A_711], %add3A_713 masked %eq3A_2 : memref<20496xi32, #tpu.memory_space<vmem>>[vector<16xi32>], vector<16xi32>, vector<16xi1>
      }
      %while3A_692 = arith.constant 1 : i32
      scf.for %while3A_693 = %while3A_690 to %while3A_686 step %while3A_692  : i32 {
        %get3A_694 = arith.index_cast %while3A_693 : i32 to index
        %get3A_695 = tpu.vector_load %arg12[%get3A_694] {strides = array<i32>} : memref<32xi32, #tpu.memory_space<vmem>>, vector<16xi32>,
        %slice3A_696 = vector.extract_strided_slice %get3A_695 {offsets = [0], sizes = [1], strides = [1]} : vector<16xi32> to vector<1xi32>
        %squeeze3A_697 = vector.extract %slice3A_696[0] : i32 from vector<1xi32>
        %get3A_698 = arith.index_cast %while3A_693 : i32 to index
        %get3A_699 = tpu.vector_load %arg13[%get3A_698] {strides = array<i32>} : memref<32xi32, #tpu.memory_space<vmem>>, vector<16xi32>,
        %slice3A_700 = vector.extract_strided_slice %get3A_699 {offsets = [0], sizes = [1], strides = [1]} : vector<16xi32> to vector<1xi32>
        %squeeze3A_701 = vector.extract %slice3A_700[0] : i32 from vector<1xi32>
        %shift_right_arithmetic3A_702 = arith.constant 14 : i32
        %shift_right_arithmetic3A_703 = arith.shrsi %squeeze3A_697, %shift_right_arithmetic3A_702 : i32
        %get3A_704 = arith.index_cast %shift_right_arithmetic3A_703 : i32 to index
        %get3A_705 = memref.load %arg14[%get3A_704] : memref<64xi32, #tpu.memory_space<smem>>
        %add3A_706 = arith.constant 1 : i32
        %add3A_707 = arith.addi %get3A_705, %add3A_706 : i32
        %swap3A_708 = arith.index_cast %shift_right_arithmetic3A_703 : i32 to index
        %swap3A_709 = memref.load %arg14[%swap3A_708] : memref<64xi32, #tpu.memory_space<smem>>
        memref.store %add3A_707, %arg14[%swap3A_708] : memref<64xi32, #tpu.memory_space<smem>>
        %add3A_710 = vector.broadcast %get3A_705 : i32 to vector<16xi32>
        %add3A_711 = arith.addi %and3A_4, %add3A_710 : vector<16xi32>
        %add3A_712 = vector.broadcast %squeeze3A_701 : i32 to vector<16xi32>
        %add3A_713 = arith.addi %and3A_4, %add3A_712 : vector<16xi32>
        tpu.vector_store_idx %arg6[%add3A_711], %add3A_713 masked %eq3A_2 : memref<20496xi32, #tpu.memory_space<vmem>>[vector<16xi32>], vector<16xi32>, vector<16xi1>
      }
    }
    %scan3A_559 = arith.constant 80 : i32
    %add3A_560 = arith.constant 20480 : i32
    %add3A_561 = vector.broadcast %add3A_560 : i32 to vector<16xi32>
    %add3A_562 = arith.addi %and3A_4, %add3A_561 : vector<16xi32>
    %swap3A_563 = arith.constant 0 : index
    %swap3A_564 = tpu.vector_load %arg11[%swap3A_563] {strides = array<i32>} : memref<64xi32, #tpu.memory_space<vmem>>, vector<16xi32>,
    tpu.vector_store %arg11[%swap3A_563], %add3A_562 {strides = array<i32>} : memref<64xi32, #tpu.memory_space<vmem>>, vector<16xi32>,
    %add3A_565 = arith.constant 20480 : i32
    %add3A_566 = vector.broadcast %add3A_565 : i32 to vector<16xi32>
    %add3A_567 = arith.addi %and3A_4, %add3A_566 : vector<16xi32>
    %swap3A_568 = arith.constant 16 : index
    %swap3A_569 = tpu.vector_load %arg11[%swap3A_568] {strides = array<i32>} : memref<64xi32, #tpu.memory_space<vmem>>, vector<16xi32>,
    tpu.vector_store %arg11[%swap3A_568], %add3A_567 {strides = array<i32>} : memref<64xi32, #tpu.memory_space<vmem>>, vector<16xi32>,
    %add3A_570 = arith.constant 20480 : i32
    %add3A_571 = vector.broadcast %add3A_570 : i32 to vector<16xi32>
    %add3A_572 = arith.addi %and3A_4, %add3A_571 : vector<16xi32>
    %swap3A_573 = arith.constant 32 : index
    %swap3A_574 = tpu.vector_load %arg11[%swap3A_573] {strides = array<i32>} : memref<64xi32, #tpu.memory_space<vmem>>, vector<16xi32>,
    tpu.vector_store %arg11[%swap3A_573], %add3A_572 {strides = array<i32>} : memref<64xi32, #tpu.memory_space<vmem>>, vector<16xi32>,
    %add3A_575 = arith.constant 20480 : i32
    %add3A_576 = vector.broadcast %add3A_575 : i32 to vector<16xi32>
    %add3A_577 = arith.addi %and3A_4, %add3A_576 : vector<16xi32>
    %swap3A_578 = arith.constant 48 : index
    %swap3A_579 = tpu.vector_load %arg11[%swap3A_578] {strides = array<i32>} : memref<64xi32, #tpu.memory_space<vmem>>, vector<16xi32>,
    tpu.vector_store %arg11[%swap3A_578], %add3A_577 {strides = array<i32>} : memref<64xi32, #tpu.memory_space<vmem>>, vector<16xi32>,
    %add3A_580 = arith.constant 0 : i32
    %add3A_581 = vector.broadcast %add3A_580 : i32 to vector<16xi32>
    %add3A_582 = arith.addi %iota3A, %add3A_581 : vector<16xi32>
    %add3A_583 = arith.constant 16 : i32
    %add3A_584 = vector.broadcast %add3A_583 : i32 to vector<16xi32>
    %add3A_585 = arith.addi %iota3A, %add3A_584 : vector<16xi32>
    %add3A_586 = arith.constant 32 : i32
    %add3A_587 = vector.broadcast %add3A_586 : i32 to vector<16xi32>
    %add3A_588 = arith.addi %iota3A, %add3A_587 : vector<16xi32>
    %add3A_589 = arith.constant 48 : i32
    %add3A_590 = vector.broadcast %add3A_589 : i32 to vector<16xi32>
    %add3A_591 = arith.addi %iota3A, %add3A_590 : vector<16xi32>
    %add3A_592 = arith.constant 0 : i32
    %add3A_593 = arith.addi %add3A_592, %add3A : i32
    %mul3A_594 = arith.constant 512 : i32
    %mul3A_595 = arith.muli %add3A_593, %mul3A_594 : i32
    %multiple_of3A = tpu.assume_multiple %mul3A_595, 128 : i32
    %lt3A_596 = arith.constant 1953 : i32
    %lt3A_597 = arith.cmpi slt, %add3A_593, %lt3A_596 : i32
    %convert_element_type3A = arith.extui %lt3A_597 : i1 to i32
    %cond3A = arith.constant 0 : i32
    %cond3A_598 = arith.cmpi ne, %convert_element_type3A, %cond3A : i32
    scf.if %cond3A_598 {
      %dma_start3A_654 = arith.constant 0 : i32
      %dma_start3A_655 = arith.constant 0 : i32
      %dma_start3A_656 = arith.constant 0 : i32
      %dma_start3A_657 = arith.constant 0 : i32
      %dma_start3A_658 = tpu.memref_slice %arg9[%dma_start3A_654, %dma_start3A_656, %dma_start3A_657] : memref<3x64x512xf32, #tpu.memory_space<vmem>> -> memref<1x64x512xf32, #tpu.memory_space<vmem>>
      %dma_start3A_659 = tpu.memref_squeeze %dma_start3A_658 : memref<1x64x512xf32, #tpu.memory_space<vmem>> -> memref<64x512xf32, #tpu.memory_space<vmem>>
      %dma_start3A_660 = arith.constant 0 : i32
      %dma_start3A_661 = tpu.memref_slice %arg2[%dma_start3A_660, %multiple_of3A] : memref<64x1000000xf32, #tpu.memory_space<hbm>> -> memref<64x512xf32, #tpu.memory_space<hbm>>
      %dma_start3A_662 = tpu.memref_slice %arg15[%dma_start3A_655] : memref<3x!tpu.dma_semaphore, #tpu.memory_space<semaphore_mem>> -> memref<1x!tpu.dma_semaphore, #tpu.memory_space<semaphore_mem>>
      %dma_start3A_663 = tpu.memref_squeeze %dma_start3A_662 : memref<1x!tpu.dma_semaphore, #tpu.memory_space<semaphore_mem>> -> memref<!tpu.dma_semaphore, #tpu.memory_space<semaphore_mem>>
      %dma_start3A_664 = arith.constant 0 : i32
      %dma_start3A_665 = arith.constant 0 : i32
      %dma_start3A_666 = tpu.memref_slice %arg9[%dma_start3A_654, %dma_start3A_664, %dma_start3A_665] : memref<3x64x512xf32, #tpu.memory_space<vmem>> -> memref<1x64x512xf32, #tpu.memory_space<vmem>>
      %dma_start3A_667 = tpu.memref_squeeze %dma_start3A_666 : memref<1x64x512xf32, #tpu.memory_space<vmem>> -> memref<64x512xf32, #tpu.memory_space<vmem>>
      %dma_start3A_668 = arith.constant 0 : i32
      %dma_start3A_669 = tpu.memref_slice %arg2[%dma_start3A_668, %multiple_of3A] : memref<64x1000000xf32, #tpu.memory_space<hbm>> -> memref<64x512xf32, #tpu.memory_space<hbm>>
      tpu.enqueue_dma source(%dma_start3A_669 : memref<64x512xf32, #tpu.memory_space<hbm>>) target(%dma_start3A_667 : memref<64x512xf32, #tpu.memory_space<vmem>>) target_semaphore(%dma_start3A_663 : memref<!tpu.dma_semaphore, #tpu.memory_space<semaphore_mem>>)
    } else {
    }
    %eq3A_599 = arith.constant 1953 : i32
    %eq3A_600 = arith.cmpi eq, %add3A_593, %eq3A_599 : i32
    %convert_element_type3A_601 = arith.extui %eq3A_600 : i1 to i32
    %cond3A_602 = arith.constant 0 : i32
    %cond3A_603 = arith.cmpi ne, %convert_element_type3A_601, %cond3A_602 : i32
    scf.if %cond3A_603 {
      %dma_start3A_654 = arith.constant 0 : i32
      %dma_start3A_655 = arith.constant 0 : i32
      %dma_start3A_656 = arith.constant 0 : i32
      %dma_start3A_657 = arith.constant 0 : i32
      %dma_start3A_658 = tpu.memref_slice %arg9[%dma_start3A_654, %dma_start3A_656, %dma_start3A_657] : memref<3x64x512xf32, #tpu.memory_space<vmem>> -> memref<1x64x128xf32, #tpu.memory_space<vmem>>
      %dma_start3A_659 = tpu.memref_squeeze %dma_start3A_658 : memref<1x64x128xf32, #tpu.memory_space<vmem>> -> memref<64x128xf32, #tpu.memory_space<vmem>>
      %dma_start3A_660 = arith.constant 0 : i32
      %dma_start3A_661 = tpu.memref_slice %arg2[%dma_start3A_660, %multiple_of3A] : memref<64x1000000xf32, #tpu.memory_space<hbm>> -> memref<64x128xf32, #tpu.memory_space<hbm>>
      %dma_start3A_662 = tpu.memref_slice %arg15[%dma_start3A_655] : memref<3x!tpu.dma_semaphore, #tpu.memory_space<semaphore_mem>> -> memref<1x!tpu.dma_semaphore, #tpu.memory_space<semaphore_mem>>
      %dma_start3A_663 = tpu.memref_squeeze %dma_start3A_662 : memref<1x!tpu.dma_semaphore, #tpu.memory_space<semaphore_mem>> -> memref<!tpu.dma_semaphore, #tpu.memory_space<semaphore_mem>>
      %dma_start3A_664 = arith.constant 0 : i32
      %dma_start3A_665 = arith.constant 0 : i32
      %dma_start3A_666 = tpu.memref_slice %arg9[%dma_start3A_654, %dma_start3A_664, %dma_start3A_665] : memref<3x64x512xf32, #tpu.memory_space<vmem>> -> memref<1x64x128xf32, #tpu.memory_space<vmem>>
      %dma_start3A_667 = tpu.memref_squeeze %dma_start3A_666 : memref<1x64x128xf32, #tpu.memory_space<vmem>> -> memref<64x128xf32, #tpu.memory_space<vmem>>
      %dma_start3A_668 = arith.constant 0 : i32
      %dma_start3A_669 = tpu.memref_slice %arg2[%dma_start3A_668, %multiple_of3A] : memref<64x1000000xf32, #tpu.memory_space<hbm>> -> memref<64x128xf32, #tpu.memory_space<hbm>>
      tpu.enqueue_dma source(%dma_start3A_669 : memref<64x128xf32, #tpu.memory_space<hbm>>) target(%dma_start3A_667 : memref<64x128xf32, #tpu.memory_space<vmem>>) target_semaphore(%dma_start3A_663 : memref<!tpu.dma_semaphore, #tpu.memory_space<semaphore_mem>>)
    } else {
    }
    %add3A_604 = arith.constant 32 : i32
    %add3A_605 = arith.addi %add3A_604, %add3A : i32
    %mul3A_606 = arith.constant 512 : i32
    %mul3A_607 = arith.muli %add3A_605, %mul3A_606 : i32
    %multiple_of3A_608 = tpu.assume_multiple %mul3A_607, 128 : i32
    %lt3A_609 = arith.constant 1953 : i32
    %lt3A_610 = arith.cmpi slt, %add3A_605, %lt3A_609 : i32
    %convert_element_type3A_611 = arith.extui %lt3A_610 : i1 to i32
    %cond3A_612 = arith.constant 0 : i32
    %cond3A_613 = arith.cmpi ne, %convert_element_type3A_611, %cond3A_612 : i32
    scf.if %cond3A_613 {
      %dma_start3A_654 = arith.constant 1 : i32
      %dma_start3A_655 = arith.constant 1 : i32
      %dma_start3A_656 = arith.constant 0 : i32
      %dma_start3A_657 = arith.constant 0 : i32
      %dma_start3A_658 = tpu.memref_slice %arg9[%dma_start3A_654, %dma_start3A_656, %dma_start3A_657] : memref<3x64x512xf32, #tpu.memory_space<vmem>> -> memref<1x64x512xf32, #tpu.memory_space<vmem>>
      %dma_start3A_659 = tpu.memref_squeeze %dma_start3A_658 : memref<1x64x512xf32, #tpu.memory_space<vmem>> -> memref<64x512xf32, #tpu.memory_space<vmem>>
      %dma_start3A_660 = arith.constant 0 : i32
      %dma_start3A_661 = tpu.memref_slice %arg2[%dma_start3A_660, %multiple_of3A_608] : memref<64x1000000xf32, #tpu.memory_space<hbm>> -> memref<64x512xf32, #tpu.memory_space<hbm>>
      %dma_start3A_662 = tpu.memref_slice %arg15[%dma_start3A_655] : memref<3x!tpu.dma_semaphore, #tpu.memory_space<semaphore_mem>> -> memref<1x!tpu.dma_semaphore, #tpu.memory_space<semaphore_mem>>
      %dma_start3A_663 = tpu.memref_squeeze %dma_start3A_662 : memref<1x!tpu.dma_semaphore, #tpu.memory_space<semaphore_mem>> -> memref<!tpu.dma_semaphore, #tpu.memory_space<semaphore_mem>>
      %dma_start3A_664 = arith.constant 0 : i32
      %dma_start3A_665 = arith.constant 0 : i32
      %dma_start3A_666 = tpu.memref_slice %arg9[%dma_start3A_654, %dma_start3A_664, %dma_start3A_665] : memref<3x64x512xf32, #tpu.memory_space<vmem>> -> memref<1x64x512xf32, #tpu.memory_space<vmem>>
      %dma_start3A_667 = tpu.memref_squeeze %dma_start3A_666 : memref<1x64x512xf32, #tpu.memory_space<vmem>> -> memref<64x512xf32, #tpu.memory_space<vmem>>
      %dma_start3A_668 = arith.constant 0 : i32
      %dma_start3A_669 = tpu.memref_slice %arg2[%dma_start3A_668, %multiple_of3A_608] : memref<64x1000000xf32, #tpu.memory_space<hbm>> -> memref<64x512xf32, #tpu.memory_space<hbm>>
      tpu.enqueue_dma source(%dma_start3A_669 : memref<64x512xf32, #tpu.memory_space<hbm>>) target(%dma_start3A_667 : memref<64x512xf32, #tpu.memory_space<vmem>>) target_semaphore(%dma_start3A_663 : memref<!tpu.dma_semaphore, #tpu.memory_space<semaphore_mem>>)
    } else {
    }
    %eq3A_614 = arith.constant 1953 : i32
    %eq3A_615 = arith.cmpi eq, %add3A_605, %eq3A_614 : i32
    %convert_element_type3A_616 = arith.extui %eq3A_615 : i1 to i32
    %cond3A_617 = arith.constant 0 : i32
    %cond3A_618 = arith.cmpi ne, %convert_element_type3A_616, %cond3A_617 : i32
    scf.if %cond3A_618 {
      %dma_start3A_654 = arith.constant 1 : i32
      %dma_start3A_655 = arith.constant 1 : i32
      %dma_start3A_656 = arith.constant 0 : i32
      %dma_start3A_657 = arith.constant 0 : i32
      %dma_start3A_658 = tpu.memref_slice %arg9[%dma_start3A_654, %dma_start3A_656, %dma_start3A_657] : memref<3x64x512xf32, #tpu.memory_space<vmem>> -> memref<1x64x128xf32, #tpu.memory_space<vmem>>
      %dma_start3A_659 = tpu.memref_squeeze %dma_start3A_658 : memref<1x64x128xf32, #tpu.memory_space<vmem>> -> memref<64x128xf32, #tpu.memory_space<vmem>>
      %dma_start3A_660 = arith.constant 0 : i32
      %dma_start3A_661 = tpu.memref_slice %arg2[%dma_start3A_660, %multiple_of3A_608] : memref<64x1000000xf32, #tpu.memory_space<hbm>> -> memref<64x128xf32, #tpu.memory_space<hbm>>
      %dma_start3A_662 = tpu.memref_slice %arg15[%dma_start3A_655] : memref<3x!tpu.dma_semaphore, #tpu.memory_space<semaphore_mem>> -> memref<1x!tpu.dma_semaphore, #tpu.memory_space<semaphore_mem>>
      %dma_start3A_663 = tpu.memref_squeeze %dma_start3A_662 : memref<1x!tpu.dma_semaphore, #tpu.memory_space<semaphore_mem>> -> memref<!tpu.dma_semaphore, #tpu.memory_space<semaphore_mem>>
      %dma_start3A_664 = arith.constant 0 : i32
      %dma_start3A_665 = arith.constant 0 : i32
      %dma_start3A_666 = tpu.memref_slice %arg9[%dma_start3A_654, %dma_start3A_664, %dma_start3A_665] : memref<3x64x512xf32, #tpu.memory_space<vmem>> -> memref<1x64x128xf32, #tpu.memory_space<vmem>>
      %dma_start3A_667 = tpu.memref_squeeze %dma_start3A_666 : memref<1x64x128xf32, #tpu.memory_space<vmem>> -> memref<64x128xf32, #tpu.memory_space<vmem>>
      %dma_start3A_668 = arith.constant 0 : i32
      %dma_start3A_669 = tpu.memref_slice %arg2[%dma_start3A_668, %multiple_of3A_608] : memref<64x1000000xf32, #tpu.memory_space<hbm>> -> memref<64x128xf32, #tpu.memory_space<hbm>>
      tpu.enqueue_dma source(%dma_start3A_669 : memref<64x128xf32, #tpu.memory_space<hbm>>) target(%dma_start3A_667 : memref<64x128xf32, #tpu.memory_space<vmem>>) target_semaphore(%dma_start3A_663 : memref<!tpu.dma_semaphore, #tpu.memory_space<semaphore_mem>>)
    } else {
    }
    %while3A = arith.constant 0 : i32
    %while3A_619 = arith.constant 0 : i32
    %while3A_620 = arith.subi %select_n3A, %while3A : i32
    %while3A_621 = arith.addi %while3A, %while3A_620 : i32
    %while3A_622 = arith.constant 1 : i32
    %while3A_623 = arith.divsi %while3A_620, %while3A_622 : i32
    %while3A_624 = arith.muli %while3A_623, %while3A_622 : i32
    %while3A_625 = arith.addi %while3A, %while3A_624 : i32
    %while3A_626 = arith.constant 1 : i32
    %while3A_627 = scf.for %while3A_654 = %while3A to %while3A_625 step %while3A_626 iter_args(%while3A_655 = %while3A_619) -> (i32)  : i32 {
      %rem3A = arith.constant 3 : i32
      %rem3A_656 = arith.remsi %while3A_654, %rem3A : i32
      %mul3A_657 = arith.constant 32 : i32
      %mul3A_658 = arith.muli %while3A_654, %mul3A_657 : i32
      %add3A_659 = arith.addi %mul3A_658, %add3A : i32
      %add3A_660 = arith.constant 2 : i32
      %add3A_661 = arith.addi %while3A_654, %add3A_660 : i32
      %lt3A_662 = arith.cmpi slt, %add3A_661, %select_n3A : i32
      %convert_element_type3A_663 = arith.extui %lt3A_662 : i1 to i32
      %cond3A_664 = arith.constant 0 : i32
      %cond3A_665 = arith.cmpi ne, %convert_element_type3A_663, %cond3A_664 : i32
      scf.if %cond3A_665 {
        %add3A_702 = arith.constant 2 : i32
        %add3A_703 = arith.addi %while3A_654, %add3A_702 : i32
        %mul3A_704 = arith.constant 32 : i32
        %mul3A_705 = arith.muli %add3A_703, %mul3A_704 : i32
        %add3A_706 = arith.addi %mul3A_705, %add3A : i32
        %add3A_707 = arith.constant 2 : i32
        %add3A_708 = arith.addi %while3A_654, %add3A_707 : i32
        %rem3A_709 = arith.constant 3 : i32
        %rem3A_710 = arith.remsi %add3A_708, %rem3A_709 : i32
        %mul3A_711 = arith.constant 512 : i32
        %mul3A_712 = arith.muli %add3A_706, %mul3A_711 : i32
        %multiple_of3A_713 = tpu.assume_multiple %mul3A_712, 128 : i32
        %lt3A_714 = arith.constant 1953 : i32
        %lt3A_715 = arith.cmpi slt, %add3A_706, %lt3A_714 : i32
        %convert_element_type3A_716 = arith.extui %lt3A_715 : i1 to i32
        %cond3A_717 = arith.constant 0 : i32
        %cond3A_718 = arith.cmpi ne, %convert_element_type3A_716, %cond3A_717 : i32
        scf.if %cond3A_718 {
          %dma_start3A_724 = arith.constant 0 : i32
          %dma_start3A_725 = arith.constant 0 : i32
          %dma_start3A_726 = tpu.memref_slice %arg9[%rem3A_710, %dma_start3A_724, %dma_start3A_725] : memref<3x64x512xf32, #tpu.memory_space<vmem>> -> memref<1x64x512xf32, #tpu.memory_space<vmem>>
          %dma_start3A_727 = tpu.memref_squeeze %dma_start3A_726 : memref<1x64x512xf32, #tpu.memory_space<vmem>> -> memref<64x512xf32, #tpu.memory_space<vmem>>
          %dma_start3A_728 = arith.constant 0 : i32
          %dma_start3A_729 = tpu.memref_slice %arg2[%dma_start3A_728, %multiple_of3A_713] : memref<64x1000000xf32, #tpu.memory_space<hbm>> -> memref<64x512xf32, #tpu.memory_space<hbm>>
          %dma_start3A_730 = tpu.memref_slice %arg15[%rem3A_710] : memref<3x!tpu.dma_semaphore, #tpu.memory_space<semaphore_mem>> -> memref<1x!tpu.dma_semaphore, #tpu.memory_space<semaphore_mem>>
          %dma_start3A_731 = tpu.memref_squeeze %dma_start3A_730 : memref<1x!tpu.dma_semaphore, #tpu.memory_space<semaphore_mem>> -> memref<!tpu.dma_semaphore, #tpu.memory_space<semaphore_mem>>
          %dma_start3A_732 = arith.constant 0 : i32
          %dma_start3A_733 = arith.constant 0 : i32
          %dma_start3A_734 = tpu.memref_slice %arg9[%rem3A_710, %dma_start3A_732, %dma_start3A_733] : memref<3x64x512xf32, #tpu.memory_space<vmem>> -> memref<1x64x512xf32, #tpu.memory_space<vmem>>
          %dma_start3A_735 = tpu.memref_squeeze %dma_start3A_734 : memref<1x64x512xf32, #tpu.memory_space<vmem>> -> memref<64x512xf32, #tpu.memory_space<vmem>>
          %dma_start3A_736 = arith.constant 0 : i32
          %dma_start3A_737 = tpu.memref_slice %arg2[%dma_start3A_736, %multiple_of3A_713] : memref<64x1000000xf32, #tpu.memory_space<hbm>> -> memref<64x512xf32, #tpu.memory_space<hbm>>
          tpu.enqueue_dma source(%dma_start3A_737 : memref<64x512xf32, #tpu.memory_space<hbm>>) target(%dma_start3A_735 : memref<64x512xf32, #tpu.memory_space<vmem>>) target_semaphore(%dma_start3A_731 : memref<!tpu.dma_semaphore, #tpu.memory_space<semaphore_mem>>)
        } else {
        }
        %eq3A_719 = arith.constant 1953 : i32
        %eq3A_720 = arith.cmpi eq, %add3A_706, %eq3A_719 : i32
        %convert_element_type3A_721 = arith.extui %eq3A_720 : i1 to i32
        %cond3A_722 = arith.constant 0 : i32
        %cond3A_723 = arith.cmpi ne, %convert_element_type3A_721, %cond3A_722 : i32
        scf.if %cond3A_723 {
          %dma_start3A_724 = arith.constant 0 : i32
          %dma_start3A_725 = arith.constant 0 : i32
          %dma_start3A_726 = tpu.memref_slice %arg9[%rem3A_710, %dma_start3A_724, %dma_start3A_725] : memref<3x64x512xf32, #tpu.memory_space<vmem>> -> memref<1x64x128xf32, #tpu.memory_space<vmem>>
          %dma_start3A_727 = tpu.memref_squeeze %dma_start3A_726 : memref<1x64x128xf32, #tpu.memory_space<vmem>> -> memref<64x128xf32, #tpu.memory_space<vmem>>
          %dma_start3A_728 = arith.constant 0 : i32
          %dma_start3A_729 = tpu.memref_slice %arg2[%dma_start3A_728, %multiple_of3A_713] : memref<64x1000000xf32, #tpu.memory_space<hbm>> -> memref<64x128xf32, #tpu.memory_space<hbm>>
          %dma_start3A_730 = tpu.memref_slice %arg15[%rem3A_710] : memref<3x!tpu.dma_semaphore, #tpu.memory_space<semaphore_mem>> -> memref<1x!tpu.dma_semaphore, #tpu.memory_space<semaphore_mem>>
          %dma_start3A_731 = tpu.memref_squeeze %dma_start3A_730 : memref<1x!tpu.dma_semaphore, #tpu.memory_space<semaphore_mem>> -> memref<!tpu.dma_semaphore, #tpu.memory_space<semaphore_mem>>
          %dma_start3A_732 = arith.constant 0 : i32
          %dma_start3A_733 = arith.constant 0 : i32
          %dma_start3A_734 = tpu.memref_slice %arg9[%rem3A_710, %dma_start3A_732, %dma_start3A_733] : memref<3x64x512xf32, #tpu.memory_space<vmem>> -> memref<1x64x128xf32, #tpu.memory_space<vmem>>
          %dma_start3A_735 = tpu.memref_squeeze %dma_start3A_734 : memref<1x64x128xf32, #tpu.memory_space<vmem>> -> memref<64x128xf32, #tpu.memory_space<vmem>>
          %dma_start3A_736 = arith.constant 0 : i32
          %dma_start3A_737 = tpu.memref_slice %arg2[%dma_start3A_736, %multiple_of3A_713] : memref<64x1000000xf32, #tpu.memory_space<hbm>> -> memref<64x128xf32, #tpu.memory_space<hbm>>
          tpu.enqueue_dma source(%dma_start3A_737 : memref<64x128xf32, #tpu.memory_space<hbm>>) target(%dma_start3A_735 : memref<64x128xf32, #tpu.memory_space<vmem>>) target_semaphore(%dma_start3A_731 : memref<!tpu.dma_semaphore, #tpu.memory_space<semaphore_mem>>)
        } else {
        }
      } else {
      }
      %lt3A_666 = arith.constant 1953 : i32
      %lt3A_667 = arith.cmpi slt, %add3A_659, %lt3A_666 : i32
      %convert_element_type3A_668 = arith.extui %lt3A_667 : i1 to i32
      %cond3A_669 = arith.constant 0 : i32
      %cond3A_670 = arith.cmpi ne, %convert_element_type3A_668, %cond3A_669 : i32
      scf.if %cond3A_670 {
        %dma_wait3A_702 = arith.constant 0 : i32
        %dma_wait3A_703 = arith.constant 0 : i32
        %dma_wait3A_704 = tpu.memref_slice %arg9[%rem3A_656, %dma_wait3A_702, %dma_wait3A_703] : memref<3x64x512xf32, #tpu.memory_space<vmem>> -> memref<1x64x512xf32, #tpu.memory_space<vmem>>
        %dma_wait3A_705 = tpu.memref_squeeze %dma_wait3A_704 : memref<1x64x512xf32, #tpu.memory_space<vmem>> -> memref<64x512xf32, #tpu.memory_space<vmem>>
        %dma_wait3A_706 = arith.constant 0 : i32
        %dma_wait3A_707 = arith.constant 0 : i32
        %dma_wait3A_708 = tpu.memref_slice %arg2[%dma_wait3A_706, %dma_wait3A_707] : memref<64x1000000xf32, #tpu.memory_space<hbm>> -> memref<64x512xf32, #tpu.memory_space<hbm>>
        %dma_wait3A_709 = tpu.memref_slice %arg15[%rem3A_656] : memref<3x!tpu.dma_semaphore, #tpu.memory_space<semaphore_mem>> -> memref<1x!tpu.dma_semaphore, #tpu.memory_space<semaphore_mem>>
        %dma_wait3A_710 = tpu.memref_squeeze %dma_wait3A_709 : memref<1x!tpu.dma_semaphore, #tpu.memory_space<semaphore_mem>> -> memref<!tpu.dma_semaphore, #tpu.memory_space<semaphore_mem>>
        %dma_wait3A_711 = arith.constant 0 : i32
        %dma_wait3A_712 = arith.constant 0 : i32
        %dma_wait3A_713 = tpu.memref_slice %arg9[%rem3A_656, %dma_wait3A_711, %dma_wait3A_712] : memref<3x64x512xf32, #tpu.memory_space<vmem>> -> memref<1x64x512xf32, #tpu.memory_space<vmem>>
        %dma_wait3A_714 = tpu.memref_squeeze %dma_wait3A_713 : memref<1x64x512xf32, #tpu.memory_space<vmem>> -> memref<64x512xf32, #tpu.memory_space<vmem>>
        %dma_wait3A_715 = arith.constant 0 : i32
        %dma_wait3A_716 = arith.constant 0 : i32
        %dma_wait3A_717 = tpu.memref_slice %arg2[%dma_wait3A_715, %dma_wait3A_716] : memref<64x1000000xf32, #tpu.memory_space<hbm>> -> memref<64x512xf32, #tpu.memory_space<hbm>>
        tpu.wait_dma2 semaphore(%dma_wait3A_710 : memref<!tpu.dma_semaphore, #tpu.memory_space<semaphore_mem>>) src(%dma_wait3A_717 : memref<64x512xf32, #tpu.memory_space<hbm>>) dst(%dma_wait3A_714 : memref<64x512xf32, #tpu.memory_space<vmem>>)
      } else {
      }
      %eq3A_671 = arith.constant 1953 : i32
      %eq3A_672 = arith.cmpi eq, %add3A_659, %eq3A_671 : i32
      %convert_element_type3A_673 = arith.extui %eq3A_672 : i1 to i32
      %cond3A_674 = arith.constant 0 : i32
      %cond3A_675 = arith.cmpi ne, %convert_element_type3A_673, %cond3A_674 : i32
      scf.if %cond3A_675 {
        %dma_wait3A_702 = arith.constant 0 : i32
        %dma_wait3A_703 = arith.constant 0 : i32
        %dma_wait3A_704 = tpu.memref_slice %arg9[%rem3A_656, %dma_wait3A_702, %dma_wait3A_703] : memref<3x64x512xf32, #tpu.memory_space<vmem>> -> memref<1x64x128xf32, #tpu.memory_space<vmem>>
        %dma_wait3A_705 = tpu.memref_squeeze %dma_wait3A_704 : memref<1x64x128xf32, #tpu.memory_space<vmem>> -> memref<64x128xf32, #tpu.memory_space<vmem>>
        %dma_wait3A_706 = arith.constant 0 : i32
        %dma_wait3A_707 = arith.constant 0 : i32
        %dma_wait3A_708 = tpu.memref_slice %arg2[%dma_wait3A_706, %dma_wait3A_707] : memref<64x1000000xf32, #tpu.memory_space<hbm>> -> memref<64x128xf32, #tpu.memory_space<hbm>>
        %dma_wait3A_709 = tpu.memref_slice %arg15[%rem3A_656] : memref<3x!tpu.dma_semaphore, #tpu.memory_space<semaphore_mem>> -> memref<1x!tpu.dma_semaphore, #tpu.memory_space<semaphore_mem>>
        %dma_wait3A_710 = tpu.memref_squeeze %dma_wait3A_709 : memref<1x!tpu.dma_semaphore, #tpu.memory_space<semaphore_mem>> -> memref<!tpu.dma_semaphore, #tpu.memory_space<semaphore_mem>>
        %dma_wait3A_711 = arith.constant 0 : i32
        %dma_wait3A_712 = arith.constant 0 : i32
        %dma_wait3A_713 = tpu.memref_slice %arg9[%rem3A_656, %dma_wait3A_711, %dma_wait3A_712] : memref<3x64x512xf32, #tpu.memory_space<vmem>> -> memref<1x64x128xf32, #tpu.memory_space<vmem>>
        %dma_wait3A_714 = tpu.memref_squeeze %dma_wait3A_713 : memref<1x64x128xf32, #tpu.memory_space<vmem>> -> memref<64x128xf32, #tpu.memory_space<vmem>>
        %dma_wait3A_715 = arith.constant 0 : i32
        %dma_wait3A_716 = arith.constant 0 : i32
        %dma_wait3A_717 = tpu.memref_slice %arg2[%dma_wait3A_715, %dma_wait3A_716] : memref<64x1000000xf32, #tpu.memory_space<hbm>> -> memref<64x128xf32, #tpu.memory_space<hbm>>
        tpu.wait_dma2 semaphore(%dma_wait3A_710 : memref<!tpu.dma_semaphore, #tpu.memory_space<semaphore_mem>>) src(%dma_wait3A_717 : memref<64x128xf32, #tpu.memory_space<hbm>>) dst(%dma_wait3A_714 : memref<64x128xf32, #tpu.memory_space<vmem>>)
      } else {
      }
      %eq3A_676 = arith.constant 0 : i32
      %eq3A_677 = arith.cmpi eq, %while3A_654, %eq3A_676 : i32
      %sub3A = arith.constant 1 : i32
      %sub3A_678 = arith.subi %while3A_654, %sub3A : i32
      %max3A = arith.constant 0 : i32
      %max3A_679 = arith.maxsi %sub3A_678, %max3A : i32
      %get3A_680 = arith.index_cast %max3A_679 : i32 to index
      %get3A_681 = tpu.vector_load %arg8[%get3A_680] {strides = array<i32>} : memref<80xi32, #tpu.memory_space<vmem>>, vector<16xi32>,
      %slice3A_682 = vector.extract_strided_slice %get3A_681 {offsets = [0], sizes = [1], strides = [1]} : vector<16xi32> to vector<1xi32>
      %squeeze3A_683 = vector.extract %slice3A_682[0] : i32 from vector<1xi32>
      %jit3A_684 = arith.constant 0 : i32
      %select_n3A_685 = arith.select %eq3A_677, %jit3A_684, %squeeze3A_683 : i32
      %get3A_686 = arith.index_cast %while3A_654 : i32 to index
      %get3A_687 = tpu.vector_load %arg8[%get3A_686] {strides = array<i32>} : memref<80xi32, #tpu.memory_space<vmem>>, vector<16xi32>,
      %slice3A_688 = vector.extract_strided_slice %get3A_687 {offsets = [0], sizes = [1], strides = [1]} : vector<16xi32> to vector<1xi32>
      %squeeze3A_689 = vector.extract %slice3A_688[0] : i32 from vector<1xi32>
      %add3A_690 = vector.broadcast %rem3A_656 : i32 to vector<16xi32>
      %add3A_691 = arith.addi %and3A_4, %add3A_690 : vector<16xi32>
      %while3A_692 = arith.subi %squeeze3A_689, %select_n3A_685 : i32
      %while3A_693 = arith.addi %select_n3A_685, %while3A_692 : i32
      %while3A_694 = arith.constant 1 : i32
      %while3A_695 = arith.divsi %while3A_692, %while3A_694 : i32
      %while3A_696 = arith.muli %while3A_695, %while3A_694 : i32
      %while3A_697 = arith.addi %select_n3A_685, %while3A_696 : i32
      %while3A_698 = arith.constant 1 : i32
      %while3A_699 = scf.for %while3A_702 = %select_n3A_685 to %while3A_697 step %while3A_698 iter_args(%while3A_703 = %while3A_655) -> (i32)  : i32 {
        %get3A_704 = arith.index_cast %while3A_702 : i32 to index
        %get3A_705 = tpu.vector_load %arg6[%get3A_704] {strides = array<i32>} : memref<20496xi32, #tpu.memory_space<vmem>>, vector<16xi32>,
        %slice3A_706 = vector.extract_strided_slice %get3A_705 {offsets = [0], sizes = [1], strides = [1]} : vector<16xi32> to vector<1xi32>
        %squeeze3A_707 = vector.extract %slice3A_706[0] : i32 from vector<1xi32>
        %and3A_708 = arith.constant 511 : i32
        %and3A_709 = arith.andi %squeeze3A_707, %and3A_708 : i32
        %add3A_710 = vector.broadcast %and3A_709 : i32 to vector<16xi32>
        %add3A_711 = arith.addi %and3A_4, %add3A_710 : vector<16xi32>
        %gather3A = tpu.vector_load_idx %arg9[%add3A_691, %add3A_582, %add3A_711] : memref<3x64x512xf32, #tpu.memory_space<vmem>>[vector<16xi32>, vector<16xi32>, vector<16xi32>], vector<16xf32>,
        %swap3A_712 = arith.constant 0 : i32
        %swap3A_713 = tpu.memref_slice %arg10[%while3A_703, %swap3A_712] : memref<64x128xf32, #tpu.memory_space<vmem>> -> memref<1x128xf32, #tpu.memory_space<vmem>>
        %swap3A_714 = tpu.memref_squeeze %swap3A_713 : memref<1x128xf32, #tpu.memory_space<vmem>> -> memref<128xf32, #tpu.memory_space<vmem>>
        %swap3A_715 = arith.constant 0 : index
        %swap3A_716 = tpu.vector_load %swap3A_714[%swap3A_715] {strides = array<i32>} : memref<128xf32, #tpu.memory_space<vmem>>, vector<16xf32>,
        tpu.vector_store %swap3A_714[%swap3A_715], %gather3A {strides = array<i32>} : memref<128xf32, #tpu.memory_space<vmem>>, vector<16xf32>,
        %gather3A_717 = tpu.vector_load_idx %arg9[%add3A_691, %add3A_585, %add3A_711] : memref<3x64x512xf32, #tpu.memory_space<vmem>>[vector<16xi32>, vector<16xi32>, vector<16xi32>], vector<16xf32>,
        %swap3A_718 = arith.constant 0 : i32
        %swap3A_719 = tpu.memref_slice %arg10[%while3A_703, %swap3A_718] : memref<64x128xf32, #tpu.memory_space<vmem>> -> memref<1x128xf32, #tpu.memory_space<vmem>>
        %swap3A_720 = tpu.memref_squeeze %swap3A_719 : memref<1x128xf32, #tpu.memory_space<vmem>> -> memref<128xf32, #tpu.memory_space<vmem>>
        %swap3A_721 = arith.constant 16 : index
        %swap3A_722 = tpu.vector_load %swap3A_720[%swap3A_721] {strides = array<i32>} : memref<128xf32, #tpu.memory_space<vmem>>, vector<16xf32>,
        tpu.vector_store %swap3A_720[%swap3A_721], %gather3A_717 {strides = array<i32>} : memref<128xf32, #tpu.memory_space<vmem>>, vector<16xf32>,
        %gather3A_723 = tpu.vector_load_idx %arg9[%add3A_691, %add3A_588, %add3A_711] : memref<3x64x512xf32, #tpu.memory_space<vmem>>[vector<16xi32>, vector<16xi32>, vector<16xi32>], vector<16xf32>,
        %swap3A_724 = arith.constant 0 : i32
        %swap3A_725 = tpu.memref_slice %arg10[%while3A_703, %swap3A_724] : memref<64x128xf32, #tpu.memory_space<vmem>> -> memref<1x128xf32, #tpu.memory_space<vmem>>
        %swap3A_726 = tpu.memref_squeeze %swap3A_725 : memref<1x128xf32, #tpu.memory_space<vmem>> -> memref<128xf32, #tpu.memory_space<vmem>>
        %swap3A_727 = arith.constant 32 : index
        %swap3A_728 = tpu.vector_load %swap3A_726[%swap3A_727] {strides = array<i32>} : memref<128xf32, #tpu.memory_space<vmem>>, vector<16xf32>,
        tpu.vector_store %swap3A_726[%swap3A_727], %gather3A_723 {strides = array<i32>} : memref<128xf32, #tpu.memory_space<vmem>>, vector<16xf32>,
        %gather3A_729 = tpu.vector_load_idx %arg9[%add3A_691, %add3A_591, %add3A_711] : memref<3x64x512xf32, #tpu.memory_space<vmem>>[vector<16xi32>, vector<16xi32>, vector<16xi32>], vector<16xf32>,
        %swap3A_730 = arith.constant 0 : i32
        %swap3A_731 = tpu.memref_slice %arg10[%while3A_703, %swap3A_730] : memref<64x128xf32, #tpu.memory_space<vmem>> -> memref<1x128xf32, #tpu.memory_space<vmem>>
        %swap3A_732 = tpu.memref_squeeze %swap3A_731 : memref<1x128xf32, #tpu.memory_space<vmem>> -> memref<128xf32, #tpu.memory_space<vmem>>
        %swap3A_733 = arith.constant 48 : index
        %swap3A_734 = tpu.vector_load %swap3A_732[%swap3A_733] {strides = array<i32>} : memref<128xf32, #tpu.memory_space<vmem>>, vector<16xf32>,
        tpu.vector_store %swap3A_732[%swap3A_733], %gather3A_729 {strides = array<i32>} : memref<128xf32, #tpu.memory_space<vmem>>, vector<16xf32>,
        %add3A_735 = vector.broadcast %while3A_703 : i32 to vector<16xi32>
        %add3A_736 = arith.addi %and3A_4, %add3A_735 : vector<16xi32>
        %shift_right_arithmetic3A = arith.constant 9 : i32
        %shift_right_arithmetic3A_737 = arith.shrsi %squeeze3A_707, %shift_right_arithmetic3A : i32
        %add3A_738 = vector.broadcast %shift_right_arithmetic3A_737 : i32 to vector<16xi32>
        %add3A_739 = arith.addi %and3A_4, %add3A_738 : vector<16xi32>
        tpu.vector_store_idx %arg11[%add3A_736], %add3A_739 masked %eq3A_2 : memref<64xi32, #tpu.memory_space<vmem>>[vector<16xi32>], vector<16xi32>, vector<16xi1>
        %add3A_740 = arith.constant 1 : i32
        %add3A_741 = arith.addi %while3A_703, %add3A_740 : i32
        %eq3A_742 = arith.constant 64 : i32
        %eq3A_743 = arith.cmpi eq, %add3A_741, %eq3A_742 : i32
        %convert_element_type3A_744 = arith.extui %eq3A_743 : i1 to i32
        %cond3A_745 = arith.constant 0 : i32
        %cond3A_746 = arith.cmpi ne, %convert_element_type3A_744, %cond3A_745 : i32
        scf.if %cond3A_746 {
          %dma_start3A_751 = arith.constant 0 : i32
          %dma_start3A_752 = arith.constant 0 : i32
          %dma_start3A_753 = tpu.memref_slice %arg4[%dma_start3A_751, %dma_start3A_752] : memref<20488x128xf32, #tpu.memory_space<hbm>> -> memref<20488x128xf32, #tpu.memory_space<hbm>>
          tpu.enqueue_indirect_dma source(%arg10 : memref<64x128xf32, #tpu.memory_space<vmem>>) target(%dma_start3A_753 : memref<20488x128xf32, #tpu.memory_space<hbm>>) offsets(%arg11 : memref<64xi32, #tpu.memory_space<vmem>>) semaphore(%arg16 : memref<!tpu.dma_semaphore, #tpu.memory_space<semaphore_mem>>)
          %dma_wait3A_754 = arith.constant 0 : i32
          %dma_wait3A_755 = arith.constant 0 : i32
          %dma_wait3A_756 = tpu.memref_slice %arg4[%dma_wait3A_754, %dma_wait3A_755] : memref<20488x128xf32, #tpu.memory_space<hbm>> -> memref<20488x128xf32, #tpu.memory_space<hbm>>
          tpu.wait_indirect_dma semaphore(%arg16 : memref<!tpu.dma_semaphore, #tpu.memory_space<semaphore_mem>>) src(%arg10 : memref<64x128xf32, #tpu.memory_space<vmem>>) dst(%dma_wait3A_756 : memref<20488x128xf32, #tpu.memory_space<hbm>>)
          %add3A_757 = arith.constant 20480 : i32
          %add3A_758 = vector.broadcast %add3A_757 : i32 to vector<16xi32>
          %add3A_759 = arith.addi %and3A_4, %add3A_758 : vector<16xi32>
          %swap3A_760 = arith.constant 0 : index
          %swap3A_761 = tpu.vector_load %arg11[%swap3A_760] {strides = array<i32>} : memref<64xi32, #tpu.memory_space<vmem>>, vector<16xi32>,
          tpu.vector_store %arg11[%swap3A_760], %add3A_759 {strides = array<i32>} : memref<64xi32, #tpu.memory_space<vmem>>, vector<16xi32>,
          %add3A_762 = arith.constant 20480 : i32
          %add3A_763 = vector.broadcast %add3A_762 : i32 to vector<16xi32>
          %add3A_764 = arith.addi %and3A_4, %add3A_763 : vector<16xi32>
          %swap3A_765 = arith.constant 16 : index
          %swap3A_766 = tpu.vector_load %arg11[%swap3A_765] {strides = array<i32>} : memref<64xi32, #tpu.memory_space<vmem>>, vector<16xi32>,
          tpu.vector_store %arg11[%swap3A_765], %add3A_764 {strides = array<i32>} : memref<64xi32, #tpu.memory_space<vmem>>, vector<16xi32>,
          %add3A_767 = arith.constant 20480 : i32
          %add3A_768 = vector.broadcast %add3A_767 : i32 to vector<16xi32>
          %add3A_769 = arith.addi %and3A_4, %add3A_768 : vector<16xi32>
          %swap3A_770 = arith.constant 32 : index
          %swap3A_771 = tpu.vector_load %arg11[%swap3A_770] {strides = array<i32>} : memref<64xi32, #tpu.memory_space<vmem>>, vector<16xi32>,
          tpu.vector_store %arg11[%swap3A_770], %add3A_769 {strides = array<i32>} : memref<64xi32, #tpu.memory_space<vmem>>, vector<16xi32>,
          %add3A_772 = arith.constant 20480 : i32
          %add3A_773 = vector.broadcast %add3A_772 : i32 to vector<16xi32>
          %add3A_774 = arith.addi %and3A_4, %add3A_773 : vector<16xi32>
          %swap3A_775 = arith.constant 48 : index
          %swap3A_776 = tpu.vector_load %arg11[%swap3A_775] {strides = array<i32>} : memref<64xi32, #tpu.memory_space<vmem>>, vector<16xi32>,
          tpu.vector_store %arg11[%swap3A_775], %add3A_774 {strides = array<i32>} : memref<64xi32, #tpu.memory_space<vmem>>, vector<16xi32>,
        } else {
        }
        %eq3A_747 = arith.constant 64 : i32
        %eq3A_748 = arith.cmpi eq, %add3A_741, %eq3A_747 : i32
        %jit3A_749 = arith.constant 0 : i32
        %select_n3A_750 = arith.select %eq3A_748, %jit3A_749, %add3A_741 : i32
        scf.yield %select_n3A_750 : i32
      }
      %while3A_700 = arith.constant 1 : i32
      %while3A_701 = scf.for %while3A_702 = %while3A_697 to %while3A_693 step %while3A_700 iter_args(%while3A_703 = %while3A_699) -> (i32)  : i32 {
        %get3A_704 = arith.index_cast %while3A_702 : i32 to index
        %get3A_705 = tpu.vector_load %arg6[%get3A_704] {strides = array<i32>} : memref<20496xi32, #tpu.memory_space<vmem>>, vector<16xi32>,
        %slice3A_706 = vector.extract_strided_slice %get3A_705 {offsets = [0], sizes = [1], strides = [1]} : vector<16xi32> to vector<1xi32>
        %squeeze3A_707 = vector.extract %slice3A_706[0] : i32 from vector<1xi32>
        %and3A_708 = arith.constant 511 : i32
        %and3A_709 = arith.andi %squeeze3A_707, %and3A_708 : i32
        %add3A_710 = vector.broadcast %and3A_709 : i32 to vector<16xi32>
        %add3A_711 = arith.addi %and3A_4, %add3A_710 : vector<16xi32>
        %gather3A = tpu.vector_load_idx %arg9[%add3A_691, %add3A_582, %add3A_711] : memref<3x64x512xf32, #tpu.memory_space<vmem>>[vector<16xi32>, vector<16xi32>, vector<16xi32>], vector<16xf32>,
        %swap3A_712 = arith.constant 0 : i32
        %swap3A_713 = tpu.memref_slice %arg10[%while3A_703, %swap3A_712] : memref<64x128xf32, #tpu.memory_space<vmem>> -> memref<1x128xf32, #tpu.memory_space<vmem>>
        %swap3A_714 = tpu.memref_squeeze %swap3A_713 : memref<1x128xf32, #tpu.memory_space<vmem>> -> memref<128xf32, #tpu.memory_space<vmem>>
        %swap3A_715 = arith.constant 0 : index
        %swap3A_716 = tpu.vector_load %swap3A_714[%swap3A_715] {strides = array<i32>} : memref<128xf32, #tpu.memory_space<vmem>>, vector<16xf32>,
        tpu.vector_store %swap3A_714[%swap3A_715], %gather3A {strides = array<i32>} : memref<128xf32, #tpu.memory_space<vmem>>, vector<16xf32>,
        %gather3A_717 = tpu.vector_load_idx %arg9[%add3A_691, %add3A_585, %add3A_711] : memref<3x64x512xf32, #tpu.memory_space<vmem>>[vector<16xi32>, vector<16xi32>, vector<16xi32>], vector<16xf32>,
        %swap3A_718 = arith.constant 0 : i32
        %swap3A_719 = tpu.memref_slice %arg10[%while3A_703, %swap3A_718] : memref<64x128xf32, #tpu.memory_space<vmem>> -> memref<1x128xf32, #tpu.memory_space<vmem>>
        %swap3A_720 = tpu.memref_squeeze %swap3A_719 : memref<1x128xf32, #tpu.memory_space<vmem>> -> memref<128xf32, #tpu.memory_space<vmem>>
        %swap3A_721 = arith.constant 16 : index
        %swap3A_722 = tpu.vector_load %swap3A_720[%swap3A_721] {strides = array<i32>} : memref<128xf32, #tpu.memory_space<vmem>>, vector<16xf32>,
        tpu.vector_store %swap3A_720[%swap3A_721], %gather3A_717 {strides = array<i32>} : memref<128xf32, #tpu.memory_space<vmem>>, vector<16xf32>,
        %gather3A_723 = tpu.vector_load_idx %arg9[%add3A_691, %add3A_588, %add3A_711] : memref<3x64x512xf32, #tpu.memory_space<vmem>>[vector<16xi32>, vector<16xi32>, vector<16xi32>], vector<16xf32>,
        %swap3A_724 = arith.constant 0 : i32
        %swap3A_725 = tpu.memref_slice %arg10[%while3A_703, %swap3A_724] : memref<64x128xf32, #tpu.memory_space<vmem>> -> memref<1x128xf32, #tpu.memory_space<vmem>>
        %swap3A_726 = tpu.memref_squeeze %swap3A_725 : memref<1x128xf32, #tpu.memory_space<vmem>> -> memref<128xf32, #tpu.memory_space<vmem>>
        %swap3A_727 = arith.constant 32 : index
        %swap3A_728 = tpu.vector_load %swap3A_726[%swap3A_727] {strides = array<i32>} : memref<128xf32, #tpu.memory_space<vmem>>, vector<16xf32>,
        tpu.vector_store %swap3A_726[%swap3A_727], %gather3A_723 {strides = array<i32>} : memref<128xf32, #tpu.memory_space<vmem>>, vector<16xf32>,
        %gather3A_729 = tpu.vector_load_idx %arg9[%add3A_691, %add3A_591, %add3A_711] : memref<3x64x512xf32, #tpu.memory_space<vmem>>[vector<16xi32>, vector<16xi32>, vector<16xi32>], vector<16xf32>,
        %swap3A_730 = arith.constant 0 : i32
        %swap3A_731 = tpu.memref_slice %arg10[%while3A_703, %swap3A_730] : memref<64x128xf32, #tpu.memory_space<vmem>> -> memref<1x128xf32, #tpu.memory_space<vmem>>
        %swap3A_732 = tpu.memref_squeeze %swap3A_731 : memref<1x128xf32, #tpu.memory_space<vmem>> -> memref<128xf32, #tpu.memory_space<vmem>>
        %swap3A_733 = arith.constant 48 : index
        %swap3A_734 = tpu.vector_load %swap3A_732[%swap3A_733] {strides = array<i32>} : memref<128xf32, #tpu.memory_space<vmem>>, vector<16xf32>,
        tpu.vector_store %swap3A_732[%swap3A_733], %gather3A_729 {strides = array<i32>} : memref<128xf32, #tpu.memory_space<vmem>>, vector<16xf32>,
        %add3A_735 = vector.broadcast %while3A_703 : i32 to vector<16xi32>
        %add3A_736 = arith.addi %and3A_4, %add3A_735 : vector<16xi32>
        %shift_right_arithmetic3A = arith.constant 9 : i32
        %shift_right_arithmetic3A_737 = arith.shrsi %squeeze3A_707, %shift_right_arithmetic3A : i32
        %add3A_738 = vector.broadcast %shift_right_arithmetic3A_737 : i32 to vector<16xi32>
        %add3A_739 = arith.addi %and3A_4, %add3A_738 : vector<16xi32>
        tpu.vector_store_idx %arg11[%add3A_736], %add3A_739 masked %eq3A_2 : memref<64xi32, #tpu.memory_space<vmem>>[vector<16xi32>], vector<16xi32>, vector<16xi1>
        %add3A_740 = arith.constant 1 : i32
        %add3A_741 = arith.addi %while3A_703, %add3A_740 : i32
        %eq3A_742 = arith.constant 64 : i32
        %eq3A_743 = arith.cmpi eq, %add3A_741, %eq3A_742 : i32
        %convert_element_type3A_744 = arith.extui %eq3A_743 : i1 to i32
        %cond3A_745 = arith.constant 0 : i32
        %cond3A_746 = arith.cmpi ne, %convert_element_type3A_744, %cond3A_745 : i32
        scf.if %cond3A_746 {
          %dma_start3A_751 = arith.constant 0 : i32
          %dma_start3A_752 = arith.constant 0 : i32
          %dma_start3A_753 = tpu.memref_slice %arg4[%dma_start3A_751, %dma_start3A_752] : memref<20488x128xf32, #tpu.memory_space<hbm>> -> memref<20488x128xf32, #tpu.memory_space<hbm>>
          tpu.enqueue_indirect_dma source(%arg10 : memref<64x128xf32, #tpu.memory_space<vmem>>) target(%dma_start3A_753 : memref<20488x128xf32, #tpu.memory_space<hbm>>) offsets(%arg11 : memref<64xi32, #tpu.memory_space<vmem>>) semaphore(%arg16 : memref<!tpu.dma_semaphore, #tpu.memory_space<semaphore_mem>>)
          %dma_wait3A_754 = arith.constant 0 : i32
          %dma_wait3A_755 = arith.constant 0 : i32
          %dma_wait3A_756 = tpu.memref_slice %arg4[%dma_wait3A_754, %dma_wait3A_755] : memref<20488x128xf32, #tpu.memory_space<hbm>> -> memref<20488x128xf32, #tpu.memory_space<hbm>>
          tpu.wait_indirect_dma semaphore(%arg16 : memref<!tpu.dma_semaphore, #tpu.memory_space<semaphore_mem>>) src(%arg10 : memref<64x128xf32, #tpu.memory_space<vmem>>) dst(%dma_wait3A_756 : memref<20488x128xf32, #tpu.memory_space<hbm>>)
          %add3A_757 = arith.constant 20480 : i32
          %add3A_758 = vector.broadcast %add3A_757 : i32 to vector<16xi32>
          %add3A_759 = arith.addi %and3A_4, %add3A_758 : vector<16xi32>
          %swap3A_760 = arith.constant 0 : index
          %swap3A_761 = tpu.vector_load %arg11[%swap3A_760] {strides = array<i32>} : memref<64xi32, #tpu.memory_space<vmem>>, vector<16xi32>,
          tpu.vector_store %arg11[%swap3A_760], %add3A_759 {strides = array<i32>} : memref<64xi32, #tpu.memory_space<vmem>>, vector<16xi32>,
          %add3A_762 = arith.constant 20480 : i32
          %add3A_763 = vector.broadcast %add3A_762 : i32 to vector<16xi32>
          %add3A_764 = arith.addi %and3A_4, %add3A_763 : vector<16xi32>
          %swap3A_765 = arith.constant 16 : index
          %swap3A_766 = tpu.vector_load %arg11[%swap3A_765] {strides = array<i32>} : memref<64xi32, #tpu.memory_space<vmem>>, vector<16xi32>,
          tpu.vector_store %arg11[%swap3A_765], %add3A_764 {strides = array<i32>} : memref<64xi32, #tpu.memory_space<vmem>>, vector<16xi32>,
          %add3A_767 = arith.constant 20480 : i32
          %add3A_768 = vector.broadcast %add3A_767 : i32 to vector<16xi32>
          %add3A_769 = arith.addi %and3A_4, %add3A_768 : vector<16xi32>
          %swap3A_770 = arith.constant 32 : index
          %swap3A_771 = tpu.vector_load %arg11[%swap3A_770] {strides = array<i32>} : memref<64xi32, #tpu.memory_space<vmem>>, vector<16xi32>,
          tpu.vector_store %arg11[%swap3A_770], %add3A_769 {strides = array<i32>} : memref<64xi32, #tpu.memory_space<vmem>>, vector<16xi32>,
          %add3A_772 = arith.constant 20480 : i32
          %add3A_773 = vector.broadcast %add3A_772 : i32 to vector<16xi32>
          %add3A_774 = arith.addi %and3A_4, %add3A_773 : vector<16xi32>
          %swap3A_775 = arith.constant 48 : index
          %swap3A_776 = tpu.vector_load %arg11[%swap3A_775] {strides = array<i32>} : memref<64xi32, #tpu.memory_space<vmem>>, vector<16xi32>,
          tpu.vector_store %arg11[%swap3A_775], %add3A_774 {strides = array<i32>} : memref<64xi32, #tpu.memory_space<vmem>>, vector<16xi32>,
        } else {
        }
        %eq3A_747 = arith.constant 64 : i32
        %eq3A_748 = arith.cmpi eq, %add3A_741, %eq3A_747 : i32
        %jit3A_749 = arith.constant 0 : i32
        %select_n3A_750 = arith.select %eq3A_748, %jit3A_749, %add3A_741 : i32
        scf.yield %select_n3A_750 : i32
      }
      scf.yield %while3A_701 : i32
    }
    %while3A_628 = arith.constant 1 : i32
    %while3A_629 = scf.for %while3A_654 = %while3A_625 to %while3A_621 step %while3A_628 iter_args(%while3A_655 = %while3A_627) -> (i32)  : i32 {
      %rem3A = arith.constant 3 : i32
      %rem3A_656 = arith.remsi %while3A_654, %rem3A : i32
      %mul3A_657 = arith.constant 32 : i32
      %mul3A_658 = arith.muli %while3A_654, %mul3A_657 : i32
      %add3A_659 = arith.addi %mul3A_658, %add3A : i32
      %add3A_660 = arith.constant 2 : i32
      %add3A_661 = arith.addi %while3A_654, %add3A_660 : i32
      %lt3A_662 = arith.cmpi slt, %add3A_661, %select_n3A : i32
      %convert_element_type3A_663 = arith.extui %lt3A_662 : i1 to i32
      %cond3A_664 = arith.constant 0 : i32
      %cond3A_665 = arith.cmpi ne, %convert_element_type3A_663, %cond3A_664 : i32
      scf.if %cond3A_665 {
        %add3A_702 = arith.constant 2 : i32
        %add3A_703 = arith.addi %while3A_654, %add3A_702 : i32
        %mul3A_704 = arith.constant 32 : i32
        %mul3A_705 = arith.muli %add3A_703, %mul3A_704 : i32
        %add3A_706 = arith.addi %mul3A_705, %add3A : i32
        %add3A_707 = arith.constant 2 : i32
        %add3A_708 = arith.addi %while3A_654, %add3A_707 : i32
        %rem3A_709 = arith.constant 3 : i32
        %rem3A_710 = arith.remsi %add3A_708, %rem3A_709 : i32
        %mul3A_711 = arith.constant 512 : i32
        %mul3A_712 = arith.muli %add3A_706, %mul3A_711 : i32
        %multiple_of3A_713 = tpu.assume_multiple %mul3A_712, 128 : i32
        %lt3A_714 = arith.constant 1953 : i32
        %lt3A_715 = arith.cmpi slt, %add3A_706, %lt3A_714 : i32
        %convert_element_type3A_716 = arith.extui %lt3A_715 : i1 to i32
        %cond3A_717 = arith.constant 0 : i32
        %cond3A_718 = arith.cmpi ne, %convert_element_type3A_716, %cond3A_717 : i32
        scf.if %cond3A_718 {
          %dma_start3A_724 = arith.constant 0 : i32
          %dma_start3A_725 = arith.constant 0 : i32
          %dma_start3A_726 = tpu.memref_slice %arg9[%rem3A_710, %dma_start3A_724, %dma_start3A_725] : memref<3x64x512xf32, #tpu.memory_space<vmem>> -> memref<1x64x512xf32, #tpu.memory_space<vmem>>
          %dma_start3A_727 = tpu.memref_squeeze %dma_start3A_726 : memref<1x64x512xf32, #tpu.memory_space<vmem>> -> memref<64x512xf32, #tpu.memory_space<vmem>>
          %dma_start3A_728 = arith.constant 0 : i32
          %dma_start3A_729 = tpu.memref_slice %arg2[%dma_start3A_728, %multiple_of3A_713] : memref<64x1000000xf32, #tpu.memory_space<hbm>> -> memref<64x512xf32, #tpu.memory_space<hbm>>
          %dma_start3A_730 = tpu.memref_slice %arg15[%rem3A_710] : memref<3x!tpu.dma_semaphore, #tpu.memory_space<semaphore_mem>> -> memref<1x!tpu.dma_semaphore, #tpu.memory_space<semaphore_mem>>
          %dma_start3A_731 = tpu.memref_squeeze %dma_start3A_730 : memref<1x!tpu.dma_semaphore, #tpu.memory_space<semaphore_mem>> -> memref<!tpu.dma_semaphore, #tpu.memory_space<semaphore_mem>>
          %dma_start3A_732 = arith.constant 0 : i32
          %dma_start3A_733 = arith.constant 0 : i32
          %dma_start3A_734 = tpu.memref_slice %arg9[%rem3A_710, %dma_start3A_732, %dma_start3A_733] : memref<3x64x512xf32, #tpu.memory_space<vmem>> -> memref<1x64x512xf32, #tpu.memory_space<vmem>>
          %dma_start3A_735 = tpu.memref_squeeze %dma_start3A_734 : memref<1x64x512xf32, #tpu.memory_space<vmem>> -> memref<64x512xf32, #tpu.memory_space<vmem>>
          %dma_start3A_736 = arith.constant 0 : i32
          %dma_start3A_737 = tpu.memref_slice %arg2[%dma_start3A_736, %multiple_of3A_713] : memref<64x1000000xf32, #tpu.memory_space<hbm>> -> memref<64x512xf32, #tpu.memory_space<hbm>>
          tpu.enqueue_dma source(%dma_start3A_737 : memref<64x512xf32, #tpu.memory_space<hbm>>) target(%dma_start3A_735 : memref<64x512xf32, #tpu.memory_space<vmem>>) target_semaphore(%dma_start3A_731 : memref<!tpu.dma_semaphore, #tpu.memory_space<semaphore_mem>>)
        } else {
        }
        %eq3A_719 = arith.constant 1953 : i32
        %eq3A_720 = arith.cmpi eq, %add3A_706, %eq3A_719 : i32
        %convert_element_type3A_721 = arith.extui %eq3A_720 : i1 to i32
        %cond3A_722 = arith.constant 0 : i32
        %cond3A_723 = arith.cmpi ne, %convert_element_type3A_721, %cond3A_722 : i32
        scf.if %cond3A_723 {
          %dma_start3A_724 = arith.constant 0 : i32
          %dma_start3A_725 = arith.constant 0 : i32
          %dma_start3A_726 = tpu.memref_slice %arg9[%rem3A_710, %dma_start3A_724, %dma_start3A_725] : memref<3x64x512xf32, #tpu.memory_space<vmem>> -> memref<1x64x128xf32, #tpu.memory_space<vmem>>
          %dma_start3A_727 = tpu.memref_squeeze %dma_start3A_726 : memref<1x64x128xf32, #tpu.memory_space<vmem>> -> memref<64x128xf32, #tpu.memory_space<vmem>>
          %dma_start3A_728 = arith.constant 0 : i32
          %dma_start3A_729 = tpu.memref_slice %arg2[%dma_start3A_728, %multiple_of3A_713] : memref<64x1000000xf32, #tpu.memory_space<hbm>> -> memref<64x128xf32, #tpu.memory_space<hbm>>
          %dma_start3A_730 = tpu.memref_slice %arg15[%rem3A_710] : memref<3x!tpu.dma_semaphore, #tpu.memory_space<semaphore_mem>> -> memref<1x!tpu.dma_semaphore, #tpu.memory_space<semaphore_mem>>
          %dma_start3A_731 = tpu.memref_squeeze %dma_start3A_730 : memref<1x!tpu.dma_semaphore, #tpu.memory_space<semaphore_mem>> -> memref<!tpu.dma_semaphore, #tpu.memory_space<semaphore_mem>>
          %dma_start3A_732 = arith.constant 0 : i32
          %dma_start3A_733 = arith.constant 0 : i32
          %dma_start3A_734 = tpu.memref_slice %arg9[%rem3A_710, %dma_start3A_732, %dma_start3A_733] : memref<3x64x512xf32, #tpu.memory_space<vmem>> -> memref<1x64x128xf32, #tpu.memory_space<vmem>>
          %dma_start3A_735 = tpu.memref_squeeze %dma_start3A_734 : memref<1x64x128xf32, #tpu.memory_space<vmem>> -> memref<64x128xf32, #tpu.memory_space<vmem>>
          %dma_start3A_736 = arith.constant 0 : i32
          %dma_start3A_737 = tpu.memref_slice %arg2[%dma_start3A_736, %multiple_of3A_713] : memref<64x1000000xf32, #tpu.memory_space<hbm>> -> memref<64x128xf32, #tpu.memory_space<hbm>>
          tpu.enqueue_dma source(%dma_start3A_737 : memref<64x128xf32, #tpu.memory_space<hbm>>) target(%dma_start3A_735 : memref<64x128xf32, #tpu.memory_space<vmem>>) target_semaphore(%dma_start3A_731 : memref<!tpu.dma_semaphore, #tpu.memory_space<semaphore_mem>>)
        } else {
        }
      } else {
      }
      %lt3A_666 = arith.constant 1953 : i32
      %lt3A_667 = arith.cmpi slt, %add3A_659, %lt3A_666 : i32
      %convert_element_type3A_668 = arith.extui %lt3A_667 : i1 to i32
      %cond3A_669 = arith.constant 0 : i32
      %cond3A_670 = arith.cmpi ne, %convert_element_type3A_668, %cond3A_669 : i32
      scf.if %cond3A_670 {
        %dma_wait3A_702 = arith.constant 0 : i32
        %dma_wait3A_703 = arith.constant 0 : i32
        %dma_wait3A_704 = tpu.memref_slice %arg9[%rem3A_656, %dma_wait3A_702, %dma_wait3A_703] : memref<3x64x512xf32, #tpu.memory_space<vmem>> -> memref<1x64x512xf32, #tpu.memory_space<vmem>>
        %dma_wait3A_705 = tpu.memref_squeeze %dma_wait3A_704 : memref<1x64x512xf32, #tpu.memory_space<vmem>> -> memref<64x512xf32, #tpu.memory_space<vmem>>
        %dma_wait3A_706 = arith.constant 0 : i32
        %dma_wait3A_707 = arith.constant 0 : i32
        %dma_wait3A_708 = tpu.memref_slice %arg2[%dma_wait3A_706, %dma_wait3A_707] : memref<64x1000000xf32, #tpu.memory_space<hbm>> -> memref<64x512xf32, #tpu.memory_space<hbm>>
        %dma_wait3A_709 = tpu.memref_slice %arg15[%rem3A_656] : memref<3x!tpu.dma_semaphore, #tpu.memory_space<semaphore_mem>> -> memref<1x!tpu.dma_semaphore, #tpu.memory_space<semaphore_mem>>
        %dma_wait3A_710 = tpu.memref_squeeze %dma_wait3A_709 : memref<1x!tpu.dma_semaphore, #tpu.memory_space<semaphore_mem>> -> memref<!tpu.dma_semaphore, #tpu.memory_space<semaphore_mem>>
        %dma_wait3A_711 = arith.constant 0 : i32
        %dma_wait3A_712 = arith.constant 0 : i32
        %dma_wait3A_713 = tpu.memref_slice %arg9[%rem3A_656, %dma_wait3A_711, %dma_wait3A_712] : memref<3x64x512xf32, #tpu.memory_space<vmem>> -> memref<1x64x512xf32, #tpu.memory_space<vmem>>
        %dma_wait3A_714 = tpu.memref_squeeze %dma_wait3A_713 : memref<1x64x512xf32, #tpu.memory_space<vmem>> -> memref<64x512xf32, #tpu.memory_space<vmem>>
        %dma_wait3A_715 = arith.constant 0 : i32
        %dma_wait3A_716 = arith.constant 0 : i32
        %dma_wait3A_717 = tpu.memref_slice %arg2[%dma_wait3A_715, %dma_wait3A_716] : memref<64x1000000xf32, #tpu.memory_space<hbm>> -> memref<64x512xf32, #tpu.memory_space<hbm>>
        tpu.wait_dma2 semaphore(%dma_wait3A_710 : memref<!tpu.dma_semaphore, #tpu.memory_space<semaphore_mem>>) src(%dma_wait3A_717 : memref<64x512xf32, #tpu.memory_space<hbm>>) dst(%dma_wait3A_714 : memref<64x512xf32, #tpu.memory_space<vmem>>)
      } else {
      }
      %eq3A_671 = arith.constant 1953 : i32
      %eq3A_672 = arith.cmpi eq, %add3A_659, %eq3A_671 : i32
      %convert_element_type3A_673 = arith.extui %eq3A_672 : i1 to i32
      %cond3A_674 = arith.constant 0 : i32
      %cond3A_675 = arith.cmpi ne, %convert_element_type3A_673, %cond3A_674 : i32
      scf.if %cond3A_675 {
        %dma_wait3A_702 = arith.constant 0 : i32
        %dma_wait3A_703 = arith.constant 0 : i32
        %dma_wait3A_704 = tpu.memref_slice %arg9[%rem3A_656, %dma_wait3A_702, %dma_wait3A_703] : memref<3x64x512xf32, #tpu.memory_space<vmem>> -> memref<1x64x128xf32, #tpu.memory_space<vmem>>
        %dma_wait3A_705 = tpu.memref_squeeze %dma_wait3A_704 : memref<1x64x128xf32, #tpu.memory_space<vmem>> -> memref<64x128xf32, #tpu.memory_space<vmem>>
        %dma_wait3A_706 = arith.constant 0 : i32
        %dma_wait3A_707 = arith.constant 0 : i32
        %dma_wait3A_708 = tpu.memref_slice %arg2[%dma_wait3A_706, %dma_wait3A_707] : memref<64x1000000xf32, #tpu.memory_space<hbm>> -> memref<64x128xf32, #tpu.memory_space<hbm>>
        %dma_wait3A_709 = tpu.memref_slice %arg15[%rem3A_656] : memref<3x!tpu.dma_semaphore, #tpu.memory_space<semaphore_mem>> -> memref<1x!tpu.dma_semaphore, #tpu.memory_space<semaphore_mem>>
        %dma_wait3A_710 = tpu.memref_squeeze %dma_wait3A_709 : memref<1x!tpu.dma_semaphore, #tpu.memory_space<semaphore_mem>> -> memref<!tpu.dma_semaphore, #tpu.memory_space<semaphore_mem>>
        %dma_wait3A_711 = arith.constant 0 : i32
        %dma_wait3A_712 = arith.constant 0 : i32
        %dma_wait3A_713 = tpu.memref_slice %arg9[%rem3A_656, %dma_wait3A_711, %dma_wait3A_712] : memref<3x64x512xf32, #tpu.memory_space<vmem>> -> memref<1x64x128xf32, #tpu.memory_space<vmem>>
        %dma_wait3A_714 = tpu.memref_squeeze %dma_wait3A_713 : memref<1x64x128xf32, #tpu.memory_space<vmem>> -> memref<64x128xf32, #tpu.memory_space<vmem>>
        %dma_wait3A_715 = arith.constant 0 : i32
        %dma_wait3A_716 = arith.constant 0 : i32
        %dma_wait3A_717 = tpu.memref_slice %arg2[%dma_wait3A_715, %dma_wait3A_716] : memref<64x1000000xf32, #tpu.memory_space<hbm>> -> memref<64x128xf32, #tpu.memory_space<hbm>>
        tpu.wait_dma2 semaphore(%dma_wait3A_710 : memref<!tpu.dma_semaphore, #tpu.memory_space<semaphore_mem>>) src(%dma_wait3A_717 : memref<64x128xf32, #tpu.memory_space<hbm>>) dst(%dma_wait3A_714 : memref<64x128xf32, #tpu.memory_space<vmem>>)
      } else {
      }
      %eq3A_676 = arith.constant 0 : i32
      %eq3A_677 = arith.cmpi eq, %while3A_654, %eq3A_676 : i32
      %sub3A = arith.constant 1 : i32
      %sub3A_678 = arith.subi %while3A_654, %sub3A : i32
      %max3A = arith.constant 0 : i32
      %max3A_679 = arith.maxsi %sub3A_678, %max3A : i32
      %get3A_680 = arith.index_cast %max3A_679 : i32 to index
      %get3A_681 = tpu.vector_load %arg8[%get3A_680] {strides = array<i32>} : memref<80xi32, #tpu.memory_space<vmem>>, vector<16xi32>,
      %slice3A_682 = vector.extract_strided_slice %get3A_681 {offsets = [0], sizes = [1], strides = [1]} : vector<16xi32> to vector<1xi32>
      %squeeze3A_683 = vector.extract %slice3A_682[0] : i32 from vector<1xi32>
      %jit3A_684 = arith.constant 0 : i32
      %select_n3A_685 = arith.select %eq3A_677, %jit3A_684, %squeeze3A_683 : i32
      %get3A_686 = arith.index_cast %while3A_654 : i32 to index
      %get3A_687 = tpu.vector_load %arg8[%get3A_686] {strides = array<i32>} : memref<80xi32, #tpu.memory_space<vmem>>, vector<16xi32>,
      %slice3A_688 = vector.extract_strided_slice %get3A_687 {offsets = [0], sizes = [1], strides = [1]} : vector<16xi32> to vector<1xi32>
      %squeeze3A_689 = vector.extract %slice3A_688[0] : i32 from vector<1xi32>
      %add3A_690 = vector.broadcast %rem3A_656 : i32 to vector<16xi32>
      %add3A_691 = arith.addi %and3A_4, %add3A_690 : vector<16xi32>
      %while3A_692 = arith.subi %squeeze3A_689, %select_n3A_685 : i32
      %while3A_693 = arith.addi %select_n3A_685, %while3A_692 : i32
      %while3A_694 = arith.constant 1 : i32
      %while3A_695 = arith.divsi %while3A_692, %while3A_694 : i32
      %while3A_696 = arith.muli %while3A_695, %while3A_694 : i32
      %while3A_697 = arith.addi %select_n3A_685, %while3A_696 : i32
      %while3A_698 = arith.constant 1 : i32
      %while3A_699 = scf.for %while3A_702 = %select_n3A_685 to %while3A_697 step %while3A_698 iter_args(%while3A_703 = %while3A_655) -> (i32)  : i32 {
        %get3A_704 = arith.index_cast %while3A_702 : i32 to index
        %get3A_705 = tpu.vector_load %arg6[%get3A_704] {strides = array<i32>} : memref<20496xi32, #tpu.memory_space<vmem>>, vector<16xi32>,
        %slice3A_706 = vector.extract_strided_slice %get3A_705 {offsets = [0], sizes = [1], strides = [1]} : vector<16xi32> to vector<1xi32>
        %squeeze3A_707 = vector.extract %slice3A_706[0] : i32 from vector<1xi32>
        %and3A_708 = arith.constant 511 : i32
        %and3A_709 = arith.andi %squeeze3A_707, %and3A_708 : i32
        %add3A_710 = vector.broadcast %and3A_709 : i32 to vector<16xi32>
        %add3A_711 = arith.addi %and3A_4, %add3A_710 : vector<16xi32>
        %gather3A = tpu.vector_load_idx %arg9[%add3A_691, %add3A_582, %add3A_711] : memref<3x64x512xf32, #tpu.memory_space<vmem>>[vector<16xi32>, vector<16xi32>, vector<16xi32>], vector<16xf32>,
        %swap3A_712 = arith.constant 0 : i32
        %swap3A_713 = tpu.memref_slice %arg10[%while3A_703, %swap3A_712] : memref<64x128xf32, #tpu.memory_space<vmem>> -> memref<1x128xf32, #tpu.memory_space<vmem>>
        %swap3A_714 = tpu.memref_squeeze %swap3A_713 : memref<1x128xf32, #tpu.memory_space<vmem>> -> memref<128xf32, #tpu.memory_space<vmem>>
        %swap3A_715 = arith.constant 0 : index
        %swap3A_716 = tpu.vector_load %swap3A_714[%swap3A_715] {strides = array<i32>} : memref<128xf32, #tpu.memory_space<vmem>>, vector<16xf32>,
        tpu.vector_store %swap3A_714[%swap3A_715], %gather3A {strides = array<i32>} : memref<128xf32, #tpu.memory_space<vmem>>, vector<16xf32>,
        %gather3A_717 = tpu.vector_load_idx %arg9[%add3A_691, %add3A_585, %add3A_711] : memref<3x64x512xf32, #tpu.memory_space<vmem>>[vector<16xi32>, vector<16xi32>, vector<16xi32>], vector<16xf32>,
        %swap3A_718 = arith.constant 0 : i32
        %swap3A_719 = tpu.memref_slice %arg10[%while3A_703, %swap3A_718] : memref<64x128xf32, #tpu.memory_space<vmem>> -> memref<1x128xf32, #tpu.memory_space<vmem>>
        %swap3A_720 = tpu.memref_squeeze %swap3A_719 : memref<1x128xf32, #tpu.memory_space<vmem>> -> memref<128xf32, #tpu.memory_space<vmem>>
        %swap3A_721 = arith.constant 16 : index
        %swap3A_722 = tpu.vector_load %swap3A_720[%swap3A_721] {strides = array<i32>} : memref<128xf32, #tpu.memory_space<vmem>>, vector<16xf32>,
        tpu.vector_store %swap3A_720[%swap3A_721], %gather3A_717 {strides = array<i32>} : memref<128xf32, #tpu.memory_space<vmem>>, vector<16xf32>,
        %gather3A_723 = tpu.vector_load_idx %arg9[%add3A_691, %add3A_588, %add3A_711] : memref<3x64x512xf32, #tpu.memory_space<vmem>>[vector<16xi32>, vector<16xi32>, vector<16xi32>], vector<16xf32>,
        %swap3A_724 = arith.constant 0 : i32
        %swap3A_725 = tpu.memref_slice %arg10[%while3A_703, %swap3A_724] : memref<64x128xf32, #tpu.memory_space<vmem>> -> memref<1x128xf32, #tpu.memory_space<vmem>>
        %swap3A_726 = tpu.memref_squeeze %swap3A_725 : memref<1x128xf32, #tpu.memory_space<vmem>> -> memref<128xf32, #tpu.memory_space<vmem>>
        %swap3A_727 = arith.constant 32 : index
        %swap3A_728 = tpu.vector_load %swap3A_726[%swap3A_727] {strides = array<i32>} : memref<128xf32, #tpu.memory_space<vmem>>, vector<16xf32>,
        tpu.vector_store %swap3A_726[%swap3A_727], %gather3A_723 {strides = array<i32>} : memref<128xf32, #tpu.memory_space<vmem>>, vector<16xf32>,
        %gather3A_729 = tpu.vector_load_idx %arg9[%add3A_691, %add3A_591, %add3A_711] : memref<3x64x512xf32, #tpu.memory_space<vmem>>[vector<16xi32>, vector<16xi32>, vector<16xi32>], vector<16xf32>,
        %swap3A_730 = arith.constant 0 : i32
        %swap3A_731 = tpu.memref_slice %arg10[%while3A_703, %swap3A_730] : memref<64x128xf32, #tpu.memory_space<vmem>> -> memref<1x128xf32, #tpu.memory_space<vmem>>
        %swap3A_732 = tpu.memref_squeeze %swap3A_731 : memref<1x128xf32, #tpu.memory_space<vmem>> -> memref<128xf32, #tpu.memory_space<vmem>>
        %swap3A_733 = arith.constant 48 : index
        %swap3A_734 = tpu.vector_load %swap3A_732[%swap3A_733] {strides = array<i32>} : memref<128xf32, #tpu.memory_space<vmem>>, vector<16xf32>,
        tpu.vector_store %swap3A_732[%swap3A_733], %gather3A_729 {strides = array<i32>} : memref<128xf32, #tpu.memory_space<vmem>>, vector<16xf32>,
        %add3A_735 = vector.broadcast %while3A_703 : i32 to vector<16xi32>
        %add3A_736 = arith.addi %and3A_4, %add3A_735 : vector<16xi32>
        %shift_right_arithmetic3A = arith.constant 9 : i32
        %shift_right_arithmetic3A_737 = arith.shrsi %squeeze3A_707, %shift_right_arithmetic3A : i32
        %add3A_738 = vector.broadcast %shift_right_arithmetic3A_737 : i32 to vector<16xi32>
        %add3A_739 = arith.addi %and3A_4, %add3A_738 : vector<16xi32>
        tpu.vector_store_idx %arg11[%add3A_736], %add3A_739 masked %eq3A_2 : memref<64xi32, #tpu.memory_space<vmem>>[vector<16xi32>], vector<16xi32>, vector<16xi1>
        %add3A_740 = arith.constant 1 : i32
        %add3A_741 = arith.addi %while3A_703, %add3A_740 : i32
        %eq3A_742 = arith.constant 64 : i32
        %eq3A_743 = arith.cmpi eq, %add3A_741, %eq3A_742 : i32
        %convert_element_type3A_744 = arith.extui %eq3A_743 : i1 to i32
        %cond3A_745 = arith.constant 0 : i32
        %cond3A_746 = arith.cmpi ne, %convert_element_type3A_744, %cond3A_745 : i32
        scf.if %cond3A_746 {
          %dma_start3A_751 = arith.constant 0 : i32
          %dma_start3A_752 = arith.constant 0 : i32
          %dma_start3A_753 = tpu.memref_slice %arg4[%dma_start3A_751, %dma_start3A_752] : memref<20488x128xf32, #tpu.memory_space<hbm>> -> memref<20488x128xf32, #tpu.memory_space<hbm>>
          tpu.enqueue_indirect_dma source(%arg10 : memref<64x128xf32, #tpu.memory_space<vmem>>) target(%dma_start3A_753 : memref<20488x128xf32, #tpu.memory_space<hbm>>) offsets(%arg11 : memref<64xi32, #tpu.memory_space<vmem>>) semaphore(%arg16 : memref<!tpu.dma_semaphore, #tpu.memory_space<semaphore_mem>>)
          %dma_wait3A_754 = arith.constant 0 : i32
          %dma_wait3A_755 = arith.constant 0 : i32
          %dma_wait3A_756 = tpu.memref_slice %arg4[%dma_wait3A_754, %dma_wait3A_755] : memref<20488x128xf32, #tpu.memory_space<hbm>> -> memref<20488x128xf32, #tpu.memory_space<hbm>>
          tpu.wait_indirect_dma semaphore(%arg16 : memref<!tpu.dma_semaphore, #tpu.memory_space<semaphore_mem>>) src(%arg10 : memref<64x128xf32, #tpu.memory_space<vmem>>) dst(%dma_wait3A_756 : memref<20488x128xf32, #tpu.memory_space<hbm>>)
          %add3A_757 = arith.constant 20480 : i32
          %add3A_758 = vector.broadcast %add3A_757 : i32 to vector<16xi32>
          %add3A_759 = arith.addi %and3A_4, %add3A_758 : vector<16xi32>
          %swap3A_760 = arith.constant 0 : index
          %swap3A_761 = tpu.vector_load %arg11[%swap3A_760] {strides = array<i32>} : memref<64xi32, #tpu.memory_space<vmem>>, vector<16xi32>,
          tpu.vector_store %arg11[%swap3A_760], %add3A_759 {strides = array<i32>} : memref<64xi32, #tpu.memory_space<vmem>>, vector<16xi32>,
          %add3A_762 = arith.constant 20480 : i32
          %add3A_763 = vector.broadcast %add3A_762 : i32 to vector<16xi32>
          %add3A_764 = arith.addi %and3A_4, %add3A_763 : vector<16xi32>
          %swap3A_765 = arith.constant 16 : index
          %swap3A_766 = tpu.vector_load %arg11[%swap3A_765] {strides = array<i32>} : memref<64xi32, #tpu.memory_space<vmem>>, vector<16xi32>,
          tpu.vector_store %arg11[%swap3A_765], %add3A_764 {strides = array<i32>} : memref<64xi32, #tpu.memory_space<vmem>>, vector<16xi32>,
          %add3A_767 = arith.constant 20480 : i32
          %add3A_768 = vector.broadcast %add3A_767 : i32 to vector<16xi32>
          %add3A_769 = arith.addi %and3A_4, %add3A_768 : vector<16xi32>
          %swap3A_770 = arith.constant 32 : index
          %swap3A_771 = tpu.vector_load %arg11[%swap3A_770] {strides = array<i32>} : memref<64xi32, #tpu.memory_space<vmem>>, vector<16xi32>,
          tpu.vector_store %arg11[%swap3A_770], %add3A_769 {strides = array<i32>} : memref<64xi32, #tpu.memory_space<vmem>>, vector<16xi32>,
          %add3A_772 = arith.constant 20480 : i32
          %add3A_773 = vector.broadcast %add3A_772 : i32 to vector<16xi32>
          %add3A_774 = arith.addi %and3A_4, %add3A_773 : vector<16xi32>
          %swap3A_775 = arith.constant 48 : index
          %swap3A_776 = tpu.vector_load %arg11[%swap3A_775] {strides = array<i32>} : memref<64xi32, #tpu.memory_space<vmem>>, vector<16xi32>,
          tpu.vector_store %arg11[%swap3A_775], %add3A_774 {strides = array<i32>} : memref<64xi32, #tpu.memory_space<vmem>>, vector<16xi32>,
        } else {
        }
        %eq3A_747 = arith.constant 64 : i32
        %eq3A_748 = arith.cmpi eq, %add3A_741, %eq3A_747 : i32
        %jit3A_749 = arith.constant 0 : i32
        %select_n3A_750 = arith.select %eq3A_748, %jit3A_749, %add3A_741 : i32
        scf.yield %select_n3A_750 : i32
      }
      %while3A_700 = arith.constant 1 : i32
      %while3A_701 = scf.for %while3A_702 = %while3A_697 to %while3A_693 step %while3A_700 iter_args(%while3A_703 = %while3A_699) -> (i32)  : i32 {
        %get3A_704 = arith.index_cast %while3A_702 : i32 to index
        %get3A_705 = tpu.vector_load %arg6[%get3A_704] {strides = array<i32>} : memref<20496xi32, #tpu.memory_space<vmem>>, vector<16xi32>,
        %slice3A_706 = vector.extract_strided_slice %get3A_705 {offsets = [0], sizes = [1], strides = [1]} : vector<16xi32> to vector<1xi32>
        %squeeze3A_707 = vector.extract %slice3A_706[0] : i32 from vector<1xi32>
        %and3A_708 = arith.constant 511 : i32
        %and3A_709 = arith.andi %squeeze3A_707, %and3A_708 : i32
        %add3A_710 = vector.broadcast %and3A_709 : i32 to vector<16xi32>
        %add3A_711 = arith.addi %and3A_4, %add3A_710 : vector<16xi32>
        %gather3A = tpu.vector_load_idx %arg9[%add3A_691, %add3A_582, %add3A_711] : memref<3x64x512xf32, #tpu.memory_space<vmem>>[vector<16xi32>, vector<16xi32>, vector<16xi32>], vector<16xf32>,
        %swap3A_712 = arith.constant 0 : i32
        %swap3A_713 = tpu.memref_slice %arg10[%while3A_703, %swap3A_712] : memref<64x128xf32, #tpu.memory_space<vmem>> -> memref<1x128xf32, #tpu.memory_space<vmem>>
        %swap3A_714 = tpu.memref_squeeze %swap3A_713 : memref<1x128xf32, #tpu.memory_space<vmem>> -> memref<128xf32, #tpu.memory_space<vmem>>
        %swap3A_715 = arith.constant 0 : index
        %swap3A_716 = tpu.vector_load %swap3A_714[%swap3A_715] {strides = array<i32>} : memref<128xf32, #tpu.memory_space<vmem>>, vector<16xf32>,
        tpu.vector_store %swap3A_714[%swap3A_715], %gather3A {strides = array<i32>} : memref<128xf32, #tpu.memory_space<vmem>>, vector<16xf32>,
        %gather3A_717 = tpu.vector_load_idx %arg9[%add3A_691, %add3A_585, %add3A_711] : memref<3x64x512xf32, #tpu.memory_space<vmem>>[vector<16xi32>, vector<16xi32>, vector<16xi32>], vector<16xf32>,
        %swap3A_718 = arith.constant 0 : i32
        %swap3A_719 = tpu.memref_slice %arg10[%while3A_703, %swap3A_718] : memref<64x128xf32, #tpu.memory_space<vmem>> -> memref<1x128xf32, #tpu.memory_space<vmem>>
        %swap3A_720 = tpu.memref_squeeze %swap3A_719 : memref<1x128xf32, #tpu.memory_space<vmem>> -> memref<128xf32, #tpu.memory_space<vmem>>
        %swap3A_721 = arith.constant 16 : index
        %swap3A_722 = tpu.vector_load %swap3A_720[%swap3A_721] {strides = array<i32>} : memref<128xf32, #tpu.memory_space<vmem>>, vector<16xf32>,
        tpu.vector_store %swap3A_720[%swap3A_721], %gather3A_717 {strides = array<i32>} : memref<128xf32, #tpu.memory_space<vmem>>, vector<16xf32>,
        %gather3A_723 = tpu.vector_load_idx %arg9[%add3A_691, %add3A_588, %add3A_711] : memref<3x64x512xf32, #tpu.memory_space<vmem>>[vector<16xi32>, vector<16xi32>, vector<16xi32>], vector<16xf32>,
        %swap3A_724 = arith.constant 0 : i32
        %swap3A_725 = tpu.memref_slice %arg10[%while3A_703, %swap3A_724] : memref<64x128xf32, #tpu.memory_space<vmem>> -> memref<1x128xf32, #tpu.memory_space<vmem>>
        %swap3A_726 = tpu.memref_squeeze %swap3A_725 : memref<1x128xf32, #tpu.memory_space<vmem>> -> memref<128xf32, #tpu.memory_space<vmem>>
        %swap3A_727 = arith.constant 32 : index
        %swap3A_728 = tpu.vector_load %swap3A_726[%swap3A_727] {strides = array<i32>} : memref<128xf32, #tpu.memory_space<vmem>>, vector<16xf32>,
        tpu.vector_store %swap3A_726[%swap3A_727], %gather3A_723 {strides = array<i32>} : memref<128xf32, #tpu.memory_space<vmem>>, vector<16xf32>,
        %gather3A_729 = tpu.vector_load_idx %arg9[%add3A_691, %add3A_591, %add3A_711] : memref<3x64x512xf32, #tpu.memory_space<vmem>>[vector<16xi32>, vector<16xi32>, vector<16xi32>], vector<16xf32>,
        %swap3A_730 = arith.constant 0 : i32
        %swap3A_731 = tpu.memref_slice %arg10[%while3A_703, %swap3A_730] : memref<64x128xf32, #tpu.memory_space<vmem>> -> memref<1x128xf32, #tpu.memory_space<vmem>>
        %swap3A_732 = tpu.memref_squeeze %swap3A_731 : memref<1x128xf32, #tpu.memory_space<vmem>> -> memref<128xf32, #tpu.memory_space<vmem>>
        %swap3A_733 = arith.constant 48 : index
        %swap3A_734 = tpu.vector_load %swap3A_732[%swap3A_733] {strides = array<i32>} : memref<128xf32, #tpu.memory_space<vmem>>, vector<16xf32>,
        tpu.vector_store %swap3A_732[%swap3A_733], %gather3A_729 {strides = array<i32>} : memref<128xf32, #tpu.memory_space<vmem>>, vector<16xf32>,
        %add3A_735 = vector.broadcast %while3A_703 : i32 to vector<16xi32>
        %add3A_736 = arith.addi %and3A_4, %add3A_735 : vector<16xi32>
        %shift_right_arithmetic3A = arith.constant 9 : i32
        %shift_right_arithmetic3A_737 = arith.shrsi %squeeze3A_707, %shift_right_arithmetic3A : i32
        %add3A_738 = vector.broadcast %shift_right_arithmetic3A_737 : i32 to vector<16xi32>
        %add3A_739 = arith.addi %and3A_4, %add3A_738 : vector<16xi32>
        tpu.vector_store_idx %arg11[%add3A_736], %add3A_739 masked %eq3A_2 : memref<64xi32, #tpu.memory_space<vmem>>[vector<16xi32>], vector<16xi32>, vector<16xi1>
        %add3A_740 = arith.constant 1 : i32
        %add3A_741 = arith.addi %while3A_703, %add3A_740 : i32
        %eq3A_742 = arith.constant 64 : i32
        %eq3A_743 = arith.cmpi eq, %add3A_741, %eq3A_742 : i32
        %convert_element_type3A_744 = arith.extui %eq3A_743 : i1 to i32
        %cond3A_745 = arith.constant 0 : i32
        %cond3A_746 = arith.cmpi ne, %convert_element_type3A_744, %cond3A_745 : i32
        scf.if %cond3A_746 {
          %dma_start3A_751 = arith.constant 0 : i32
          %dma_start3A_752 = arith.constant 0 : i32
          %dma_start3A_753 = tpu.memref_slice %arg4[%dma_start3A_751, %dma_start3A_752] : memref<20488x128xf32, #tpu.memory_space<hbm>> -> memref<20488x128xf32, #tpu.memory_space<hbm>>
          tpu.enqueue_indirect_dma source(%arg10 : memref<64x128xf32, #tpu.memory_space<vmem>>) target(%dma_start3A_753 : memref<20488x128xf32, #tpu.memory_space<hbm>>) offsets(%arg11 : memref<64xi32, #tpu.memory_space<vmem>>) semaphore(%arg16 : memref<!tpu.dma_semaphore, #tpu.memory_space<semaphore_mem>>)
          %dma_wait3A_754 = arith.constant 0 : i32
          %dma_wait3A_755 = arith.constant 0 : i32
          %dma_wait3A_756 = tpu.memref_slice %arg4[%dma_wait3A_754, %dma_wait3A_755] : memref<20488x128xf32, #tpu.memory_space<hbm>> -> memref<20488x128xf32, #tpu.memory_space<hbm>>
          tpu.wait_indirect_dma semaphore(%arg16 : memref<!tpu.dma_semaphore, #tpu.memory_space<semaphore_mem>>) src(%arg10 : memref<64x128xf32, #tpu.memory_space<vmem>>) dst(%dma_wait3A_756 : memref<20488x128xf32, #tpu.memory_space<hbm>>)
          %add3A_757 = arith.constant 20480 : i32
          %add3A_758 = vector.broadcast %add3A_757 : i32 to vector<16xi32>
          %add3A_759 = arith.addi %and3A_4, %add3A_758 : vector<16xi32>
          %swap3A_760 = arith.constant 0 : index
          %swap3A_761 = tpu.vector_load %arg11[%swap3A_760] {strides = array<i32>} : memref<64xi32, #tpu.memory_space<vmem>>, vector<16xi32>,
          tpu.vector_store %arg11[%swap3A_760], %add3A_759 {strides = array<i32>} : memref<64xi32, #tpu.memory_space<vmem>>, vector<16xi32>,
          %add3A_762 = arith.constant 20480 : i32
          %add3A_763 = vector.broadcast %add3A_762 : i32 to vector<16xi32>
          %add3A_764 = arith.addi %and3A_4, %add3A_763 : vector<16xi32>
          %swap3A_765 = arith.constant 16 : index
          %swap3A_766 = tpu.vector_load %arg11[%swap3A_765] {strides = array<i32>} : memref<64xi32, #tpu.memory_space<vmem>>, vector<16xi32>,
          tpu.vector_store %arg11[%swap3A_765], %add3A_764 {strides = array<i32>} : memref<64xi32, #tpu.memory_space<vmem>>, vector<16xi32>,
          %add3A_767 = arith.constant 20480 : i32
          %add3A_768 = vector.broadcast %add3A_767 : i32 to vector<16xi32>
          %add3A_769 = arith.addi %and3A_4, %add3A_768 : vector<16xi32>
          %swap3A_770 = arith.constant 32 : index
          %swap3A_771 = tpu.vector_load %arg11[%swap3A_770] {strides = array<i32>} : memref<64xi32, #tpu.memory_space<vmem>>, vector<16xi32>,
          tpu.vector_store %arg11[%swap3A_770], %add3A_769 {strides = array<i32>} : memref<64xi32, #tpu.memory_space<vmem>>, vector<16xi32>,
          %add3A_772 = arith.constant 20480 : i32
          %add3A_773 = vector.broadcast %add3A_772 : i32 to vector<16xi32>
          %add3A_774 = arith.addi %and3A_4, %add3A_773 : vector<16xi32>
          %swap3A_775 = arith.constant 48 : index
          %swap3A_776 = tpu.vector_load %arg11[%swap3A_775] {strides = array<i32>} : memref<64xi32, #tpu.memory_space<vmem>>, vector<16xi32>,
          tpu.vector_store %arg11[%swap3A_775], %add3A_774 {strides = array<i32>} : memref<64xi32, #tpu.memory_space<vmem>>, vector<16xi32>,
        } else {
        }
        %eq3A_747 = arith.constant 64 : i32
        %eq3A_748 = arith.cmpi eq, %add3A_741, %eq3A_747 : i32
        %jit3A_749 = arith.constant 0 : i32
        %select_n3A_750 = arith.select %eq3A_748, %jit3A_749, %add3A_741 : i32
        scf.yield %select_n3A_750 : i32
      }
      scf.yield %while3A_701 : i32
    }
    %dma_start3A = arith.constant 0 : i32
    %dma_start3A_630 = arith.constant 0 : i32
    %dma_start3A_631 = tpu.memref_slice %arg4[%dma_start3A, %dma_start3A_630] : memref<20488x128xf32, #tpu.memory_space<hbm>> -> memref<20488x128xf32, #tpu.memory_space<hbm>>
    tpu.enqueue_indirect_dma source(%arg10 : memref<64x128xf32, #tpu.memory_space<vmem>>) target(%dma_start3A_631 : memref<20488x128xf32, #tpu.memory_space<hbm>>) offsets(%arg11 : memref<64xi32, #tpu.memory_space<vmem>>) semaphore(%arg16 : memref<!tpu.dma_semaphore, #tpu.memory_space<semaphore_mem>>)
    %dma_wait3A = arith.constant 0 : i32
    %dma_wait3A_632 = arith.constant 0 : i32
    %dma_wait3A_633 = tpu.memref_slice %arg4[%dma_wait3A, %dma_wait3A_632] : memref<20488x128xf32, #tpu.memory_space<hbm>> -> memref<20488x128xf32, #tpu.memory_space<hbm>>
    tpu.wait_indirect_dma semaphore(%arg16 : memref<!tpu.dma_semaphore, #tpu.memory_space<semaphore_mem>>) src(%arg10 : memref<64x128xf32, #tpu.memory_space<vmem>>) dst(%dma_wait3A_633 : memref<20488x128xf32, #tpu.memory_space<hbm>>)
    %add3A_634 = arith.constant 20480 : i32
    %add3A_635 = vector.broadcast %add3A_634 : i32 to vector<16xi32>
    %add3A_636 = arith.addi %and3A_4, %add3A_635 : vector<16xi32>
    %swap3A_637 = arith.constant 0 : index
    %swap3A_638 = tpu.vector_load %arg11[%swap3A_637] {strides = array<i32>} : memref<64xi32, #tpu.memory_space<vmem>>, vector<16xi32>,
    tpu.vector_store %arg11[%swap3A_637], %add3A_636 {strides = array<i32>} : memref<64xi32, #tpu.memory_space<vmem>>, vector<16xi32>,
    %add3A_639 = arith.constant 20480 : i32
    %add3A_640 = vector.broadcast %add3A_639 : i32 to vector<16xi32>
    %add3A_641 = arith.addi %and3A_4, %add3A_640 : vector<16xi32>
    %swap3A_642 = arith.constant 16 : index
    %swap3A_643 = tpu.vector_load %arg11[%swap3A_642] {strides = array<i32>} : memref<64xi32, #tpu.memory_space<vmem>>, vector<16xi32>,
    tpu.vector_store %arg11[%swap3A_642], %add3A_641 {strides = array<i32>} : memref<64xi32, #tpu.memory_space<vmem>>, vector<16xi32>,
    %add3A_644 = arith.constant 20480 : i32
    %add3A_645 = vector.broadcast %add3A_644 : i32 to vector<16xi32>
    %add3A_646 = arith.addi %and3A_4, %add3A_645 : vector<16xi32>
    %swap3A_647 = arith.constant 32 : index
    %swap3A_648 = tpu.vector_load %arg11[%swap3A_647] {strides = array<i32>} : memref<64xi32, #tpu.memory_space<vmem>>, vector<16xi32>,
    tpu.vector_store %arg11[%swap3A_647], %add3A_646 {strides = array<i32>} : memref<64xi32, #tpu.memory_space<vmem>>, vector<16xi32>,
    %add3A_649 = arith.constant 20480 : i32
    %add3A_650 = vector.broadcast %add3A_649 : i32 to vector<16xi32>
    %add3A_651 = arith.addi %and3A_4, %add3A_650 : vector<16xi32>
    %swap3A_652 = arith.constant 48 : index
    %swap3A_653 = tpu.vector_load %arg11[%swap3A_652] {strides = array<i32>} : memref<64xi32, #tpu.memory_space<vmem>>, vector<16xi32>,
    tpu.vector_store %arg11[%swap3A_652], %add3A_651 {strides = array<i32>} : memref<64xi32, #tpu.memory_space<vmem>>, vector<16xi32>,
    return
  }
}

</mosaic_0001>

<sc_bundles>
// kernel: kernel.3.cloned.1.call-start
scs
__scs_entry_jumppad:
0x0: {  	(pc) =	sbr.rel $0x88, $3  }
0x1: {  	(tag) =	ssettag $0x0;
	lr =	simm.s32 $0x1  }
0x2: {  	[smem:$0x3F9F] =	sst lr;
	_ =	strace $0xD0000000  }
0x3: {  	_ = 	snop  }
0x4: {  	_ = 	snop  }
0x5: {  	_ = 	snop  }
0x6: {  	_ = 	snop  }
0x7: {  	_ = 	snop  }
__scs_overlays_trampoline_lowered:
0x8: {  	[smem:$0x3FAE] =	sst s0  }
0x9: {  	[smem:$0x3FAF] =	sst s1  }
0xa: {  	[smem:$0x3FB0] =	sst s2  }
0xb: {  	[smem:$0x3FB1] =	sst s3  }
0xc: {  	[smem:$0x3FB2] =	sst s4  }
0xd: {  	[smem:$0x3FB3] =	sst s5  }
0xe: {  	[smem:$0x3FB4] =	sst s6  }
0xf: {  	[smem:$0x3FB5] =	sst s7  }
0x10: {  	[smem:$0x3FB6] =	sst s8  }
0x11: {  	[smem:$0x3FB7] =	sst s9;
	s0 =	simm.s32 @!p0 $0x0  }
0x12: {  	s1 =	sld [smem:$0x3F9D];
	s0 =	simm.s32 @p0 $0x1  }
0x13: {  	[smem:$0x3FB8] =	sst s0;
	s0 =	simm.s32 @!p1 $0x0  }
0x14: {  	s2 =	sld [smem:$0x3F9C];
	s0 =	simm.s32 @p1 $0x1  }
0x15: {  	[smem:$0x3FB9] =	sst s0;
	s0 =	simm.s32 @!p2 $0x0  }
0x16: {  	s3 =	sld [smem:$0x3FDB];
	s0 =	simm.s32 @p2 $0x1  }
0x17: {  	s4 =	simm.s32 $0x1BF5;
	[smem:$0x3FBB] =	sst s0  }
0x18: {  	s0 =	sld [smem:$0x3F9E];
	_ =	swait.ge [sflag:s4], $0x0  }
0x19: {  	s7 =	sld [smem:$0x3F9F]  }
0x1a: {  	s8 =	sadd.s32 $0xFFFFE003, lr  }
0x1b: {  	s9 =	sadd.s32 $0xFFFFFEF7, lr;
	s5 =	simm.s32 $0xFFFFFFFF;
	p2 =	slt.u32 s8, $0xFFFFF086  }
0x1c: {  	p1 =	slt.u32 s9, $0xF7A;
	s5 =	simm.s32 @!p2 $0x0  }
0x1d: {  	s5 =	simm.s32 @p1 $0x1;
	p0 =	seq.s32 s7, s2  }
0x1e: {  	s7 =	smul.u32 @!p0 $0xF7A, s2;
	p2 =	seq.s32 @!p0 s5, $0x0  }
0x1f: {  	s9 =	smul.u32 $0xF7A, s1;
	s8 =	simm.s32 @!p0 $0x1BF5;
	p2 =	por !p2, p0  }
0x20: {  	[sflag:s8] =	ssyncset.s32 @!p0 $0xFFFFF086;
	s6 =	sadd.s32 @!p0 s3, s7;
	s7 =	simm.s32 @!p0 $0x108  }
0x21: {  	s3 =	sadd.s32 s3, s9;
	s6 =	sadd.s32 @!p0 $0x88, s6;
	s7 =	simm.s32 @p2 $0x1082  }
0x22: {  	[simem:s7], [sflag:s8] =	dma.local @!p0 [hbm:s6], $0xF7A  }
0x23: {  	s9 =	sor.u32 $0xD0000000, s2;
	s6 =	simm.s32 $0x108;
	_ =	swait.ge @!p0 [sflag:s8], $0x0  }
0x24: {  	s3 =	sadd.s32 $0x88, s3;
	s6 =	simm.s32 @!p1 $0x1082;
	[sflag:s4] =	ssyncset.s32 $0xFFFFF086  }
0x25: {  	[simem:s6], [sflag:s4] =	dma.local [hbm:s3], $0xF7A  }
0x26: {  	[smem:$0x3F9F] =	sst s1;
	(tag) =	ssettag s2;
	_ =	strace s9  }
0x27: {  	s1 =	sld [smem:$0x3FAF]  }
0x28: {  	s2 =	sld [smem:$0x3FB0]  }
0x29: {  	s4 =	sld [smem:$0x3FB2]  }
0x2a: {  	p0 =	seq.s32 s5, $0x0;
	s5 =	sld [smem:$0x3FB3]  }
0x2b: {  	s6 =	sld [smem:$0x3FB4]  }
0x2c: {  	s7 =	sld [smem:$0x3FB5]  }
0x2d: {  	s3 =	simm.s32 $0x108;
	s8 =	sld [smem:$0x3FB6]  }
0x2e: {  	s3 =	simm.s32 @!p0 $0x1082;
	s9 =	sld [smem:$0x3FB7]  }
0x2f: {  	lr =	sadd.s32 s0, s3;
	s0 =	sld [smem:$0x3FAE]  }
0x30: {  	s3 =	sld [smem:$0x3FB1]  }
0x31: {  	[smem:$0x3FBA] =	sst s10  }
0x32: {  	s10 =	sld [smem:$0x3FB8];
	_ =	sdelay $0x3  }
0x33: {  	p0 =	seq.s32 s10, $0x1;
	s10 =	sld [smem:$0x3FBA];
	_ =	sdelay $0x3  }
0x34: {  	[smem:$0x3FBA] =	sst s10  }
0x35: {  	s10 =	sld [smem:$0x3FB9];
	_ =	sdelay $0x3  }
0x36: {  	p1 =	seq.s32 s10, $0x1;
	s10 =	sld [smem:$0x3FBA];
	_ =	sdelay $0x3  }
0x37: {  	[smem:$0x3FBA] =	sst s10  }
0x38: {  	s10 =	sld [smem:$0x3FBB]  }
0x39: {  	_ = 	snop;
	(pc) =	sbr.ind lr, $3  }
0x3a: {  	_ = 	snop  }
0x3b: {  	_ = 	snop  }
0x3c: {  	p2 =	seq.s32 s10, $0x1;
	s10 =	sld [smem:$0x3FBA]  }
0x3d: {  	_ =	shalt  }
0x3e: {  	_ =	shalt  }
0x3f: {  	_ =	shalt  }
0x40: {  	_ =	shalt  }
0x41: {  	_ =	shalt  }
0x42: {  	_ =	shalt  }
0x43: {  	_ =	shalt  }
0x44: {  	_ =	shalt  }
0x45: {  	_ =	shalt  }
0x46: {  	_ =	shalt  }
0x47: {  	_ =	shalt  }
0x48: {  	_ =	shalt  }
0x49: {  	_ =	shalt  }
0x4a: {  	_ =	shalt  }
0x4b: {  	_ =	shalt  }
0x4c: {  	_ =	shalt  }
0x4d: {  	_ =	shalt  }
0x4e: {  	_ =	shalt  }
0x4f: {  	_ =	shalt  }
0x50: {  	_ =	shalt  }
0x51: {  	_ =	shalt  }
0x52: {  	_ =	shalt  }
0x53: {  	_ =	shalt  }
0x54: {  	_ =	shalt  }
0x55: {  	_ =	shalt  }
0x56: {  	_ =	shalt  }
0x57: {  	_ =	shalt  }
0x58: {  	_ =	shalt  }
0x59: {  	_ =	shalt  }
0x5a: {  	_ =	shalt  }
0x5b: {  	_ =	shalt  }
0x5c: {  	_ =	shalt  }
0x5d: {  	_ =	shalt  }
0x5e: {  	_ =	shalt  }
0x5f: {  	_ =	shalt  }
0x60: {  	_ =	shalt  }
0x61: {  	_ =	shalt  }
0x62: {  	_ =	shalt  }
0x63: {  	_ =	shalt  }
0x64: {  	_ =	shalt  }
0x65: {  	_ =	shalt  }
0x66: {  	_ =	shalt  }
0x67: {  	_ =	shalt  }
0x68: {  	_ =	shalt  }
0x69: {  	_ =	shalt  }
0x6a: {  	_ =	shalt  }
0x6b: {  	_ =	shalt  }
0x6c: {  	_ =	shalt  }
0x6d: {  	_ =	shalt  }
0x6e: {  	_ =	shalt  }
0x6f: {  	_ =	shalt  }
0x70: {  	_ =	shalt  }
0x71: {  	_ =	shalt  }
0x72: {  	_ =	shalt  }
0x73: {  	_ =	shalt  }
0x74: {  	_ =	shalt  }
0x75: {  	_ =	shalt  }
0x76: {  	_ =	shalt  }
0x77: {  	_ =	shalt  }
0x78: {  	_ =	shalt  }
0x79: {  	_ =	shalt  }
0x7a: {  	_ =	shalt  }
0x7b: {  	_ =	shalt  }
0x7c: {  	_ =	shalt  }
0x7d: {  	_ =	shalt  }
0x7e: {  	_ =	shalt  }
0x7f: {  	_ =	shalt  }
0x80: {  	_ =	shalt  }
0x81: {  	_ =	shalt  }
0x82: {  	_ =	shalt  }
0x83: {  	_ =	shalt  }
0x84: {  	_ =	shalt  }
0x85: {  	_ =	shalt  }
0x86: {  	_ =	shalt  }
0x87: {  	_ =	shalt  }
.Lfunc_end0:
.L_simem_size_0:
called_computation_lowered:
.L_overlay_start_0:
0x88: {  	s2 =	sld [smem:$0x3FD9]  }
0x89: {  	s3 =	sld [smem:$0x3FFE];
	_ =	sdelay $0x1  }
0x8a: {  	s1 =	srdreg.scid  }
0x8b: {  	s0 =	sand.u32 $0x1, s1  }
0x8c: {  	s17 =	sshll.u32 s0, $0xA;
	s2 =	sadd.s32 s3, s2  }
0x8d: {  	s2 =	sadd.s32 s2, s17  }
0x8e: {  	[smem:$0x3FC6] =	sst s2  }
0x8f: {  	_ = 	snop  }
0x90: {  	s2 =	sld [smem:$0x3FC8]  }
0x91: {  	s18 =	sld [smem:$0x3FD0];
	(tm) =	ssettm $0x1  }
0x92: {  	s4 =	sld [smem:$0x3FFB];
	_ =	sdelay $0x3  }
0x93: {  	_ =	strace s4  }
0x94: {  	s4 =	sld [smem:$0x3FFC];
	_ =	sdelay $0x3  }
0x95: {  	_ =	strace s4  }
0x96: {  	s4 =	sld [smem:$0x3FFD];
	_ =	sdelay $0x3  }
0x97: {  	_ =	strace s4  }
0x98: {  	_ =	strace $0x8FFFFFFF  }
0x99: {  	s19 =	sld [smem:$0x3FDB];
	_ =	sdelay $0x1  }
0x9a: {  	s5 =	simm.s32 $_scs_section_size  }
0x9b: {  	s6 =	simm.s32 $_size__tile_overlayer_lowered;
	s7 =	simm.s32 $_tile_overlayer_lowered  }
0x9c: {  	s22 =	simm.s32 $0x1BFF;
	s21 =	sshll.u32 s7, $0x1;
	s4 =	sadd.s32 s5, s19  }
0x9d: {  	s8 =	simm.s32 $0x0;
	s20 =	sshll.u32 s6, $0x1;
	s6 =	sadd.s32 s21, s4  }
0x9e: {  	[timem:s8], [sflag:s22] =	dma.local [hbm:s6], s20  }
0x9f: {  	_ =	swait.ge [sflag:s22], s20  }
0xa0: {  	s5 =	ssub.s32 $0x0, s20;
	[sflag:s22] =	ssyncset.done $0x0  }
0xa1: {  	[sflag:s22] =	ssyncadd.s32 s5;
	_ =	sdelay $0x1  }
0xa2: {  	s23 =	simm.s32 $0x1B8B  }
0xa3: {  	_ =	swait.ge [sflag:s23], $0x1  }
0xa4: {  	[sflag:s23] =	ssyncset.done $0x0  }
0xa5: {  	s25 =	simm.s32 $0x1B8E;
	s24 =	sld [smem:$0x3FFE];
	[sflag:s23] =	ssyncadd.s32 $0xFFFFFFFF  }
0xa6: {  	s26 =	simm.s32 $execute0_lowered;
	[smem:$0x3FD2] =	sst s25  }
0xa7: {  	s6 =	sshll.u32 s26, $0x1;
	_ =	strace $0x80000046;
	[dreg:$0x1] =	wrdreg $0xFFFFFFFF  }
0xa8: {  	s28 =	simm.s32 $_size_execute0_lowered;
	s4 =	sadd.s32 s4, s6;
	[dreg:$0x0] =	wrdreg $0x0  }
0xa9: {  	s6 =	sshll.u32 s28, $0x1;
	[dreg:$0x2] =	wrdreg s4  }
0xaa: {  	[dreg:$0x3] =	wrdreg s6  }
0xab: {  	[dreg:$0x4] =	wrdreg $0xC0  }
0xac: {  	_ =	task [dreg:s8], $0x5FFFF  }
0xad: {  	[dreg:$0x1] =	wrdreg $0xFFFFFFFF  }
0xae: {  	[dreg:$0x0] =	wrdreg $0x60  }
0xaf: {  	[dreg:$0x2] =	wrdreg s2  }
0xb0: {  	[dreg:$0x3] =	wrdreg s18  }
0xb1: {  	[dreg:$0x4] =	wrdreg s24  }
0xb2: {  	[dreg:$0x5] =	wrdreg $0x9  }
0xb3: {  	_ =	task.clear_ibuf [dreg:s8], $0x6FFFF;
	_ =	strace $0x90000046  }
0xb4: {  	s29 =	simm.s32 $0x9;
	_ =	strace $0x80000048  }
0xb5: {  	_ =	swait.ge [sflag:s29], $0x1  }
0xb6: {  	[sflag:s29] =	ssyncadd.s32 $0xFFFFFFFF  }
0xb7: {  	_ =	strace $0x90000048  }
0xb8: {  	_ =	sfence  }
0xb9: {  	s30 =	sld [smem:$0x0];
	_ =	sdelay $0x2  }
0xba: {  	s31 =	sshll.u32 s1, $0xD;
	s1 =	sshrl.u32 s1, $0x2  }
0xbb: {  	s3 =	sand.u32 $0x4000, s31;
	s1 =	sadd.s32 s1, s30  }
0xbc: {  	s0 =	sor.u32 s3, s0;
	s1 =	sshll.u32 s1, $0x11  }
0xbd: {  	s0 =	sor.u32 s1, s0  }
0xbe: {  	s0 =	sadd.s32 $0x8F2B, s0  }
0xbf: {  	[sflag:s0] =	ssyncadd.remote.s32 $0x1  }
0xc0: {  	_ =	sfence.sel $0xFFFF  }
0xc1: {  	[dreg:$0x0] =	wrdreg $0xFFFFFFFF;
	(pc) =	sbr.abs _section_cstart, $3  }
0xc2: {  	[dreg:$0x1] =	wrdreg $0xFFFFFFFF  }
0xc3: {  	_ =	task.clear_ibuf [dreg:s8], $0x2FFFF;
	_ =	strace $0x9FFFFFFF  }
0xc4: {  	(tm) =	ssettm $0x7FFFFFFF  }
0xc5: {  	_ =	shalt  }
tec
execute0_lowered:
.L_overlay_start_1:
0x0: {  	(tag) =	ssettag $0x1  }
0x1: {  	v3 =	vlaneseq.u32;
	v2 =	vimm.s32 $0x0  }
0x2: {  	v6 =	vimm.s32 $0x1380;
	vm14 =	vcmask $0x300;
	vm13 =	vcmask $0x704  }
0x3: {  	vm12 =	vcmask $0xB08;
	vm11 =	vcmask $0xF0C;
	vm10 =	vcmask $0x1310  }
0x4: {  	vm9 =	vcmask $0x1714;
	vm8 =	vcmask $0x1B18;
	vm7 =	vcmask $0x1F1C  }
0x5: {  	vm6 =	vcmask $0x2320;
	vm5 =	vcmask $0x2724;
	vm4 =	vcmask $0x2B28  }
0x6: {  	vm3 =	vcmask $0x2F2C;
	vm2 =	vcmask $0x3330;
	vm1 =	vcmask $0x3734  }
0x7: {  	vm0 =	vcmask $0x3B38;
	v21 =	vimm.s32 $0x3380;
	v22 =	vimm.s32 $0x5380  }
0x8: {  	s0 =	srdreg.scid;
	s4 =	stileid.u32;
	v23 =	vimm.s32 $0x7380;
	v0 =	vmul.u32 $0x200, v3;
	v3 =	vmul.u32 $0x40, v3  }
0x9: {  	s0 =	sand.u32 $0x1, s0;
	s1 =	sshll.u32 s4, $0x1;
	v7 =	vsel vm14, $0x0, v6;
	v21 =	vsel vm14, $0x2000, v21;
	v22 =	vsel vm14, $0x4000, v22  }
0xa: {  	v23 =	vsel vm14, $0x6000, v23;
	s1 =	sor.u32 s0, s1;
	v8 =	vsel vm13, $0x80, v7;
	v21 =	vsel vm13, $0x2080, v21  }
0xb: {  	v22 =	vsel vm13, $0x4080, v22;
	v23 =	vsel vm13, $0x6080, v23;
	v1 =	vmov s1  }
0xc: {  	v4 =	vor.u32 $0xA0000, v0;
	v5 =	vor.u32 $0x140000, v0;
	v6 =	vor.u32 $0x1E0000, v0  }
0xd: {  	v7 =	vor.u32 $0x280000, v0;
	v9 =	vsel vm12, $0x100, v8;
	v8 =	vor.u32 $0x320000, v0  }
0xe: {  	v21 =	vsel vm12, $0x2100, v21;
	v22 =	vsel vm12, $0x4100, v22;
	v23 =	vsel vm12, $0x6100, v23  }
0xf: {  	v10 =	vsel vm11, $0x180, v9;
	v9 =	vor.u32 $0x3C0000, v0;
	v21 =	vsel vm11, $0x2180, v21  }
0x10: {  	v22 =	vsel vm11, $0x4180, v22;
	v23 =	vsel vm11, $0x6180, v23;
	v11 =	vsel vm10, $0x200, v10  }
0x11: {  	v10 =	vor.u32 $0x460000, v0;
	v21 =	vsel vm10, $0x2200, v21;
	v22 =	vsel vm10, $0x4200, v22  }
0x12: {  	s2 =	rddreg [dreg:$0x0];
	v23 =	vsel vm10, $0x6200, v23;
	v12 =	vsel vm9, $0x280, v11;
	v11 =	vor.u32 $0x500000, v0  }
0x13: {  	s5 =	rddreg [dreg:$0x1];
	v21 =	vsel vm9, $0x2280, v21;
	v22 =	vsel vm9, $0x4280, v22;
	v23 =	vsel vm9, $0x6280, v23  }
0x14: {  	s3 =	rddreg [dreg:$0x2];
	s6 =	simm.s32 $0x0;
	s7 =	simm.s32 $0x3E;
	v13 =	vsel vm8, $0x300, v12;
	v12 =	vor.u32 $0x5A0000, v0;
	v21 =	vsel vm8, $0x2300, v21  }
0x15: {  	s28 =	simm.s32 $0x5;
	s29 =	simm.s32 $0x5580;
	s30 =	simm.s32 $0x500;
	v22 =	vsel vm8, $0x4300, v22;
	v23 =	vsel vm8, $0x6300, v23;
	v14 =	vsel vm7, $0x380, v13  }
0x16: {  	[smem:$0x7FF] =	sst s6;
	s6 =	sadd.s32 $0x400, s3;
	p0 =	seq.s32 s4, $0x0;
	v13 =	vor.u32 $0x640000, v0;
	v21 =	vsel vm7, $0x2380, v21;
	v22 =	vsel vm7, $0x4380, v22  }
0x17: {  	s23 =	sadd.s32 $0xA0, s5;
	s24 =	sadd.s32 $0x140, s5;
	s25 =	sadd.s32 $0x1E0, s5;
	v23 =	vsel vm7, $0x6380, v23;
	v15 =	vsel vm6, $0x1000, v14;
	v14 =	vor.u32 $0x6E0000, v0  }
0x18: {  	s26 =	sadd.s32 $0x280, s5;
	s12 =	sadd.s32 $0x320, s5;
	s13 =	sadd.s32 $0x3C0, s5;
	v21 =	vsel vm6, $0x3000, v21;
	v22 =	vsel vm6, $0x5000, v22;
	v23 =	vsel vm6, $0x7000, v23  }
0x19: {  	s14 =	sadd.s32 $0x460, s5;
	s15 =	sadd.s32 $0x500, s5;
	s16 =	sadd.s32 $0x5A0, s5;
	v16 =	vsel vm5, $0x1080, v15;
	v15 =	vor.u32 $0x780000, v0;
	v21 =	vsel vm5, $0x3080, v21  }
0x1a: {  	s17 =	sadd.s32 $0x640, s5;
	s18 =	sadd.s32 $0x6E0, s5;
	s19 =	sadd.s32 $0x780, s5;
	v22 =	vsel vm5, $0x5080, v22;
	v23 =	vsel vm5, $0x7080, v23;
	v17 =	vsel vm4, $0x1100, v16  }
0x1b: {  	s20 =	sadd.s32 $0x820, s5;
	_ =	strace $0x80000047;
	[dreg:$0x4] =	wrdreg s23;
	v16 =	vor.u32 $0x820000, v0;
	v21 =	vsel vm4, $0x3100, v21;
	v22 =	vsel vm4, $0x5100, v22  }
0x1c: {  	s21 =	sadd.s32 $0x8C0, s5;
	s4 =	simm.s32 $0x0;
	[dreg:$0x5] =	wrdreg s24;
	v23 =	vsel vm4, $0x7100, v23;
	v18 =	vsel vm3, $0x1180, v17;
	v17 =	vor.u32 $0x8C0000, v0  }
0x1d: {  	s0 =	ssub.s32 $0x2, s0;
	s7 =	simm.s32 @!p0 $0x3D;
	[dreg:$0x6] =	wrdreg s25;
	v21 =	vsel vm3, $0x3180, v21;
	v22 =	vsel vm3, $0x5180, v22;
	v23 =	vsel vm3, $0x7180, v23  }
.Ltmp0:
0x1e: {  	[dreg:$0x7] =	wrdreg s26;
	s31 =	sshll.u32 s1, $0x9;
	v19 =	vsel vm2, $0x1200, v18;
	v18 =	vor.u32 $0x960000, v0;
	v24 =	vsel vm2, $0x3200, v21;
	(pc) =	sbr.rel .LBB2_1-.Ltmp0, $4  }
0x1f: {  	s26 =	sadd.s32 $0xF4200, s2;
	s22 =	sshrl.u32 s0, $0x1;
	s3 =	sadd.s32 s2, s31;
	v21 =	vimm.s32 $0x1;
	v22 =	vsel vm2, $0x5200, v22;
	v23 =	vsel vm2, $0x7200, v23  }
0x20: {  	s0 =	ssub.s32 s0, s22;
	[dreg:$0x8] =	wrdreg s3;
	s3 =	sadd.s32 $0x4000, s3;
	v20 =	vsel vm1, $0x1280, v19;
	v19 =	vimm.s32 $0x5000;
	v24 =	vsel vm1, $0x3280, v24  }
0x21: {  	s22 =	sadd.s32 $0x960, s5;
	s0 =	smax.u32 s0, $0x1;
	[dreg:$0x9] =	wrdreg s3;
	v25 =	vsel vm1, $0x5280, v22;
	v26 =	vsel vm1, $0x7280, v23;
	v20 =	vsel vm0, $0x1300, v20  }
0x22: {  	s5 =	simm.s32 $0x1FA00;
	[dreg:$0xa] =	wrdreg s0;
	s0 =	simm.s32 $0x5A00;
	v22 =	vsel vm0, $0x3300, v24;
	v23 =	vsel vm0, $0x5300, v25;
	v24 =	vsel vm0, $0x7300, v26  }
.LBB2_139:
0x23: {  	s3 =	simm.s32 $0x40;
	s8 =	simm.s32 $0x1DA00;
	s25 =	simm.s32 $0x4  }
0x24: {  	[hbm4b:s6+s3] =	stream.indirect.scatter [tilespmem:s8], [sflag:$0x4], $0x80, s5, s3, $0xb8;
	[tilespmem:$0x1FB80] =	vst v63  }
0x25: {  	_ =	swait.ge [sflag:s25], $0x2000  }
0x26: {  	s4 =	sadd.s32 $0x1, s4;
	s31 =	rddreg [dreg:$0xa]  }
0x27: {  	[sflag:s25] =	ssyncset.done $0x0;
	p0 =	sne.s32 s4, s31  }
.Ltmp1:
0x28: {  	[sflag:s25] =	ssyncadd.s32 $0xFFFFE000;
	(pc) =	sbr.rel @!p0 .LBB2_140-.Ltmp1, $4  }
0x29: {  	[tilespmem:$0x1FA00] =	vst v19  }
0x2a: {  	[tilespmem:$0x1FA10] =	vst v19  }
0x2b: {  	[tilespmem:$0x1FA20] =	vst v19  }
0x2c: {  	[tilespmem:$0x1FA30] =	vst v19  }
.LBB2_1:
0x2d: {  	[tilespmem:$0x5580] =	vst v2  }
0x2e: {  	[tilespmem:$0x5590] =	vst v2  }
0x2f: {  	[tilespmem:$0x55A0] =	vst v2  }
0x30: {  	[tilespmem:$0x55B0] =	vst v2  }
0x31: {  	[tilespmem:$0x55C0] =	vst v2  }
0x32: {  	[tilespmem:$0x55D0] =	vst v2  }
0x33: {  	[tilespmem:$0x55E0] =	vst v2  }
0x34: {  	[tilespmem:$0x55F0] =	vst v2  }
0x35: {  	[tilespmem:$0x5600] =	vst v2  }
0x36: {  	[tilespmem:$0x5610] =	vst v2  }
0x37: {  	[tilespmem:$0x5620] =	vst v2  }
0x38: {  	[tilespmem:$0x5630] =	vst v2  }
0x39: {  	[tilespmem:$0x5640] =	vst v2  }
0x3a: {  	[tilespmem:$0x5650] =	vst v2  }
0x3b: {  	[tilespmem:$0x5660] =	vst v2  }
0x3c: {  	[tilespmem:$0x5670] =	vst v2  }
0x3d: {  	[tilespmem:$0x5680] =	vst v2  }
0x3e: {  	[tilespmem:$0x5690] =	vst v2  }
0x3f: {  	[tilespmem:$0x56A0] =	vst v2  }
0x40: {  	[tilespmem:$0x56B0] =	vst v2  }
0x41: {  	[tilespmem:$0x56C0] =	vst v2  }
0x42: {  	[tilespmem:$0x56D0] =	vst v2  }
0x43: {  	[tilespmem:$0x56E0] =	vst v2  }
0x44: {  	[tilespmem:$0x56F0] =	vst v2  }
0x45: {  	[tilespmem:$0x5700] =	vst v2  }
0x46: {  	[tilespmem:$0x5710] =	vst v2  }
0x47: {  	[tilespmem:$0x5720] =	vst v2  }
0x48: {  	[tilespmem:$0x5730] =	vst v2  }
0x49: {  	[tilespmem:$0x5740] =	vst v2  }
0x4a: {  	[tilespmem:$0x5750] =	vst v2  }
0x4b: {  	[tilespmem:$0x5760] =	vst v2  }
0x4c: {  	[tilespmem:$0x5770] =	vst v2  }
0x4d: {  	[tilespmem:$0x5780] =	vst v2  }
0x4e: {  	[tilespmem:$0x5790] =	vst v2  }
0x4f: {  	[tilespmem:$0x57A0] =	vst v2  }
0x50: {  	[tilespmem:$0x57B0] =	vst v2  }
0x51: {  	[tilespmem:$0x57C0] =	vst v2  }
0x52: {  	[tilespmem:$0x57D0] =	vst v2  }
0x53: {  	[tilespmem:$0x57E0] =	vst v2  }
0x54: {  	[tilespmem:$0x57F0] =	vst v2  }
0x55: {  	[tilespmem:$0x5800] =	vst v2  }
0x56: {  	[tilespmem:$0x5810] =	vst v2  }
0x57: {  	[tilespmem:$0x5820] =	vst v2  }
0x58: {  	[tilespmem:$0x5830] =	vst v2  }
0x59: {  	[tilespmem:$0x5840] =	vst v2  }
0x5a: {  	[tilespmem:$0x5850] =	vst v2  }
0x5b: {  	[tilespmem:$0x5860] =	vst v2  }
0x5c: {  	[tilespmem:$0x5870] =	vst v2  }
0x5d: {  	[tilespmem:$0x5880] =	vst v2  }
0x5e: {  	[tilespmem:$0x5890] =	vst v2  }
0x5f: {  	[tilespmem:$0x58A0] =	vst v2  }
0x60: {  	[tilespmem:$0x58B0] =	vst v2  }
0x61: {  	[tilespmem:$0x58C0] =	vst v2  }
0x62: {  	[tilespmem:$0x58D0] =	vst v2  }
0x63: {  	[tilespmem:$0x58E0] =	vst v2  }
0x64: {  	[tilespmem:$0x58F0] =	vst v2  }
0x65: {  	[tilespmem:$0x5900] =	vst v2  }
0x66: {  	[tilespmem:$0x5910] =	vst v2  }
0x67: {  	[tilespmem:$0x5920] =	vst v2  }
0x68: {  	[tilespmem:$0x5930] =	vst v2  }
0x69: {  	[tilespmem:$0x5940] =	vst v2  }
0x6a: {  	[tilespmem:$0x5950] =	vst v2  }
0x6b: {  	[tilespmem:$0x5960] =	vst v2  }
0x6c: {  	[tilespmem:$0x5970] =	vst v2;
	s3 =	rddreg [dreg:$0x1];
	s8 =	simm.s32 $0x0  }
0x6d: {  	[tilespmem:s8], [sflag:$0x5] =	stream.linear.gather [hbm4b:s3+s8], $0x500, $0x38;
	[tilespmem:$0x1FB80] =	vst v63  }
0x6e: {  	_ =	swait.ge [sflag:s28], $0x500  }
0x6f: {  	[sflag:s28] =	ssyncset.done $0x0  }
0x70: {  	s8 =	simm.s32 $0x0;
	s3 =	simm.s32 $0x40;
	[sflag:s28] =	ssyncadd.s32 $0xFFFFFB00  }
.LBB2_2:
0x71: {  	p0 =	sne.s32 s3, $0x13C0;
	v25 =	vld [tilespmem:s8+$0x0];
	_ =	sdelay $0x4  }
0x72: {  	v26 =	vshrl.u32 v25, $0x9  }
0x73: {  	v26 =	vand.u32 $0x1F, v26  }
0x74: {  	v25 =	vshra.s32 v25, $0xE;
	vm0 =	veq.s32 v26, v1  }
0x75: {  	v25 =	vadd.s32 v3, v25  }
.Ltmp2:
0x76: {  	(pc) =	sbr.rel @p0 .LBB2_2-.Ltmp2, $2  }
0x77: {  	_ =	sdelay $0x2  }
0x78: {  	s8 =	sshra.s32 s3, $0x2;
	s3 =	sadd.s32 $0x40, s3;
	[tilespmem:v25+s29+$0x0] =	vst.idx.add.s32.msk vm0, v21  }
0x79: {  	v25 =	vld [tilespmem:s8+$0x0];
	_ =	sdelay $0x4  }
0x7a: {  	v26 =	vshrl.u32 v25, $0x9  }
0x7b: {  	v26 =	vand.u32 $0x1F, v26  }
0x7c: {  	v25 =	vshra.s32 v25, $0xE;
	vm0 =	veq.s32 v26, v1  }
0x7d: {  	v25 =	vadd.s32 v3, v25;
	_ =	sdelay $0x4  }
0x7e: {  	s3 =	simm.s32 $0x0;
	s31 =	rddreg [dreg:$0x4];
	[tilespmem:v25+s29+$0x0] =	vst.idx.add.s32.msk vm0, v21  }
0x7f: {  	[tilespmem:s3], [sflag:$0x5] =	stream.linear.gather [hbm4b:s31+s3], $0x500, $0x38;
	[tilespmem:$0x1FB80] =	vst v63  }
0x80: {  	_ =	swait.ge [sflag:s28], $0x500  }
0x81: {  	[sflag:s28] =	ssyncset.done $0x0  }
0x82: {  	s8 =	simm.s32 $0x0;
	s3 =	simm.s32 $0x40;
	[sflag:s28] =	ssyncadd.s32 $0xFFFFFB00  }
.LBB2_4:
0x83: {  	p0 =	sne.s32 s3, $0x13C0;
	v25 =	vld [tilespmem:s8+$0x0];
	_ =	sdelay $0x4  }
0x84: {  	v26 =	vshrl.u32 v25, $0x9  }
0x85: {  	v26 =	vand.u32 $0x1F, v26  }
0x86: {  	v25 =	vshra.s32 v25, $0xE;
	vm0 =	veq.s32 v26, v1  }
0x87: {  	v25 =	vadd.s32 v3, v25  }
.Ltmp3:
0x88: {  	(pc) =	sbr.rel @p0 .LBB2_4-.Ltmp3, $2  }
0x89: {  	_ =	sdelay $0x2  }
0x8a: {  	s8 =	sshra.s32 s3, $0x2;
	s3 =	sadd.s32 $0x40, s3;
	[tilespmem:v25+s29+$0x0] =	vst.idx.add.s32.msk vm0, v21  }
0x8b: {  	v25 =	vld [tilespmem:s8+$0x0];
	_ =	sdelay $0x4  }
0x8c: {  	v26 =	vshrl.u32 v25, $0x9  }
0x8d: {  	v26 =	vand.u32 $0x1F, v26  }
0x8e: {  	v25 =	vshra.s32 v25, $0xE;
	vm0 =	veq.s32 v26, v1  }
0x8f: {  	v25 =	vadd.s32 v3, v25;
	_ =	sdelay $0x4  }
0x90: {  	s3 =	simm.s32 $0x0;
	s31 =	rddreg [dreg:$0x5];
	[tilespmem:v25+s29+$0x0] =	vst.idx.add.s32.msk vm0, v21  }
0x91: {  	[tilespmem:s3], [sflag:$0x5] =	stream.linear.gather [hbm4b:s31+s3], $0x500, $0x38;
	[tilespmem:$0x1FB80] =	vst v63  }
0x92: {  	_ =	swait.ge [sflag:s28], $0x500  }
0x93: {  	[sflag:s28] =	ssyncset.done $0x0  }
0x94: {  	s8 =	simm.s32 $0x0;
	s3 =	simm.s32 $0x40;
	[sflag:s28] =	ssyncadd.s32 $0xFFFFFB00  }
.LBB2_6:
0x95: {  	p0 =	sne.s32 s3, $0x13C0;
	v25 =	vld [tilespmem:s8+$0x0];
	_ =	sdelay $0x4  }
0x96: {  	v26 =	vshrl.u32 v25, $0x9  }
0x97: {  	v26 =	vand.u32 $0x1F, v26  }
0x98: {  	v25 =	vshra.s32 v25, $0xE;
	vm0 =	veq.s32 v26, v1  }
0x99: {  	v25 =	vadd.s32 v3, v25  }
.Ltmp4:
0x9a: {  	(pc) =	sbr.rel @p0 .LBB2_6-.Ltmp4, $2  }
0x9b: {  	_ =	sdelay $0x2  }
0x9c: {  	s8 =	sshra.s32 s3, $0x2;
	s3 =	sadd.s32 $0x40, s3;
	[tilespmem:v25+s29+$0x0] =	vst.idx.add.s32.msk vm0, v21  }
0x9d: {  	v25 =	vld [tilespmem:s8+$0x0];
	_ =	sdelay $0x4  }
0x9e: {  	v26 =	vshrl.u32 v25, $0x9  }
0x9f: {  	v26 =	vand.u32 $0x1F, v26  }
0xa0: {  	v25 =	vshra.s32 v25, $0xE;
	vm0 =	veq.s32 v26, v1  }
0xa1: {  	v25 =	vadd.s32 v3, v25;
	_ =	sdelay $0x4  }
0xa2: {  	s3 =	simm.s32 $0x0;
	s31 =	rddreg [dreg:$0x6];
	[tilespmem:v25+s29+$0x0] =	vst.idx.add.s32.msk vm0, v21  }
0xa3: {  	[tilespmem:s3], [sflag:$0x5] =	stream.linear.gather [hbm4b:s31+s3], $0x500, $0x38;
	[tilespmem:$0x1FB80] =	vst v63  }
0xa4: {  	_ =	swait.ge [sflag:s28], $0x500  }
0xa5: {  	[sflag:s28] =	ssyncset.done $0x0  }
0xa6: {  	s8 =	simm.s32 $0x0;
	s3 =	simm.s32 $0x40;
	[sflag:s28] =	ssyncadd.s32 $0xFFFFFB00  }
.LBB2_8:
0xa7: {  	p0 =	sne.s32 s3, $0x13C0;
	v25 =	vld [tilespmem:s8+$0x0];
	_ =	sdelay $0x4  }
0xa8: {  	v26 =	vshrl.u32 v25, $0x9  }
0xa9: {  	v26 =	vand.u32 $0x1F, v26  }
0xaa: {  	v25 =	vshra.s32 v25, $0xE;
	vm0 =	veq.s32 v26, v1  }
0xab: {  	v25 =	vadd.s32 v3, v25  }
.Ltmp5:
0xac: {  	(pc) =	sbr.rel @p0 .LBB2_8-.Ltmp5, $2  }
0xad: {  	_ =	sdelay $0x2  }
0xae: {  	s8 =	sshra.s32 s3, $0x2;
	s3 =	sadd.s32 $0x40, s3;
	[tilespmem:v25+s29+$0x0] =	vst.idx.add.s32.msk vm0, v21  }
0xaf: {  	v25 =	vld [tilespmem:s8+$0x0];
	_ =	sdelay $0x4  }
0xb0: {  	v26 =	vshrl.u32 v25, $0x9  }
0xb1: {  	v26 =	vand.u32 $0x1F, v26  }
0xb2: {  	v25 =	vshra.s32 v25, $0xE;
	vm0 =	veq.s32 v26, v1  }
0xb3: {  	v25 =	vadd.s32 v3, v25;
	_ =	sdelay $0x4  }
0xb4: {  	s3 =	simm.s32 $0x0;
	s31 =	rddreg [dreg:$0x7];
	[tilespmem:v25+s29+$0x0] =	vst.idx.add.s32.msk vm0, v21  }
0xb5: {  	[tilespmem:s3], [sflag:$0x5] =	stream.linear.gather [hbm4b:s31+s3], $0x500, $0x38;
	[tilespmem:$0x1FB80] =	vst v63  }
0xb6: {  	_ =	swait.ge [sflag:s28], $0x500  }
0xb7: {  	[sflag:s28] =	ssyncset.done $0x0  }
0xb8: {  	s8 =	simm.s32 $0x0;
	s3 =	simm.s32 $0x40;
	[sflag:s28] =	ssyncadd.s32 $0xFFFFFB00  }
.LBB2_10:
0xb9: {  	p0 =	sne.s32 s3, $0x13C0;
	v25 =	vld [tilespmem:s8+$0x0];
	_ =	sdelay $0x4  }
0xba: {  	v26 =	vshrl.u32 v25, $0x9  }
0xbb: {  	v26 =	vand.u32 $0x1F, v26  }
0xbc: {  	v25 =	vshra.s32 v25, $0xE;
	vm0 =	veq.s32 v26, v1  }
0xbd: {  	v25 =	vadd.s32 v3, v25  }
.Ltmp6:
0xbe: {  	(pc) =	sbr.rel @p0 .LBB2_10-.Ltmp6, $2  }
0xbf: {  	_ =	sdelay $0x2  }
0xc0: {  	s8 =	sshra.s32 s3, $0x2;
	s3 =	sadd.s32 $0x40, s3;
	[tilespmem:v25+s29+$0x0] =	vst.idx.add.s32.msk vm0, v21  }
0xc1: {  	v25 =	vld [tilespmem:s8+$0x0];
	_ =	sdelay $0x4  }
0xc2: {  	v26 =	vshrl.u32 v25, $0x9  }
0xc3: {  	v26 =	vand.u32 $0x1F, v26  }
0xc4: {  	v25 =	vshra.s32 v25, $0xE;
	vm0 =	veq.s32 v26, v1  }
0xc5: {  	v25 =	vadd.s32 v3, v25;
	_ =	sdelay $0x4  }
0xc6: {  	s3 =	simm.s32 $0x0;
	[tilespmem:v25+s29+$0x0] =	vst.idx.add.s32.msk vm0, v21  }
0xc7: {  	[tilespmem:s3], [sflag:$0x5] =	stream.linear.gather [hbm4b:s12+s3], $0x500, $0x38;
	[tilespmem:$0x1FB80] =	vst v63  }
0xc8: {  	_ =	swait.ge [sflag:s28], $0x500  }
0xc9: {  	[sflag:s28] =	ssyncset.done $0x0  }
0xca: {  	s8 =	simm.s32 $0x0;
	s3 =	simm.s32 $0x40;
	[sflag:s28] =	ssyncadd.s32 $0xFFFFFB00  }
.LBB2_12:
0xcb: {  	p0 =	sne.s32 s3, $0x13C0;
	v25 =	vld [tilespmem:s8+$0x0];
	_ =	sdelay $0x4  }
0xcc: {  	v26 =	vshrl.u32 v25, $0x9  }
0xcd: {  	v26 =	vand.u32 $0x1F, v26  }
0xce: {  	v25 =	vshra.s32 v25, $0xE;
	vm0 =	veq.s32 v26, v1  }
0xcf: {  	v25 =	vadd.s32 v3, v25  }
.Ltmp7:
0xd0: {  	(pc) =	sbr.rel @p0 .LBB2_12-.Ltmp7, $2  }
0xd1: {  	_ =	sdelay $0x2  }
0xd2: {  	s8 =	sshra.s32 s3, $0x2;
	s3 =	sadd.s32 $0x40, s3;
	[tilespmem:v25+s29+$0x0] =	vst.idx.add.s32.msk vm0, v21  }
0xd3: {  	v25 =	vld [tilespmem:s8+$0x0];
	_ =	sdelay $0x4  }
0xd4: {  	v26 =	vshrl.u32 v25, $0x9  }
0xd5: {  	v26 =	vand.u32 $0x1F, v26  }
0xd6: {  	v25 =	vshra.s32 v25, $0xE;
	vm0 =	veq.s32 v26, v1  }
0xd7: {  	v25 =	vadd.s32 v3, v25;
	_ =	sdelay $0x4  }
0xd8: {  	s3 =	simm.s32 $0x0;
	[tilespmem:v25+s29+$0x0] =	vst.idx.add.s32.msk vm0, v21  }
0xd9: {  	[tilespmem:s3], [sflag:$0x5] =	stream.linear.gather [hbm4b:s13+s3], $0x500, $0x38;
	[tilespmem:$0x1FB80] =	vst v63  }
0xda: {  	_ =	swait.ge [sflag:s28], $0x500  }
0xdb: {  	[sflag:s28] =	ssyncset.done $0x0  }
0xdc: {  	s8 =	simm.s32 $0x0;
	s3 =	simm.s32 $0x40;
	[sflag:s28] =	ssyncadd.s32 $0xFFFFFB00  }
.LBB2_14:
0xdd: {  	p0 =	sne.s32 s3, $0x13C0;
	v25 =	vld [tilespmem:s8+$0x0];
	_ =	sdelay $0x4  }
0xde: {  	v26 =	vshrl.u32 v25, $0x9  }
0xdf: {  	v26 =	vand.u32 $0x1F, v26  }
0xe0: {  	v25 =	vshra.s32 v25, $0xE;
	vm0 =	veq.s32 v26, v1  }
0xe1: {  	v25 =	vadd.s32 v3, v25  }
.Ltmp8:
0xe2: {  	(pc) =	sbr.rel @p0 .LBB2_14-.Ltmp8, $2  }
0xe3: {  	_ =	sdelay $0x2  }
0xe4: {  	s8 =	sshra.s32 s3, $0x2;
	s3 =	sadd.s32 $0x40, s3;
	[tilespmem:v25+s29+$0x0] =	vst.idx.add.s32.msk vm0, v21  }
0xe5: {  	v25 =	vld [tilespmem:s8+$0x0];
	_ =	sdelay $0x4  }
0xe6: {  	v26 =	vshrl.u32 v25, $0x9  }
0xe7: {  	v26 =	vand.u32 $0x1F, v26  }
0xe8: {  	v25 =	vshra.s32 v25, $0xE;
	vm0 =	veq.s32 v26, v1  }
0xe9: {  	v25 =	vadd.s32 v3, v25;
	_ =	sdelay $0x4  }
0xea: {  	s3 =	simm.s32 $0x0;
	[tilespmem:v25+s29+$0x0] =	vst.idx.add.s32.msk vm0, v21  }
0xeb: {  	[tilespmem:s3], [sflag:$0x5] =	stream.linear.gather [hbm4b:s14+s3], $0x500, $0x38;
	[tilespmem:$0x1FB80] =	vst v63  }
0xec: {  	_ =	swait.ge [sflag:s28], $0x500  }
0xed: {  	[sflag:s28] =	ssyncset.done $0x0  }
0xee: {  	s8 =	simm.s32 $0x0;
	s3 =	simm.s32 $0x40;
	[sflag:s28] =	ssyncadd.s32 $0xFFFFFB00  }
.LBB2_16:
0xef: {  	p0 =	sne.s32 s3, $0x13C0;
	v25 =	vld [tilespmem:s8+$0x0];
	_ =	sdelay $0x4  }
0xf0: {  	v26 =	vshrl.u32 v25, $0x9  }
0xf1: {  	v26 =	vand.u32 $0x1F, v26  }
0xf2: {  	v25 =	vshra.s32 v25, $0xE;
	vm0 =	veq.s32 v26, v1  }
0xf3: {  	v25 =	vadd.s32 v3, v25  }
.Ltmp9:
0xf4: {  	(pc) =	sbr.rel @p0 .LBB2_16-.Ltmp9, $2  }
0xf5: {  	_ =	sdelay $0x2  }
0xf6: {  	s8 =	sshra.s32 s3, $0x2;
	s3 =	sadd.s32 $0x40, s3;
	[tilespmem:v25+s29+$0x0] =	vst.idx.add.s32.msk vm0, v21  }
0xf7: {  	v25 =	vld [tilespmem:s8+$0x0];
	_ =	sdelay $0x4  }
0xf8: {  	v26 =	vshrl.u32 v25, $0x9  }
0xf9: {  	v26 =	vand.u32 $0x1F, v26  }
0xfa: {  	v25 =	vshra.s32 v25, $0xE;
	vm0 =	veq.s32 v26, v1  }
0xfb: {  	v25 =	vadd.s32 v3, v25;
	_ =	sdelay $0x4  }
0xfc: {  	s3 =	simm.s32 $0x0;
	[tilespmem:v25+s29+$0x0] =	vst.idx.add.s32.msk vm0, v21  }
0xfd: {  	[tilespmem:s3], [sflag:$0x5] =	stream.linear.gather [hbm4b:s15+s3], $0x500, $0x38;
	[tilespmem:$0x1FB80] =	vst v63  }
0xfe: {  	_ =	swait.ge [sflag:s28], $0x500  }
0xff: {  	[sflag:s28] =	ssyncset.done $0x0  }
0x100: {  	s8 =	simm.s32 $0x0;
	s3 =	simm.s32 $0x40;
	[sflag:s28] =	ssyncadd.s32 $0xFFFFFB00  }
.LBB2_18:
0x101: {  	p0 =	sne.s32 s3, $0x13C0;
	v25 =	vld [tilespmem:s8+$0x0];
	_ =	sdelay $0x4  }
0x102: {  	v26 =	vshrl.u32 v25, $0x9  }
0x103: {  	v26 =	vand.u32 $0x1F, v26  }
0x104: {  	v25 =	vshra.s32 v25, $0xE;
	vm0 =	veq.s32 v26, v1  }
0x105: {  	v25 =	vadd.s32 v3, v25  }
.Ltmp10:
0x106: {  	(pc) =	sbr.rel @p0 .LBB2_18-.Ltmp10, $2  }
0x107: {  	_ =	sdelay $0x2  }
0x108: {  	s8 =	sshra.s32 s3, $0x2;
	s3 =	sadd.s32 $0x40, s3;
	[tilespmem:v25+s29+$0x0] =	vst.idx.add.s32.msk vm0, v21  }
0x109: {  	v25 =	vld [tilespmem:s8+$0x0];
	_ =	sdelay $0x4  }
0x10a: {  	v26 =	vshrl.u32 v25, $0x9  }
0x10b: {  	v26 =	vand.u32 $0x1F, v26  }
0x10c: {  	v25 =	vshra.s32 v25, $0xE;
	vm0 =	veq.s32 v26, v1  }
0x10d: {  	v25 =	vadd.s32 v3, v25;
	_ =	sdelay $0x4  }
0x10e: {  	s3 =	simm.s32 $0x0;
	[tilespmem:v25+s29+$0x0] =	vst.idx.add.s32.msk vm0, v21  }
0x10f: {  	[tilespmem:s3], [sflag:$0x5] =	stream.linear.gather [hbm4b:s16+s3], $0x500, $0x38;
	[tilespmem:$0x1FB80] =	vst v63  }
0x110: {  	_ =	swait.ge [sflag:s28], $0x500  }
0x111: {  	[sflag:s28] =	ssyncset.done $0x0  }
0x112: {  	s8 =	simm.s32 $0x0;
	s3 =	simm.s32 $0x40;
	[sflag:s28] =	ssyncadd.s32 $0xFFFFFB00  }
.LBB2_20:
0x113: {  	p0 =	sne.s32 s3, $0x13C0;
	v25 =	vld [tilespmem:s8+$0x0];
	_ =	sdelay $0x4  }
0x114: {  	v26 =	vshrl.u32 v25, $0x9  }
0x115: {  	v26 =	vand.u32 $0x1F, v26  }
0x116: {  	v25 =	vshra.s32 v25, $0xE;
	vm0 =	veq.s32 v26, v1  }
0x117: {  	v25 =	vadd.s32 v3, v25  }
.Ltmp11:
0x118: {  	(pc) =	sbr.rel @p0 .LBB2_20-.Ltmp11, $2  }
0x119: {  	_ =	sdelay $0x2  }
0x11a: {  	s8 =	sshra.s32 s3, $0x2;
	s3 =	sadd.s32 $0x40, s3;
	[tilespmem:v25+s29+$0x0] =	vst.idx.add.s32.msk vm0, v21  }
0x11b: {  	v25 =	vld [tilespmem:s8+$0x0];
	_ =	sdelay $0x4  }
0x11c: {  	v26 =	vshrl.u32 v25, $0x9  }
0x11d: {  	v26 =	vand.u32 $0x1F, v26  }
0x11e: {  	v25 =	vshra.s32 v25, $0xE;
	vm0 =	veq.s32 v26, v1  }
0x11f: {  	v25 =	vadd.s32 v3, v25;
	_ =	sdelay $0x4  }
0x120: {  	s3 =	simm.s32 $0x0;
	[tilespmem:v25+s29+$0x0] =	vst.idx.add.s32.msk vm0, v21  }
0x121: {  	[tilespmem:s3], [sflag:$0x5] =	stream.linear.gather [hbm4b:s17+s3], $0x500, $0x38;
	[tilespmem:$0x1FB80] =	vst v63  }
0x122: {  	_ =	swait.ge [sflag:s28], $0x500  }
0x123: {  	[sflag:s28] =	ssyncset.done $0x0  }
0x124: {  	s8 =	simm.s32 $0x0;
	s3 =	simm.s32 $0x40;
	[sflag:s28] =	ssyncadd.s32 $0xFFFFFB00  }
.LBB2_22:
0x125: {  	p0 =	sne.s32 s3, $0x13C0;
	v25 =	vld [tilespmem:s8+$0x0];
	_ =	sdelay $0x4  }
0x126: {  	v26 =	vshrl.u32 v25, $0x9  }
0x127: {  	v26 =	vand.u32 $0x1F, v26  }
0x128: {  	v25 =	vshra.s32 v25, $0xE;
	vm0 =	veq.s32 v26, v1  }
0x129: {  	v25 =	vadd.s32 v3, v25  }
.Ltmp12:
0x12a: {  	(pc) =	sbr.rel @p0 .LBB2_22-.Ltmp12, $2  }
0x12b: {  	_ =	sdelay $0x2  }
0x12c: {  	s8 =	sshra.s32 s3, $0x2;
	s3 =	sadd.s32 $0x40, s3;
	[tilespmem:v25+s29+$0x0] =	vst.idx.add.s32.msk vm0, v21  }
0x12d: {  	v25 =	vld [tilespmem:s8+$0x0];
	_ =	sdelay $0x4  }
0x12e: {  	v26 =	vshrl.u32 v25, $0x9  }
0x12f: {  	v26 =	vand.u32 $0x1F, v26  }
0x130: {  	v25 =	vshra.s32 v25, $0xE;
	vm0 =	veq.s32 v26, v1  }
0x131: {  	v25 =	vadd.s32 v3, v25;
	_ =	sdelay $0x4  }
0x132: {  	s3 =	simm.s32 $0x0;
	[tilespmem:v25+s29+$0x0] =	vst.idx.add.s32.msk vm0, v21  }
0x133: {  	[tilespmem:s3], [sflag:$0x5] =	stream.linear.gather [hbm4b:s18+s3], $0x500, $0x38;
	[tilespmem:$0x1FB80] =	vst v63  }
0x134: {  	_ =	swait.ge [sflag:s28], $0x500  }
0x135: {  	[sflag:s28] =	ssyncset.done $0x0  }
0x136: {  	s8 =	simm.s32 $0x0;
	s3 =	simm.s32 $0x40;
	[sflag:s28] =	ssyncadd.s32 $0xFFFFFB00  }
.LBB2_24:
0x137: {  	p0 =	sne.s32 s3, $0x13C0;
	v25 =	vld [tilespmem:s8+$0x0];
	_ =	sdelay $0x4  }
0x138: {  	v26 =	vshrl.u32 v25, $0x9  }
0x139: {  	v26 =	vand.u32 $0x1F, v26  }
0x13a: {  	v25 =	vshra.s32 v25, $0xE;
	vm0 =	veq.s32 v26, v1  }
0x13b: {  	v25 =	vadd.s32 v3, v25  }
.Ltmp13:
0x13c: {  	(pc) =	sbr.rel @p0 .LBB2_24-.Ltmp13, $2  }
0x13d: {  	_ =	sdelay $0x2  }
0x13e: {  	s8 =	sshra.s32 s3, $0x2;
	s3 =	sadd.s32 $0x40, s3;
	[tilespmem:v25+s29+$0x0] =	vst.idx.add.s32.msk vm0, v21  }
0x13f: {  	v25 =	vld [tilespmem:s8+$0x0];
	_ =	sdelay $0x4  }
0x140: {  	v26 =	vshrl.u32 v25, $0x9  }
0x141: {  	v26 =	vand.u32 $0x1F, v26  }
0x142: {  	v25 =	vshra.s32 v25, $0xE;
	vm0 =	veq.s32 v26, v1  }
0x143: {  	v25 =	vadd.s32 v3, v25;
	_ =	sdelay $0x4  }
0x144: {  	s3 =	simm.s32 $0x0;
	[tilespmem:v25+s29+$0x0] =	vst.idx.add.s32.msk vm0, v21  }
0x145: {  	[tilespmem:s3], [sflag:$0x5] =	stream.linear.gather [hbm4b:s19+s3], $0x500, $0x38;
	[tilespmem:$0x1FB80] =	vst v63  }
0x146: {  	_ =	swait.ge [sflag:s28], $0x500  }
0x147: {  	[sflag:s28] =	ssyncset.done $0x0  }
0x148: {  	s8 =	simm.s32 $0x0;
	s3 =	simm.s32 $0x40;
	[sflag:s28] =	ssyncadd.s32 $0xFFFFFB00  }
.LBB2_26:
0x149: {  	p0 =	sne.s32 s3, $0x13C0;
	v25 =	vld [tilespmem:s8+$0x0];
	_ =	sdelay $0x4  }
0x14a: {  	v26 =	vshrl.u32 v25, $0x9  }
0x14b: {  	v26 =	vand.u32 $0x1F, v26  }
0x14c: {  	v25 =	vshra.s32 v25, $0xE;
	vm0 =	veq.s32 v26, v1  }
0x14d: {  	v25 =	vadd.s32 v3, v25  }
.Ltmp14:
0x14e: {  	(pc) =	sbr.rel @p0 .LBB2_26-.Ltmp14, $2  }
0x14f: {  	_ =	sdelay $0x2  }
0x150: {  	s8 =	sshra.s32 s3, $0x2;
	s3 =	sadd.s32 $0x40, s3;
	[tilespmem:v25+s29+$0x0] =	vst.idx.add.s32.msk vm0, v21  }
0x151: {  	v25 =	vld [tilespmem:s8+$0x0];
	_ =	sdelay $0x4  }
0x152: {  	v26 =	vshrl.u32 v25, $0x9  }
0x153: {  	v26 =	vand.u32 $0x1F, v26  }
0x154: {  	v25 =	vshra.s32 v25, $0xE;
	vm0 =	veq.s32 v26, v1  }
0x155: {  	v25 =	vadd.s32 v3, v25;
	_ =	sdelay $0x4  }
0x156: {  	s3 =	simm.s32 $0x0;
	[tilespmem:v25+s29+$0x0] =	vst.idx.add.s32.msk vm0, v21  }
0x157: {  	[tilespmem:s3], [sflag:$0x5] =	stream.linear.gather [hbm4b:s20+s3], $0x500, $0x38;
	[tilespmem:$0x1FB80] =	vst v63  }
0x158: {  	_ =	swait.ge [sflag:s28], $0x500  }
0x159: {  	[sflag:s28] =	ssyncset.done $0x0  }
0x15a: {  	s8 =	simm.s32 $0x0;
	s3 =	simm.s32 $0x40;
	[sflag:s28] =	ssyncadd.s32 $0xFFFFFB00  }
.LBB2_28:
0x15b: {  	p0 =	sne.s32 s3, $0x13C0;
	v25 =	vld [tilespmem:s8+$0x0];
	_ =	sdelay $0x4  }
0x15c: {  	v26 =	vshrl.u32 v25, $0x9  }
0x15d: {  	v26 =	vand.u32 $0x1F, v26  }
0x15e: {  	v25 =	vshra.s32 v25, $0xE;
	vm0 =	veq.s32 v26, v1  }
0x15f: {  	v25 =	vadd.s32 v3, v25  }
.Ltmp15:
0x160: {  	(pc) =	sbr.rel @p0 .LBB2_28-.Ltmp15, $2  }
0x161: {  	_ =	sdelay $0x2  }
0x162: {  	s8 =	sshra.s32 s3, $0x2;
	s3 =	sadd.s32 $0x40, s3;
	[tilespmem:v25+s29+$0x0] =	vst.idx.add.s32.msk vm0, v21  }
0x163: {  	v25 =	vld [tilespmem:s8+$0x0];
	_ =	sdelay $0x4  }
0x164: {  	v26 =	vshrl.u32 v25, $0x9  }
0x165: {  	v26 =	vand.u32 $0x1F, v26  }
0x166: {  	v25 =	vshra.s32 v25, $0xE;
	vm0 =	veq.s32 v26, v1  }
0x167: {  	v25 =	vadd.s32 v3, v25;
	_ =	sdelay $0x4  }
0x168: {  	s3 =	simm.s32 $0x0;
	[tilespmem:v25+s29+$0x0] =	vst.idx.add.s32.msk vm0, v21  }
0x169: {  	[tilespmem:s3], [sflag:$0x5] =	stream.linear.gather [hbm4b:s21+s3], $0x500, $0x38;
	[tilespmem:$0x1FB80] =	vst v63  }
0x16a: {  	_ =	swait.ge [sflag:s28], $0x500  }
0x16b: {  	[sflag:s28] =	ssyncset.done $0x0  }
0x16c: {  	s8 =	simm.s32 $0x0;
	s3 =	simm.s32 $0x40;
	[sflag:s28] =	ssyncadd.s32 $0xFFFFFB00  }
.LBB2_30:
0x16d: {  	p0 =	sne.s32 s3, $0x13C0;
	v25 =	vld [tilespmem:s8+$0x0];
	_ =	sdelay $0x4  }
0x16e: {  	v26 =	vshrl.u32 v25, $0x9  }
0x16f: {  	v26 =	vand.u32 $0x1F, v26  }
0x170: {  	v25 =	vshra.s32 v25, $0xE;
	vm0 =	veq.s32 v26, v1  }
0x171: {  	v25 =	vadd.s32 v3, v25  }
.Ltmp16:
0x172: {  	(pc) =	sbr.rel @p0 .LBB2_30-.Ltmp16, $2  }
0x173: {  	_ =	sdelay $0x2  }
0x174: {  	s8 =	sshra.s32 s3, $0x2;
	s3 =	sadd.s32 $0x40, s3;
	[tilespmem:v25+s29+$0x0] =	vst.idx.add.s32.msk vm0, v21  }
0x175: {  	v25 =	vld [tilespmem:s8+$0x0];
	_ =	sdelay $0x4  }
0x176: {  	v26 =	vshrl.u32 v25, $0x9  }
0x177: {  	v26 =	vand.u32 $0x1F, v26  }
0x178: {  	v25 =	vshra.s32 v25, $0xE;
	vm0 =	veq.s32 v26, v1  }
0x179: {  	v25 =	vadd.s32 v3, v25;
	_ =	sdelay $0x4  }
0x17a: {  	s3 =	simm.s32 $0x0;
	[tilespmem:v25+s29+$0x0] =	vst.idx.add.s32.msk vm0, v21  }
0x17b: {  	[tilespmem:s3], [sflag:$0x5] =	stream.linear.gather [hbm4b:s22+s3], $0x500, $0x38;
	[tilespmem:$0x1FB80] =	vst v63  }
0x17c: {  	_ =	swait.ge [sflag:s28], $0x500  }
0x17d: {  	[sflag:s28] =	ssyncset.done $0x0  }
0x17e: {  	s8 =	simm.s32 $0x0;
	s3 =	simm.s32 $0x40;
	[sflag:s28] =	ssyncadd.s32 $0xFFFFFB00  }
.LBB2_32:
0x17f: {  	p0 =	sne.s32 s3, $0x13C0;
	v25 =	vld [tilespmem:s8+$0x0];
	_ =	sdelay $0x4  }
0x180: {  	v26 =	vshrl.u32 v25, $0x9  }
0x181: {  	v26 =	vand.u32 $0x1F, v26  }
0x182: {  	v25 =	vshra.s32 v25, $0xE;
	vm0 =	veq.s32 v26, v1  }
0x183: {  	v25 =	vadd.s32 v3, v25  }
.Ltmp17:
0x184: {  	(pc) =	sbr.rel @p0 .LBB2_32-.Ltmp17, $2  }
0x185: {  	_ =	sdelay $0x2  }
0x186: {  	s8 =	sshra.s32 s3, $0x2;
	s3 =	sadd.s32 $0x40, s3;
	[tilespmem:v25+s29+$0x0] =	vst.idx.add.s32.msk vm0, v21  }
0x187: {  	v25 =	vld [tilespmem:s8+$0x0];
	_ =	sdelay $0x4  }
0x188: {  	v26 =	vshrl.u32 v25, $0x9  }
0x189: {  	v26 =	vand.u32 $0x1F, v26  }
0x18a: {  	v25 =	vshra.s32 v25, $0xE;
	vm0 =	veq.s32 v26, v1  }
0x18b: {  	v25 =	vadd.s32 v3, v25;
	_ =	sdelay $0x4  }
0x18c: {  	[tilespmem:v25+s29+$0x0] =	vst.idx.add.s32.msk vm0, v21  }
0x18d: {  	v25 =	vld [tilespmem:$0x5580]  }
0x18e: {  	v26 =	vld [tilespmem:$0x55C0]  }
0x18f: {  	v27 =	vld [tilespmem:$0x5600]  }
0x190: {  	v28 =	vld [tilespmem:$0x5640]  }
0x191: {  	v29 =	vld [tilespmem:$0x5680]  }
0x192: {  	v30 =	vld [tilespmem:$0x56C0]  }
0x193: {  	v31 =	vld [tilespmem:$0x5700]  }
0x194: {  	v32 =	vld [tilespmem:$0x5740]  }
0x195: {  	v33 =	vld [tilespmem:$0x5780]  }
0x196: {  	v34 =	vld [tilespmem:$0x57C0]  }
0x197: {  	v35 =	vld [tilespmem:$0x5800]  }
0x198: {  	v36 =	vld [tilespmem:$0x5840]  }
0x199: {  	v37 =	vld [tilespmem:$0x5880]  }
0x19a: {  	v38 =	vld [tilespmem:$0x58C0]  }
0x19b: {  	v39 =	vld [tilespmem:$0x5900]  }
0x19c: {  	v40 =	vld [tilespmem:$0x5940]  }
0x19d: {  	v41 =	vld [tilespmem:$0x5590]  }
0x19e: {  	v42 =	vld [tilespmem:$0x55D0]  }
0x19f: {  	v43 =	vld [tilespmem:$0x5610]  }
0x1a0: {  	v44 =	vld [tilespmem:$0x5650]  }
0x1a1: {  	v45 =	vld [tilespmem:$0x5690]  }
0x1a2: {  	v46 =	vld [tilespmem:$0x56D0]  }
0x1a3: {  	v47 =	vld [tilespmem:$0x5710]  }
0x1a4: {  	v48 =	vld [tilespmem:$0x5750]  }
0x1a5: {  	v49 =	vld [tilespmem:$0x5790]  }
0x1a6: {  	v50 =	vld [tilespmem:$0x57D0]  }
0x1a7: {  	v51 =	vld [tilespmem:$0x5810]  }
0x1a8: {  	v52 =	vld [tilespmem:$0x5850]  }
0x1a9: {  	v53 =	vld [tilespmem:$0x5890]  }
0x1aa: {  	v54 =	vld [tilespmem:$0x58D0]  }
0x1ab: {  	v55 =	vld [tilespmem:$0x5910]  }
0x1ac: {  	v56 =	vld [tilespmem:$0x5950]  }
0x1ad: {  	v57 =	vld [tilespmem:$0x55A0]  }
0x1ae: {  	v58 =	vld [tilespmem:$0x55E0]  }
0x1af: {  	v59 =	vld [tilespmem:$0x5620]  }
0x1b0: {  	v60 =	vld [tilespmem:$0x5660]  }
0x1b1: {  	v61 =	vld [tilespmem:$0x56A0]  }
0x1b2: {  	v62 =	vld [tilespmem:$0x56E0]  }
0x1b3: {  	v63 =	vld [tilespmem:$0x5720];
	v25 =	vadd.s32 v25, v26  }
0x1b4: {  	v26 =	vld [tilespmem:$0x5760];
	v25 =	vadd.s32 v27, v25  }
0x1b5: {  	v58 =	vadd.s32 v57, v58;
	v57 =	vld [tilespmem:$0x5830];
	v25 =	vadd.s32 v28, v25  }
0x1b6: {  	v27 =	vld [tilespmem:$0x57A0];
	v25 =	vadd.s32 v29, v25  }
0x1b7: {  	v28 =	vld [tilespmem:$0x57E0];
	v25 =	vadd.s32 v30, v25  }
0x1b8: {  	v29 =	vld [tilespmem:$0x5820];
	v25 =	vadd.s32 v31, v25  }
0x1b9: {  	v30 =	vld [tilespmem:$0x5860];
	v25 =	vadd.s32 v32, v25  }
0x1ba: {  	v31 =	vld [tilespmem:$0x58A0];
	v25 =	vadd.s32 v33, v25  }
0x1bb: {  	v32 =	vld [tilespmem:$0x58E0];
	v25 =	vadd.s32 v34, v25  }
0x1bc: {  	v25 =	vadd.s32 v35, v25;
	v35 =	vadd.s32 v41, v42;
	v41 =	vld [tilespmem:$0x55B0]  }
0x1bd: {  	v25 =	vadd.s32 v36, v25;
	v35 =	vadd.s32 v43, v35;
	v36 =	vld [tilespmem:$0x55F0]  }
0x1be: {  	v25 =	vadd.s32 v37, v25;
	v35 =	vadd.s32 v44, v35;
	v37 =	vld [tilespmem:$0x5630]  }
0x1bf: {  	v25 =	vadd.s32 v38, v25;
	v35 =	vadd.s32 v45, v35;
	v45 =	vld [tilespmem:$0x5670]  }
0x1c0: {  	v38 =	vadd.s32 v59, v58;
	v25 =	vadd.s32 v39, v25;
	v35 =	vadd.s32 v46, v35;
	v46 =	vld [tilespmem:$0x56B0]  }
0x1c1: {  	v38 =	vadd.s32 v60, v38;
	v25 =	vadd.s32 v40, v25;
	v35 =	vadd.s32 v47, v35;
	v47 =	vld [tilespmem:$0x56F0]  }
0x1c2: {  	v38 =	vadd.s32 v61, v38;
	v35 =	vadd.s32 v48, v35;
	v36 =	vadd.s32 v41, v36;
	v48 =	vld [tilespmem:$0x5730]  }
0x1c3: {  	v38 =	vadd.s32 v62, v38;
	v35 =	vadd.s32 v49, v35;
	v36 =	vadd.s32 v37, v36;
	v49 =	vld [tilespmem:$0x5770]  }
0x1c4: {  	v38 =	vadd.s32 v63, v38;
	v35 =	vadd.s32 v50, v35;
	v36 =	vadd.s32 v45, v36;
	v50 =	vld [tilespmem:$0x57B0]  }
0x1c5: {  	v26 =	vadd.s32 v26, v38;
	v35 =	vadd.s32 v51, v35;
	v36 =	vadd.s32 v46, v36;
	v51 =	vld [tilespmem:$0x57F0]  }
0x1c6: {  	v33 =	vld [tilespmem:$0x5920];
	v26 =	vadd.s32 v27, v26;
	v35 =	vadd.s32 v52, v35;
	v27 =	vadd.s32 v47, v36  }
0x1c7: {  	v58 =	vld [tilespmem:$0x5870];
	v26 =	vadd.s32 v28, v26;
	v35 =	vadd.s32 v53, v35;
	v27 =	vadd.s32 v48, v27  }
0x1c8: {  	v59 =	vld [tilespmem:$0x58B0];
	v26 =	vadd.s32 v29, v26;
	v35 =	vadd.s32 v54, v35;
	v27 =	vadd.s32 v49, v27  }
0x1c9: {  	v34 =	vld [tilespmem:$0x5960];
	(xrf0) =	vadd.scan.msk.s32 $0xffff, v25;
	v26 =	vadd.s32 v30, v26;
	v25 =	vadd.s32 v55, v35;
	v27 =	vadd.s32 v50, v27  }
0x1ca: {  	v60 =	vld [tilespmem:$0x58F0];
	v26 =	vadd.s32 v31, v26;
	v25 =	vadd.s32 v56, v25;
	v27 =	vadd.s32 v51, v27  }
0x1cb: {  	v61 =	vld [tilespmem:$0x5930];
	(xrf0) =	vadd.scan.msk.s32 $0xffff, v25;
	v25 =	vadd.s32 v32, v26;
	v26 =	vadd.s32 v57, v27  }
0x1cc: {  	v27 =	vld [tilespmem:$0x5970];
	v26 =	vadd.s32 v58, v26  }
0x1cd: {  	v25 =	vadd.s32 v33, v25;
	v26 =	vadd.s32 v59, v26  }
0x1ce: {  	v25 =	vadd.s32 v34, v25  }
0x1cf: {  	(xrf0) =	vadd.scan.msk.s32 $0xffff, v25;
	v25 =	vadd.s32 v60, v26  }
0x1d0: {  	v25 =	vadd.s32 v61, v25;
	v26, _, _ =	vpop (xrf0)  }
0x1d1: {  	v25 =	vadd.s32 v27, v25;
	v62 =	vbroadcast v26, $0xF  }
0x1d2: {  	v27, _, _ =	vpop (xrf0);
	(xrf0) =	vadd.scan.msk.s32 $0xffff, v25  }
0x1d3: {  	v25 =	vadd.s32 v62, v27  }
0x1d4: {  	v27 =	vbroadcast v25, $0xF  }
0x1d5: {  	v63, _, _ =	vpop (xrf0)  }
0x1d6: {  	[tilespmem:$0x59C0] =	vst v2;
	v27 =	vadd.s32 v27, v63  }
0x1d7: {  	[tilespmem:$0x5980] =	vst v26;
	v26 =	vbroadcast v27, $0xF  }
0x1d8: {  	[tilespmem:$0x5990] =	vst v25;
	v25, _, _ =	vpop (xrf0)  }
0x1d9: {  	[tilespmem:$0x59A0] =	vst v27;
	v25 =	vadd.s32 v26, v25  }
0x1da: {  	s3 =	simm.s32 $0x0;
	[tilespmem:$0x59B0] =	vst v25  }
0x1db: {  	v25 =	vld [tilespmem:s3+$0x5980]  }
0x1dc: {  	s23 =	simm.s32 $0x1  }
0x1dd: {  	v26 =	vld [tilespmem:s23+$0x5980];
	_ =	sdelay $0x2  }
0x1de: {  	(v2sf) =	vpush v25, $0x0;
	_ =	sdelay $0x1  }
0x1df: {  	(v2sf) =	vpush v26, $0x0;
	_ =	sdelay $0x3  }
0x1e0: {  	s24 =	simm.s32 $0x2  }
0x1e1: {  	v25 =	vld [tilespmem:s24+$0x5980];
	_ =	sdelay $0x2  }
0x1e2: {  	s31 =	simm.s32 $0x0  }
0x1e3: {  	s8 =	simm.s32 $0xC;
	[smem:$0x0] =	sst s31  }
.LBB2_34:
0x1e4: {  	s25 =	sshra.s32 s8, $0x2;
	p0 =	sne.s32 s8, $0xF8;
	s8 =	sadd.s32 $0x4, s8;
	(v2sf) =	vpush v25, $0x0  }
.Ltmp18:
0x1e5: {  	v25 =	vld [tilespmem:s25+$0x5980];
	(pc) =	sbr.rel @p0 .LBB2_34-.Ltmp18, $4  }
0x1e6: {  	_ = 	snop  }
0x1e7: {  	s31 =	spop (v2sf)  }
0x1e8: {  	[smem:s3+$0x1] =	sst s31;
	s3 =	smov.u32 s23;
	s23 =	smov.u32 s24  }
0x1e9: {  	s24 =	smov.u32 s25  }
0x1ea: {  	(v2sf) =	vpush v25, $0x0;
	_ =	sdelay $0x9  }
0x1eb: {  	s8 =	spop (v2sf);
	s31 =	rddreg [dreg:$0x1]  }
0x1ec: {  	[smem:s3+$0x1] =	sst s8;
	s3 =	simm.s32 $0x0  }
0x1ed: {  	[tilespmem:s3], [sflag:$0x5] =	stream.linear.gather [hbm4b:s31+s3], $0x500, $0x38;
	[tilespmem:$0x1FB80] =	vst v63  }
0x1ee: {  	s11 =	spop (v2sf)  }
0x1ef: {  	[smem:s23+$0x1] =	sst s11  }
.Ltmp19:
0x1f0: {  	s25 =	spop (v2sf);
	(pc) =	sbr.rel .LBB2_36-.Ltmp19, $4  }
0x1f1: {  	[smem:s24+$0x1] =	sst s25  }
0x1f2: {  	_ =	swait.ge [sflag:s28], $0x500  }
0x1f3: {  	[sflag:s28] =	ssyncset.done $0x0  }
0x1f4: {  	[sflag:s28] =	ssyncadd.s32 $0xFFFFFB00  }
.LBB2_39:
0x1f5: {  	_ =	sdelay $0x3  }
0x1f6: {  	[tilespmem:v26+s30+$0x0] =	vst.idx.msk $0x1, v25  }
.LBB2_40:
0x1f7: {  	s3 =	sadd.s32 $0x1, s3  }
0x1f8: {  	p0 =	sne.s32 s3, $0x50  }
.Ltmp20:
0x1f9: {  	_ = 	snop;
	(pc) =	sbr.rel @!p0 .LBB2_41-.Ltmp20, $1  }
0x1fa: {  	_ =	sdelay $0x3  }
.LBB2_36:
0x1fb: {  	s8 =	sshll.u32 s3, $0x4  }
0x1fc: {  	v25 =	vld [tilespmem:s8+$0x0];
	_ =	sdelay $0x4  }
0x1fd: {  	v26 =	vshrl.u32 v25, $0x9  }
0x1fe: {  	v26 =	vand.u32 $0x1F, v26  }
0x1ff: {  	vm0 =	veq.s32 v26, v1  }
0x200: {  	v26 =	vmpcnt.ones.xlane vm0;
	_ =	sdelay $0x1  }
0x201: {  	(v2sf) =	vpush v26, $0x0;
	_ =	sdelay $0xe  }
0x202: {  	v26 =	vmov s8;
	s8 =	spop (v2sf)  }
0x203: {  	p0 =	slt.s32 s8, $0x1  }
.Ltmp21:
0x204: {  	_ = 	snop;
	(pc) =	sbr.rel @p0 .LBB2_40-.Ltmp21, $4  }
0x205: {  	v26 =	vshll.u32 v26, $0x9  }
0x206: {  	s23 =	simm.s32 $0x1FA80;
	v27 =	vand.u32 $0x1FF, v25;
	v26 =	vor.u32 v0, v26  }
0x207: {  	s24 =	simm.s32 $0x1FB00;
	[tilespmem:s23+$0x0] =	vst.msk vm0, v25;
	v26 =	vor.u32 v26, v27  }
0x208: {  	[tilespmem:s24+$0x0] =	vst.msk vm0, v26  }
0x209: {  	v25 =	vld [tilespmem:s23+$0x0];
	_ =	sdelay $0x4  }
0x20a: {  	(v2sf) =	vpush v25, $0x0;
	_ =	sdelay $0xe  }
0x20b: {  	s25 =	spop (v2sf)  }
0x20c: {  	s31 =	sshra.s32 s25, $0xE  }
0x20d: {  	s9 =	sld [smem:s31+$0x0];
	_ =	sdelay $0x1  }
0x20e: {  	p0 =	sne.s32 s8, $0x1  }
.Ltmp22:
0x20f: {  	v25 =	vld.msk [tilespmem:s24+$0x0 ss:$0x0], $0xffff;
	v26 =	vmov s9;
	(pc) =	sbr.rel @!p0 .LBB2_39-.Ltmp22, $3  }
0x210: {  	_ =	sdelay $0x1  }
0x211: {  	s10 =	sadd.s32 $0x1, s9  }
0x212: {  	s25 =	sadd.s32 $0xFFFFFFFF, s8;
	[smem:s31] =	sst s10  }
.LBB2_38:
0x213: {  	p0 =	sne.s32 s25, $0x1;
	[tilespmem:v26+s30+$0x0] =	vst.idx.msk $0x1, v25;
	s24 =	sadd.s32 $0x1, s24;
	s23 =	sadd.s32 $0x1, s23  }
0x214: {  	s25 =	sadd.s32 $0xFFFFFFFF, s25;
	v25 =	vld [tilespmem:s23+$0x0];
	_ =	sdelay $0x4  }
0x215: {  	(v2sf) =	vpush v25, $0x0;
	_ =	sdelay $0xe  }
0x216: {  	s8 =	spop (v2sf)  }
0x217: {  	s8 =	sshra.s32 s8, $0xE  }
.Ltmp23:
0x218: {  	s9 =	sld [smem:s8+$0x0];
	(pc) =	sbr.rel @p0 .LBB2_38-.Ltmp23, $4  }
0x219: {  	_ = 	snop  }
0x21a: {  	v25 =	vld.msk [tilespmem:s24+$0x0 ss:$0x0], $0xffff  }
0x21b: {  	s10 =	sadd.s32 $0x1, s9;
	v26 =	vmov s9  }
0x21c: {  	[smem:s8] =	sst s10  }
.Ltmp24:
0x21d: {  	_ = 	snop;
	(pc) =	sbr.rel .LBB2_39-.Ltmp24, $1  }
0x21e: {  	_ =	sdelay $0x3  }
.LBB2_41:
.Ltmp25:
0x21f: {  	s3 =	simm.s32 $0x0;
	s8 =	rddreg [dreg:$0x4];
	(pc) =	sbr.rel .LBB2_42-.Ltmp25, $4  }
0x220: {  	[tilespmem:s3], [sflag:$0x5] =	stream.linear.gather [hbm4b:s8+s3], $0x500, $0x38;
	[tilespmem:$0x1FB80] =	vst v63  }
0x221: {  	_ =	swait.ge [sflag:s28], $0x500  }
0x222: {  	[sflag:s28] =	ssyncset.done $0x0  }
0x223: {  	[sflag:s28] =	ssyncadd.s32 $0xFFFFFB00  }
.LBB2_45:
0x224: {  	_ =	sdelay $0x3  }
0x225: {  	[tilespmem:v26+s30+$0x0] =	vst.idx.msk $0x1, v25  }
.LBB2_46:
0x226: {  	s3 =	sadd.s32 $0x1, s3  }
0x227: {  	p0 =	sne.s32 s3, $0x50  }
.Ltmp26:
0x228: {  	_ = 	snop;
	(pc) =	sbr.rel @!p0 .LBB2_47-.Ltmp26, $1  }
0x229: {  	_ =	sdelay $0x3  }
.LBB2_42:
0x22a: {  	s8 =	sshll.u32 s3, $0x4  }
0x22b: {  	v25 =	vld [tilespmem:s8+$0x0];
	_ =	sdelay $0x4  }
0x22c: {  	v26 =	vshrl.u32 v25, $0x9  }
0x22d: {  	v26 =	vand.u32 $0x1F, v26  }
0x22e: {  	vm0 =	veq.s32 v26, v1  }
0x22f: {  	v26 =	vmpcnt.ones.xlane vm0;
	_ =	sdelay $0x1  }
0x230: {  	(v2sf) =	vpush v26, $0x0;
	_ =	sdelay $0xe  }
0x231: {  	v26 =	vmov s8;
	s8 =	spop (v2sf)  }
0x232: {  	p0 =	slt.s32 s8, $0x1  }
.Ltmp27:
0x233: {  	_ = 	snop;
	(pc) =	sbr.rel @p0 .LBB2_46-.Ltmp27, $4  }
0x234: {  	v26 =	vshll.u32 v26, $0x9  }
0x235: {  	s23 =	simm.s32 $0x1FA80;
	v27 =	vand.u32 $0x1FF, v25;
	v26 =	vadd.s32 v4, v26  }
0x236: {  	s24 =	simm.s32 $0x1FB00;
	[tilespmem:s23+$0x0] =	vst.msk vm0, v25;
	v26 =	vor.u32 v26, v27  }
0x237: {  	[tilespmem:s24+$0x0] =	vst.msk vm0, v26  }
0x238: {  	v25 =	vld [tilespmem:s23+$0x0];
	_ =	sdelay $0x4  }
0x239: {  	(v2sf) =	vpush v25, $0x0;
	_ =	sdelay $0xe  }
0x23a: {  	s9 =	spop (v2sf)  }
0x23b: {  	s9 =	sshra.s32 s9, $0xE  }
0x23c: {  	s10 =	sld [smem:s9+$0x0];
	_ =	sdelay $0x1  }
0x23d: {  	p0 =	sne.s32 s8, $0x1  }
.Ltmp28:
0x23e: {  	v25 =	vld.msk [tilespmem:s24+$0x0 ss:$0x0], $0xffff;
	v26 =	vmov s10;
	(pc) =	sbr.rel @!p0 .LBB2_45-.Ltmp28, $3  }
0x23f: {  	_ =	sdelay $0x1  }
0x240: {  	s31 =	sadd.s32 $0x1, s10  }
0x241: {  	s25 =	sadd.s32 $0xFFFFFFFF, s8;
	[smem:s9] =	sst s31  }
.LBB2_44:
0x242: {  	p0 =	sne.s32 s25, $0x1;
	[tilespmem:v26+s30+$0x0] =	vst.idx.msk $0x1, v25;
	s24 =	sadd.s32 $0x1, s24;
	s23 =	sadd.s32 $0x1, s23  }
0x243: {  	s25 =	sadd.s32 $0xFFFFFFFF, s25;
	v25 =	vld [tilespmem:s23+$0x0];
	_ =	sdelay $0x4  }
0x244: {  	(v2sf) =	vpush v25, $0x0;
	_ =	sdelay $0xe  }
0x245: {  	s8 =	spop (v2sf)  }
0x246: {  	s8 =	sshra.s32 s8, $0xE  }
.Ltmp29:
0x247: {  	s9 =	sld [smem:s8+$0x0];
	(pc) =	sbr.rel @p0 .LBB2_44-.Ltmp29, $4  }
0x248: {  	_ = 	snop  }
0x249: {  	v25 =	vld.msk [tilespmem:s24+$0x0 ss:$0x0], $0xffff  }
0x24a: {  	s10 =	sadd.s32 $0x1, s9;
	v26 =	vmov s9  }
0x24b: {  	[smem:s8] =	sst s10  }
.Ltmp30:
0x24c: {  	_ = 	snop;
	(pc) =	sbr.rel .LBB2_45-.Ltmp30, $1  }
0x24d: {  	_ =	sdelay $0x3  }
.LBB2_47:
.Ltmp31:
0x24e: {  	s3 =	simm.s32 $0x0;
	s8 =	rddreg [dreg:$0x5];
	(pc) =	sbr.rel .LBB2_48-.Ltmp31, $4  }
0x24f: {  	[tilespmem:s3], [sflag:$0x5] =	stream.linear.gather [hbm4b:s8+s3], $0x500, $0x38;
	[tilespmem:$0x1FB80] =	vst v63  }
0x250: {  	_ =	swait.ge [sflag:s28], $0x500  }
0x251: {  	[sflag:s28] =	ssyncset.done $0x0  }
0x252: {  	[sflag:s28] =	ssyncadd.s32 $0xFFFFFB00  }
.LBB2_51:
0x253: {  	_ =	sdelay $0x3  }
0x254: {  	[tilespmem:v26+s30+$0x0] =	vst.idx.msk $0x1, v25  }
.LBB2_52:
0x255: {  	s3 =	sadd.s32 $0x1, s3  }
0x256: {  	p0 =	sne.s32 s3, $0x50  }
.Ltmp32:
0x257: {  	_ = 	snop;
	(pc) =	sbr.rel @!p0 .LBB2_53-.Ltmp32, $1  }
0x258: {  	_ =	sdelay $0x3  }
.LBB2_48:
0x259: {  	s8 =	sshll.u32 s3, $0x4  }
0x25a: {  	v25 =	vld [tilespmem:s8+$0x0];
	_ =	sdelay $0x4  }
0x25b: {  	v26 =	vshrl.u32 v25, $0x9  }
0x25c: {  	v26 =	vand.u32 $0x1F, v26  }
0x25d: {  	vm0 =	veq.s32 v26, v1  }
0x25e: {  	v26 =	vmpcnt.ones.xlane vm0;
	_ =	sdelay $0x1  }
0x25f: {  	(v2sf) =	vpush v26, $0x0;
	_ =	sdelay $0xe  }
0x260: {  	v26 =	vmov s8;
	s8 =	spop (v2sf)  }
0x261: {  	p0 =	slt.s32 s8, $0x1  }
.Ltmp33:
0x262: {  	_ = 	snop;
	(pc) =	sbr.rel @p0 .LBB2_52-.Ltmp33, $4  }
0x263: {  	v26 =	vshll.u32 v26, $0x9  }
0x264: {  	s23 =	simm.s32 $0x1FA80;
	v27 =	vand.u32 $0x1FF, v25;
	v26 =	vadd.s32 v5, v26  }
0x265: {  	s24 =	simm.s32 $0x1FB00;
	[tilespmem:s23+$0x0] =	vst.msk vm0, v25;
	v26 =	vor.u32 v26, v27  }
0x266: {  	[tilespmem:s24+$0x0] =	vst.msk vm0, v26  }
0x267: {  	v25 =	vld [tilespmem:s23+$0x0];
	_ =	sdelay $0x4  }
0x268: {  	(v2sf) =	vpush v25, $0x0;
	_ =	sdelay $0xe  }
0x269: {  	s9 =	spop (v2sf)  }
0x26a: {  	s9 =	sshra.s32 s9, $0xE  }
0x26b: {  	s10 =	sld [smem:s9+$0x0];
	_ =	sdelay $0x1  }
0x26c: {  	p0 =	sne.s32 s8, $0x1  }
.Ltmp34:
0x26d: {  	v25 =	vld.msk [tilespmem:s24+$0x0 ss:$0x0], $0xffff;
	v26 =	vmov s10;
	(pc) =	sbr.rel @!p0 .LBB2_51-.Ltmp34, $3  }
0x26e: {  	_ =	sdelay $0x1  }
0x26f: {  	s31 =	sadd.s32 $0x1, s10  }
0x270: {  	s25 =	sadd.s32 $0xFFFFFFFF, s8;
	[smem:s9] =	sst s31  }
.LBB2_50:
0x271: {  	p0 =	sne.s32 s25, $0x1;
	[tilespmem:v26+s30+$0x0] =	vst.idx.msk $0x1, v25;
	s24 =	sadd.s32 $0x1, s24;
	s23 =	sadd.s32 $0x1, s23  }
0x272: {  	s25 =	sadd.s32 $0xFFFFFFFF, s25;
	v25 =	vld [tilespmem:s23+$0x0];
	_ =	sdelay $0x4  }
0x273: {  	(v2sf) =	vpush v25, $0x0;
	_ =	sdelay $0xe  }
0x274: {  	s8 =	spop (v2sf)  }
0x275: {  	s8 =	sshra.s32 s8, $0xE  }
.Ltmp35:
0x276: {  	s9 =	sld [smem:s8+$0x0];
	(pc) =	sbr.rel @p0 .LBB2_50-.Ltmp35, $4  }
0x277: {  	_ = 	snop  }
0x278: {  	v25 =	vld.msk [tilespmem:s24+$0x0 ss:$0x0], $0xffff  }
0x279: {  	s10 =	sadd.s32 $0x1, s9;
	v26 =	vmov s9  }
0x27a: {  	[smem:s8] =	sst s10  }
.Ltmp36:
0x27b: {  	_ = 	snop;
	(pc) =	sbr.rel .LBB2_51-.Ltmp36, $1  }
0x27c: {  	_ =	sdelay $0x3  }
.LBB2_53:
.Ltmp37:
0x27d: {  	s3 =	simm.s32 $0x0;
	s8 =	rddreg [dreg:$0x6];
	(pc) =	sbr.rel .LBB2_54-.Ltmp37, $4  }
0x27e: {  	[tilespmem:s3], [sflag:$0x5] =	stream.linear.gather [hbm4b:s8+s3], $0x500, $0x38;
	[tilespmem:$0x1FB80] =	vst v63  }
0x27f: {  	_ =	swait.ge [sflag:s28], $0x500  }
0x280: {  	[sflag:s28] =	ssyncset.done $0x0  }
0x281: {  	[sflag:s28] =	ssyncadd.s32 $0xFFFFFB00  }
.LBB2_57:
0x282: {  	_ =	sdelay $0x3  }
0x283: {  	[tilespmem:v26+s30+$0x0] =	vst.idx.msk $0x1, v25  }
.LBB2_58:
0x284: {  	s3 =	sadd.s32 $0x1, s3  }
0x285: {  	p0 =	sne.s32 s3, $0x50  }
.Ltmp38:
0x286: {  	_ = 	snop;
	(pc) =	sbr.rel @!p0 .LBB2_59-.Ltmp38, $1  }
0x287: {  	_ =	sdelay $0x3  }
.LBB2_54:
0x288: {  	s8 =	sshll.u32 s3, $0x4  }
0x289: {  	v25 =	vld [tilespmem:s8+$0x0];
	_ =	sdelay $0x4  }
0x28a: {  	v26 =	vshrl.u32 v25, $0x9  }
0x28b: {  	v26 =	vand.u32 $0x1F, v26  }
0x28c: {  	vm0 =	veq.s32 v26, v1  }
0x28d: {  	v26 =	vmpcnt.ones.xlane vm0;
	_ =	sdelay $0x1  }
0x28e: {  	(v2sf) =	vpush v26, $0x0;
	_ =	sdelay $0xe  }
0x28f: {  	v26 =	vmov s8;
	s8 =	spop (v2sf)  }
0x290: {  	p0 =	slt.s32 s8, $0x1  }
.Ltmp39:
0x291: {  	_ = 	snop;
	(pc) =	sbr.rel @p0 .LBB2_58-.Ltmp39, $4  }
0x292: {  	v26 =	vshll.u32 v26, $0x9  }
0x293: {  	s23 =	simm.s32 $0x1FA80;
	v27 =	vand.u32 $0x1FF, v25;
	v26 =	vadd.s32 v6, v26  }
0x294: {  	s24 =	simm.s32 $0x1FB00;
	[tilespmem:s23+$0x0] =	vst.msk vm0, v25;
	v26 =	vor.u32 v26, v27  }
0x295: {  	[tilespmem:s24+$0x0] =	vst.msk vm0, v26  }
0x296: {  	v25 =	vld [tilespmem:s23+$0x0];
	_ =	sdelay $0x4  }
0x297: {  	(v2sf) =	vpush v25, $0x0;
	_ =	sdelay $0xe  }
0x298: {  	s9 =	spop (v2sf)  }
0x299: {  	s9 =	sshra.s32 s9, $0xE  }
0x29a: {  	s10 =	sld [smem:s9+$0x0];
	_ =	sdelay $0x1  }
0x29b: {  	p0 =	sne.s32 s8, $0x1  }
.Ltmp40:
0x29c: {  	v25 =	vld.msk [tilespmem:s24+$0x0 ss:$0x0], $0xffff;
	v26 =	vmov s10;
	(pc) =	sbr.rel @!p0 .LBB2_57-.Ltmp40, $3  }
0x29d: {  	_ =	sdelay $0x1  }
0x29e: {  	s31 =	sadd.s32 $0x1, s10  }
0x29f: {  	s25 =	sadd.s32 $0xFFFFFFFF, s8;
	[smem:s9] =	sst s31  }
.LBB2_56:
0x2a0: {  	p0 =	sne.s32 s25, $0x1;
	[tilespmem:v26+s30+$0x0] =	vst.idx.msk $0x1, v25;
	s24 =	sadd.s32 $0x1, s24;
	s23 =	sadd.s32 $0x1, s23  }
0x2a1: {  	s25 =	sadd.s32 $0xFFFFFFFF, s25;
	v25 =	vld [tilespmem:s23+$0x0];
	_ =	sdelay $0x4  }
0x2a2: {  	(v2sf) =	vpush v25, $0x0;
	_ =	sdelay $0xe  }
0x2a3: {  	s8 =	spop (v2sf)  }
0x2a4: {  	s8 =	sshra.s32 s8, $0xE  }
.Ltmp41:
0x2a5: {  	s9 =	sld [smem:s8+$0x0];
	(pc) =	sbr.rel @p0 .LBB2_56-.Ltmp41, $4  }
0x2a6: {  	_ = 	snop  }
0x2a7: {  	v25 =	vld.msk [tilespmem:s24+$0x0 ss:$0x0], $0xffff  }
0x2a8: {  	s10 =	sadd.s32 $0x1, s9;
	v26 =	vmov s9  }
0x2a9: {  	[smem:s8] =	sst s10  }
.Ltmp42:
0x2aa: {  	_ = 	snop;
	(pc) =	sbr.rel .LBB2_57-.Ltmp42, $1  }
0x2ab: {  	_ =	sdelay $0x3  }
.LBB2_59:
.Ltmp43:
0x2ac: {  	s3 =	simm.s32 $0x0;
	s8 =	rddreg [dreg:$0x7];
	(pc) =	sbr.rel .LBB2_60-.Ltmp43, $4  }
0x2ad: {  	[tilespmem:s3], [sflag:$0x5] =	stream.linear.gather [hbm4b:s8+s3], $0x500, $0x38;
	[tilespmem:$0x1FB80] =	vst v63  }
0x2ae: {  	_ =	swait.ge [sflag:s28], $0x500  }
0x2af: {  	[sflag:s28] =	ssyncset.done $0x0  }
0x2b0: {  	[sflag:s28] =	ssyncadd.s32 $0xFFFFFB00  }
.LBB2_63:
0x2b1: {  	_ =	sdelay $0x3  }
0x2b2: {  	[tilespmem:v26+s30+$0x0] =	vst.idx.msk $0x1, v25  }
.LBB2_64:
0x2b3: {  	s3 =	sadd.s32 $0x1, s3  }
0x2b4: {  	p0 =	sne.s32 s3, $0x50  }
.Ltmp44:
0x2b5: {  	_ = 	snop;
	(pc) =	sbr.rel @!p0 .LBB2_65-.Ltmp44, $1  }
0x2b6: {  	_ =	sdelay $0x3  }
.LBB2_60:
0x2b7: {  	s8 =	sshll.u32 s3, $0x4  }
0x2b8: {  	v25 =	vld [tilespmem:s8+$0x0];
	_ =	sdelay $0x4  }
0x2b9: {  	v26 =	vshrl.u32 v25, $0x9  }
0x2ba: {  	v26 =	vand.u32 $0x1F, v26  }
0x2bb: {  	vm0 =	veq.s32 v26, v1  }
0x2bc: {  	v26 =	vmpcnt.ones.xlane vm0;
	_ =	sdelay $0x1  }
0x2bd: {  	(v2sf) =	vpush v26, $0x0;
	_ =	sdelay $0xe  }
0x2be: {  	v26 =	vmov s8;
	s8 =	spop (v2sf)  }
0x2bf: {  	p0 =	slt.s32 s8, $0x1  }
.Ltmp45:
0x2c0: {  	_ = 	snop;
	(pc) =	sbr.rel @p0 .LBB2_64-.Ltmp45, $4  }
0x2c1: {  	v26 =	vshll.u32 v26, $0x9  }
0x2c2: {  	s23 =	simm.s32 $0x1FA80;
	v27 =	vand.u32 $0x1FF, v25;
	v26 =	vadd.s32 v7, v26  }
0x2c3: {  	s24 =	simm.s32 $0x1FB00;
	[tilespmem:s23+$0x0] =	vst.msk vm0, v25;
	v26 =	vor.u32 v26, v27  }
0x2c4: {  	[tilespmem:s24+$0x0] =	vst.msk vm0, v26  }
0x2c5: {  	v25 =	vld [tilespmem:s23+$0x0];
	_ =	sdelay $0x4  }
0x2c6: {  	(v2sf) =	vpush v25, $0x0;
	_ =	sdelay $0xe  }
0x2c7: {  	s9 =	spop (v2sf)  }
0x2c8: {  	s9 =	sshra.s32 s9, $0xE  }
0x2c9: {  	s10 =	sld [smem:s9+$0x0];
	_ =	sdelay $0x1  }
0x2ca: {  	p0 =	sne.s32 s8, $0x1  }
.Ltmp46:
0x2cb: {  	v25 =	vld.msk [tilespmem:s24+$0x0 ss:$0x0], $0xffff;
	v26 =	vmov s10;
	(pc) =	sbr.rel @!p0 .LBB2_63-.Ltmp46, $3  }
0x2cc: {  	_ =	sdelay $0x1  }
0x2cd: {  	s31 =	sadd.s32 $0x1, s10  }
0x2ce: {  	s25 =	sadd.s32 $0xFFFFFFFF, s8;
	[smem:s9] =	sst s31  }
.LBB2_62:
0x2cf: {  	p0 =	sne.s32 s25, $0x1;
	[tilespmem:v26+s30+$0x0] =	vst.idx.msk $0x1, v25;
	s24 =	sadd.s32 $0x1, s24;
	s23 =	sadd.s32 $0x1, s23  }
0x2d0: {  	s25 =	sadd.s32 $0xFFFFFFFF, s25;
	v25 =	vld [tilespmem:s23+$0x0];
	_ =	sdelay $0x4  }
0x2d1: {  	(v2sf) =	vpush v25, $0x0;
	_ =	sdelay $0xe  }
0x2d2: {  	s8 =	spop (v2sf)  }
0x2d3: {  	s8 =	sshra.s32 s8, $0xE  }
.Ltmp47:
0x2d4: {  	s9 =	sld [smem:s8+$0x0];
	(pc) =	sbr.rel @p0 .LBB2_62-.Ltmp47, $4  }
0x2d5: {  	_ = 	snop  }
0x2d6: {  	v25 =	vld.msk [tilespmem:s24+$0x0 ss:$0x0], $0xffff  }
0x2d7: {  	s10 =	sadd.s32 $0x1, s9;
	v26 =	vmov s9  }
0x2d8: {  	[smem:s8] =	sst s10  }
.Ltmp48:
0x2d9: {  	_ = 	snop;
	(pc) =	sbr.rel .LBB2_63-.Ltmp48, $1  }
0x2da: {  	_ =	sdelay $0x3  }
.LBB2_65:
.Ltmp49:
0x2db: {  	s3 =	simm.s32 $0x0;
	(pc) =	sbr.rel .LBB2_66-.Ltmp49, $4  }
0x2dc: {  	[tilespmem:s3], [sflag:$0x5] =	stream.linear.gather [hbm4b:s12+s3], $0x500, $0x38;
	[tilespmem:$0x1FB80] =	vst v63  }
0x2dd: {  	_ =	swait.ge [sflag:s28], $0x500  }
0x2de: {  	[sflag:s28] =	ssyncset.done $0x0  }
0x2df: {  	[sflag:s28] =	ssyncadd.s32 $0xFFFFFB00  }
.LBB2_69:
0x2e0: {  	_ =	sdelay $0x3  }
0x2e1: {  	[tilespmem:v26+s30+$0x0] =	vst.idx.msk $0x1, v25  }
.LBB2_70:
0x2e2: {  	s3 =	sadd.s32 $0x1, s3  }
0x2e3: {  	p0 =	sne.s32 s3, $0x50  }
.Ltmp50:
0x2e4: {  	_ = 	snop;
	(pc) =	sbr.rel @!p0 .LBB2_71-.Ltmp50, $1  }
0x2e5: {  	_ =	sdelay $0x3  }
.LBB2_66:
0x2e6: {  	s8 =	sshll.u32 s3, $0x4  }
0x2e7: {  	v25 =	vld [tilespmem:s8+$0x0];
	_ =	sdelay $0x4  }
0x2e8: {  	v26 =	vshrl.u32 v25, $0x9  }
0x2e9: {  	v26 =	vand.u32 $0x1F, v26  }
0x2ea: {  	vm0 =	veq.s32 v26, v1  }
0x2eb: {  	v26 =	vmpcnt.ones.xlane vm0;
	_ =	sdelay $0x1  }
0x2ec: {  	(v2sf) =	vpush v26, $0x0;
	_ =	sdelay $0xe  }
0x2ed: {  	v26 =	vmov s8;
	s8 =	spop (v2sf)  }
0x2ee: {  	p0 =	slt.s32 s8, $0x1  }
.Ltmp51:
0x2ef: {  	_ = 	snop;
	(pc) =	sbr.rel @p0 .LBB2_70-.Ltmp51, $4  }
0x2f0: {  	v26 =	vshll.u32 v26, $0x9  }
0x2f1: {  	s23 =	simm.s32 $0x1FA80;
	v27 =	vand.u32 $0x1FF, v25;
	v26 =	vadd.s32 v8, v26  }
0x2f2: {  	s24 =	simm.s32 $0x1FB00;
	[tilespmem:s23+$0x0] =	vst.msk vm0, v25;
	v26 =	vor.u32 v26, v27  }
0x2f3: {  	[tilespmem:s24+$0x0] =	vst.msk vm0, v26  }
0x2f4: {  	v25 =	vld [tilespmem:s23+$0x0];
	_ =	sdelay $0x4  }
0x2f5: {  	(v2sf) =	vpush v25, $0x0;
	_ =	sdelay $0xe  }
0x2f6: {  	s9 =	spop (v2sf)  }
0x2f7: {  	s9 =	sshra.s32 s9, $0xE  }
0x2f8: {  	s10 =	sld [smem:s9+$0x0];
	_ =	sdelay $0x1  }
0x2f9: {  	p0 =	sne.s32 s8, $0x1  }
.Ltmp52:
0x2fa: {  	v25 =	vld.msk [tilespmem:s24+$0x0 ss:$0x0], $0xffff;
	v26 =	vmov s10;
	(pc) =	sbr.rel @!p0 .LBB2_69-.Ltmp52, $3  }
0x2fb: {  	_ =	sdelay $0x1  }
0x2fc: {  	s31 =	sadd.s32 $0x1, s10  }
0x2fd: {  	s25 =	sadd.s32 $0xFFFFFFFF, s8;
	[smem:s9] =	sst s31  }
.LBB2_68:
0x2fe: {  	p0 =	sne.s32 s25, $0x1;
	[tilespmem:v26+s30+$0x0] =	vst.idx.msk $0x1, v25;
	s24 =	sadd.s32 $0x1, s24;
	s23 =	sadd.s32 $0x1, s23  }
0x2ff: {  	s25 =	sadd.s32 $0xFFFFFFFF, s25;
	v25 =	vld [tilespmem:s23+$0x0];
	_ =	sdelay $0x4  }
0x300: {  	(v2sf) =	vpush v25, $0x0;
	_ =	sdelay $0xe  }
0x301: {  	s8 =	spop (v2sf)  }
0x302: {  	s8 =	sshra.s32 s8, $0xE  }
.Ltmp53:
0x303: {  	s9 =	sld [smem:s8+$0x0];
	(pc) =	sbr.rel @p0 .LBB2_68-.Ltmp53, $4  }
0x304: {  	_ = 	snop  }
0x305: {  	v25 =	vld.msk [tilespmem:s24+$0x0 ss:$0x0], $0xffff  }
0x306: {  	s10 =	sadd.s32 $0x1, s9;
	v26 =	vmov s9  }
0x307: {  	[smem:s8] =	sst s10  }
.Ltmp54:
0x308: {  	_ = 	snop;
	(pc) =	sbr.rel .LBB2_69-.Ltmp54, $1  }
0x309: {  	_ =	sdelay $0x3  }
.LBB2_71:
.Ltmp55:
0x30a: {  	s3 =	simm.s32 $0x0;
	(pc) =	sbr.rel .LBB2_72-.Ltmp55, $4  }
0x30b: {  	[tilespmem:s3], [sflag:$0x5] =	stream.linear.gather [hbm4b:s13+s3], $0x500, $0x38;
	[tilespmem:$0x1FB80] =	vst v63  }
0x30c: {  	_ =	swait.ge [sflag:s28], $0x500  }
0x30d: {  	[sflag:s28] =	ssyncset.done $0x0  }
0x30e: {  	[sflag:s28] =	ssyncadd.s32 $0xFFFFFB00  }
.LBB2_75:
0x30f: {  	_ =	sdelay $0x3  }
0x310: {  	[tilespmem:v26+s30+$0x0] =	vst.idx.msk $0x1, v25  }
.LBB2_76:
0x311: {  	s3 =	sadd.s32 $0x1, s3  }
0x312: {  	p0 =	sne.s32 s3, $0x50  }
.Ltmp56:
0x313: {  	_ = 	snop;
	(pc) =	sbr.rel @!p0 .LBB2_77-.Ltmp56, $1  }
0x314: {  	_ =	sdelay $0x3  }
.LBB2_72:
0x315: {  	s8 =	sshll.u32 s3, $0x4  }
0x316: {  	v25 =	vld [tilespmem:s8+$0x0];
	_ =	sdelay $0x4  }
0x317: {  	v26 =	vshrl.u32 v25, $0x9  }
0x318: {  	v26 =	vand.u32 $0x1F, v26  }
0x319: {  	vm0 =	veq.s32 v26, v1  }
0x31a: {  	v26 =	vmpcnt.ones.xlane vm0;
	_ =	sdelay $0x1  }
0x31b: {  	(v2sf) =	vpush v26, $0x0;
	_ =	sdelay $0xe  }
0x31c: {  	v26 =	vmov s8;
	s8 =	spop (v2sf)  }
0x31d: {  	p0 =	slt.s32 s8, $0x1  }
.Ltmp57:
0x31e: {  	_ = 	snop;
	(pc) =	sbr.rel @p0 .LBB2_76-.Ltmp57, $4  }
0x31f: {  	v26 =	vshll.u32 v26, $0x9  }
0x320: {  	s23 =	simm.s32 $0x1FA80;
	v27 =	vand.u32 $0x1FF, v25;
	v26 =	vadd.s32 v9, v26  }
0x321: {  	s24 =	simm.s32 $0x1FB00;
	[tilespmem:s23+$0x0] =	vst.msk vm0, v25;
	v26 =	vor.u32 v26, v27  }
0x322: {  	[tilespmem:s24+$0x0] =	vst.msk vm0, v26  }
0x323: {  	v25 =	vld [tilespmem:s23+$0x0];
	_ =	sdelay $0x4  }
0x324: {  	(v2sf) =	vpush v25, $0x0;
	_ =	sdelay $0xe  }
0x325: {  	s9 =	spop (v2sf)  }
0x326: {  	s9 =	sshra.s32 s9, $0xE  }
0x327: {  	s10 =	sld [smem:s9+$0x0];
	_ =	sdelay $0x1  }
0x328: {  	p0 =	sne.s32 s8, $0x1  }
.Ltmp58:
0x329: {  	v25 =	vld.msk [tilespmem:s24+$0x0 ss:$0x0], $0xffff;
	v26 =	vmov s10;
	(pc) =	sbr.rel @!p0 .LBB2_75-.Ltmp58, $3  }
0x32a: {  	_ =	sdelay $0x1  }
0x32b: {  	s31 =	sadd.s32 $0x1, s10  }
0x32c: {  	s25 =	sadd.s32 $0xFFFFFFFF, s8;
	[smem:s9] =	sst s31  }
.LBB2_74:
0x32d: {  	p0 =	sne.s32 s25, $0x1;
	[tilespmem:v26+s30+$0x0] =	vst.idx.msk $0x1, v25;
	s24 =	sadd.s32 $0x1, s24;
	s23 =	sadd.s32 $0x1, s23  }
0x32e: {  	s25 =	sadd.s32 $0xFFFFFFFF, s25;
	v25 =	vld [tilespmem:s23+$0x0];
	_ =	sdelay $0x4  }
0x32f: {  	(v2sf) =	vpush v25, $0x0;
	_ =	sdelay $0xe  }
0x330: {  	s8 =	spop (v2sf)  }
0x331: {  	s8 =	sshra.s32 s8, $0xE  }
.Ltmp59:
0x332: {  	s9 =	sld [smem:s8+$0x0];
	(pc) =	sbr.rel @p0 .LBB2_74-.Ltmp59, $4  }
0x333: {  	_ = 	snop  }
0x334: {  	v25 =	vld.msk [tilespmem:s24+$0x0 ss:$0x0], $0xffff  }
0x335: {  	s10 =	sadd.s32 $0x1, s9;
	v26 =	vmov s9  }
0x336: {  	[smem:s8] =	sst s10  }
.Ltmp60:
0x337: {  	_ = 	snop;
	(pc) =	sbr.rel .LBB2_75-.Ltmp60, $1  }
0x338: {  	_ =	sdelay $0x3  }
.LBB2_77:
.Ltmp61:
0x339: {  	s3 =	simm.s32 $0x0;
	(pc) =	sbr.rel .LBB2_78-.Ltmp61, $4  }
0x33a: {  	[tilespmem:s3], [sflag:$0x5] =	stream.linear.gather [hbm4b:s14+s3], $0x500, $0x38;
	[tilespmem:$0x1FB80] =	vst v63  }
0x33b: {  	_ =	swait.ge [sflag:s28], $0x500  }
0x33c: {  	[sflag:s28] =	ssyncset.done $0x0  }
0x33d: {  	[sflag:s28] =	ssyncadd.s32 $0xFFFFFB00  }
.LBB2_81:
0x33e: {  	_ =	sdelay $0x3  }
0x33f: {  	[tilespmem:v26+s30+$0x0] =	vst.idx.msk $0x1, v25  }
.LBB2_82:
0x340: {  	s3 =	sadd.s32 $0x1, s3  }
0x341: {  	p0 =	sne.s32 s3, $0x50  }
.Ltmp62:
0x342: {  	_ = 	snop;
	(pc) =	sbr.rel @!p0 .LBB2_83-.Ltmp62, $1  }
0x343: {  	_ =	sdelay $0x3  }
.LBB2_78:
0x344: {  	s8 =	sshll.u32 s3, $0x4  }
0x345: {  	v25 =	vld [tilespmem:s8+$0x0];
	_ =	sdelay $0x4  }
0x346: {  	v26 =	vshrl.u32 v25, $0x9  }
0x347: {  	v26 =	vand.u32 $0x1F, v26  }
0x348: {  	vm0 =	veq.s32 v26, v1  }
0x349: {  	v26 =	vmpcnt.ones.xlane vm0;
	_ =	sdelay $0x1  }
0x34a: {  	(v2sf) =	vpush v26, $0x0;
	_ =	sdelay $0xe  }
0x34b: {  	v26 =	vmov s8;
	s8 =	spop (v2sf)  }
0x34c: {  	p0 =	slt.s32 s8, $0x1  }
.Ltmp63:
0x34d: {  	_ = 	snop;
	(pc) =	sbr.rel @p0 .LBB2_82-.Ltmp63, $4  }
0x34e: {  	v26 =	vshll.u32 v26, $0x9  }
0x34f: {  	s23 =	simm.s32 $0x1FA80;
	v27 =	vand.u32 $0x1FF, v25;
	v26 =	vadd.s32 v10, v26  }
0x350: {  	s24 =	simm.s32 $0x1FB00;
	[tilespmem:s23+$0x0] =	vst.msk vm0, v25;
	v26 =	vor.u32 v26, v27  }
0x351: {  	[tilespmem:s24+$0x0] =	vst.msk vm0, v26  }
0x352: {  	v25 =	vld [tilespmem:s23+$0x0];
	_ =	sdelay $0x4  }
0x353: {  	(v2sf) =	vpush v25, $0x0;
	_ =	sdelay $0xe  }
0x354: {  	s9 =	spop (v2sf)  }
0x355: {  	s9 =	sshra.s32 s9, $0xE  }
0x356: {  	s10 =	sld [smem:s9+$0x0];
	_ =	sdelay $0x1  }
0x357: {  	p0 =	sne.s32 s8, $0x1  }
.Ltmp64:
0x358: {  	v25 =	vld.msk [tilespmem:s24+$0x0 ss:$0x0], $0xffff;
	v26 =	vmov s10;
	(pc) =	sbr.rel @!p0 .LBB2_81-.Ltmp64, $3  }
0x359: {  	_ =	sdelay $0x1  }
0x35a: {  	s31 =	sadd.s32 $0x1, s10  }
0x35b: {  	s25 =	sadd.s32 $0xFFFFFFFF, s8;
	[smem:s9] =	sst s31  }
.LBB2_80:
0x35c: {  	p0 =	sne.s32 s25, $0x1;
	[tilespmem:v26+s30+$0x0] =	vst.idx.msk $0x1, v25;
	s24 =	sadd.s32 $0x1, s24;
	s23 =	sadd.s32 $0x1, s23  }
0x35d: {  	s25 =	sadd.s32 $0xFFFFFFFF, s25;
	v25 =	vld [tilespmem:s23+$0x0];
	_ =	sdelay $0x4  }
0x35e: {  	(v2sf) =	vpush v25, $0x0;
	_ =	sdelay $0xe  }
0x35f: {  	s8 =	spop (v2sf)  }
0x360: {  	s8 =	sshra.s32 s8, $0xE  }
.Ltmp65:
0x361: {  	s9 =	sld [smem:s8+$0x0];
	(pc) =	sbr.rel @p0 .LBB2_80-.Ltmp65, $4  }
0x362: {  	_ = 	snop  }
0x363: {  	v25 =	vld.msk [tilespmem:s24+$0x0 ss:$0x0], $0xffff  }
0x364: {  	s10 =	sadd.s32 $0x1, s9;
	v26 =	vmov s9  }
0x365: {  	[smem:s8] =	sst s10  }
.Ltmp66:
0x366: {  	_ = 	snop;
	(pc) =	sbr.rel .LBB2_81-.Ltmp66, $1  }
0x367: {  	_ =	sdelay $0x3  }
.LBB2_83:
.Ltmp67:
0x368: {  	s3 =	simm.s32 $0x0;
	(pc) =	sbr.rel .LBB2_84-.Ltmp67, $4  }
0x369: {  	[tilespmem:s3], [sflag:$0x5] =	stream.linear.gather [hbm4b:s15+s3], $0x500, $0x38;
	[tilespmem:$0x1FB80] =	vst v63  }
0x36a: {  	_ =	swait.ge [sflag:s28], $0x500  }
0x36b: {  	[sflag:s28] =	ssyncset.done $0x0  }
0x36c: {  	[sflag:s28] =	ssyncadd.s32 $0xFFFFFB00  }
.LBB2_87:
0x36d: {  	_ =	sdelay $0x3  }
0x36e: {  	[tilespmem:v26+s30+$0x0] =	vst.idx.msk $0x1, v25  }
.LBB2_88:
0x36f: {  	s3 =	sadd.s32 $0x1, s3  }
0x370: {  	p0 =	sne.s32 s3, $0x50  }
.Ltmp68:
0x371: {  	_ = 	snop;
	(pc) =	sbr.rel @!p0 .LBB2_89-.Ltmp68, $1  }
0x372: {  	_ =	sdelay $0x3  }
.LBB2_84:
0x373: {  	s8 =	sshll.u32 s3, $0x4  }
0x374: {  	v25 =	vld [tilespmem:s8+$0x0];
	_ =	sdelay $0x4  }
0x375: {  	v26 =	vshrl.u32 v25, $0x9  }
0x376: {  	v26 =	vand.u32 $0x1F, v26  }
0x377: {  	vm0 =	veq.s32 v26, v1  }
0x378: {  	v26 =	vmpcnt.ones.xlane vm0;
	_ =	sdelay $0x1  }
0x379: {  	(v2sf) =	vpush v26, $0x0;
	_ =	sdelay $0xe  }
0x37a: {  	v26 =	vmov s8;
	s8 =	spop (v2sf)  }
0x37b: {  	p0 =	slt.s32 s8, $0x1  }
.Ltmp69:
0x37c: {  	_ = 	snop;
	(pc) =	sbr.rel @p0 .LBB2_88-.Ltmp69, $4  }
0x37d: {  	v26 =	vshll.u32 v26, $0x9  }
0x37e: {  	s23 =	simm.s32 $0x1FA80;
	v27 =	vand.u32 $0x1FF, v25;
	v26 =	vadd.s32 v11, v26  }
0x37f: {  	s24 =	simm.s32 $0x1FB00;
	[tilespmem:s23+$0x0] =	vst.msk vm0, v25;
	v26 =	vor.u32 v26, v27  }
0x380: {  	[tilespmem:s24+$0x0] =	vst.msk vm0, v26  }
0x381: {  	v25 =	vld [tilespmem:s23+$0x0];
	_ =	sdelay $0x4  }
0x382: {  	(v2sf) =	vpush v25, $0x0;
	_ =	sdelay $0xe  }
0x383: {  	s9 =	spop (v2sf)  }
0x384: {  	s9 =	sshra.s32 s9, $0xE  }
0x385: {  	s10 =	sld [smem:s9+$0x0];
	_ =	sdelay $0x1  }
0x386: {  	p0 =	sne.s32 s8, $0x1  }
.Ltmp70:
0x387: {  	v25 =	vld.msk [tilespmem:s24+$0x0 ss:$0x0], $0xffff;
	v26 =	vmov s10;
	(pc) =	sbr.rel @!p0 .LBB2_87-.Ltmp70, $3  }
0x388: {  	_ =	sdelay $0x1  }
0x389: {  	s31 =	sadd.s32 $0x1, s10  }
0x38a: {  	s25 =	sadd.s32 $0xFFFFFFFF, s8;
	[smem:s9] =	sst s31  }
.LBB2_86:
0x38b: {  	p0 =	sne.s32 s25, $0x1;
	[tilespmem:v26+s30+$0x0] =	vst.idx.msk $0x1, v25;
	s24 =	sadd.s32 $0x1, s24;
	s23 =	sadd.s32 $0x1, s23  }
0x38c: {  	s25 =	sadd.s32 $0xFFFFFFFF, s25;
	v25 =	vld [tilespmem:s23+$0x0];
	_ =	sdelay $0x4  }
0x38d: {  	(v2sf) =	vpush v25, $0x0;
	_ =	sdelay $0xe  }
0x38e: {  	s8 =	spop (v2sf)  }
0x38f: {  	s8 =	sshra.s32 s8, $0xE  }
.Ltmp71:
0x390: {  	s9 =	sld [smem:s8+$0x0];
	(pc) =	sbr.rel @p0 .LBB2_86-.Ltmp71, $4  }
0x391: {  	_ = 	snop  }
0x392: {  	v25 =	vld.msk [tilespmem:s24+$0x0 ss:$0x0], $0xffff  }
0x393: {  	s10 =	sadd.s32 $0x1, s9;
	v26 =	vmov s9  }
0x394: {  	[smem:s8] =	sst s10  }
.Ltmp72:
0x395: {  	_ = 	snop;
	(pc) =	sbr.rel .LBB2_87-.Ltmp72, $1  }
0x396: {  	_ =	sdelay $0x3  }
.LBB2_89:
.Ltmp73:
0x397: {  	s3 =	simm.s32 $0x0;
	(pc) =	sbr.rel .LBB2_90-.Ltmp73, $4  }
0x398: {  	[tilespmem:s3], [sflag:$0x5] =	stream.linear.gather [hbm4b:s16+s3], $0x500, $0x38;
	[tilespmem:$0x1FB80] =	vst v63  }
0x399: {  	_ =	swait.ge [sflag:s28], $0x500  }
0x39a: {  	[sflag:s28] =	ssyncset.done $0x0  }
0x39b: {  	[sflag:s28] =	ssyncadd.s32 $0xFFFFFB00  }
.LBB2_93:
0x39c: {  	_ =	sdelay $0x3  }
0x39d: {  	[tilespmem:v26+s30+$0x0] =	vst.idx.msk $0x1, v25  }
.LBB2_94:
0x39e: {  	s3 =	sadd.s32 $0x1, s3  }
0x39f: {  	p0 =	sne.s32 s3, $0x50  }
.Ltmp74:
0x3a0: {  	_ = 	snop;
	(pc) =	sbr.rel @!p0 .LBB2_95-.Ltmp74, $1  }
0x3a1: {  	_ =	sdelay $0x3  }
.LBB2_90:
0x3a2: {  	s8 =	sshll.u32 s3, $0x4  }
0x3a3: {  	v25 =	vld [tilespmem:s8+$0x0];
	_ =	sdelay $0x4  }
0x3a4: {  	v26 =	vshrl.u32 v25, $0x9  }
0x3a5: {  	v26 =	vand.u32 $0x1F, v26  }
0x3a6: {  	vm0 =	veq.s32 v26, v1  }
0x3a7: {  	v26 =	vmpcnt.ones.xlane vm0;
	_ =	sdelay $0x1  }
0x3a8: {  	(v2sf) =	vpush v26, $0x0;
	_ =	sdelay $0xe  }
0x3a9: {  	v26 =	vmov s8;
	s8 =	spop (v2sf)  }
0x3aa: {  	p0 =	slt.s32 s8, $0x1  }
.Ltmp75:
0x3ab: {  	_ = 	snop;
	(pc) =	sbr.rel @p0 .LBB2_94-.Ltmp75, $4  }
0x3ac: {  	v26 =	vshll.u32 v26, $0x9  }
0x3ad: {  	s23 =	simm.s32 $0x1FA80;
	v27 =	vand.u32 $0x1FF, v25;
	v26 =	vadd.s32 v12, v26  }
0x3ae: {  	s24 =	simm.s32 $0x1FB00;
	[tilespmem:s23+$0x0] =	vst.msk vm0, v25;
	v26 =	vor.u32 v26, v27  }
0x3af: {  	[tilespmem:s24+$0x0] =	vst.msk vm0, v26  }
0x3b0: {  	v25 =	vld [tilespmem:s23+$0x0];
	_ =	sdelay $0x4  }
0x3b1: {  	(v2sf) =	vpush v25, $0x0;
	_ =	sdelay $0xe  }
0x3b2: {  	s9 =	spop (v2sf)  }
0x3b3: {  	s9 =	sshra.s32 s9, $0xE  }
0x3b4: {  	s10 =	sld [smem:s9+$0x0];
	_ =	sdelay $0x1  }
0x3b5: {  	p0 =	sne.s32 s8, $0x1  }
.Ltmp76:
0x3b6: {  	v25 =	vld.msk [tilespmem:s24+$0x0 ss:$0x0], $0xffff;
	v26 =	vmov s10;
	(pc) =	sbr.rel @!p0 .LBB2_93-.Ltmp76, $3  }
0x3b7: {  	_ =	sdelay $0x1  }
0x3b8: {  	s31 =	sadd.s32 $0x1, s10  }
0x3b9: {  	s25 =	sadd.s32 $0xFFFFFFFF, s8;
	[smem:s9] =	sst s31  }
.LBB2_92:
0x3ba: {  	p0 =	sne.s32 s25, $0x1;
	[tilespmem:v26+s30+$0x0] =	vst.idx.msk $0x1, v25;
	s24 =	sadd.s32 $0x1, s24;
	s23 =	sadd.s32 $0x1, s23  }
0x3bb: {  	s25 =	sadd.s32 $0xFFFFFFFF, s25;
	v25 =	vld [tilespmem:s23+$0x0];
	_ =	sdelay $0x4  }
0x3bc: {  	(v2sf) =	vpush v25, $0x0;
	_ =	sdelay $0xe  }
0x3bd: {  	s8 =	spop (v2sf)  }
0x3be: {  	s8 =	sshra.s32 s8, $0xE  }
.Ltmp77:
0x3bf: {  	s9 =	sld [smem:s8+$0x0];
	(pc) =	sbr.rel @p0 .LBB2_92-.Ltmp77, $4  }
0x3c0: {  	_ = 	snop  }
0x3c1: {  	v25 =	vld.msk [tilespmem:s24+$0x0 ss:$0x0], $0xffff  }
0x3c2: {  	s10 =	sadd.s32 $0x1, s9;
	v26 =	vmov s9  }
0x3c3: {  	[smem:s8] =	sst s10  }
.Ltmp78:
0x3c4: {  	_ = 	snop;
	(pc) =	sbr.rel .LBB2_93-.Ltmp78, $1  }
0x3c5: {  	_ =	sdelay $0x3  }
.LBB2_95:
.Ltmp79:
0x3c6: {  	s3 =	simm.s32 $0x0;
	(pc) =	sbr.rel .LBB2_96-.Ltmp79, $4  }
0x3c7: {  	[tilespmem:s3], [sflag:$0x5] =	stream.linear.gather [hbm4b:s17+s3], $0x500, $0x38;
	[tilespmem:$0x1FB80] =	vst v63  }
0x3c8: {  	_ =	swait.ge [sflag:s28], $0x500  }
0x3c9: {  	[sflag:s28] =	ssyncset.done $0x0  }
0x3ca: {  	[sflag:s28] =	ssyncadd.s32 $0xFFFFFB00  }
.LBB2_99:
0x3cb: {  	_ =	sdelay $0x3  }
0x3cc: {  	[tilespmem:v26+s30+$0x0] =	vst.idx.msk $0x1, v25  }
.LBB2_100:
0x3cd: {  	s3 =	sadd.s32 $0x1, s3  }
0x3ce: {  	p0 =	sne.s32 s3, $0x50  }
.Ltmp80:
0x3cf: {  	_ = 	snop;
	(pc) =	sbr.rel @!p0 .LBB2_101-.Ltmp80, $1  }
0x3d0: {  	_ =	sdelay $0x3  }
.LBB2_96:
0x3d1: {  	s8 =	sshll.u32 s3, $0x4  }
0x3d2: {  	v25 =	vld [tilespmem:s8+$0x0];
	_ =	sdelay $0x4  }
0x3d3: {  	v26 =	vshrl.u32 v25, $0x9  }
0x3d4: {  	v26 =	vand.u32 $0x1F, v26  }
0x3d5: {  	vm0 =	veq.s32 v26, v1  }
0x3d6: {  	v26 =	vmpcnt.ones.xlane vm0;
	_ =	sdelay $0x1  }
0x3d7: {  	(v2sf) =	vpush v26, $0x0;
	_ =	sdelay $0xe  }
0x3d8: {  	v26 =	vmov s8;
	s8 =	spop (v2sf)  }
0x3d9: {  	p0 =	slt.s32 s8, $0x1  }
.Ltmp81:
0x3da: {  	_ = 	snop;
	(pc) =	sbr.rel @p0 .LBB2_100-.Ltmp81, $4  }
0x3db: {  	v26 =	vshll.u32 v26, $0x9  }
0x3dc: {  	s23 =	simm.s32 $0x1FA80;
	v27 =	vand.u32 $0x1FF, v25;
	v26 =	vadd.s32 v13, v26  }
0x3dd: {  	s24 =	simm.s32 $0x1FB00;
	[tilespmem:s23+$0x0] =	vst.msk vm0, v25;
	v26 =	vor.u32 v26, v27  }
0x3de: {  	[tilespmem:s24+$0x0] =	vst.msk vm0, v26  }
0x3df: {  	v25 =	vld [tilespmem:s23+$0x0];
	_ =	sdelay $0x4  }
0x3e0: {  	(v2sf) =	vpush v25, $0x0;
	_ =	sdelay $0xe  }
0x3e1: {  	s9 =	spop (v2sf)  }
0x3e2: {  	s9 =	sshra.s32 s9, $0xE  }
0x3e3: {  	s10 =	sld [smem:s9+$0x0];
	_ =	sdelay $0x1  }
0x3e4: {  	p0 =	sne.s32 s8, $0x1  }
.Ltmp82:
0x3e5: {  	v25 =	vld.msk [tilespmem:s24+$0x0 ss:$0x0], $0xffff;
	v26 =	vmov s10;
	(pc) =	sbr.rel @!p0 .LBB2_99-.Ltmp82, $3  }
0x3e6: {  	_ =	sdelay $0x1  }
0x3e7: {  	s31 =	sadd.s32 $0x1, s10  }
0x3e8: {  	s25 =	sadd.s32 $0xFFFFFFFF, s8;
	[smem:s9] =	sst s31  }
.LBB2_98:
0x3e9: {  	p0 =	sne.s32 s25, $0x1;
	[tilespmem:v26+s30+$0x0] =	vst.idx.msk $0x1, v25;
	s24 =	sadd.s32 $0x1, s24;
	s23 =	sadd.s32 $0x1, s23  }
0x3ea: {  	s25 =	sadd.s32 $0xFFFFFFFF, s25;
	v25 =	vld [tilespmem:s23+$0x0];
	_ =	sdelay $0x4  }
0x3eb: {  	(v2sf) =	vpush v25, $0x0;
	_ =	sdelay $0xe  }
0x3ec: {  	s8 =	spop (v2sf)  }
0x3ed: {  	s8 =	sshra.s32 s8, $0xE  }
.Ltmp83:
0x3ee: {  	s9 =	sld [smem:s8+$0x0];
	(pc) =	sbr.rel @p0 .LBB2_98-.Ltmp83, $4  }
0x3ef: {  	_ = 	snop  }
0x3f0: {  	v25 =	vld.msk [tilespmem:s24+$0x0 ss:$0x0], $0xffff  }
0x3f1: {  	s10 =	sadd.s32 $0x1, s9;
	v26 =	vmov s9  }
0x3f2: {  	[smem:s8] =	sst s10  }
.Ltmp84:
0x3f3: {  	_ = 	snop;
	(pc) =	sbr.rel .LBB2_99-.Ltmp84, $1  }
0x3f4: {  	_ =	sdelay $0x3  }
.LBB2_101:
.Ltmp85:
0x3f5: {  	s3 =	simm.s32 $0x0;
	(pc) =	sbr.rel .LBB2_102-.Ltmp85, $4  }
0x3f6: {  	[tilespmem:s3], [sflag:$0x5] =	stream.linear.gather [hbm4b:s18+s3], $0x500, $0x38;
	[tilespmem:$0x1FB80] =	vst v63  }
0x3f7: {  	_ =	swait.ge [sflag:s28], $0x500  }
0x3f8: {  	[sflag:s28] =	ssyncset.done $0x0  }
0x3f9: {  	[sflag:s28] =	ssyncadd.s32 $0xFFFFFB00  }
.LBB2_105:
0x3fa: {  	_ =	sdelay $0x3  }
0x3fb: {  	[tilespmem:v26+s30+$0x0] =	vst.idx.msk $0x1, v25  }
.LBB2_106:
0x3fc: {  	s3 =	sadd.s32 $0x1, s3  }
0x3fd: {  	p0 =	sne.s32 s3, $0x50  }
.Ltmp86:
0x3fe: {  	_ = 	snop;
	(pc) =	sbr.rel @!p0 .LBB2_107-.Ltmp86, $1  }
0x3ff: {  	_ =	sdelay $0x3  }
.LBB2_102:
0x400: {  	s8 =	sshll.u32 s3, $0x4  }
0x401: {  	v25 =	vld [tilespmem:s8+$0x0];
	_ =	sdelay $0x4  }
0x402: {  	v26 =	vshrl.u32 v25, $0x9  }
0x403: {  	v26 =	vand.u32 $0x1F, v26  }
0x404: {  	vm0 =	veq.s32 v26, v1  }
0x405: {  	v26 =	vmpcnt.ones.xlane vm0;
	_ =	sdelay $0x1  }
0x406: {  	(v2sf) =	vpush v26, $0x0;
	_ =	sdelay $0xe  }
0x407: {  	v26 =	vmov s8;
	s8 =	spop (v2sf)  }
0x408: {  	p0 =	slt.s32 s8, $0x1  }
.Ltmp87:
0x409: {  	_ = 	snop;
	(pc) =	sbr.rel @p0 .LBB2_106-.Ltmp87, $4  }
0x40a: {  	v26 =	vshll.u32 v26, $0x9  }
0x40b: {  	s23 =	simm.s32 $0x1FA80;
	v27 =	vand.u32 $0x1FF, v25;
	v26 =	vadd.s32 v14, v26  }
0x40c: {  	s24 =	simm.s32 $0x1FB00;
	[tilespmem:s23+$0x0] =	vst.msk vm0, v25;
	v26 =	vor.u32 v26, v27  }
0x40d: {  	[tilespmem:s24+$0x0] =	vst.msk vm0, v26  }
0x40e: {  	v25 =	vld [tilespmem:s23+$0x0];
	_ =	sdelay $0x4  }
0x40f: {  	(v2sf) =	vpush v25, $0x0;
	_ =	sdelay $0xe  }
0x410: {  	s9 =	spop (v2sf)  }
0x411: {  	s9 =	sshra.s32 s9, $0xE  }
0x412: {  	s10 =	sld [smem:s9+$0x0];
	_ =	sdelay $0x1  }
0x413: {  	p0 =	sne.s32 s8, $0x1  }
.Ltmp88:
0x414: {  	v25 =	vld.msk [tilespmem:s24+$0x0 ss:$0x0], $0xffff;
	v26 =	vmov s10;
	(pc) =	sbr.rel @!p0 .LBB2_105-.Ltmp88, $3  }
0x415: {  	_ =	sdelay $0x1  }
0x416: {  	s31 =	sadd.s32 $0x1, s10  }
0x417: {  	s25 =	sadd.s32 $0xFFFFFFFF, s8;
	[smem:s9] =	sst s31  }
.LBB2_104:
0x418: {  	p0 =	sne.s32 s25, $0x1;
	[tilespmem:v26+s30+$0x0] =	vst.idx.msk $0x1, v25;
	s24 =	sadd.s32 $0x1, s24;
	s23 =	sadd.s32 $0x1, s23  }
0x419: {  	s25 =	sadd.s32 $0xFFFFFFFF, s25;
	v25 =	vld [tilespmem:s23+$0x0];
	_ =	sdelay $0x4  }
0x41a: {  	(v2sf) =	vpush v25, $0x0;
	_ =	sdelay $0xe  }
0x41b: {  	s8 =	spop (v2sf)  }
0x41c: {  	s8 =	sshra.s32 s8, $0xE  }
.Ltmp89:
0x41d: {  	s9 =	sld [smem:s8+$0x0];
	(pc) =	sbr.rel @p0 .LBB2_104-.Ltmp89, $4  }
0x41e: {  	_ = 	snop  }
0x41f: {  	v25 =	vld.msk [tilespmem:s24+$0x0 ss:$0x0], $0xffff  }
0x420: {  	s10 =	sadd.s32 $0x1, s9;
	v26 =	vmov s9  }
0x421: {  	[smem:s8] =	sst s10  }
.Ltmp90:
0x422: {  	_ = 	snop;
	(pc) =	sbr.rel .LBB2_105-.Ltmp90, $1  }
0x423: {  	_ =	sdelay $0x3  }
.LBB2_107:
.Ltmp91:
0x424: {  	s3 =	simm.s32 $0x0;
	(pc) =	sbr.rel .LBB2_108-.Ltmp91, $4  }
0x425: {  	[tilespmem:s3], [sflag:$0x5] =	stream.linear.gather [hbm4b:s19+s3], $0x500, $0x38;
	[tilespmem:$0x1FB80] =	vst v63  }
0x426: {  	_ =	swait.ge [sflag:s28], $0x500  }
0x427: {  	[sflag:s28] =	ssyncset.done $0x0  }
0x428: {  	[sflag:s28] =	ssyncadd.s32 $0xFFFFFB00  }
.LBB2_111:
0x429: {  	_ =	sdelay $0x3  }
0x42a: {  	[tilespmem:v26+s30+$0x0] =	vst.idx.msk $0x1, v25  }
.LBB2_112:
0x42b: {  	s3 =	sadd.s32 $0x1, s3  }
0x42c: {  	p0 =	sne.s32 s3, $0x50  }
.Ltmp92:
0x42d: {  	_ = 	snop;
	(pc) =	sbr.rel @!p0 .LBB2_113-.Ltmp92, $1  }
0x42e: {  	_ =	sdelay $0x3  }
.LBB2_108:
0x42f: {  	s8 =	sshll.u32 s3, $0x4  }
0x430: {  	v25 =	vld [tilespmem:s8+$0x0];
	_ =	sdelay $0x4  }
0x431: {  	v26 =	vshrl.u32 v25, $0x9  }
0x432: {  	v26 =	vand.u32 $0x1F, v26  }
0x433: {  	vm0 =	veq.s32 v26, v1  }
0x434: {  	v26 =	vmpcnt.ones.xlane vm0;
	_ =	sdelay $0x1  }
0x435: {  	(v2sf) =	vpush v26, $0x0;
	_ =	sdelay $0xe  }
0x436: {  	v26 =	vmov s8;
	s8 =	spop (v2sf)  }
0x437: {  	p0 =	slt.s32 s8, $0x1  }
.Ltmp93:
0x438: {  	_ = 	snop;
	(pc) =	sbr.rel @p0 .LBB2_112-.Ltmp93, $4  }
0x439: {  	v26 =	vshll.u32 v26, $0x9  }
0x43a: {  	s23 =	simm.s32 $0x1FA80;
	v27 =	vand.u32 $0x1FF, v25;
	v26 =	vadd.s32 v15, v26  }
0x43b: {  	s24 =	simm.s32 $0x1FB00;
	[tilespmem:s23+$0x0] =	vst.msk vm0, v25;
	v26 =	vor.u32 v26, v27  }
0x43c: {  	[tilespmem:s24+$0x0] =	vst.msk vm0, v26  }
0x43d: {  	v25 =	vld [tilespmem:s23+$0x0];
	_ =	sdelay $0x4  }
0x43e: {  	(v2sf) =	vpush v25, $0x0;
	_ =	sdelay $0xe  }
0x43f: {  	s9 =	spop (v2sf)  }
0x440: {  	s9 =	sshra.s32 s9, $0xE  }
0x441: {  	s10 =	sld [smem:s9+$0x0];
	_ =	sdelay $0x1  }
0x442: {  	p0 =	sne.s32 s8, $0x1  }
.Ltmp94:
0x443: {  	v25 =	vld.msk [tilespmem:s24+$0x0 ss:$0x0], $0xffff;
	v26 =	vmov s10;
	(pc) =	sbr.rel @!p0 .LBB2_111-.Ltmp94, $3  }
0x444: {  	_ =	sdelay $0x1  }
0x445: {  	s31 =	sadd.s32 $0x1, s10  }
0x446: {  	s25 =	sadd.s32 $0xFFFFFFFF, s8;
	[smem:s9] =	sst s31  }
.LBB2_110:
0x447: {  	p0 =	sne.s32 s25, $0x1;
	[tilespmem:v26+s30+$0x0] =	vst.idx.msk $0x1, v25;
	s24 =	sadd.s32 $0x1, s24;
	s23 =	sadd.s32 $0x1, s23  }
0x448: {  	s25 =	sadd.s32 $0xFFFFFFFF, s25;
	v25 =	vld [tilespmem:s23+$0x0];
	_ =	sdelay $0x4  }
0x449: {  	(v2sf) =	vpush v25, $0x0;
	_ =	sdelay $0xe  }
0x44a: {  	s8 =	spop (v2sf)  }
0x44b: {  	s8 =	sshra.s32 s8, $0xE  }
.Ltmp95:
0x44c: {  	s9 =	sld [smem:s8+$0x0];
	(pc) =	sbr.rel @p0 .LBB2_110-.Ltmp95, $4  }
0x44d: {  	_ = 	snop  }
0x44e: {  	v25 =	vld.msk [tilespmem:s24+$0x0 ss:$0x0], $0xffff  }
0x44f: {  	s10 =	sadd.s32 $0x1, s9;
	v26 =	vmov s9  }
0x450: {  	[smem:s8] =	sst s10  }
.Ltmp96:
0x451: {  	_ = 	snop;
	(pc) =	sbr.rel .LBB2_111-.Ltmp96, $1  }
0x452: {  	_ =	sdelay $0x3  }
.LBB2_113:
.Ltmp97:
0x453: {  	s3 =	simm.s32 $0x0;
	(pc) =	sbr.rel .LBB2_114-.Ltmp97, $4  }
0x454: {  	[tilespmem:s3], [sflag:$0x5] =	stream.linear.gather [hbm4b:s20+s3], $0x500, $0x38;
	[tilespmem:$0x1FB80] =	vst v63  }
0x455: {  	_ =	swait.ge [sflag:s28], $0x500  }
0x456: {  	[sflag:s28] =	ssyncset.done $0x0  }
0x457: {  	[sflag:s28] =	ssyncadd.s32 $0xFFFFFB00  }
.LBB2_117:
0x458: {  	_ =	sdelay $0x3  }
0x459: {  	[tilespmem:v26+s30+$0x0] =	vst.idx.msk $0x1, v25  }
.LBB2_118:
0x45a: {  	s3 =	sadd.s32 $0x1, s3  }
0x45b: {  	p0 =	sne.s32 s3, $0x50  }
.Ltmp98:
0x45c: {  	_ = 	snop;
	(pc) =	sbr.rel @!p0 .LBB2_119-.Ltmp98, $1  }
0x45d: {  	_ =	sdelay $0x3  }
.LBB2_114:
0x45e: {  	s8 =	sshll.u32 s3, $0x4  }
0x45f: {  	v25 =	vld [tilespmem:s8+$0x0];
	_ =	sdelay $0x4  }
0x460: {  	v26 =	vshrl.u32 v25, $0x9  }
0x461: {  	v26 =	vand.u32 $0x1F, v26  }
0x462: {  	vm0 =	veq.s32 v26, v1  }
0x463: {  	v26 =	vmpcnt.ones.xlane vm0;
	_ =	sdelay $0x1  }
0x464: {  	(v2sf) =	vpush v26, $0x0;
	_ =	sdelay $0xe  }
0x465: {  	v26 =	vmov s8;
	s8 =	spop (v2sf)  }
0x466: {  	p0 =	slt.s32 s8, $0x1  }
.Ltmp99:
0x467: {  	_ = 	snop;
	(pc) =	sbr.rel @p0 .LBB2_118-.Ltmp99, $4  }
0x468: {  	v26 =	vshll.u32 v26, $0x9  }
0x469: {  	s23 =	simm.s32 $0x1FA80;
	v27 =	vand.u32 $0x1FF, v25;
	v26 =	vadd.s32 v16, v26  }
0x46a: {  	s24 =	simm.s32 $0x1FB00;
	[tilespmem:s23+$0x0] =	vst.msk vm0, v25;
	v26 =	vor.u32 v26, v27  }
0x46b: {  	[tilespmem:s24+$0x0] =	vst.msk vm0, v26  }
0x46c: {  	v25 =	vld [tilespmem:s23+$0x0];
	_ =	sdelay $0x4  }
0x46d: {  	(v2sf) =	vpush v25, $0x0;
	_ =	sdelay $0xe  }
0x46e: {  	s9 =	spop (v2sf)  }
0x46f: {  	s9 =	sshra.s32 s9, $0xE  }
0x470: {  	s10 =	sld [smem:s9+$0x0];
	_ =	sdelay $0x1  }
0x471: {  	p0 =	sne.s32 s8, $0x1  }
.Ltmp100:
0x472: {  	v25 =	vld.msk [tilespmem:s24+$0x0 ss:$0x0], $0xffff;
	v26 =	vmov s10;
	(pc) =	sbr.rel @!p0 .LBB2_117-.Ltmp100, $3  }
0x473: {  	_ =	sdelay $0x1  }
0x474: {  	s31 =	sadd.s32 $0x1, s10  }
0x475: {  	s25 =	sadd.s32 $0xFFFFFFFF, s8;
	[smem:s9] =	sst s31  }
.LBB2_116:
0x476: {  	p0 =	sne.s32 s25, $0x1;
	[tilespmem:v26+s30+$0x0] =	vst.idx.msk $0x1, v25;
	s24 =	sadd.s32 $0x1, s24;
	s23 =	sadd.s32 $0x1, s23  }
0x477: {  	s25 =	sadd.s32 $0xFFFFFFFF, s25;
	v25 =	vld [tilespmem:s23+$0x0];
	_ =	sdelay $0x4  }
0x478: {  	(v2sf) =	vpush v25, $0x0;
	_ =	sdelay $0xe  }
0x479: {  	s8 =	spop (v2sf)  }
0x47a: {  	s8 =	sshra.s32 s8, $0xE  }
.Ltmp101:
0x47b: {  	s9 =	sld [smem:s8+$0x0];
	(pc) =	sbr.rel @p0 .LBB2_116-.Ltmp101, $4  }
0x47c: {  	_ = 	snop  }
0x47d: {  	v25 =	vld.msk [tilespmem:s24+$0x0 ss:$0x0], $0xffff  }
0x47e: {  	s10 =	sadd.s32 $0x1, s9;
	v26 =	vmov s9  }
0x47f: {  	[smem:s8] =	sst s10  }
.Ltmp102:
0x480: {  	_ = 	snop;
	(pc) =	sbr.rel .LBB2_117-.Ltmp102, $1  }
0x481: {  	_ =	sdelay $0x3  }
.LBB2_119:
.Ltmp103:
0x482: {  	s3 =	simm.s32 $0x0;
	(pc) =	sbr.rel .LBB2_120-.Ltmp103, $4  }
0x483: {  	[tilespmem:s3], [sflag:$0x5] =	stream.linear.gather [hbm4b:s21+s3], $0x500, $0x38;
	[tilespmem:$0x1FB80] =	vst v63  }
0x484: {  	_ =	swait.ge [sflag:s28], $0x500  }
0x485: {  	[sflag:s28] =	ssyncset.done $0x0  }
0x486: {  	[sflag:s28] =	ssyncadd.s32 $0xFFFFFB00  }
.LBB2_123:
0x487: {  	_ =	sdelay $0x3  }
0x488: {  	[tilespmem:v26+s30+$0x0] =	vst.idx.msk $0x1, v25  }
.LBB2_124:
0x489: {  	s3 =	sadd.s32 $0x1, s3  }
0x48a: {  	p0 =	sne.s32 s3, $0x50  }
.Ltmp104:
0x48b: {  	_ = 	snop;
	(pc) =	sbr.rel @!p0 .LBB2_125-.Ltmp104, $1  }
0x48c: {  	_ =	sdelay $0x3  }
.LBB2_120:
0x48d: {  	s8 =	sshll.u32 s3, $0x4  }
0x48e: {  	v25 =	vld [tilespmem:s8+$0x0];
	_ =	sdelay $0x4  }
0x48f: {  	v26 =	vshrl.u32 v25, $0x9  }
0x490: {  	v26 =	vand.u32 $0x1F, v26  }
0x491: {  	vm0 =	veq.s32 v26, v1  }
0x492: {  	v26 =	vmpcnt.ones.xlane vm0;
	_ =	sdelay $0x1  }
0x493: {  	(v2sf) =	vpush v26, $0x0;
	_ =	sdelay $0xe  }
0x494: {  	v26 =	vmov s8;
	s8 =	spop (v2sf)  }
0x495: {  	p0 =	slt.s32 s8, $0x1  }
.Ltmp105:
0x496: {  	_ = 	snop;
	(pc) =	sbr.rel @p0 .LBB2_124-.Ltmp105, $4  }
0x497: {  	v26 =	vshll.u32 v26, $0x9  }
0x498: {  	s23 =	simm.s32 $0x1FA80;
	v27 =	vand.u32 $0x1FF, v25;
	v26 =	vadd.s32 v17, v26  }
0x499: {  	s24 =	simm.s32 $0x1FB00;
	[tilespmem:s23+$0x0] =	vst.msk vm0, v25;
	v26 =	vor.u32 v26, v27  }
0x49a: {  	[tilespmem:s24+$0x0] =	vst.msk vm0, v26  }
0x49b: {  	v25 =	vld [tilespmem:s23+$0x0];
	_ =	sdelay $0x4  }
0x49c: {  	(v2sf) =	vpush v25, $0x0;
	_ =	sdelay $0xe  }
0x49d: {  	s9 =	spop (v2sf)  }
0x49e: {  	s9 =	sshra.s32 s9, $0xE  }
0x49f: {  	s10 =	sld [smem:s9+$0x0];
	_ =	sdelay $0x1  }
0x4a0: {  	p0 =	sne.s32 s8, $0x1  }
.Ltmp106:
0x4a1: {  	v25 =	vld.msk [tilespmem:s24+$0x0 ss:$0x0], $0xffff;
	v26 =	vmov s10;
	(pc) =	sbr.rel @!p0 .LBB2_123-.Ltmp106, $3  }
0x4a2: {  	_ =	sdelay $0x1  }
0x4a3: {  	s31 =	sadd.s32 $0x1, s10  }
0x4a4: {  	s25 =	sadd.s32 $0xFFFFFFFF, s8;
	[smem:s9] =	sst s31  }
.LBB2_122:
0x4a5: {  	p0 =	sne.s32 s25, $0x1;
	[tilespmem:v26+s30+$0x0] =	vst.idx.msk $0x1, v25;
	s24 =	sadd.s32 $0x1, s24;
	s23 =	sadd.s32 $0x1, s23  }
0x4a6: {  	s25 =	sadd.s32 $0xFFFFFFFF, s25;
	v25 =	vld [tilespmem:s23+$0x0];
	_ =	sdelay $0x4  }
0x4a7: {  	(v2sf) =	vpush v25, $0x0;
	_ =	sdelay $0xe  }
0x4a8: {  	s8 =	spop (v2sf)  }
0x4a9: {  	s8 =	sshra.s32 s8, $0xE  }
.Ltmp107:
0x4aa: {  	s9 =	sld [smem:s8+$0x0];
	(pc) =	sbr.rel @p0 .LBB2_122-.Ltmp107, $4  }
0x4ab: {  	_ = 	snop  }
0x4ac: {  	v25 =	vld.msk [tilespmem:s24+$0x0 ss:$0x0], $0xffff  }
0x4ad: {  	s10 =	sadd.s32 $0x1, s9;
	v26 =	vmov s9  }
0x4ae: {  	[smem:s8] =	sst s10  }
.Ltmp108:
0x4af: {  	_ = 	snop;
	(pc) =	sbr.rel .LBB2_123-.Ltmp108, $1  }
0x4b0: {  	_ =	sdelay $0x3  }
.LBB2_125:
.Ltmp109:
0x4b1: {  	s3 =	simm.s32 $0x0;
	(pc) =	sbr.rel .LBB2_126-.Ltmp109, $4  }
0x4b2: {  	[tilespmem:s3], [sflag:$0x5] =	stream.linear.gather [hbm4b:s22+s3], $0x500, $0x38;
	[tilespmem:$0x1FB80] =	vst v63  }
0x4b3: {  	_ =	swait.ge [sflag:s28], $0x500  }
0x4b4: {  	[sflag:s28] =	ssyncset.done $0x0  }
0x4b5: {  	[sflag:s28] =	ssyncadd.s32 $0xFFFFFB00  }
.LBB2_129:
0x4b6: {  	_ =	sdelay $0x3  }
0x4b7: {  	[tilespmem:v26+s30+$0x0] =	vst.idx.msk $0x1, v25  }
.LBB2_130:
0x4b8: {  	s3 =	sadd.s32 $0x1, s3  }
0x4b9: {  	p0 =	sne.s32 s3, $0x50  }
.Ltmp110:
0x4ba: {  	_ = 	snop;
	(pc) =	sbr.rel @!p0 .LBB2_131-.Ltmp110, $1  }
0x4bb: {  	_ =	sdelay $0x3  }
.LBB2_126:
0x4bc: {  	s8 =	sshll.u32 s3, $0x4  }
0x4bd: {  	v25 =	vld [tilespmem:s8+$0x0];
	_ =	sdelay $0x4  }
0x4be: {  	v26 =	vshrl.u32 v25, $0x9  }
0x4bf: {  	v26 =	vand.u32 $0x1F, v26  }
0x4c0: {  	vm0 =	veq.s32 v26, v1  }
0x4c1: {  	v26 =	vmpcnt.ones.xlane vm0;
	_ =	sdelay $0x1  }
0x4c2: {  	(v2sf) =	vpush v26, $0x0;
	_ =	sdelay $0xe  }
0x4c3: {  	v26 =	vmov s8;
	s8 =	spop (v2sf)  }
0x4c4: {  	p0 =	slt.s32 s8, $0x1  }
.Ltmp111:
0x4c5: {  	_ = 	snop;
	(pc) =	sbr.rel @p0 .LBB2_130-.Ltmp111, $4  }
0x4c6: {  	v26 =	vshll.u32 v26, $0x9  }
0x4c7: {  	s23 =	simm.s32 $0x1FA80;
	v27 =	vand.u32 $0x1FF, v25;
	v26 =	vadd.s32 v18, v26  }
0x4c8: {  	s24 =	simm.s32 $0x1FB00;
	[tilespmem:s23+$0x0] =	vst.msk vm0, v25;
	v26 =	vor.u32 v26, v27  }
0x4c9: {  	[tilespmem:s24+$0x0] =	vst.msk vm0, v26  }
0x4ca: {  	v25 =	vld [tilespmem:s23+$0x0];
	_ =	sdelay $0x4  }
0x4cb: {  	(v2sf) =	vpush v25, $0x0;
	_ =	sdelay $0xe  }
0x4cc: {  	s9 =	spop (v2sf)  }
0x4cd: {  	s9 =	sshra.s32 s9, $0xE  }
0x4ce: {  	s10 =	sld [smem:s9+$0x0];
	_ =	sdelay $0x1  }
0x4cf: {  	p0 =	sne.s32 s8, $0x1  }
.Ltmp112:
0x4d0: {  	v25 =	vld.msk [tilespmem:s24+$0x0 ss:$0x0], $0xffff;
	v26 =	vmov s10;
	(pc) =	sbr.rel @!p0 .LBB2_129-.Ltmp112, $3  }
0x4d1: {  	_ =	sdelay $0x1  }
0x4d2: {  	s31 =	sadd.s32 $0x1, s10  }
0x4d3: {  	s25 =	sadd.s32 $0xFFFFFFFF, s8;
	[smem:s9] =	sst s31  }
.LBB2_128:
0x4d4: {  	p0 =	sne.s32 s25, $0x1;
	[tilespmem:v26+s30+$0x0] =	vst.idx.msk $0x1, v25;
	s24 =	sadd.s32 $0x1, s24;
	s23 =	sadd.s32 $0x1, s23  }
0x4d5: {  	s25 =	sadd.s32 $0xFFFFFFFF, s25;
	v25 =	vld [tilespmem:s23+$0x0];
	_ =	sdelay $0x4  }
0x4d6: {  	(v2sf) =	vpush v25, $0x0;
	_ =	sdelay $0xe  }
0x4d7: {  	s8 =	spop (v2sf)  }
0x4d8: {  	s8 =	sshra.s32 s8, $0xE  }
.Ltmp113:
0x4d9: {  	s9 =	sld [smem:s8+$0x0];
	(pc) =	sbr.rel @p0 .LBB2_128-.Ltmp113, $4  }
0x4da: {  	_ = 	snop  }
0x4db: {  	v25 =	vld.msk [tilespmem:s24+$0x0 ss:$0x0], $0xffff  }
0x4dc: {  	s10 =	sadd.s32 $0x1, s9;
	v26 =	vmov s9  }
0x4dd: {  	[smem:s8] =	sst s10  }
.Ltmp114:
0x4de: {  	_ = 	snop;
	(pc) =	sbr.rel .LBB2_129-.Ltmp114, $1  }
0x4df: {  	_ =	sdelay $0x3  }
.LBB2_131:
0x4e0: {  	[tilespmem:$0x1FA00] =	vst v19  }
0x4e1: {  	[tilespmem:$0x1FA10] =	vst v19  }
.Ltmp115:
0x4e2: {  	[tilespmem:$0x1FA20] =	vst v19;
	s3 =	rddreg [dreg:$0x8];
	(pc) =	sbr.rel .LBB2_132-.Ltmp115, $4  }
0x4e3: {  	[tilespmem:$0x1FA30] =	vst v19;
	s8 =	simm.s32 $0x1000;
	s9 =	simm.s32 $0x7A1400;
	s31 =	rddreg [dreg:$0x9]  }
0x4e4: {  	[tilespmem:s0], [sflag:$0x1] =	stream.strided.gather [hbm4b:s3+s8], $0x8000, s9, s8, $0x38;
	[tilespmem:$0x1FB80] =	vst v63  }
0x4e5: {  	s10 =	simm.s32 $0xDA00;
	s24 =	simm.s32 $0x0;
	s25 =	simm.s32 $0x0  }
0x4e6: {  	[tilespmem:s10], [sflag:$0x2] =	stream.strided.gather [hbm4b:s31+s8], $0x8000, s9, s8, $0x38;
	[tilespmem:$0x1FB80] =	vst v63  }
.LBB2_137:
0x4e7: {  	_ =	swait.ge @!p1 [sflag:s8], $0x2000  }
0x4e8: {  	[sflag:s8] =	ssyncset.done @!p1 $0x0  }
0x4e9: {  	v25 =	vimm.s32 @!p1 $0x5000;
	[sflag:s8] =	ssyncadd.s32 @!p1 $0xFFFFE000  }
0x4ea: {  	[tilespmem:$0x1FA00] =	vst @!p1 v25  }
0x4eb: {  	[tilespmem:$0x1FA30] =	vst @!p1 v25  }
0x4ec: {  	[tilespmem:$0x1FA20] =	vst @!p1 v25  }
0x4ed: {  	[tilespmem:$0x1FA10] =	vst @!p1 v25  }
.LBB2_138:
0x4ee: {  	s24 =	sadd.s32 $0x1, s24  }
0x4ef: {  	p0 =	sne.s32 s24, s7  }
.Ltmp116:
0x4f0: {  	_ = 	snop;
	(pc) =	sbr.rel @!p0 .LBB2_139-.Ltmp116, $1  }
0x4f1: {  	_ =	sdelay $0x3  }
.LBB2_132:
0x4f2: {  	s3 =	sadd.s32 $0x2, s24  }
0x4f3: {  	p0 =	sge.u32 s3, s7  }
.Ltmp117:
0x4f4: {  	_ = 	snop;
	(pc) =	sbr.rel @p0 .LBB2_134-.Ltmp117, $1  }
0x4f5: {  	_ =	sdelay $0x3  }
0x4f6: {  	s8 =	smulhi.u32 $0xAAAAAAAB, s3  }
0x4f7: {  	s9 =	sshll.u32 s3, $0x5  }
0x4f8: {  	s9 =	sor.u32 s1, s9;
	s8 =	sshrl.u32 s8, $0x1  }
0x4f9: {  	p0 =	sgt.u32 s9, $0x7A0;
	s8 =	smul.u32 $0x3, s8  }
0x4fa: {  	p1 =	sne.s32 @p0 s9, $0x7A1  }
0x4fb: {  	p1 =	por p1, !p0;
	s3 =	ssub.s32 s3, s8  }
0x4fc: {  	s8 =	sshll.u32 @!p1 s3, $0xF  }
0x4fd: {  	s8 =	sand.u32 @!p1 $0x3FFF8000, s8  }
0x4fe: {  	s31 =	simm.s32 @!p1 $0x0;
	s10 =	sadd.s32 @!p1 $0x1, s3;
	s23 =	sor.u32 @!p1 $0x5A00, s8  }
0x4ff: {  	[tilespmem:s23], [sflag:s10] =	stream.linear.gather @!p1 [hbm4b:s26+s31], $0x400, $0x38;
	[tilespmem:$0x1FB80] =	vst v63  }
0x500: {  	s11 =	sor.u32 @!p1 $0x6A00, s8;
	s23 =	sadd.s32 @!p1 $0xF4280, s26  }
0x501: {  	[tilespmem:s11], [sflag:s10] =	stream.linear.gather @!p1 [hbm4b:s23+s31], $0x400, $0x38;
	[tilespmem:$0x1FB80] =	vst v63  }
0x502: {  	s11 =	sadd.s32 @!p1 $0x1E8500, s26;
	s23 =	sor.u32 @!p1 $0x7A00, s8  }
0x503: {  	[tilespmem:s23], [sflag:s10] =	stream.linear.gather @!p1 [hbm4b:s11+s31], $0x400, $0x38;
	[tilespmem:$0x1FB80] =	vst v63  }
0x504: {  	s11 =	sadd.s32 @!p1 $0x2DC780, s26;
	s23 =	sadd.s32 @!p1 $0x8A00, s8  }
0x505: {  	[tilespmem:s23], [sflag:s10] =	stream.linear.gather @!p1 [hbm4b:s11+s31], $0x400, $0x38;
	[tilespmem:$0x1FB80] =	vst v63  }
0x506: {  	s11 =	sadd.s32 @!p1 $0x3D0A00, s26;
	s23 =	sadd.s32 @!p1 $0x9A00, s8  }
0x507: {  	[tilespmem:s23], [sflag:s10] =	stream.linear.gather @!p1 [hbm4b:s11+s31], $0x400, $0x38;
	[tilespmem:$0x1FB80] =	vst v63  }
0x508: {  	s11 =	sadd.s32 @!p1 $0x4C4C80, s26;
	s23 =	sadd.s32 @!p1 $0xAA00, s8  }
0x509: {  	[tilespmem:s23], [sflag:s10] =	stream.linear.gather @!p1 [hbm4b:s11+s31], $0x400, $0x38;
	[tilespmem:$0x1FB80] =	vst v63  }
0x50a: {  	s11 =	sadd.s32 @!p1 $0x5B8F00, s26;
	s23 =	sadd.s32 @!p1 $0xBA00, s8  }
0x50b: {  	[tilespmem:s23], [sflag:s10] =	stream.linear.gather @!p1 [hbm4b:s11+s31], $0x400, $0x38;
	[tilespmem:$0x1FB80] =	vst v63  }
0x50c: {  	s8 =	sadd.s32 @!p1 $0xCA00, s8;
	s11 =	sadd.s32 @!p1 $0x6AD180, s26  }
0x50d: {  	[tilespmem:s8], [sflag:s10] =	stream.linear.gather @!p1 [hbm4b:s11+s31], $0x400, $0x38;
	[tilespmem:$0x1FB80] =	vst v63  }
0x50e: {  	s9 =	sshll.u32 @!p0 s9, $0x9;
	s8 =	sshll.u32 @!p0 s3, $0xF  }
0x50f: {  	s9 =	sadd.s32 @!p0 s2, s9;
	s3 =	sadd.s32 @!p0 $0x1, s3;
	s8 =	sand.u32 @!p0 $0x3FFF8000, s8  }
0x510: {  	s10 =	simm.s32 @!p0 $0x1000;
	s11 =	simm.s32 @!p0 $0x7A1400;
	s8 =	sor.u32 @!p0 $0x5A00, s8  }
0x511: {  	[tilespmem:s8], [sflag:s3] =	stream.strided.gather @!p0 [hbm4b:s9+s10], $0x8000, s11, s10, $0x38;
	[tilespmem:$0x1FB80] =	vst v63  }
.LBB2_134:
0x512: {  	s3 =	smulhi.u32 $0xAAAAAAAB, s24  }
0x513: {  	s8 =	sshll.u32 s24, $0x5  }
0x514: {  	s8 =	sor.u32 s1, s8;
	s3 =	sshrl.u32 s3, $0x1  }
0x515: {  	p0 =	sgt.u32 s8, $0x7A0;
	s3 =	smul.u32 $0x3, s3  }
0x516: {  	p1 =	sne.s32 @p0 s8, $0x7A1  }
0x517: {  	p1 =	por p1, !p0;
	s8 =	ssub.s32 s24, s3  }
0x518: {  	s3 =	sadd.s32 @!p1 $0x1, s8  }
0x519: {  	_ =	swait.ge @!p1 [sflag:s3], $0x2000  }
0x51a: {  	[sflag:s3] =	ssyncset.done @!p1 $0x0  }
0x51b: {  	[sflag:s3] =	ssyncadd.s32 @!p1 $0xFFFFE000;
	s3 =	sadd.s32 @!p0 $0x1, s8  }
0x51c: {  	_ =	swait.ge @!p0 [sflag:s3], $0x8000  }
0x51d: {  	s9 =	smov.u32 s24;
	p1 =	sgt.s32 s24, $0x1;
	[sflag:s3] =	ssyncset.done @!p0 $0x0  }
0x51e: {  	s9 =	simm.s32 @!p1 $0x1;
	[sflag:s3] =	ssyncadd.s32 @!p0 $0xFFFF8000  }
0x51f: {  	v25 =	vld [tilespmem:s9+$0x597F]  }
0x520: {  	v26 =	vld [tilespmem:s24+$0x5980];
	_ =	sdelay $0x3  }
0x521: {  	(v2sf) =	vpush v25, $0x0  }
0x522: {  	(v2sf) =	vpush v26, $0x0;
	_ =	sdelay $0xd  }
0x523: {  	p0 =	seq.s32 s24, $0x0;
	s3 =	spop (v2sf)  }
0x524: {  	s3 =	simm.s32 @p0 $0x0;
	s31 =	spop (v2sf)  }
0x525: {  	p0 =	sle.s32 s31, s3  }
.Ltmp118:
0x526: {  	_ = 	snop;
	(pc) =	sbr.rel @p0 .LBB2_138-.Ltmp118, $1  }
0x527: {  	_ =	sdelay $0x3  }
0x528: {  	s9 =	sshll.u32 s3, $0x2  }
0x529: {  	s9 =	sshra.s32 s9, $0x2  }
0x52a: {  	s23 =	sadd.s32 $0x500, s9  }
0x52b: {  	v25 =	vld [tilespmem:s23+$0x0];
	_ =	sdelay $0x4  }
0x52c: {  	(v2sf) =	vpush v25, $0x0;
	_ =	sdelay $0xe  }
0x52d: {  	s9 =	spop (v2sf)  }
0x52e: {  	s10 =	sand.u32 $0x1FF, s9  }
0x52f: {  	s8 =	sshll.u32 s8, $0xF;
	v26 =	vmov s10  }
0x530: {  	v25 =	vor.u32 s8, v20;
	v29 =	vand.u32 $0x7F, v26;
	v26 =	vshll.u32 v26, $0x3  }
0x531: {  	v30 =	vand.u32 $0xC00, v26;
	v26 =	vor.u32 v25, v29  }
0x532: {  	v27 =	vor.u32 v30, v26;
	_ =	sdelay $0x3  }
0x533: {  	v26 =	vor.u32 s8, v22  }
0x534: {  	v28 =	vor.u32 v26, v29;
	v31 =	vld.idx.msk [tilespmem:v27+s0+$0x0], $0xffff  }
0x535: {  	v28 =	vor.u32 v30, v28;
	_ =	sdelay $0x1  }
0x536: {  	s11 =	sshll.u32 s25, $0x9  }
0x537: {  	s10 =	sshra.s32 s11, $0x2  }
0x538: {  	v27 =	vor.u32 s8, v23;
	[tilespmem:s10+$0x1DA00] =	vst v31  }
0x539: {  	v31 =	vor.u32 v27, v29;
	v32 =	vld.idx.msk [tilespmem:v28+s0+$0x0], $0xffff  }
0x53a: {  	v31 =	vor.u32 v30, v31;
	_ =	sdelay $0x3  }
0x53b: {  	v28 =	vor.u32 s8, v24;
	[tilespmem:s10+$0x1DA10] =	vst v32  }
0x53c: {  	v29 =	vor.u32 v28, v29;
	v31 =	vld.idx.msk [tilespmem:v31+s0+$0x0], $0xffff  }
0x53d: {  	v29 =	vor.u32 v30, v29;
	_ =	sdelay $0x3  }
0x53e: {  	[tilespmem:s10+$0x1DA20] =	vst v31  }
0x53f: {  	v29 =	vld.idx.msk [tilespmem:v29+s0+$0x0], $0xffff  }
0x540: {  	s11 =	ssub.s32 s31, s3;
	v30 =	vmov s25  }
0x541: {  	s3 =	sadd.s32 $0xFFFFFFFF, s11  }
0x542: {  	p0 =	sne.s32 s3, $0x0  }
.Ltmp119:
0x543: {  	s31 =	sshra.s32 s9, $0x9;
	s25 =	sadd.s32 $0x1, s25;
	(pc) =	sbr.rel @!p0 .LBB2_137-.Ltmp119, $4  }
0x544: {  	p1 =	sne.s32 s25, $0x40;
	v31 =	vmov s31;
	[tilespmem:s10+$0x1DA30] =	vst v29  }
0x545: {  	s8 =	simm.s32 @!p1 $0x40;
	s9 =	simm.s32 @!p1 $0x1FA00;
	s10 =	simm.s32 @!p1 $0x1DA00;
	[tilespmem:v30+s5+$0x0] =	vst.idx.msk $0x1, v31  }
0x546: {  	[hbm4b:s6+s8] =	stream.indirect.scatter @!p1 [tilespmem:s10], [sflag:$0x4], $0x80, s9, s8, $0xb8;
	[tilespmem:$0x1FB80] =	vst v63  }
0x547: {  	s25 =	simm.s32 @!p1 $0x0;
	s8 =	simm.s32 @!p1 $0x4  }
.LBB2_136:
0x548: {  	s3 =	sadd.s32 $0xFFFFFFFF, s3;
	_ =	swait.ge @!p1 [sflag:s8], $0x2000;
	s23 =	sadd.s32 $0x1, s23  }
0x549: {  	p0 =	sne.s32 s3, $0x0;
	[sflag:s8] =	ssyncset.done @!p1 $0x0  }
0x54a: {  	v29 =	vimm.s32 @!p1 $0x5000;
	[sflag:s8] =	ssyncadd.s32 @!p1 $0xFFFFE000  }
0x54b: {  	[tilespmem:$0x1FA00] =	vst @!p1 v29  }
0x54c: {  	[tilespmem:$0x1FA30] =	vst @!p1 v29  }
0x54d: {  	[tilespmem:$0x1FA20] =	vst @!p1 v29  }
0x54e: {  	[tilespmem:$0x1FA10] =	vst @!p1 v29  }
0x54f: {  	v29 =	vld [tilespmem:s23+$0x0];
	_ =	sdelay $0x4  }
0x550: {  	(v2sf) =	vpush v29, $0x0;
	_ =	sdelay $0xe  }
0x551: {  	s8 =	spop (v2sf)  }
0x552: {  	s9 =	sand.u32 $0x1FF, s8  }
0x553: {  	v29 =	vmov s9  }
0x554: {  	v30 =	vand.u32 $0x7F, v29;
	v29 =	vshll.u32 v29, $0x3  }
0x555: {  	v29 =	vand.u32 $0xC00, v29;
	v31 =	vor.u32 v25, v30;
	v32 =	vor.u32 v26, v30  }
0x556: {  	v33 =	vor.u32 v27, v30;
	v31 =	vor.u32 v29, v31;
	v32 =	vor.u32 v29, v32  }
0x557: {  	v30 =	vor.u32 v28, v30;
	v33 =	vor.u32 v29, v33  }
0x558: {  	v29 =	vor.u32 v29, v30;
	_ =	sdelay $0x2  }
0x559: {  	v30 =	vld.idx.msk [tilespmem:v31+s0+$0x0], $0xffff  }
0x55a: {  	s9 =	sshll.u32 s25, $0x9  }
0x55b: {  	s9 =	sshra.s32 s9, $0x2;
	_ =	sdelay $0x3  }
0x55c: {  	[tilespmem:s9+$0x1DA00] =	vst v30  }
0x55d: {  	v30 =	vld.idx.msk [tilespmem:v32+s0+$0x0], $0xffff;
	_ =	sdelay $0x5  }
0x55e: {  	[tilespmem:s9+$0x1DA10] =	vst v30  }
0x55f: {  	v30 =	vld.idx.msk [tilespmem:v33+s0+$0x0], $0xffff;
	_ =	sdelay $0x5  }
0x560: {  	[tilespmem:s9+$0x1DA20] =	vst v30;
	v30 =	vmov s25  }
0x561: {  	v29 =	vld.idx.msk [tilespmem:v29+s0+$0x0], $0xffff  }
0x562: {  	s25 =	sadd.s32 $0x1, s25  }
0x563: {  	s8 =	sshra.s32 s8, $0x9;
	p1 =	sne.s32 s25, $0x40  }
0x564: {  	v31 =	vmov s8;
	s10 =	simm.s32 @!p1 $0x40  }
.Ltmp120:
0x565: {  	s11 =	simm.s32 @!p1 $0x1FA00;
	s31 =	simm.s32 @!p1 $0x1DA00;
	(pc) =	sbr.rel @p0 .LBB2_136-.Ltmp120, $4  }
0x566: {  	s25 =	simm.s32 @!p1 $0x0  }
0x567: {  	[tilespmem:s9+$0x1DA30] =	vst v29  }
0x568: {  	s8 =	simm.s32 @!p1 $0x4;
	[tilespmem:v30+s5+$0x0] =	vst.idx.msk $0x1, v31  }
0x569: {  	[hbm4b:s6+s10] =	stream.indirect.scatter @!p1 [tilespmem:s31], [sflag:$0x4], $0x80, s11, s10, $0xb8;
	[tilespmem:$0x1FB80] =	vst v63  }
.Ltmp121:
0x56a: {  	_ = 	snop;
	(pc) =	sbr.rel .LBB2_137-.Ltmp121, $1  }
0x56b: {  	_ =	sdelay $0x3  }
.LBB2_140:
0x56c: {  	_ =	sfence.sel $0x180000  }
0x56d: {  	[bflag:$0x0] =	sbarrier.arrive $0xFFFF  }
0x56e: {  	_ =	strace $0x90000047  }
0x56f: {  	s0 =	stileid.u32;
	[bflag:$0x2] =	sbarrier.arrive $0xFFFF  }
0x570: {  	p0 =	sne.s32 s0, $0x0;
	s0 =	rddreg [dreg:$0x3]  }
0x571: {  	s0 =	sadd.s32 @!p0 $0x100000, s0  }
0x572: {  	[sflag:s0] =	ssyncadd.tile.s32 @!p0 $0x1;
	_ =	shalt  }
.Lfunc_end2:
_tile_overlayer_lowered:
.L_overlay_start_2:
0x573: {  	(tag) =	ssettag $0x2  }
0x574: {  	s0 =	rddreg [dreg:$0x0];
	s2 =	stileid.u32  }
0x575: {  	s1 =	rddreg [dreg:$0x1];
	p0 =	sne.s32 s2, $0x0  }
0x576: {  	s3 =	rddreg [dreg:$0x2];
	[bflag:$0x3] =	sbarrier.arrive $0xFFFF;
	s2 =	simm.s32 @!p0 $0x1C05  }
0x577: {  	[timem:s3], [sflag:s2] =	dma.local @!p0 [hbm:s0], s1  }
0x578: {  	s0 =	simm.s32 @!p0 $0x5  }
0x579: {  	_ =	swait.ge @!p0 [sflag:s0], s1  }
0x57a: {  	s1 =	ssub.s32 @!p0 $0x0, s1;
	[sflag:s0] =	ssyncset.done @!p0 $0x0  }
0x57b: {  	[sflag:s0] =	ssyncadd.s32 @!p0 s1  }
0x57c: {  	[bflag:$0x3] =	sbarrier.arrive $0xFFFF  }
0x57d: {  	_ =	shalt  }

</sc_bundles>
